<compile_context>
chip_gen: v7x
topology: tpu7x:2x2x1
jax: 0.10.2.dev20260603
libtpu: 0.0.44.dev20260713+nightly
codegen_flags: <defaults>
</compile_context>

<pallas_src>
import dataclasses
import functools

import jax
import jax.numpy as jnp
import numpy as np
from jax import lax
from jax.experimental import pallas as pl
from jax.experimental.pallas import tpu as pltpu
from jax.experimental.pallas import tpu_sc as plsc

C = 128
CAP = 512
D = 512
B = 8192
BLK = 2048
NSTEP = B // BLK
NZSTEP = (C * CAP) // BLK

NW = 32
ROWS_PER_TILE = (C * CAP) // NW
NCLS_TILE = ROWS_PER_TILE // CAP
G = 64

_U = np.triu(np.ones((BLK, BLK), np.float32)).astype(jnp.bfloat16)


def _prep_body(u_ref, label_ref, d_ref, len_ref, mem_ref, carry_ref):
    i = pl.program_id(0)

    mem_ref[...] = jnp.zeros_like(mem_ref)

    @pl.when(i == 0)
    def _():
        carry_ref[...] = jnp.zeros_like(carry_ref)

    @pl.when(i < NSTEP)
    def _():
        lb = label_ref[0, 0, :]
        cls = lax.broadcasted_iota(jnp.int32, (C, BLK), 0)
        onehot = cls == lb[None, :]
        csum = lax.dot_general(
            onehot.astype(jnp.bfloat16), u_ref[...],
            dimension_numbers=(((1,), (0,)), ((), ())),
            preferred_element_type=jnp.float32)
        total = csum + carry_ref[...]
        rank = jnp.sum(jnp.where(onehot, total, 0.0), axis=0) - 1.0
        rank_i = rank.astype(jnp.int32)
        dd = lb * CAP + rank_i
        dd = jnp.where(rank_i < CAP, dd, jnp.int32(2**30))
        d_ref[0, 0, :] = dd
        carry_ref[...] = carry_ref[...] + csum[:, BLK - 1:BLK]

    @pl.when(i == NSTEP - 1)
    def _():
        len_ref[...] = carry_ref[...].astype(jnp.int32)


_prep = pl.pallas_call(
    _prep_body,
    grid=(NZSTEP,),
    in_specs=[
        pl.BlockSpec((BLK, BLK), lambda i: (0, 0)),
        pl.BlockSpec((1, 1, BLK), lambda i: (jnp.minimum(i, NSTEP - 1), 0, 0)),
    ],
    out_specs=[
        pl.BlockSpec((1, 1, BLK), lambda i: (jnp.minimum(i, NSTEP - 1), 0, 0)),
        pl.BlockSpec((C, 1), lambda i: (0, 0)),
        pl.BlockSpec((BLK, D), lambda i: (i, 0)),
    ],
    out_shape=[
        jax.ShapeDtypeStruct((NSTEP, 1, BLK), jnp.int32),
        jax.ShapeDtypeStruct((C, 1), jnp.int32),
        jax.ShapeDtypeStruct((C * CAP, D), jnp.float32),
    ],
    scratch_shapes=[pltpu.VMEM((C, 1), jnp.float32)],
)


def _sc_write_body(f_hbm, d_hbm, mem_hbm, d_v, src_v, gidx_v, buf0, buf1,
                   g0, g1, w0, w1):
    wid = lax.axis_index("s") * 2 + lax.axis_index("c")
    base = wid * ROWS_PER_TILE
    pltpu.sync_copy(d_hbm, d_v)

    @pl.loop(0, ROWS_PER_TILE, step=16, unroll=8)
    def _(i):
        src_v[pl.ds(i, 16)] = jnp.full((16,), B, jnp.int32)

    @pl.loop(0, B, step=16, unroll=4)
    def _(i):
        vd = d_v[pl.ds(i, 16)]
        loc = vd - base
        m = (loc >= 0) & (loc < ROWS_PER_TILE)
        locc = jnp.clip(loc, 0, ROWS_PER_TILE - 1)
        vi = lax.iota(jnp.int32, 16) + i
        plsc.store_scatter(src_v, [locc], vi, mask=m)

    for cls in range(NCLS_TILE):
        cbase = cls * CAP

        def _cnt(k, acc, cbase=cbase):
            return acc + jnp.sum(
                (src_v[pl.ds(cbase + k * 16, 16)] < B).astype(jnp.int32))

        m = lax.fori_loop(0, CAP // 16, _cnt, jnp.int32(0))
        t = (m + G - 1) // G

        def _pair(j, _, cbase=cbase, t=t):
            r0 = cbase + (2 * j) * G
            r1 = r0 + G
            more = 2 * j + 1 < t - 1
            pltpu.async_copy(f_hbm.at[src_v.at[pl.ds(r0, G)]], buf0, g0)

            @pl.when(more)
            def _():
                pltpu.async_copy(f_hbm.at[src_v.at[pl.ds(r1, G)]], buf1, g1)

            pltpu.make_async_copy(
                f_hbm.at[src_v.at[pl.ds(r0, G)]], buf0, g0).wait()
            pltpu.async_copy(buf0, mem_hbm.at[pl.ds(base + r0, G)], w0)

            @pl.when(more)
            def _():
                pltpu.make_async_copy(
                    f_hbm.at[src_v.at[pl.ds(r1, G)]], buf1, g1).wait()
                pltpu.async_copy(buf1, mem_hbm.at[pl.ds(base + r1, G)], w1)

            pltpu.make_async_copy(
                buf0, mem_hbm.at[pl.ds(base + r0, G)], w0).wait()

            @pl.when(more)
            def _():
                pltpu.make_async_copy(
                    buf1, mem_hbm.at[pl.ds(base + r1, G)], w1).wait()

            return 0

        npair = (jnp.maximum(t - 1, 0) + 1) // 2
        lax.fori_loop(0, npair, _pair, 0)

        @pl.when(t > 0)
        def _(cbase=cbase, m=m, t=t):
            rb = cbase + (t - 1) * G

            @pl.loop(0, G, step=16)
            def _(i2):
                v = src_v[pl.ds(rb + i2, 16)]
                spread = (base + rb + i2 + lax.iota(jnp.int32, 16)) & (B - 1)
                gidx_v[pl.ds(i2, 16)] = jnp.where(v < B, v, spread)

            pltpu.async_copy(f_hbm.at[gidx_v], buf0, g0).wait()
            k = m - (t - 1) * G

            def _zrow(j, _):
                for l in range(D // 16):
                    buf0[j, pl.ds(l * 16, 16)] = jnp.zeros((16,), jnp.float32)
                return 0

            lax.fori_loop(k, G, _zrow, 0)
            pltpu.sync_copy(buf0, mem_hbm.at[pl.ds(base + rb, G)])


@functools.cache
def _sc_write():
    mesh = plsc.VectorSubcoreMesh(core_axis_name="c", subcore_axis_name="s")
    cp = pltpu.CompilerParams()
    if "needs_layout_passes" in pltpu.CompilerParams.__dataclass_fields__:
        cp = dataclasses.replace(cp, needs_layout_passes=False)
    return pl.kernel(
        _sc_write_body,
        out_type=(),
        mesh=mesh,
        compiler_params=cp,
        scratch_types=[
            pltpu.VMEM((B,), jnp.int32),
            pltpu.VMEM((ROWS_PER_TILE,), jnp.int32),
            pltpu.VMEM((G,), jnp.int32),
            pltpu.VMEM((G, D), jnp.float32),
            pltpu.VMEM((G, D), jnp.float32),
            pltpu.SemaphoreType.DMA,
            pltpu.SemaphoreType.DMA,
            pltpu.SemaphoreType.DMA,
            pltpu.SemaphoreType.DMA,
        ],
    )


def kernel(feature, label):
    u = jnp.asarray(_U)
    d3, mlen, mem0 = _prep(u, label.reshape(NSTEP, 1, BLK))
    mem_ref = jax.new_ref(mem0)
    _sc_write()(feature, d3.reshape(B), mem_ref)
    return mem_ref[...].reshape(C, CAP, D), mlen.reshape(C)

# --- scband reference (transcript-rebuilt; emitter-appended) ---
"""Pipeline reference for scband-memory-bank-55542517072178 (READ-ONLY COPY).

The authoritative reference and input builder live on the scoring server;
editing this copy changes nothing except your own understanding.
"""

import jax, jax.numpy as jnp
import numpy as np

NUM_CLASSES = 128
DIM_FEATURE = 512
CAPACITY = 65536
CAP_CLS = CAPACITY // NUM_CLASSES  # 512
BATCH = 8192


def setup_inputs(seed: int = 0) -> dict:
    key = jax.random.key(seed)
    k1, k2 = jax.random.split(key)
    feature = jax.random.normal(k1, (BATCH, DIM_FEATURE), dtype=jnp.float32)
    label = jax.random.randint(k2, (BATCH,), 0, NUM_CLASSES, dtype=jnp.int32)
    return {"feature": feature, "label": label}


def reference(feature, label):
    # Faithful translation of MemoryBank.push starting from empty memory
    # (mem_len == 0 for all classes, as registered in __init__).
    # For each class i, the features with label==i are written in order into
    # cls_i[0:count_i], and mem_len[i] = count_i. With BATCH=8192 over 128
    # classes, per-class counts (~64) are far below cap_cls=512, so the
    # truncation / FIFO-eviction branches of push are never taken.
    onehot = jax.nn.one_hot(label, NUM_CLASSES, dtype=jnp.int32)  # [B, C]
    # rank of each element within its own class (preserves batch order, like
    # the boolean-mask indexing feature[class_mask[i]] in torch)
    csum = jnp.cumsum(onehot, axis=0)  # [B, C]
    rank = jnp.take_along_axis(csum, label[:, None].astype(jnp.int32), axis=1)[:, 0] - 1  # [B]
    # memory bank: stacked per-class buffers cls0..cls{C-1}
    mem = jnp.zeros((NUM_CLASSES, CAP_CLS, DIM_FEATURE), dtype=jnp.float32)
    mem = mem.at[label, rank].set(feature)  # scatter-overwrite, routed by label
    mem_len = jnp.bincount(label, length=NUM_CLASSES).astype(jnp.int32)
    return (mem, mem_len)

if __name__ == "__main__":
    import jax
    _d = setup_inputs()
    print(jax.jit(kernel)(*tuple(_d.values())))

</pallas_src>

<mosaic_0001>
#map = affine_map<(d0, d1) -> (0, 0)>
#map1 = affine_map<(d0, d1) -> (0)>
module attributes {stable_mosaic.version = 14 : i64} {
  func.func @new_body(%arg0: i32, %arg1: i32, %arg2: memref<8192x512xf32, #tpu.memory_space<hbm>>, %arg3: memref<8192xi32, #tpu.memory_space<hbm>>, %arg4: memref<65536x512xf32, #tpu.memory_space<hbm>>, %arg5: memref<65536x512xf32, #tpu.memory_space<hbm>>, %arg6: memref<8192xi32, #tpu.memory_space<vmem>>, %arg7: memref<2048xi32, #tpu.memory_space<vmem>>, %arg8: memref<64xi32, #tpu.memory_space<vmem>>, %arg9: memref<64x512xf32, #tpu.memory_space<vmem>>, %arg10: memref<64x512xf32, #tpu.memory_space<vmem>>, %arg11: memref<!tpu.dma_semaphore, #tpu.memory_space<semaphore_mem>>, %arg12: memref<!tpu.dma_semaphore, #tpu.memory_space<semaphore_mem>>, %arg13: memref<!tpu.dma_semaphore, #tpu.memory_space<semaphore_mem>>, %arg14: memref<!tpu.dma_semaphore, #tpu.memory_space<semaphore_mem>>) attributes {dimension_semantics = [#tpu.dimension_semantics<core_parallel>, #tpu.dimension_semantics<subcore_parallel>], iteration_bounds = array<i64: 2, 16>, scalar_prefetch = 0 : i64, scratch_operands = 9 : i64, tpu.core_type = #tpu.core_type<sc_vector_subcore>, window_params = [{transform_indices = #map}, {transform_indices = #map1}, {transform_indices = #map}, {transform_indices = #map}]} {
    %mul3A = arith.constant 2 : i32
    %mul3A_0 = arith.muli %arg1, %mul3A : i32
    %add3A = arith.addi %mul3A_0, %arg0 : i32
    %mul3A_1 = arith.constant 2048 : i32
    %mul3A_2 = arith.muli %add3A, %mul3A_1 : i32
    "tpu.region"() ({
      %run_scoped3A = tpu.sem_alloc : memref<!tpu.dma_semaphore, #tpu.memory_space<semaphore_mem>>
      tpu.enqueue_dma source(%arg3 : memref<8192xi32, #tpu.memory_space<hbm>>) target(%arg6 : memref<8192xi32, #tpu.memory_space<vmem>>) target_semaphore(%run_scoped3A : memref<!tpu.dma_semaphore, #tpu.memory_space<semaphore_mem>>)
      tpu.wait_dma2 semaphore(%run_scoped3A : memref<!tpu.dma_semaphore, #tpu.memory_space<semaphore_mem>>) src(%arg3 : memref<8192xi32, #tpu.memory_space<hbm>>) dst(%arg6 : memref<8192xi32, #tpu.memory_space<vmem>>)
      tpu.yield
    }) : () -> ()
    %scan3A = arith.constant 0 : i32
    %scan3A_3 = arith.constant 128 : i32
    %scan3A_4 = arith.addi %scan3A, %scan3A_3 : i32
    %scan3A_5 = arith.constant 8 : i32
    scf.for %scan3A_327 = %scan3A to %scan3A_4 step %scan3A_5  : i32 {
      %mul3A_328 = arith.constant 16 : i32
      %mul3A_329 = arith.muli %scan3A_327, %mul3A_328 : i32
      %add3A_330 = arith.constant 0 : i32
      %add3A_331 = arith.addi %add3A_330, %mul3A_329 : i32
      %broadcast_in_dim3A = arith.constant 8192 : i32
      %broadcast_in_dim3A_332 = vector.broadcast %broadcast_in_dim3A : i32 to vector<16xi32>
      %swap3A = arith.index_cast %add3A_331 : i32 to index
      %swap3A_333 = tpu.vector_load %arg7[%swap3A] {strides = array<i32>} : memref<2048xi32, #tpu.memory_space<vmem>>, vector<16xi32>,
      tpu.vector_store %arg7[%swap3A], %broadcast_in_dim3A_332 {strides = array<i32>} : memref<2048xi32, #tpu.memory_space<vmem>>, vector<16xi32>,
      %scan3A_334 = arith.constant 1 : i32
      %scan3A_335 = arith.addi %scan3A_327, %scan3A_334 : i32
      %mul3A_336 = arith.constant 16 : i32
      %mul3A_337 = arith.muli %scan3A_335, %mul3A_336 : i32
      %add3A_338 = arith.constant 0 : i32
      %add3A_339 = arith.addi %add3A_338, %mul3A_337 : i32
      %broadcast_in_dim3A_340 = arith.constant 8192 : i32
      %broadcast_in_dim3A_341 = vector.broadcast %broadcast_in_dim3A_340 : i32 to vector<16xi32>
      %swap3A_342 = arith.index_cast %add3A_339 : i32 to index
      %swap3A_343 = tpu.vector_load %arg7[%swap3A_342] {strides = array<i32>} : memref<2048xi32, #tpu.memory_space<vmem>>, vector<16xi32>,
      tpu.vector_store %arg7[%swap3A_342], %broadcast_in_dim3A_341 {strides = array<i32>} : memref<2048xi32, #tpu.memory_space<vmem>>, vector<16xi32>,
      %scan3A_344 = arith.constant 2 : i32
      %scan3A_345 = arith.addi %scan3A_327, %scan3A_344 : i32
      %mul3A_346 = arith.constant 16 : i32
      %mul3A_347 = arith.muli %scan3A_345, %mul3A_346 : i32
      %add3A_348 = arith.constant 0 : i32
      %add3A_349 = arith.addi %add3A_348, %mul3A_347 : i32
      %broadcast_in_dim3A_350 = arith.constant 8192 : i32
      %broadcast_in_dim3A_351 = vector.broadcast %broadcast_in_dim3A_350 : i32 to vector<16xi32>
      %swap3A_352 = arith.index_cast %add3A_349 : i32 to index
      %swap3A_353 = tpu.vector_load %arg7[%swap3A_352] {strides = array<i32>} : memref<2048xi32, #tpu.memory_space<vmem>>, vector<16xi32>,
      tpu.vector_store %arg7[%swap3A_352], %broadcast_in_dim3A_351 {strides = array<i32>} : memref<2048xi32, #tpu.memory_space<vmem>>, vector<16xi32>,
      %scan3A_354 = arith.constant 3 : i32
      %scan3A_355 = arith.addi %scan3A_327, %scan3A_354 : i32
      %mul3A_356 = arith.constant 16 : i32
      %mul3A_357 = arith.muli %scan3A_355, %mul3A_356 : i32
      %add3A_358 = arith.constant 0 : i32
      %add3A_359 = arith.addi %add3A_358, %mul3A_357 : i32
      %broadcast_in_dim3A_360 = arith.constant 8192 : i32
      %broadcast_in_dim3A_361 = vector.broadcast %broadcast_in_dim3A_360 : i32 to vector<16xi32>
      %swap3A_362 = arith.index_cast %add3A_359 : i32 to index
      %swap3A_363 = tpu.vector_load %arg7[%swap3A_362] {strides = array<i32>} : memref<2048xi32, #tpu.memory_space<vmem>>, vector<16xi32>,
      tpu.vector_store %arg7[%swap3A_362], %broadcast_in_dim3A_361 {strides = array<i32>} : memref<2048xi32, #tpu.memory_space<vmem>>, vector<16xi32>,
      %scan3A_364 = arith.constant 4 : i32
      %scan3A_365 = arith.addi %scan3A_327, %scan3A_364 : i32
      %mul3A_366 = arith.constant 16 : i32
      %mul3A_367 = arith.muli %scan3A_365, %mul3A_366 : i32
      %add3A_368 = arith.constant 0 : i32
      %add3A_369 = arith.addi %add3A_368, %mul3A_367 : i32
      %broadcast_in_dim3A_370 = arith.constant 8192 : i32
      %broadcast_in_dim3A_371 = vector.broadcast %broadcast_in_dim3A_370 : i32 to vector<16xi32>
      %swap3A_372 = arith.index_cast %add3A_369 : i32 to index
      %swap3A_373 = tpu.vector_load %arg7[%swap3A_372] {strides = array<i32>} : memref<2048xi32, #tpu.memory_space<vmem>>, vector<16xi32>,
      tpu.vector_store %arg7[%swap3A_372], %broadcast_in_dim3A_371 {strides = array<i32>} : memref<2048xi32, #tpu.memory_space<vmem>>, vector<16xi32>,
      %scan3A_374 = arith.constant 5 : i32
      %scan3A_375 = arith.addi %scan3A_327, %scan3A_374 : i32
      %mul3A_376 = arith.constant 16 : i32
      %mul3A_377 = arith.muli %scan3A_375, %mul3A_376 : i32
      %add3A_378 = arith.constant 0 : i32
      %add3A_379 = arith.addi %add3A_378, %mul3A_377 : i32
      %broadcast_in_dim3A_380 = arith.constant 8192 : i32
      %broadcast_in_dim3A_381 = vector.broadcast %broadcast_in_dim3A_380 : i32 to vector<16xi32>
      %swap3A_382 = arith.index_cast %add3A_379 : i32 to index
      %swap3A_383 = tpu.vector_load %arg7[%swap3A_382] {strides = array<i32>} : memref<2048xi32, #tpu.memory_space<vmem>>, vector<16xi32>,
      tpu.vector_store %arg7[%swap3A_382], %broadcast_in_dim3A_381 {strides = array<i32>} : memref<2048xi32, #tpu.memory_space<vmem>>, vector<16xi32>,
      %scan3A_384 = arith.constant 6 : i32
      %scan3A_385 = arith.addi %scan3A_327, %scan3A_384 : i32
      %mul3A_386 = arith.constant 16 : i32
      %mul3A_387 = arith.muli %scan3A_385, %mul3A_386 : i32
      %add3A_388 = arith.constant 0 : i32
      %add3A_389 = arith.addi %add3A_388, %mul3A_387 : i32
      %broadcast_in_dim3A_390 = arith.constant 8192 : i32
      %broadcast_in_dim3A_391 = vector.broadcast %broadcast_in_dim3A_390 : i32 to vector<16xi32>
      %swap3A_392 = arith.index_cast %add3A_389 : i32 to index
      %swap3A_393 = tpu.vector_load %arg7[%swap3A_392] {strides = array<i32>} : memref<2048xi32, #tpu.memory_space<vmem>>, vector<16xi32>,
      tpu.vector_store %arg7[%swap3A_392], %broadcast_in_dim3A_391 {strides = array<i32>} : memref<2048xi32, #tpu.memory_space<vmem>>, vector<16xi32>,
      %scan3A_394 = arith.constant 7 : i32
      %scan3A_395 = arith.addi %scan3A_327, %scan3A_394 : i32
      %mul3A_396 = arith.constant 16 : i32
      %mul3A_397 = arith.muli %scan3A_395, %mul3A_396 : i32
      %add3A_398 = arith.constant 0 : i32
      %add3A_399 = arith.addi %add3A_398, %mul3A_397 : i32
      %broadcast_in_dim3A_400 = arith.constant 8192 : i32
      %broadcast_in_dim3A_401 = vector.broadcast %broadcast_in_dim3A_400 : i32 to vector<16xi32>
      %swap3A_402 = arith.index_cast %add3A_399 : i32 to index
      %swap3A_403 = tpu.vector_load %arg7[%swap3A_402] {strides = array<i32>} : memref<2048xi32, #tpu.memory_space<vmem>>, vector<16xi32>,
      tpu.vector_store %arg7[%swap3A_402], %broadcast_in_dim3A_401 {strides = array<i32>} : memref<2048xi32, #tpu.memory_space<vmem>>, vector<16xi32>,
    }
    %scan3A_6 = arith.constant 128 : i32
    %scan3A_7 = arith.constant 0 : i32
    %scan3A_8 = arith.constant 512 : i32
    %scan3A_9 = arith.addi %scan3A_7, %scan3A_8 : i32
    %scan3A_10 = arith.constant 4 : i32
    scf.for %scan3A_327 = %scan3A_7 to %scan3A_9 step %scan3A_10  : i32 {
      %mul3A_328 = arith.constant 16 : i32
      %mul3A_329 = arith.muli %scan3A_327, %mul3A_328 : i32
      %add3A_330 = arith.constant 0 : i32
      %add3A_331 = arith.addi %add3A_330, %mul3A_329 : i32
      %get3A = arith.index_cast %add3A_331 : i32 to index
      %get3A_332 = tpu.vector_load %arg6[%get3A] {strides = array<i32>} : memref<8192xi32, #tpu.memory_space<vmem>>, vector<16xi32>,
      %sub3A_333 = vector.broadcast %mul3A_2 : i32 to vector<16xi32>
      %sub3A_334 = arith.subi %get3A_332, %sub3A_333 : vector<16xi32>
      %ge3A = arith.constant 0 : i32
      %ge3A_335 = vector.broadcast %ge3A : i32 to vector<16xi32>
      %ge3A_336 = arith.cmpi sge, %sub3A_334, %ge3A_335 : vector<16xi32>
      %lt3A = arith.constant 2048 : i32
      %lt3A_337 = vector.broadcast %lt3A : i32 to vector<16xi32>
      %lt3A_338 = arith.cmpi slt, %sub3A_334, %lt3A_337 : vector<16xi32>
      %and3A_339 = arith.andi %ge3A_336, %lt3A_338 : vector<16xi1>
      %jit3A_340 = arith.constant 0 : i32
      %jit3A_341 = arith.constant 2047 : i32
      %max3A_342 = vector.broadcast %jit3A_340 : i32 to vector<16xi32>
      %max3A_343 = arith.maxsi %max3A_342, %sub3A_334 : vector<16xi32>
      %min3A = vector.broadcast %jit3A_341 : i32 to vector<16xi32>
      %min3A_344 = arith.minsi %min3A, %max3A_343 : vector<16xi32>
      %iota3A = tpu.iota {dimensions = array<i32: 0>} : vector<16xi32>
      %add3A_345 = vector.broadcast %add3A_331 : i32 to vector<16xi32>
      %add3A_346 = arith.addi %iota3A, %add3A_345 : vector<16xi32>
      tpu.vector_store_idx %arg7[%min3A_344], %add3A_346 masked %and3A_339 : memref<2048xi32, #tpu.memory_space<vmem>>[vector<16xi32>], vector<16xi32>, vector<16xi1>
      %scan3A_347 = arith.constant 1 : i32
      %scan3A_348 = arith.addi %scan3A_327, %scan3A_347 : i32
      %mul3A_349 = arith.constant 16 : i32
      %mul3A_350 = arith.muli %scan3A_348, %mul3A_349 : i32
      %add3A_351 = arith.constant 0 : i32
      %add3A_352 = arith.addi %add3A_351, %mul3A_350 : i32
      %get3A_353 = arith.index_cast %add3A_352 : i32 to index
      %get3A_354 = tpu.vector_load %arg6[%get3A_353] {strides = array<i32>} : memref<8192xi32, #tpu.memory_space<vmem>>, vector<16xi32>,
      %sub3A_355 = vector.broadcast %mul3A_2 : i32 to vector<16xi32>
      %sub3A_356 = arith.subi %get3A_354, %sub3A_355 : vector<16xi32>
      %ge3A_357 = arith.constant 0 : i32
      %ge3A_358 = vector.broadcast %ge3A_357 : i32 to vector<16xi32>
      %ge3A_359 = arith.cmpi sge, %sub3A_356, %ge3A_358 : vector<16xi32>
      %lt3A_360 = arith.constant 2048 : i32
      %lt3A_361 = vector.broadcast %lt3A_360 : i32 to vector<16xi32>
      %lt3A_362 = arith.cmpi slt, %sub3A_356, %lt3A_361 : vector<16xi32>
      %and3A_363 = arith.andi %ge3A_359, %lt3A_362 : vector<16xi1>
      %jit3A_364 = arith.constant 0 : i32
      %jit3A_365 = arith.constant 2047 : i32
      %max3A_366 = vector.broadcast %jit3A_364 : i32 to vector<16xi32>
      %max3A_367 = arith.maxsi %max3A_366, %sub3A_356 : vector<16xi32>
      %min3A_368 = vector.broadcast %jit3A_365 : i32 to vector<16xi32>
      %min3A_369 = arith.minsi %min3A_368, %max3A_367 : vector<16xi32>
      %iota3A_370 = tpu.iota {dimensions = array<i32: 0>} : vector<16xi32>
      %add3A_371 = vector.broadcast %add3A_352 : i32 to vector<16xi32>
      %add3A_372 = arith.addi %iota3A_370, %add3A_371 : vector<16xi32>
      tpu.vector_store_idx %arg7[%min3A_369], %add3A_372 masked %and3A_363 : memref<2048xi32, #tpu.memory_space<vmem>>[vector<16xi32>], vector<16xi32>, vector<16xi1>
      %scan3A_373 = arith.constant 2 : i32
      %scan3A_374 = arith.addi %scan3A_327, %scan3A_373 : i32
      %mul3A_375 = arith.constant 16 : i32
      %mul3A_376 = arith.muli %scan3A_374, %mul3A_375 : i32
      %add3A_377 = arith.constant 0 : i32
      %add3A_378 = arith.addi %add3A_377, %mul3A_376 : i32
      %get3A_379 = arith.index_cast %add3A_378 : i32 to index
      %get3A_380 = tpu.vector_load %arg6[%get3A_379] {strides = array<i32>} : memref<8192xi32, #tpu.memory_space<vmem>>, vector<16xi32>,
      %sub3A_381 = vector.broadcast %mul3A_2 : i32 to vector<16xi32>
      %sub3A_382 = arith.subi %get3A_380, %sub3A_381 : vector<16xi32>
      %ge3A_383 = arith.constant 0 : i32
      %ge3A_384 = vector.broadcast %ge3A_383 : i32 to vector<16xi32>
      %ge3A_385 = arith.cmpi sge, %sub3A_382, %ge3A_384 : vector<16xi32>
      %lt3A_386 = arith.constant 2048 : i32
      %lt3A_387 = vector.broadcast %lt3A_386 : i32 to vector<16xi32>
      %lt3A_388 = arith.cmpi slt, %sub3A_382, %lt3A_387 : vector<16xi32>
      %and3A_389 = arith.andi %ge3A_385, %lt3A_388 : vector<16xi1>
      %jit3A_390 = arith.constant 0 : i32
      %jit3A_391 = arith.constant 2047 : i32
      %max3A_392 = vector.broadcast %jit3A_390 : i32 to vector<16xi32>
      %max3A_393 = arith.maxsi %max3A_392, %sub3A_382 : vector<16xi32>
      %min3A_394 = vector.broadcast %jit3A_391 : i32 to vector<16xi32>
      %min3A_395 = arith.minsi %min3A_394, %max3A_393 : vector<16xi32>
      %iota3A_396 = tpu.iota {dimensions = array<i32: 0>} : vector<16xi32>
      %add3A_397 = vector.broadcast %add3A_378 : i32 to vector<16xi32>
      %add3A_398 = arith.addi %iota3A_396, %add3A_397 : vector<16xi32>
      tpu.vector_store_idx %arg7[%min3A_395], %add3A_398 masked %and3A_389 : memref<2048xi32, #tpu.memory_space<vmem>>[vector<16xi32>], vector<16xi32>, vector<16xi1>
      %scan3A_399 = arith.constant 3 : i32
      %scan3A_400 = arith.addi %scan3A_327, %scan3A_399 : i32
      %mul3A_401 = arith.constant 16 : i32
      %mul3A_402 = arith.muli %scan3A_400, %mul3A_401 : i32
      %add3A_403 = arith.constant 0 : i32
      %add3A_404 = arith.addi %add3A_403, %mul3A_402 : i32
      %get3A_405 = arith.index_cast %add3A_404 : i32 to index
      %get3A_406 = tpu.vector_load %arg6[%get3A_405] {strides = array<i32>} : memref<8192xi32, #tpu.memory_space<vmem>>, vector<16xi32>,
      %sub3A_407 = vector.broadcast %mul3A_2 : i32 to vector<16xi32>
      %sub3A_408 = arith.subi %get3A_406, %sub3A_407 : vector<16xi32>
      %ge3A_409 = arith.constant 0 : i32
      %ge3A_410 = vector.broadcast %ge3A_409 : i32 to vector<16xi32>
      %ge3A_411 = arith.cmpi sge, %sub3A_408, %ge3A_410 : vector<16xi32>
      %lt3A_412 = arith.constant 2048 : i32
      %lt3A_413 = vector.broadcast %lt3A_412 : i32 to vector<16xi32>
      %lt3A_414 = arith.cmpi slt, %sub3A_408, %lt3A_413 : vector<16xi32>
      %and3A_415 = arith.andi %ge3A_411, %lt3A_414 : vector<16xi1>
      %jit3A_416 = arith.constant 0 : i32
      %jit3A_417 = arith.constant 2047 : i32
      %max3A_418 = vector.broadcast %jit3A_416 : i32 to vector<16xi32>
      %max3A_419 = arith.maxsi %max3A_418, %sub3A_408 : vector<16xi32>
      %min3A_420 = vector.broadcast %jit3A_417 : i32 to vector<16xi32>
      %min3A_421 = arith.minsi %min3A_420, %max3A_419 : vector<16xi32>
      %iota3A_422 = tpu.iota {dimensions = array<i32: 0>} : vector<16xi32>
      %add3A_423 = vector.broadcast %add3A_404 : i32 to vector<16xi32>
      %add3A_424 = arith.addi %iota3A_422, %add3A_423 : vector<16xi32>
      tpu.vector_store_idx %arg7[%min3A_421], %add3A_424 masked %and3A_415 : memref<2048xi32, #tpu.memory_space<vmem>>[vector<16xi32>], vector<16xi32>, vector<16xi1>
    }
    %scan3A_11 = arith.constant 512 : i32
    %scan3A_12 = arith.constant 0 : i32
    %scan3A_13 = arith.constant 0 : i32
    %scan3A_14 = arith.constant 32 : i32
    %scan3A_15 = arith.addi %scan3A_13, %scan3A_14 : i32
    %scan3A_16 = arith.constant 1 : i32
    %scan3A_17 = scf.for %scan3A_327 = %scan3A_13 to %scan3A_15 step %scan3A_16 iter_args(%scan3A_328 = %scan3A_12) -> (i32)  : i32 {
      %mul3A_329 = arith.constant 16 : i32
      %mul3A_330 = arith.muli %scan3A_327, %mul3A_329 : i32
      %add3A_331 = arith.constant 0 : i32
      %add3A_332 = arith.addi %add3A_331, %mul3A_330 : i32
      %get3A = arith.index_cast %add3A_332 : i32 to index
      %get3A_333 = tpu.vector_load %arg7[%get3A] {strides = array<i32>} : memref<2048xi32, #tpu.memory_space<vmem>>, vector<16xi32>,
      %lt3A = arith.constant 8192 : i32
      %lt3A_334 = vector.broadcast %lt3A : i32 to vector<16xi32>
      %lt3A_335 = arith.cmpi slt, %get3A_333, %lt3A_334 : vector<16xi32>
      %convert_element_type3A_336 = arith.extui %lt3A_335 : vector<16xi1> to vector<16xi32>
      %reduce_sum3A = arith.constant true
      %reduce_sum3A_337 = vector.broadcast %reduce_sum3A : i1 to vector<16xi1>
      %reduce_sum3A_338 = tpu.scan <sum>, %convert_element_type3A_336 masked %reduce_sum3A_337 : vector<16xi32>, vector<16xi1> -> vector<16xi32>
      %reduce_sum3A_339 = vector.extract %reduce_sum3A_338[15] : i32 from vector<16xi32>
      %add3A_340 = arith.addi %scan3A_328, %reduce_sum3A_339 : i32
      scf.yield %add3A_340 : i32
    }
    %scan3A_18 = arith.constant 32 : i32
    %add3A_19 = arith.constant 64 : i32
    %add3A_20 = arith.addi %scan3A_17, %add3A_19 : i32
    %sub3A = arith.constant 1 : i32
    %sub3A_21 = arith.subi %add3A_20, %sub3A : i32
    %jit3A = arith.constant 64 : i32
    %div3A = arith.divsi %sub3A_21, %jit3A : i32
    %sign3A = arith.constant 0 : i32
    %sign3A_22 = arith.cmpi sgt, %sub3A_21, %sign3A : i32
    %sign3A_23 = arith.extui %sign3A_22 : i1 to i32
    %sign3A_24 = arith.constant 0 : i32
    %sign3A_25 = arith.cmpi slt, %sub3A_21, %sign3A_24 : i32
    %sign3A_26 = arith.extui %sign3A_25 : i1 to i32
    %sign3A_27 = arith.subi %sign3A_23, %sign3A_26 : i32
    %sign3A_28 = arith.constant 0 : i32
    %sign3A_29 = arith.cmpi sgt, %jit3A, %sign3A_28 : i32
    %sign3A_30 = arith.extui %sign3A_29 : i1 to i32
    %sign3A_31 = arith.constant 0 : i32
    %sign3A_32 = arith.cmpi slt, %jit3A, %sign3A_31 : i32
    %sign3A_33 = arith.extui %sign3A_32 : i1 to i32
    %sign3A_34 = arith.subi %sign3A_30, %sign3A_33 : i32
    %ne3A = arith.cmpi ne, %sign3A_27, %sign3A_34 : i32
    %rem3A = arith.remsi %sub3A_21, %jit3A : i32
    %ne3A_35 = arith.constant 0 : i32
    %ne3A_36 = arith.cmpi ne, %rem3A, %ne3A_35 : i32
    %and3A = arith.andi %ne3A, %ne3A_36 : i1
    %sub3A_37 = arith.constant 1 : i32
    %sub3A_38 = arith.subi %div3A, %sub3A_37 : i32
    %select_n3A = arith.select %and3A, %sub3A_38, %div3A : i32
    %sub3A_39 = arith.constant 1 : i32
    %sub3A_40 = arith.subi %select_n3A, %sub3A_39 : i32
    %max3A = arith.constant 0 : i32
    %max3A_41 = arith.maxsi %sub3A_40, %max3A : i32
    %add3A_42 = arith.constant 1 : i32
    %add3A_43 = arith.addi %max3A_41, %add3A_42 : i32
    %jit3A_44 = arith.constant 2 : i32
    %div3A_45 = arith.divsi %add3A_43, %jit3A_44 : i32
    %sign3A_46 = arith.constant 0 : i32
    %sign3A_47 = arith.cmpi sgt, %add3A_43, %sign3A_46 : i32
    %sign3A_48 = arith.extui %sign3A_47 : i1 to i32
    %sign3A_49 = arith.constant 0 : i32
    %sign3A_50 = arith.cmpi slt, %add3A_43, %sign3A_49 : i32
    %sign3A_51 = arith.extui %sign3A_50 : i1 to i32
    %sign3A_52 = arith.subi %sign3A_48, %sign3A_51 : i32
    %sign3A_53 = arith.constant 0 : i32
    %sign3A_54 = arith.cmpi sgt, %jit3A_44, %sign3A_53 : i32
    %sign3A_55 = arith.extui %sign3A_54 : i1 to i32
    %sign3A_56 = arith.constant 0 : i32
    %sign3A_57 = arith.cmpi slt, %jit3A_44, %sign3A_56 : i32
    %sign3A_58 = arith.extui %sign3A_57 : i1 to i32
    %sign3A_59 = arith.subi %sign3A_55, %sign3A_58 : i32
    %ne3A_60 = arith.cmpi ne, %sign3A_52, %sign3A_59 : i32
    %rem3A_61 = arith.remsi %add3A_43, %jit3A_44 : i32
    %ne3A_62 = arith.constant 0 : i32
    %ne3A_63 = arith.cmpi ne, %rem3A_61, %ne3A_62 : i32
    %and3A_64 = arith.andi %ne3A_60, %ne3A_63 : i1
    %sub3A_65 = arith.constant 1 : i32
    %sub3A_66 = arith.subi %div3A_45, %sub3A_65 : i32
    %select_n3A_67 = arith.select %and3A_64, %sub3A_66, %div3A_45 : i32
    %while3A = arith.constant 0 : i32
    %while3A_68 = arith.constant 0 : i32
    %while3A_69 = arith.subi %select_n3A_67, %while3A : i32
    %while3A_70 = arith.addi %while3A, %while3A_69 : i32
    %while3A_71 = arith.constant 1 : i32
    %while3A_72 = arith.divsi %while3A_69, %while3A_71 : i32
    %while3A_73 = arith.muli %while3A_72, %while3A_71 : i32
    %while3A_74 = arith.addi %while3A, %while3A_73 : i32
    %while3A_75 = arith.constant 1 : i32
    %while3A_76 = scf.for %while3A_327 = %while3A to %while3A_74 step %while3A_75 iter_args(%while3A_328 = %while3A_68) -> (i32)  : i32 {
      %mul3A_329 = arith.constant 2 : i32
      %mul3A_330 = arith.muli %mul3A_329, %while3A_327 : i32
      %mul3A_331 = arith.constant 64 : i32
      %mul3A_332 = arith.muli %mul3A_330, %mul3A_331 : i32
      %add3A_333 = arith.constant 0 : i32
      %add3A_334 = arith.addi %add3A_333, %mul3A_332 : i32
      %add3A_335 = arith.constant 64 : i32
      %add3A_336 = arith.addi %add3A_334, %add3A_335 : i32
      %mul3A_337 = arith.constant 2 : i32
      %mul3A_338 = arith.muli %mul3A_337, %while3A_327 : i32
      %add3A_339 = arith.constant 1 : i32
      %add3A_340 = arith.addi %mul3A_338, %add3A_339 : i32
      %sub3A_341 = arith.constant 1 : i32
      %sub3A_342 = arith.subi %select_n3A, %sub3A_341 : i32
      %lt3A = arith.cmpi slt, %add3A_340, %sub3A_342 : i32
      %dma_start3A = tpu.memref_slice %arg7[%add3A_334] : memref<2048xi32, #tpu.memory_space<vmem>> -> memref<64xi32, #tpu.memory_space<vmem>>
      %dma_start3A_343 = arith.constant 0 : i32
      %dma_start3A_344 = arith.constant 0 : i32
      %dma_start3A_345 = tpu.memref_slice %arg2[%dma_start3A_343, %dma_start3A_344] : memref<8192x512xf32, #tpu.memory_space<hbm>> -> memref<8192x512xf32, #tpu.memory_space<hbm>>
      tpu.enqueue_indirect_dma source(%dma_start3A_345 : memref<8192x512xf32, #tpu.memory_space<hbm>>) target(%arg9 : memref<64x512xf32, #tpu.memory_space<vmem>>) offsets(%dma_start3A : memref<64xi32, #tpu.memory_space<vmem>>) semaphore(%arg11 : memref<!tpu.dma_semaphore, #tpu.memory_space<semaphore_mem>>)
      %convert_element_type3A_346 = arith.extui %lt3A : i1 to i32
      %cond3A_347 = arith.constant 0 : i32
      %cond3A_348 = arith.cmpi ne, %convert_element_type3A_346, %cond3A_347 : i32
      scf.if %cond3A_348 {
        %dma_start3A_369 = tpu.memref_slice %arg7[%add3A_336] : memref<2048xi32, #tpu.memory_space<vmem>> -> memref<64xi32, #tpu.memory_space<vmem>>
        %dma_start3A_370 = arith.constant 0 : i32
        %dma_start3A_371 = arith.constant 0 : i32
        %dma_start3A_372 = tpu.memref_slice %arg2[%dma_start3A_370, %dma_start3A_371] : memref<8192x512xf32, #tpu.memory_space<hbm>> -> memref<8192x512xf32, #tpu.memory_space<hbm>>
        tpu.enqueue_indirect_dma source(%dma_start3A_372 : memref<8192x512xf32, #tpu.memory_space<hbm>>) target(%arg10 : memref<64x512xf32, #tpu.memory_space<vmem>>) offsets(%dma_start3A_369 : memref<64xi32, #tpu.memory_space<vmem>>) semaphore(%arg12 : memref<!tpu.dma_semaphore, #tpu.memory_space<semaphore_mem>>)
      } else {
      }
      %dma_wait3A = tpu.memref_slice %arg7[%add3A_334] : memref<2048xi32, #tpu.memory_space<vmem>> -> memref<64xi32, #tpu.memory_space<vmem>>
      %dma_wait3A_349 = arith.constant 0 : i32
      %dma_wait3A_350 = arith.constant 0 : i32
      %dma_wait3A_351 = tpu.memref_slice %arg2[%dma_wait3A_349, %dma_wait3A_350] : memref<8192x512xf32, #tpu.memory_space<hbm>> -> memref<8192x512xf32, #tpu.memory_space<hbm>>
      tpu.wait_indirect_dma semaphore(%arg11 : memref<!tpu.dma_semaphore, #tpu.memory_space<semaphore_mem>>) src(%dma_wait3A_351 : memref<8192x512xf32, #tpu.memory_space<hbm>>) dst(%arg9 : memref<64x512xf32, #tpu.memory_space<vmem>>)
      %add3A_352 = arith.addi %mul3A_2, %add3A_334 : i32
      %dma_start3A_353 = arith.constant 0 : i32
      %dma_start3A_354 = tpu.memref_slice %arg4[%add3A_352, %dma_start3A_353] : memref<65536x512xf32, #tpu.memory_space<hbm>> -> memref<64x512xf32, #tpu.memory_space<hbm>>
      %dma_start3A_355 = arith.constant 0 : i32
      %dma_start3A_356 = tpu.memref_slice %arg4[%add3A_352, %dma_start3A_355] : memref<65536x512xf32, #tpu.memory_space<hbm>> -> memref<64x512xf32, #tpu.memory_space<hbm>>
      tpu.enqueue_dma source(%arg9 : memref<64x512xf32, #tpu.memory_space<vmem>>) target(%dma_start3A_356 : memref<64x512xf32, #tpu.memory_space<hbm>>) target_semaphore(%arg13 : memref<!tpu.dma_semaphore, #tpu.memory_space<semaphore_mem>>)
      %convert_element_type3A_357 = arith.extui %lt3A : i1 to i32
      %cond3A_358 = arith.constant 0 : i32
      %cond3A_359 = arith.cmpi ne, %convert_element_type3A_357, %cond3A_358 : i32
      scf.if %cond3A_359 {
        %dma_wait3A_369 = tpu.memref_slice %arg7[%add3A_336] : memref<2048xi32, #tpu.memory_space<vmem>> -> memref<64xi32, #tpu.memory_space<vmem>>
        %dma_wait3A_370 = arith.constant 0 : i32
        %dma_wait3A_371 = arith.constant 0 : i32
        %dma_wait3A_372 = tpu.memref_slice %arg2[%dma_wait3A_370, %dma_wait3A_371] : memref<8192x512xf32, #tpu.memory_space<hbm>> -> memref<8192x512xf32, #tpu.memory_space<hbm>>
        tpu.wait_indirect_dma semaphore(%arg12 : memref<!tpu.dma_semaphore, #tpu.memory_space<semaphore_mem>>) src(%dma_wait3A_372 : memref<8192x512xf32, #tpu.memory_space<hbm>>) dst(%arg10 : memref<64x512xf32, #tpu.memory_space<vmem>>)
        %add3A_373 = arith.addi %mul3A_2, %add3A_336 : i32
        %dma_start3A_374 = arith.constant 0 : i32
        %dma_start3A_375 = tpu.memref_slice %arg4[%add3A_373, %dma_start3A_374] : memref<65536x512xf32, #tpu.memory_space<hbm>> -> memref<64x512xf32, #tpu.memory_space<hbm>>
        %dma_start3A_376 = arith.constant 0 : i32
        %dma_start3A_377 = tpu.memref_slice %arg4[%add3A_373, %dma_start3A_376] : memref<65536x512xf32, #tpu.memory_space<hbm>> -> memref<64x512xf32, #tpu.memory_space<hbm>>
        tpu.enqueue_dma source(%arg10 : memref<64x512xf32, #tpu.memory_space<vmem>>) target(%dma_start3A_377 : memref<64x512xf32, #tpu.memory_space<hbm>>) target_semaphore(%arg14 : memref<!tpu.dma_semaphore, #tpu.memory_space<semaphore_mem>>)
      } else {
      }
      %add3A_360 = arith.addi %mul3A_2, %add3A_334 : i32
      %dma_wait3A_361 = arith.constant 0 : i32
      %dma_wait3A_362 = tpu.memref_slice %arg4[%add3A_360, %dma_wait3A_361] : memref<65536x512xf32, #tpu.memory_space<hbm>> -> memref<64x512xf32, #tpu.memory_space<hbm>>
      %dma_wait3A_363 = arith.constant 0 : i32
      %dma_wait3A_364 = tpu.memref_slice %arg4[%add3A_360, %dma_wait3A_363] : memref<65536x512xf32, #tpu.memory_space<hbm>> -> memref<64x512xf32, #tpu.memory_space<hbm>>
      tpu.wait_dma2 semaphore(%arg13 : memref<!tpu.dma_semaphore, #tpu.memory_space<semaphore_mem>>) src(%arg9 : memref<64x512xf32, #tpu.memory_space<vmem>>) dst(%dma_wait3A_364 : memref<64x512xf32, #tpu.memory_space<hbm>>)
      %convert_element_type3A_365 = arith.extui %lt3A : i1 to i32
      %cond3A_366 = arith.constant 0 : i32
      %cond3A_367 = arith.cmpi ne, %convert_element_type3A_365, %cond3A_366 : i32
      scf.if %cond3A_367 {
        %add3A_369 = arith.addi %mul3A_2, %add3A_336 : i32
        %dma_wait3A_370 = arith.constant 0 : i32
        %dma_wait3A_371 = tpu.memref_slice %arg4[%add3A_369, %dma_wait3A_370] : memref<65536x512xf32, #tpu.memory_space<hbm>> -> memref<64x512xf32, #tpu.memory_space<hbm>>
        %dma_wait3A_372 = arith.constant 0 : i32
        %dma_wait3A_373 = tpu.memref_slice %arg4[%add3A_369, %dma_wait3A_372] : memref<65536x512xf32, #tpu.memory_space<hbm>> -> memref<64x512xf32, #tpu.memory_space<hbm>>
        tpu.wait_dma2 semaphore(%arg14 : memref<!tpu.dma_semaphore, #tpu.memory_space<semaphore_mem>>) src(%arg10 : memref<64x512xf32, #tpu.memory_space<vmem>>) dst(%dma_wait3A_373 : memref<64x512xf32, #tpu.memory_space<hbm>>)
      } else {
      }
      %while3A_368 = arith.constant 0 : i32
      scf.yield %while3A_368 : i32
    }
    %while3A_77 = arith.constant 1 : i32
    %while3A_78 = scf.for %while3A_327 = %while3A_74 to %while3A_70 step %while3A_77 iter_args(%while3A_328 = %while3A_76) -> (i32)  : i32 {
      %mul3A_329 = arith.constant 2 : i32
      %mul3A_330 = arith.muli %mul3A_329, %while3A_327 : i32
      %mul3A_331 = arith.constant 64 : i32
      %mul3A_332 = arith.muli %mul3A_330, %mul3A_331 : i32
      %add3A_333 = arith.constant 0 : i32
      %add3A_334 = arith.addi %add3A_333, %mul3A_332 : i32
      %add3A_335 = arith.constant 64 : i32
      %add3A_336 = arith.addi %add3A_334, %add3A_335 : i32
      %mul3A_337 = arith.constant 2 : i32
      %mul3A_338 = arith.muli %mul3A_337, %while3A_327 : i32
      %add3A_339 = arith.constant 1 : i32
      %add3A_340 = arith.addi %mul3A_338, %add3A_339 : i32
      %sub3A_341 = arith.constant 1 : i32
      %sub3A_342 = arith.subi %select_n3A, %sub3A_341 : i32
      %lt3A = arith.cmpi slt, %add3A_340, %sub3A_342 : i32
      %dma_start3A = tpu.memref_slice %arg7[%add3A_334] : memref<2048xi32, #tpu.memory_space<vmem>> -> memref<64xi32, #tpu.memory_space<vmem>>
      %dma_start3A_343 = arith.constant 0 : i32
      %dma_start3A_344 = arith.constant 0 : i32
      %dma_start3A_345 = tpu.memref_slice %arg2[%dma_start3A_343, %dma_start3A_344] : memref<8192x512xf32, #tpu.memory_space<hbm>> -> memref<8192x512xf32, #tpu.memory_space<hbm>>
      tpu.enqueue_indirect_dma source(%dma_start3A_345 : memref<8192x512xf32, #tpu.memory_space<hbm>>) target(%arg9 : memref<64x512xf32, #tpu.memory_space<vmem>>) offsets(%dma_start3A : memref<64xi32, #tpu.memory_space<vmem>>) semaphore(%arg11 : memref<!tpu.dma_semaphore, #tpu.memory_space<semaphore_mem>>)
      %convert_element_type3A_346 = arith.extui %lt3A : i1 to i32
      %cond3A_347 = arith.constant 0 : i32
      %cond3A_348 = arith.cmpi ne, %convert_element_type3A_346, %cond3A_347 : i32
      scf.if %cond3A_348 {
        %dma_start3A_369 = tpu.memref_slice %arg7[%add3A_336] : memref<2048xi32, #tpu.memory_space<vmem>> -> memref<64xi32, #tpu.memory_space<vmem>>
        %dma_start3A_370 = arith.constant 0 : i32
        %dma_start3A_371 = arith.constant 0 : i32
        %dma_start3A_372 = tpu.memref_slice %arg2[%dma_start3A_370, %dma_start3A_371] : memref<8192x512xf32, #tpu.memory_space<hbm>> -> memref<8192x512xf32, #tpu.memory_space<hbm>>
        tpu.enqueue_indirect_dma source(%dma_start3A_372 : memref<8192x512xf32, #tpu.memory_space<hbm>>) target(%arg10 : memref<64x512xf32, #tpu.memory_space<vmem>>) offsets(%dma_start3A_369 : memref<64xi32, #tpu.memory_space<vmem>>) semaphore(%arg12 : memref<!tpu.dma_semaphore, #tpu.memory_space<semaphore_mem>>)
      } else {
      }
      %dma_wait3A = tpu.memref_slice %arg7[%add3A_334] : memref<2048xi32, #tpu.memory_space<vmem>> -> memref<64xi32, #tpu.memory_space<vmem>>
      %dma_wait3A_349 = arith.constant 0 : i32
      %dma_wait3A_350 = arith.constant 0 : i32
      %dma_wait3A_351 = tpu.memref_slice %arg2[%dma_wait3A_349, %dma_wait3A_350] : memref<8192x512xf32, #tpu.memory_space<hbm>> -> memref<8192x512xf32, #tpu.memory_space<hbm>>
      tpu.wait_indirect_dma semaphore(%arg11 : memref<!tpu.dma_semaphore, #tpu.memory_space<semaphore_mem>>) src(%dma_wait3A_351 : memref<8192x512xf32, #tpu.memory_space<hbm>>) dst(%arg9 : memref<64x512xf32, #tpu.memory_space<vmem>>)
      %add3A_352 = arith.addi %mul3A_2, %add3A_334 : i32
      %dma_start3A_353 = arith.constant 0 : i32
      %dma_start3A_354 = tpu.memref_slice %arg4[%add3A_352, %dma_start3A_353] : memref<65536x512xf32, #tpu.memory_space<hbm>> -> memref<64x512xf32, #tpu.memory_space<hbm>>
      %dma_start3A_355 = arith.constant 0 : i32
      %dma_start3A_356 = tpu.memref_slice %arg4[%add3A_352, %dma_start3A_355] : memref<65536x512xf32, #tpu.memory_space<hbm>> -> memref<64x512xf32, #tpu.memory_space<hbm>>
      tpu.enqueue_dma source(%arg9 : memref<64x512xf32, #tpu.memory_space<vmem>>) target(%dma_start3A_356 : memref<64x512xf32, #tpu.memory_space<hbm>>) target_semaphore(%arg13 : memref<!tpu.dma_semaphore, #tpu.memory_space<semaphore_mem>>)
      %convert_element_type3A_357 = arith.extui %lt3A : i1 to i32
      %cond3A_358 = arith.constant 0 : i32
      %cond3A_359 = arith.cmpi ne, %convert_element_type3A_357, %cond3A_358 : i32
      scf.if %cond3A_359 {
        %dma_wait3A_369 = tpu.memref_slice %arg7[%add3A_336] : memref<2048xi32, #tpu.memory_space<vmem>> -> memref<64xi32, #tpu.memory_space<vmem>>
        %dma_wait3A_370 = arith.constant 0 : i32
        %dma_wait3A_371 = arith.constant 0 : i32
        %dma_wait3A_372 = tpu.memref_slice %arg2[%dma_wait3A_370, %dma_wait3A_371] : memref<8192x512xf32, #tpu.memory_space<hbm>> -> memref<8192x512xf32, #tpu.memory_space<hbm>>
        tpu.wait_indirect_dma semaphore(%arg12 : memref<!tpu.dma_semaphore, #tpu.memory_space<semaphore_mem>>) src(%dma_wait3A_372 : memref<8192x512xf32, #tpu.memory_space<hbm>>) dst(%arg10 : memref<64x512xf32, #tpu.memory_space<vmem>>)
        %add3A_373 = arith.addi %mul3A_2, %add3A_336 : i32
        %dma_start3A_374 = arith.constant 0 : i32
        %dma_start3A_375 = tpu.memref_slice %arg4[%add3A_373, %dma_start3A_374] : memref<65536x512xf32, #tpu.memory_space<hbm>> -> memref<64x512xf32, #tpu.memory_space<hbm>>
        %dma_start3A_376 = arith.constant 0 : i32
        %dma_start3A_377 = tpu.memref_slice %arg4[%add3A_373, %dma_start3A_376] : memref<65536x512xf32, #tpu.memory_space<hbm>> -> memref<64x512xf32, #tpu.memory_space<hbm>>
        tpu.enqueue_dma source(%arg10 : memref<64x512xf32, #tpu.memory_space<vmem>>) target(%dma_start3A_377 : memref<64x512xf32, #tpu.memory_space<hbm>>) target_semaphore(%arg14 : memref<!tpu.dma_semaphore, #tpu.memory_space<semaphore_mem>>)
      } else {
      }
      %add3A_360 = arith.addi %mul3A_2, %add3A_334 : i32
      %dma_wait3A_361 = arith.constant 0 : i32
      %dma_wait3A_362 = tpu.memref_slice %arg4[%add3A_360, %dma_wait3A_361] : memref<65536x512xf32, #tpu.memory_space<hbm>> -> memref<64x512xf32, #tpu.memory_space<hbm>>
      %dma_wait3A_363 = arith.constant 0 : i32
      %dma_wait3A_364 = tpu.memref_slice %arg4[%add3A_360, %dma_wait3A_363] : memref<65536x512xf32, #tpu.memory_space<hbm>> -> memref<64x512xf32, #tpu.memory_space<hbm>>
      tpu.wait_dma2 semaphore(%arg13 : memref<!tpu.dma_semaphore, #tpu.memory_space<semaphore_mem>>) src(%arg9 : memref<64x512xf32, #tpu.memory_space<vmem>>) dst(%dma_wait3A_364 : memref<64x512xf32, #tpu.memory_space<hbm>>)
      %convert_element_type3A_365 = arith.extui %lt3A : i1 to i32
      %cond3A_366 = arith.constant 0 : i32
      %cond3A_367 = arith.cmpi ne, %convert_element_type3A_365, %cond3A_366 : i32
      scf.if %cond3A_367 {
        %add3A_369 = arith.addi %mul3A_2, %add3A_336 : i32
        %dma_wait3A_370 = arith.constant 0 : i32
        %dma_wait3A_371 = tpu.memref_slice %arg4[%add3A_369, %dma_wait3A_370] : memref<65536x512xf32, #tpu.memory_space<hbm>> -> memref<64x512xf32, #tpu.memory_space<hbm>>
        %dma_wait3A_372 = arith.constant 0 : i32
        %dma_wait3A_373 = tpu.memref_slice %arg4[%add3A_369, %dma_wait3A_372] : memref<65536x512xf32, #tpu.memory_space<hbm>> -> memref<64x512xf32, #tpu.memory_space<hbm>>
        tpu.wait_dma2 semaphore(%arg14 : memref<!tpu.dma_semaphore, #tpu.memory_space<semaphore_mem>>) src(%arg10 : memref<64x512xf32, #tpu.memory_space<vmem>>) dst(%dma_wait3A_373 : memref<64x512xf32, #tpu.memory_space<hbm>>)
      } else {
      }
      %while3A_368 = arith.constant 0 : i32
      scf.yield %while3A_368 : i32
    }
    %gt3A = arith.constant 0 : i32
    %gt3A_79 = arith.cmpi sgt, %select_n3A, %gt3A : i32
    %convert_element_type3A = arith.extui %gt3A_79 : i1 to i32
    %cond3A = arith.constant 0 : i32
    %cond3A_80 = arith.cmpi ne, %convert_element_type3A, %cond3A : i32
    scf.if %cond3A_80 {
      %sub3A_327 = arith.constant 1 : i32
      %sub3A_328 = arith.subi %select_n3A, %sub3A_327 : i32
      %mul3A_329 = arith.constant 64 : i32
      %mul3A_330 = arith.muli %sub3A_328, %mul3A_329 : i32
      %add3A_331 = arith.constant 0 : i32
      %add3A_332 = arith.addi %add3A_331, %mul3A_330 : i32
      %scan3A_333 = arith.constant 0 : i32
      %scan3A_334 = arith.constant 4 : i32
      %scan3A_335 = arith.addi %scan3A_333, %scan3A_334 : i32
      %scan3A_336 = arith.constant 1 : i32
      scf.for %scan3A_360 = %scan3A_333 to %scan3A_335 step %scan3A_336  : i32 {
        %mul3A_361 = arith.constant 16 : i32
        %mul3A_362 = arith.muli %scan3A_360, %mul3A_361 : i32
        %add3A_363 = arith.constant 0 : i32
        %add3A_364 = arith.addi %add3A_363, %mul3A_362 : i32
        %add3A_365 = arith.addi %add3A_332, %add3A_364 : i32
        %get3A = arith.index_cast %add3A_365 : i32 to index
        %get3A_366 = tpu.vector_load %arg7[%get3A] {strides = array<i32>} : memref<2048xi32, #tpu.memory_space<vmem>>, vector<16xi32>,
        %add3A_367 = arith.addi %mul3A_2, %add3A_332 : i32
        %add3A_368 = arith.addi %add3A_367, %add3A_364 : i32
        %iota3A = tpu.iota {dimensions = array<i32: 0>} : vector<16xi32>
        %add3A_369 = vector.broadcast %add3A_368 : i32 to vector<16xi32>
        %add3A_370 = arith.addi %add3A_369, %iota3A : vector<16xi32>
        %and3A_371 = arith.constant 8191 : i32
        %and3A_372 = vector.broadcast %and3A_371 : i32 to vector<16xi32>
        %and3A_373 = arith.andi %add3A_370, %and3A_372 : vector<16xi32>
        %lt3A = arith.constant 8192 : i32
        %lt3A_374 = vector.broadcast %lt3A : i32 to vector<16xi32>
        %lt3A_375 = arith.cmpi slt, %get3A_366, %lt3A_374 : vector<16xi32>
        %select_n3A_376 = arith.select %lt3A_375, %get3A_366, %and3A_373 : vector<16xi1>, vector<16xi32>
        %swap3A = arith.index_cast %add3A_364 : i32 to index
        %swap3A_377 = tpu.vector_load %arg8[%swap3A] {strides = array<i32>} : memref<64xi32, #tpu.memory_space<vmem>>, vector<16xi32>,
        tpu.vector_store %arg8[%swap3A], %select_n3A_376 {strides = array<i32>} : memref<64xi32, #tpu.memory_space<vmem>>, vector<16xi32>,
      }
      %scan3A_337 = arith.constant 4 : i32
      %dma_start3A = arith.constant 0 : i32
      %dma_start3A_338 = arith.constant 0 : i32
      %dma_start3A_339 = tpu.memref_slice %arg2[%dma_start3A, %dma_start3A_338] : memref<8192x512xf32, #tpu.memory_space<hbm>> -> memref<8192x512xf32, #tpu.memory_space<hbm>>
      tpu.enqueue_indirect_dma source(%dma_start3A_339 : memref<8192x512xf32, #tpu.memory_space<hbm>>) target(%arg9 : memref<64x512xf32, #tpu.memory_space<vmem>>) offsets(%arg8 : memref<64xi32, #tpu.memory_space<vmem>>) semaphore(%arg11 : memref<!tpu.dma_semaphore, #tpu.memory_space<semaphore_mem>>)
      %dma_wait3A = arith.constant 0 : i32
      %dma_wait3A_340 = arith.constant 0 : i32
      %dma_wait3A_341 = tpu.memref_slice %arg2[%dma_wait3A, %dma_wait3A_340] : memref<8192x512xf32, #tpu.memory_space<hbm>> -> memref<8192x512xf32, #tpu.memory_space<hbm>>
      tpu.wait_indirect_dma semaphore(%arg11 : memref<!tpu.dma_semaphore, #tpu.memory_space<semaphore_mem>>) src(%dma_wait3A_341 : memref<8192x512xf32, #tpu.memory_space<hbm>>) dst(%arg9 : memref<64x512xf32, #tpu.memory_space<vmem>>)
      %sub3A_342 = arith.constant 1 : i32
      %sub3A_343 = arith.subi %select_n3A, %sub3A_342 : i32
      %mul3A_344 = arith.constant 64 : i32
      %mul3A_345 = arith.muli %sub3A_343, %mul3A_344 : i32
      %sub3A_346 = arith.subi %scan3A_17, %mul3A_345 : i32
      %while3A_347 = arith.constant 64 : i32
      %while3A_348 = arith.constant 0 : i32
      %while3A_349 = arith.subi %while3A_347, %sub3A_346 : i32
      %while3A_350 = arith.addi %sub3A_346, %while3A_349 : i32
      %while3A_351 = arith.constant 1 : i32
      %while3A_352 = arith.divsi %while3A_349, %while3A_351 : i32
      %while3A_353 = arith.muli %while3A_352, %while3A_351 : i32
      %while3A_354 = arith.addi %sub3A_346, %while3A_353 : i32
      %while3A_355 = arith.constant 1 : i32
      %while3A_356 = scf.for %while3A_360 = %sub3A_346 to %while3A_354 step %while3A_355 iter_args(%while3A_361 = %while3A_348) -> (i32)  : i32 {
        %broadcast_in_dim3A = arith.constant 0.000000e+00 : f32
        %broadcast_in_dim3A_362 = vector.broadcast %broadcast_in_dim3A : f32 to vector<16xf32>
        %swap3A = arith.index_cast %while3A_360 : i32 to index
        %swap3A_363 = arith.constant 0 : index
        %swap3A_364 = tpu.vector_load %arg9[%swap3A, %swap3A_363] {strides = array<i32>} : memref<64x512xf32, #tpu.memory_space<vmem>>, vector<16xf32>,
        tpu.vector_store %arg9[%swap3A, %swap3A_363], %broadcast_in_dim3A_362 {strides = array<i32>} : memref<64x512xf32, #tpu.memory_space<vmem>>, vector<16xf32>,
        %broadcast_in_dim3A_365 = arith.constant 0.000000e+00 : f32
        %broadcast_in_dim3A_366 = vector.broadcast %broadcast_in_dim3A_365 : f32 to vector<16xf32>
        %swap3A_367 = arith.index_cast %while3A_360 : i32 to index
        %swap3A_368 = arith.constant 16 : index
        %swap3A_369 = tpu.vector_load %arg9[%swap3A_367, %swap3A_368] {strides = array<i32>} : memref<64x512xf32, #tpu.memory_space<vmem>>, vector<16xf32>,
        tpu.vector_store %arg9[%swap3A_367, %swap3A_368], %broadcast_in_dim3A_366 {strides = array<i32>} : memref<64x512xf32, #tpu.memory_space<vmem>>, vector<16xf32>,
        %broadcast_in_dim3A_370 = arith.constant 0.000000e+00 : f32
        %broadcast_in_dim3A_371 = vector.broadcast %broadcast_in_dim3A_370 : f32 to vector<16xf32>
        %swap3A_372 = arith.index_cast %while3A_360 : i32 to index
        %swap3A_373 = arith.constant 32 : index
        %swap3A_374 = tpu.vector_load %arg9[%swap3A_372, %swap3A_373] {strides = array<i32>} : memref<64x512xf32, #tpu.memory_space<vmem>>, vector<16xf32>,
        tpu.vector_store %arg9[%swap3A_372, %swap3A_373], %broadcast_in_dim3A_371 {strides = array<i32>} : memref<64x512xf32, #tpu.memory_space<vmem>>, vector<16xf32>,
        %broadcast_in_dim3A_375 = arith.constant 0.000000e+00 : f32
        %broadcast_in_dim3A_376 = vector.broadcast %broadcast_in_dim3A_375 : f32 to vector<16xf32>
        %swap3A_377 = arith.index_cast %while3A_360 : i32 to index
        %swap3A_378 = arith.constant 48 : index
        %swap3A_379 = tpu.vector_load %arg9[%swap3A_377, %swap3A_378] {strides = array<i32>} : memref<64x512xf32, #tpu.memory_space<vmem>>, vector<16xf32>,
        tpu.vector_store %arg9[%swap3A_377, %swap3A_378], %broadcast_in_dim3A_376 {strides = array<i32>} : memref<64x512xf32, #tpu.memory_space<vmem>>, vector<16xf32>,
        %broadcast_in_dim3A_380 = arith.constant 0.000000e+00 : f32
        %broadcast_in_dim3A_381 = vector.broadcast %broadcast_in_dim3A_380 : f32 to vector<16xf32>
        %swap3A_382 = arith.index_cast %while3A_360 : i32 to index
        %swap3A_383 = arith.constant 64 : index
        %swap3A_384 = tpu.vector_load %arg9[%swap3A_382, %swap3A_383] {strides = array<i32>} : memref<64x512xf32, #tpu.memory_space<vmem>>, vector<16xf32>,
        tpu.vector_store %arg9[%swap3A_382, %swap3A_383], %broadcast_in_dim3A_381 {strides = array<i32>} : memref<64x512xf32, #tpu.memory_space<vmem>>, vector<16xf32>,
        %broadcast_in_dim3A_385 = arith.constant 0.000000e+00 : f32
        %broadcast_in_dim3A_386 = vector.broadcast %broadcast_in_dim3A_385 : f32 to vector<16xf32>
        %swap3A_387 = arith.index_cast %while3A_360 : i32 to index
        %swap3A_388 = arith.constant 80 : index
        %swap3A_389 = tpu.vector_load %arg9[%swap3A_387, %swap3A_388] {strides = array<i32>} : memref<64x512xf32, #tpu.memory_space<vmem>>, vector<16xf32>,
        tpu.vector_store %arg9[%swap3A_387, %swap3A_388], %broadcast_in_dim3A_386 {strides = array<i32>} : memref<64x512xf32, #tpu.memory_space<vmem>>, vector<16xf32>,
        %broadcast_in_dim3A_390 = arith.constant 0.000000e+00 : f32
        %broadcast_in_dim3A_391 = vector.broadcast %broadcast_in_dim3A_390 : f32 to vector<16xf32>
        %swap3A_392 = arith.index_cast %while3A_360 : i32 to index
        %swap3A_393 = arith.constant 96 : index
        %swap3A_394 = tpu.vector_load %arg9[%swap3A_392, %swap3A_393] {strides = array<i32>} : memref<64x512xf32, #tpu.memory_space<vmem>>, vector<16xf32>,
        tpu.vector_store %arg9[%swap3A_392, %swap3A_393], %broadcast_in_dim3A_391 {strides = array<i32>} : memref<64x512xf32, #tpu.memory_space<vmem>>, vector<16xf32>,
        %broadcast_in_dim3A_395 = arith.constant 0.000000e+00 : f32
        %broadcast_in_dim3A_396 = vector.broadcast %broadcast_in_dim3A_395 : f32 to vector<16xf32>
        %swap3A_397 = arith.index_cast %while3A_360 : i32 to index
        %swap3A_398 = arith.constant 112 : index
        %swap3A_399 = tpu.vector_load %arg9[%swap3A_397, %swap3A_398] {strides = array<i32>} : memref<64x512xf32, #tpu.memory_space<vmem>>, vector<16xf32>,
        tpu.vector_store %arg9[%swap3A_397, %swap3A_398], %broadcast_in_dim3A_396 {strides = array<i32>} : memref<64x512xf32, #tpu.memory_space<vmem>>, vector<16xf32>,
        %broadcast_in_dim3A_400 = arith.constant 0.000000e+00 : f32
        %broadcast_in_dim3A_401 = vector.broadcast %broadcast_in_dim3A_400 : f32 to vector<16xf32>
        %swap3A_402 = arith.index_cast %while3A_360 : i32 to index
        %swap3A_403 = arith.constant 128 : index
        %swap3A_404 = tpu.vector_load %arg9[%swap3A_402, %swap3A_403] {strides = array<i32>} : memref<64x512xf32, #tpu.memory_space<vmem>>, vector<16xf32>,
        tpu.vector_store %arg9[%swap3A_402, %swap3A_403], %broadcast_in_dim3A_401 {strides = array<i32>} : memref<64x512xf32, #tpu.memory_space<vmem>>, vector<16xf32>,
        %broadcast_in_dim3A_405 = arith.constant 0.000000e+00 : f32
        %broadcast_in_dim3A_406 = vector.broadcast %broadcast_in_dim3A_405 : f32 to vector<16xf32>
        %swap3A_407 = arith.index_cast %while3A_360 : i32 to index
        %swap3A_408 = arith.constant 144 : index
        %swap3A_409 = tpu.vector_load %arg9[%swap3A_407, %swap3A_408] {strides = array<i32>} : memref<64x512xf32, #tpu.memory_space<vmem>>, vector<16xf32>,
        tpu.vector_store %arg9[%swap3A_407, %swap3A_408], %broadcast_in_dim3A_406 {strides = array<i32>} : memref<64x512xf32, #tpu.memory_space<vmem>>, vector<16xf32>,
        %broadcast_in_dim3A_410 = arith.constant 0.000000e+00 : f32
        %broadcast_in_dim3A_411 = vector.broadcast %broadcast_in_dim3A_410 : f32 to vector<16xf32>
        %swap3A_412 = arith.index_cast %while3A_360 : i32 to index
        %swap3A_413 = arith.constant 160 : index
        %swap3A_414 = tpu.vector_load %arg9[%swap3A_412, %swap3A_413] {strides = array<i32>} : memref<64x512xf32, #tpu.memory_space<vmem>>, vector<16xf32>,
        tpu.vector_store %arg9[%swap3A_412, %swap3A_413], %broadcast_in_dim3A_411 {strides = array<i32>} : memref<64x512xf32, #tpu.memory_space<vmem>>, vector<16xf32>,
        %broadcast_in_dim3A_415 = arith.constant 0.000000e+00 : f32
        %broadcast_in_dim3A_416 = vector.broadcast %broadcast_in_dim3A_415 : f32 to vector<16xf32>
        %swap3A_417 = arith.index_cast %while3A_360 : i32 to index
        %swap3A_418 = arith.constant 176 : index
        %swap3A_419 = tpu.vector_load %arg9[%swap3A_417, %swap3A_418] {strides = array<i32>} : memref<64x512xf32, #tpu.memory_space<vmem>>, vector<16xf32>,
        tpu.vector_store %arg9[%swap3A_417, %swap3A_418], %broadcast_in_dim3A_416 {strides = array<i32>} : memref<64x512xf32, #tpu.memory_space<vmem>>, vector<16xf32>,
        %broadcast_in_dim3A_420 = arith.constant 0.000000e+00 : f32
        %broadcast_in_dim3A_421 = vector.broadcast %broadcast_in_dim3A_420 : f32 to vector<16xf32>
        %swap3A_422 = arith.index_cast %while3A_360 : i32 to index
        %swap3A_423 = arith.constant 192 : index
        %swap3A_424 = tpu.vector_load %arg9[%swap3A_422, %swap3A_423] {strides = array<i32>} : memref<64x512xf32, #tpu.memory_space<vmem>>, vector<16xf32>,
        tpu.vector_store %arg9[%swap3A_422, %swap3A_423], %broadcast_in_dim3A_421 {strides = array<i32>} : memref<64x512xf32, #tpu.memory_space<vmem>>, vector<16xf32>,
        %broadcast_in_dim3A_425 = arith.constant 0.000000e+00 : f32
        %broadcast_in_dim3A_426 = vector.broadcast %broadcast_in_dim3A_425 : f32 to vector<16xf32>
        %swap3A_427 = arith.index_cast %while3A_360 : i32 to index
        %swap3A_428 = arith.constant 208 : index
        %swap3A_429 = tpu.vector_load %arg9[%swap3A_427, %swap3A_428] {strides = array<i32>} : memref<64x512xf32, #tpu.memory_space<vmem>>, vector<16xf32>,
        tpu.vector_store %arg9[%swap3A_427, %swap3A_428], %broadcast_in_dim3A_426 {strides = array<i32>} : memref<64x512xf32, #tpu.memory_space<vmem>>, vector<16xf32>,
        %broadcast_in_dim3A_430 = arith.constant 0.000000e+00 : f32
        %broadcast_in_dim3A_431 = vector.broadcast %broadcast_in_dim3A_430 : f32 to vector<16xf32>
        %swap3A_432 = arith.index_cast %while3A_360 : i32 to index
        %swap3A_433 = arith.constant 224 : index
        %swap3A_434 = tpu.vector_load %arg9[%swap3A_432, %swap3A_433] {strides = array<i32>} : memref<64x512xf32, #tpu.memory_space<vmem>>, vector<16xf32>,
        tpu.vector_store %arg9[%swap3A_432, %swap3A_433], %broadcast_in_dim3A_431 {strides = array<i32>} : memref<64x512xf32, #tpu.memory_space<vmem>>, vector<16xf32>,
        %broadcast_in_dim3A_435 = arith.constant 0.000000e+00 : f32
        %broadcast_in_dim3A_436 = vector.broadcast %broadcast_in_dim3A_435 : f32 to vector<16xf32>
        %swap3A_437 = arith.index_cast %while3A_360 : i32 to index
        %swap3A_438 = arith.constant 240 : index
        %swap3A_439 = tpu.vector_load %arg9[%swap3A_437, %swap3A_438] {strides = array<i32>} : memref<64x512xf32, #tpu.memory_space<vmem>>, vector<16xf32>,
        tpu.vector_store %arg9[%swap3A_437, %swap3A_438], %broadcast_in_dim3A_436 {strides = array<i32>} : memref<64x512xf32, #tpu.memory_space<vmem>>, vector<16xf32>,
        %broadcast_in_dim3A_440 = arith.constant 0.000000e+00 : f32
        %broadcast_in_dim3A_441 = vector.broadcast %broadcast_in_dim3A_440 : f32 to vector<16xf32>
        %swap3A_442 = arith.index_cast %while3A_360 : i32 to index
        %swap3A_443 = arith.constant 256 : index
        %swap3A_444 = tpu.vector_load %arg9[%swap3A_442, %swap3A_443] {strides = array<i32>} : memref<64x512xf32, #tpu.memory_space<vmem>>, vector<16xf32>,
        tpu.vector_store %arg9[%swap3A_442, %swap3A_443], %broadcast_in_dim3A_441 {strides = array<i32>} : memref<64x512xf32, #tpu.memory_space<vmem>>, vector<16xf32>,
        %broadcast_in_dim3A_445 = arith.constant 0.000000e+00 : f32
        %broadcast_in_dim3A_446 = vector.broadcast %broadcast_in_dim3A_445 : f32 to vector<16xf32>
        %swap3A_447 = arith.index_cast %while3A_360 : i32 to index
        %swap3A_448 = arith.constant 272 : index
        %swap3A_449 = tpu.vector_load %arg9[%swap3A_447, %swap3A_448] {strides = array<i32>} : memref<64x512xf32, #tpu.memory_space<vmem>>, vector<16xf32>,
        tpu.vector_store %arg9[%swap3A_447, %swap3A_448], %broadcast_in_dim3A_446 {strides = array<i32>} : memref<64x512xf32, #tpu.memory_space<vmem>>, vector<16xf32>,
        %broadcast_in_dim3A_450 = arith.constant 0.000000e+00 : f32
        %broadcast_in_dim3A_451 = vector.broadcast %broadcast_in_dim3A_450 : f32 to vector<16xf32>
        %swap3A_452 = arith.index_cast %while3A_360 : i32 to index
        %swap3A_453 = arith.constant 288 : index
        %swap3A_454 = tpu.vector_load %arg9[%swap3A_452, %swap3A_453] {strides = array<i32>} : memref<64x512xf32, #tpu.memory_space<vmem>>, vector<16xf32>,
        tpu.vector_store %arg9[%swap3A_452, %swap3A_453], %broadcast_in_dim3A_451 {strides = array<i32>} : memref<64x512xf32, #tpu.memory_space<vmem>>, vector<16xf32>,
        %broadcast_in_dim3A_455 = arith.constant 0.000000e+00 : f32
        %broadcast_in_dim3A_456 = vector.broadcast %broadcast_in_dim3A_455 : f32 to vector<16xf32>
        %swap3A_457 = arith.index_cast %while3A_360 : i32 to index
        %swap3A_458 = arith.constant 304 : index
        %swap3A_459 = tpu.vector_load %arg9[%swap3A_457, %swap3A_458] {strides = array<i32>} : memref<64x512xf32, #tpu.memory_space<vmem>>, vector<16xf32>,
        tpu.vector_store %arg9[%swap3A_457, %swap3A_458], %broadcast_in_dim3A_456 {strides = array<i32>} : memref<64x512xf32, #tpu.memory_space<vmem>>, vector<16xf32>,
        %broadcast_in_dim3A_460 = arith.constant 0.000000e+00 : f32
        %broadcast_in_dim3A_461 = vector.broadcast %broadcast_in_dim3A_460 : f32 to vector<16xf32>
        %swap3A_462 = arith.index_cast %while3A_360 : i32 to index
        %swap3A_463 = arith.constant 320 : index
        %swap3A_464 = tpu.vector_load %arg9[%swap3A_462, %swap3A_463] {strides = array<i32>} : memref<64x512xf32, #tpu.memory_space<vmem>>, vector<16xf32>,
        tpu.vector_store %arg9[%swap3A_462, %swap3A_463], %broadcast_in_dim3A_461 {strides = array<i32>} : memref<64x512xf32, #tpu.memory_space<vmem>>, vector<16xf32>,
        %broadcast_in_dim3A_465 = arith.constant 0.000000e+00 : f32
        %broadcast_in_dim3A_466 = vector.broadcast %broadcast_in_dim3A_465 : f32 to vector<16xf32>
        %swap3A_467 = arith.index_cast %while3A_360 : i32 to index
        %swap3A_468 = arith.constant 336 : index
        %swap3A_469 = tpu.vector_load %arg9[%swap3A_467, %swap3A_468] {strides = array<i32>} : memref<64x512xf32, #tpu.memory_space<vmem>>, vector<16xf32>,
        tpu.vector_store %arg9[%swap3A_467, %swap3A_468], %broadcast_in_dim3A_466 {strides = array<i32>} : memref<64x512xf32, #tpu.memory_space<vmem>>, vector<16xf32>,
        %broadcast_in_dim3A_470 = arith.constant 0.000000e+00 : f32
        %broadcast_in_dim3A_471 = vector.broadcast %broadcast_in_dim3A_470 : f32 to vector<16xf32>
        %swap3A_472 = arith.index_cast %while3A_360 : i32 to index
        %swap3A_473 = arith.constant 352 : index
        %swap3A_474 = tpu.vector_load %arg9[%swap3A_472, %swap3A_473] {strides = array<i32>} : memref<64x512xf32, #tpu.memory_space<vmem>>, vector<16xf32>,
        tpu.vector_store %arg9[%swap3A_472, %swap3A_473], %broadcast_in_dim3A_471 {strides = array<i32>} : memref<64x512xf32, #tpu.memory_space<vmem>>, vector<16xf32>,
        %broadcast_in_dim3A_475 = arith.constant 0.000000e+00 : f32
        %broadcast_in_dim3A_476 = vector.broadcast %broadcast_in_dim3A_475 : f32 to vector<16xf32>
        %swap3A_477 = arith.index_cast %while3A_360 : i32 to index
        %swap3A_478 = arith.constant 368 : index
        %swap3A_479 = tpu.vector_load %arg9[%swap3A_477, %swap3A_478] {strides = array<i32>} : memref<64x512xf32, #tpu.memory_space<vmem>>, vector<16xf32>,
        tpu.vector_store %arg9[%swap3A_477, %swap3A_478], %broadcast_in_dim3A_476 {strides = array<i32>} : memref<64x512xf32, #tpu.memory_space<vmem>>, vector<16xf32>,
        %broadcast_in_dim3A_480 = arith.constant 0.000000e+00 : f32
        %broadcast_in_dim3A_481 = vector.broadcast %broadcast_in_dim3A_480 : f32 to vector<16xf32>
        %swap3A_482 = arith.index_cast %while3A_360 : i32 to index
        %swap3A_483 = arith.constant 384 : index
        %swap3A_484 = tpu.vector_load %arg9[%swap3A_482, %swap3A_483] {strides = array<i32>} : memref<64x512xf32, #tpu.memory_space<vmem>>, vector<16xf32>,
        tpu.vector_store %arg9[%swap3A_482, %swap3A_483], %broadcast_in_dim3A_481 {strides = array<i32>} : memref<64x512xf32, #tpu.memory_space<vmem>>, vector<16xf32>,
        %broadcast_in_dim3A_485 = arith.constant 0.000000e+00 : f32
        %broadcast_in_dim3A_486 = vector.broadcast %broadcast_in_dim3A_485 : f32 to vector<16xf32>
        %swap3A_487 = arith.index_cast %while3A_360 : i32 to index
        %swap3A_488 = arith.constant 400 : index
        %swap3A_489 = tpu.vector_load %arg9[%swap3A_487, %swap3A_488] {strides = array<i32>} : memref<64x512xf32, #tpu.memory_space<vmem>>, vector<16xf32>,
        tpu.vector_store %arg9[%swap3A_487, %swap3A_488], %broadcast_in_dim3A_486 {strides = array<i32>} : memref<64x512xf32, #tpu.memory_space<vmem>>, vector<16xf32>,
        %broadcast_in_dim3A_490 = arith.constant 0.000000e+00 : f32
        %broadcast_in_dim3A_491 = vector.broadcast %broadcast_in_dim3A_490 : f32 to vector<16xf32>
        %swap3A_492 = arith.index_cast %while3A_360 : i32 to index
        %swap3A_493 = arith.constant 416 : index
        %swap3A_494 = tpu.vector_load %arg9[%swap3A_492, %swap3A_493] {strides = array<i32>} : memref<64x512xf32, #tpu.memory_space<vmem>>, vector<16xf32>,
        tpu.vector_store %arg9[%swap3A_492, %swap3A_493], %broadcast_in_dim3A_491 {strides = array<i32>} : memref<64x512xf32, #tpu.memory_space<vmem>>, vector<16xf32>,
        %broadcast_in_dim3A_495 = arith.constant 0.000000e+00 : f32
        %broadcast_in_dim3A_496 = vector.broadcast %broadcast_in_dim3A_495 : f32 to vector<16xf32>
        %swap3A_497 = arith.index_cast %while3A_360 : i32 to index
        %swap3A_498 = arith.constant 432 : index
        %swap3A_499 = tpu.vector_load %arg9[%swap3A_497, %swap3A_498] {strides = array<i32>} : memref<64x512xf32, #tpu.memory_space<vmem>>, vector<16xf32>,
        tpu.vector_store %arg9[%swap3A_497, %swap3A_498], %broadcast_in_dim3A_496 {strides = array<i32>} : memref<64x512xf32, #tpu.memory_space<vmem>>, vector<16xf32>,
        %broadcast_in_dim3A_500 = arith.constant 0.000000e+00 : f32
        %broadcast_in_dim3A_501 = vector.broadcast %broadcast_in_dim3A_500 : f32 to vector<16xf32>
        %swap3A_502 = arith.index_cast %while3A_360 : i32 to index
        %swap3A_503 = arith.constant 448 : index
        %swap3A_504 = tpu.vector_load %arg9[%swap3A_502, %swap3A_503] {strides = array<i32>} : memref<64x512xf32, #tpu.memory_space<vmem>>, vector<16xf32>,
        tpu.vector_store %arg9[%swap3A_502, %swap3A_503], %broadcast_in_dim3A_501 {strides = array<i32>} : memref<64x512xf32, #tpu.memory_space<vmem>>, vector<16xf32>,
        %broadcast_in_dim3A_505 = arith.constant 0.000000e+00 : f32
        %broadcast_in_dim3A_506 = vector.broadcast %broadcast_in_dim3A_505 : f32 to vector<16xf32>
        %swap3A_507 = arith.index_cast %while3A_360 : i32 to index
        %swap3A_508 = arith.constant 464 : index
        %swap3A_509 = tpu.vector_load %arg9[%swap3A_507, %swap3A_508] {strides = array<i32>} : memref<64x512xf32, #tpu.memory_space<vmem>>, vector<16xf32>,
        tpu.vector_store %arg9[%swap3A_507, %swap3A_508], %broadcast_in_dim3A_506 {strides = array<i32>} : memref<64x512xf32, #tpu.memory_space<vmem>>, vector<16xf32>,
        %broadcast_in_dim3A_510 = arith.constant 0.000000e+00 : f32
        %broadcast_in_dim3A_511 = vector.broadcast %broadcast_in_dim3A_510 : f32 to vector<16xf32>
        %swap3A_512 = arith.index_cast %while3A_360 : i32 to index
        %swap3A_513 = arith.constant 480 : index
        %swap3A_514 = tpu.vector_load %arg9[%swap3A_512, %swap3A_513] {strides = array<i32>} : memref<64x512xf32, #tpu.memory_space<vmem>>, vector<16xf32>,
        tpu.vector_store %arg9[%swap3A_512, %swap3A_513], %broadcast_in_dim3A_511 {strides = array<i32>} : memref<64x512xf32, #tpu.memory_space<vmem>>, vector<16xf32>,
        %broadcast_in_dim3A_515 = arith.constant 0.000000e+00 : f32
        %broadcast_in_dim3A_516 = vector.broadcast %broadcast_in_dim3A_515 : f32 to vector<16xf32>
        %swap3A_517 = arith.index_cast %while3A_360 : i32 to index
        %swap3A_518 = arith.constant 496 : index
        %swap3A_519 = tpu.vector_load %arg9[%swap3A_517, %swap3A_518] {strides = array<i32>} : memref<64x512xf32, #tpu.memory_space<vmem>>, vector<16xf32>,
        tpu.vector_store %arg9[%swap3A_517, %swap3A_518], %broadcast_in_dim3A_516 {strides = array<i32>} : memref<64x512xf32, #tpu.memory_space<vmem>>, vector<16xf32>,
        %while3A_520 = arith.constant 0 : i32
        scf.yield %while3A_520 : i32
      }
      %while3A_357 = arith.constant 1 : i32
      %while3A_358 = scf.for %while3A_360 = %while3A_354 to %while3A_350 step %while3A_357 iter_args(%while3A_361 = %while3A_356) -> (i32)  : i32 {
        %broadcast_in_dim3A = arith.constant 0.000000e+00 : f32
        %broadcast_in_dim3A_362 = vector.broadcast %broadcast_in_dim3A : f32 to vector<16xf32>
        %swap3A = arith.index_cast %while3A_360 : i32 to index
        %swap3A_363 = arith.constant 0 : index
        %swap3A_364 = tpu.vector_load %arg9[%swap3A, %swap3A_363] {strides = array<i32>} : memref<64x512xf32, #tpu.memory_space<vmem>>, vector<16xf32>,
        tpu.vector_store %arg9[%swap3A, %swap3A_363], %broadcast_in_dim3A_362 {strides = array<i32>} : memref<64x512xf32, #tpu.memory_space<vmem>>, vector<16xf32>,
        %broadcast_in_dim3A_365 = arith.constant 0.000000e+00 : f32
        %broadcast_in_dim3A_366 = vector.broadcast %broadcast_in_dim3A_365 : f32 to vector<16xf32>
        %swap3A_367 = arith.index_cast %while3A_360 : i32 to index
        %swap3A_368 = arith.constant 16 : index
        %swap3A_369 = tpu.vector_load %arg9[%swap3A_367, %swap3A_368] {strides = array<i32>} : memref<64x512xf32, #tpu.memory_space<vmem>>, vector<16xf32>,
        tpu.vector_store %arg9[%swap3A_367, %swap3A_368], %broadcast_in_dim3A_366 {strides = array<i32>} : memref<64x512xf32, #tpu.memory_space<vmem>>, vector<16xf32>,
        %broadcast_in_dim3A_370 = arith.constant 0.000000e+00 : f32
        %broadcast_in_dim3A_371 = vector.broadcast %broadcast_in_dim3A_370 : f32 to vector<16xf32>
        %swap3A_372 = arith.index_cast %while3A_360 : i32 to index
        %swap3A_373 = arith.constant 32 : index
        %swap3A_374 = tpu.vector_load %arg9[%swap3A_372, %swap3A_373] {strides = array<i32>} : memref<64x512xf32, #tpu.memory_space<vmem>>, vector<16xf32>,
        tpu.vector_store %arg9[%swap3A_372, %swap3A_373], %broadcast_in_dim3A_371 {strides = array<i32>} : memref<64x512xf32, #tpu.memory_space<vmem>>, vector<16xf32>,
        %broadcast_in_dim3A_375 = arith.constant 0.000000e+00 : f32
        %broadcast_in_dim3A_376 = vector.broadcast %broadcast_in_dim3A_375 : f32 to vector<16xf32>
        %swap3A_377 = arith.index_cast %while3A_360 : i32 to index
        %swap3A_378 = arith.constant 48 : index
        %swap3A_379 = tpu.vector_load %arg9[%swap3A_377, %swap3A_378] {strides = array<i32>} : memref<64x512xf32, #tpu.memory_space<vmem>>, vector<16xf32>,
        tpu.vector_store %arg9[%swap3A_377, %swap3A_378], %broadcast_in_dim3A_376 {strides = array<i32>} : memref<64x512xf32, #tpu.memory_space<vmem>>, vector<16xf32>,
        %broadcast_in_dim3A_380 = arith.constant 0.000000e+00 : f32
        %broadcast_in_dim3A_381 = vector.broadcast %broadcast_in_dim3A_380 : f32 to vector<16xf32>
        %swap3A_382 = arith.index_cast %while3A_360 : i32 to index
        %swap3A_383 = arith.constant 64 : index
        %swap3A_384 = tpu.vector_load %arg9[%swap3A_382, %swap3A_383] {strides = array<i32>} : memref<64x512xf32, #tpu.memory_space<vmem>>, vector<16xf32>,
        tpu.vector_store %arg9[%swap3A_382, %swap3A_383], %broadcast_in_dim3A_381 {strides = array<i32>} : memref<64x512xf32, #tpu.memory_space<vmem>>, vector<16xf32>,
        %broadcast_in_dim3A_385 = arith.constant 0.000000e+00 : f32
        %broadcast_in_dim3A_386 = vector.broadcast %broadcast_in_dim3A_385 : f32 to vector<16xf32>
        %swap3A_387 = arith.index_cast %while3A_360 : i32 to index
        %swap3A_388 = arith.constant 80 : index
        %swap3A_389 = tpu.vector_load %arg9[%swap3A_387, %swap3A_388] {strides = array<i32>} : memref<64x512xf32, #tpu.memory_space<vmem>>, vector<16xf32>,
        tpu.vector_store %arg9[%swap3A_387, %swap3A_388], %broadcast_in_dim3A_386 {strides = array<i32>} : memref<64x512xf32, #tpu.memory_space<vmem>>, vector<16xf32>,
        %broadcast_in_dim3A_390 = arith.constant 0.000000e+00 : f32
        %broadcast_in_dim3A_391 = vector.broadcast %broadcast_in_dim3A_390 : f32 to vector<16xf32>
        %swap3A_392 = arith.index_cast %while3A_360 : i32 to index
        %swap3A_393 = arith.constant 96 : index
        %swap3A_394 = tpu.vector_load %arg9[%swap3A_392, %swap3A_393] {strides = array<i32>} : memref<64x512xf32, #tpu.memory_space<vmem>>, vector<16xf32>,
        tpu.vector_store %arg9[%swap3A_392, %swap3A_393], %broadcast_in_dim3A_391 {strides = array<i32>} : memref<64x512xf32, #tpu.memory_space<vmem>>, vector<16xf32>,
        %broadcast_in_dim3A_395 = arith.constant 0.000000e+00 : f32
        %broadcast_in_dim3A_396 = vector.broadcast %broadcast_in_dim3A_395 : f32 to vector<16xf32>
        %swap3A_397 = arith.index_cast %while3A_360 : i32 to index
        %swap3A_398 = arith.constant 112 : index
        %swap3A_399 = tpu.vector_load %arg9[%swap3A_397, %swap3A_398] {strides = array<i32>} : memref<64x512xf32, #tpu.memory_space<vmem>>, vector<16xf32>,
        tpu.vector_store %arg9[%swap3A_397, %swap3A_398], %broadcast_in_dim3A_396 {strides = array<i32>} : memref<64x512xf32, #tpu.memory_space<vmem>>, vector<16xf32>,
        %broadcast_in_dim3A_400 = arith.constant 0.000000e+00 : f32
        %broadcast_in_dim3A_401 = vector.broadcast %broadcast_in_dim3A_400 : f32 to vector<16xf32>
        %swap3A_402 = arith.index_cast %while3A_360 : i32 to index
        %swap3A_403 = arith.constant 128 : index
        %swap3A_404 = tpu.vector_load %arg9[%swap3A_402, %swap3A_403] {strides = array<i32>} : memref<64x512xf32, #tpu.memory_space<vmem>>, vector<16xf32>,
        tpu.vector_store %arg9[%swap3A_402, %swap3A_403], %broadcast_in_dim3A_401 {strides = array<i32>} : memref<64x512xf32, #tpu.memory_space<vmem>>, vector<16xf32>,
        %broadcast_in_dim3A_405 = arith.constant 0.000000e+00 : f32
        %broadcast_in_dim3A_406 = vector.broadcast %broadcast_in_dim3A_405 : f32 to vector<16xf32>
        %swap3A_407 = arith.index_cast %while3A_360 : i32 to index
        %swap3A_408 = arith.constant 144 : index
        %swap3A_409 = tpu.vector_load %arg9[%swap3A_407, %swap3A_408] {strides = array<i32>} : memref<64x512xf32, #tpu.memory_space<vmem>>, vector<16xf32>,
        tpu.vector_store %arg9[%swap3A_407, %swap3A_408], %broadcast_in_dim3A_406 {strides = array<i32>} : memref<64x512xf32, #tpu.memory_space<vmem>>, vector<16xf32>,
        %broadcast_in_dim3A_410 = arith.constant 0.000000e+00 : f32
        %broadcast_in_dim3A_411 = vector.broadcast %broadcast_in_dim3A_410 : f32 to vector<16xf32>
        %swap3A_412 = arith.index_cast %while3A_360 : i32 to index
        %swap3A_413 = arith.constant 160 : index
        %swap3A_414 = tpu.vector_load %arg9[%swap3A_412, %swap3A_413] {strides = array<i32>} : memref<64x512xf32, #tpu.memory_space<vmem>>, vector<16xf32>,
        tpu.vector_store %arg9[%swap3A_412, %swap3A_413], %broadcast_in_dim3A_411 {strides = array<i32>} : memref<64x512xf32, #tpu.memory_space<vmem>>, vector<16xf32>,
        %broadcast_in_dim3A_415 = arith.constant 0.000000e+00 : f32
        %broadcast_in_dim3A_416 = vector.broadcast %broadcast_in_dim3A_415 : f32 to vector<16xf32>
        %swap3A_417 = arith.index_cast %while3A_360 : i32 to index
        %swap3A_418 = arith.constant 176 : index
        %swap3A_419 = tpu.vector_load %arg9[%swap3A_417, %swap3A_418] {strides = array<i32>} : memref<64x512xf32, #tpu.memory_space<vmem>>, vector<16xf32>,
        tpu.vector_store %arg9[%swap3A_417, %swap3A_418], %broadcast_in_dim3A_416 {strides = array<i32>} : memref<64x512xf32, #tpu.memory_space<vmem>>, vector<16xf32>,
        %broadcast_in_dim3A_420 = arith.constant 0.000000e+00 : f32
        %broadcast_in_dim3A_421 = vector.broadcast %broadcast_in_dim3A_420 : f32 to vector<16xf32>
        %swap3A_422 = arith.index_cast %while3A_360 : i32 to index
        %swap3A_423 = arith.constant 192 : index
        %swap3A_424 = tpu.vector_load %arg9[%swap3A_422, %swap3A_423] {strides = array<i32>} : memref<64x512xf32, #tpu.memory_space<vmem>>, vector<16xf32>,
        tpu.vector_store %arg9[%swap3A_422, %swap3A_423], %broadcast_in_dim3A_421 {strides = array<i32>} : memref<64x512xf32, #tpu.memory_space<vmem>>, vector<16xf32>,
        %broadcast_in_dim3A_425 = arith.constant 0.000000e+00 : f32
        %broadcast_in_dim3A_426 = vector.broadcast %broadcast_in_dim3A_425 : f32 to vector<16xf32>
        %swap3A_427 = arith.index_cast %while3A_360 : i32 to index
        %swap3A_428 = arith.constant 208 : index
        %swap3A_429 = tpu.vector_load %arg9[%swap3A_427, %swap3A_428] {strides = array<i32>} : memref<64x512xf32, #tpu.memory_space<vmem>>, vector<16xf32>,
        tpu.vector_store %arg9[%swap3A_427, %swap3A_428], %broadcast_in_dim3A_426 {strides = array<i32>} : memref<64x512xf32, #tpu.memory_space<vmem>>, vector<16xf32>,
        %broadcast_in_dim3A_430 = arith.constant 0.000000e+00 : f32
        %broadcast_in_dim3A_431 = vector.broadcast %broadcast_in_dim3A_430 : f32 to vector<16xf32>
        %swap3A_432 = arith.index_cast %while3A_360 : i32 to index
        %swap3A_433 = arith.constant 224 : index
        %swap3A_434 = tpu.vector_load %arg9[%swap3A_432, %swap3A_433] {strides = array<i32>} : memref<64x512xf32, #tpu.memory_space<vmem>>, vector<16xf32>,
        tpu.vector_store %arg9[%swap3A_432, %swap3A_433], %broadcast_in_dim3A_431 {strides = array<i32>} : memref<64x512xf32, #tpu.memory_space<vmem>>, vector<16xf32>,
        %broadcast_in_dim3A_435 = arith.constant 0.000000e+00 : f32
        %broadcast_in_dim3A_436 = vector.broadcast %broadcast_in_dim3A_435 : f32 to vector<16xf32>
        %swap3A_437 = arith.index_cast %while3A_360 : i32 to index
        %swap3A_438 = arith.constant 240 : index
        %swap3A_439 = tpu.vector_load %arg9[%swap3A_437, %swap3A_438] {strides = array<i32>} : memref<64x512xf32, #tpu.memory_space<vmem>>, vector<16xf32>,
        tpu.vector_store %arg9[%swap3A_437, %swap3A_438], %broadcast_in_dim3A_436 {strides = array<i32>} : memref<64x512xf32, #tpu.memory_space<vmem>>, vector<16xf32>,
        %broadcast_in_dim3A_440 = arith.constant 0.000000e+00 : f32
        %broadcast_in_dim3A_441 = vector.broadcast %broadcast_in_dim3A_440 : f32 to vector<16xf32>
        %swap3A_442 = arith.index_cast %while3A_360 : i32 to index
        %swap3A_443 = arith.constant 256 : index
        %swap3A_444 = tpu.vector_load %arg9[%swap3A_442, %swap3A_443] {strides = array<i32>} : memref<64x512xf32, #tpu.memory_space<vmem>>, vector<16xf32>,
        tpu.vector_store %arg9[%swap3A_442, %swap3A_443], %broadcast_in_dim3A_441 {strides = array<i32>} : memref<64x512xf32, #tpu.memory_space<vmem>>, vector<16xf32>,
        %broadcast_in_dim3A_445 = arith.constant 0.000000e+00 : f32
        %broadcast_in_dim3A_446 = vector.broadcast %broadcast_in_dim3A_445 : f32 to vector<16xf32>
        %swap3A_447 = arith.index_cast %while3A_360 : i32 to index
        %swap3A_448 = arith.constant 272 : index
        %swap3A_449 = tpu.vector_load %arg9[%swap3A_447, %swap3A_448] {strides = array<i32>} : memref<64x512xf32, #tpu.memory_space<vmem>>, vector<16xf32>,
        tpu.vector_store %arg9[%swap3A_447, %swap3A_448], %broadcast_in_dim3A_446 {strides = array<i32>} : memref<64x512xf32, #tpu.memory_space<vmem>>, vector<16xf32>,
        %broadcast_in_dim3A_450 = arith.constant 0.000000e+00 : f32
        %broadcast_in_dim3A_451 = vector.broadcast %broadcast_in_dim3A_450 : f32 to vector<16xf32>
        %swap3A_452 = arith.index_cast %while3A_360 : i32 to index
        %swap3A_453 = arith.constant 288 : index
        %swap3A_454 = tpu.vector_load %arg9[%swap3A_452, %swap3A_453] {strides = array<i32>} : memref<64x512xf32, #tpu.memory_space<vmem>>, vector<16xf32>,
        tpu.vector_store %arg9[%swap3A_452, %swap3A_453], %broadcast_in_dim3A_451 {strides = array<i32>} : memref<64x512xf32, #tpu.memory_space<vmem>>, vector<16xf32>,
        %broadcast_in_dim3A_455 = arith.constant 0.000000e+00 : f32
        %broadcast_in_dim3A_456 = vector.broadcast %broadcast_in_dim3A_455 : f32 to vector<16xf32>
        %swap3A_457 = arith.index_cast %while3A_360 : i32 to index
        %swap3A_458 = arith.constant 304 : index
        %swap3A_459 = tpu.vector_load %arg9[%swap3A_457, %swap3A_458] {strides = array<i32>} : memref<64x512xf32, #tpu.memory_space<vmem>>, vector<16xf32>,
        tpu.vector_store %arg9[%swap3A_457, %swap3A_458], %broadcast_in_dim3A_456 {strides = array<i32>} : memref<64x512xf32, #tpu.memory_space<vmem>>, vector<16xf32>,
        %broadcast_in_dim3A_460 = arith.constant 0.000000e+00 : f32
        %broadcast_in_dim3A_461 = vector.broadcast %broadcast_in_dim3A_460 : f32 to vector<16xf32>
        %swap3A_462 = arith.index_cast %while3A_360 : i32 to index
        %swap3A_463 = arith.constant 320 : index
        %swap3A_464 = tpu.vector_load %arg9[%swap3A_462, %swap3A_463] {strides = array<i32>} : memref<64x512xf32, #tpu.memory_space<vmem>>, vector<16xf32>,
        tpu.vector_store %arg9[%swap3A_462, %swap3A_463], %broadcast_in_dim3A_461 {strides = array<i32>} : memref<64x512xf32, #tpu.memory_space<vmem>>, vector<16xf32>,
        %broadcast_in_dim3A_465 = arith.constant 0.000000e+00 : f32
        %broadcast_in_dim3A_466 = vector.broadcast %broadcast_in_dim3A_465 : f32 to vector<16xf32>
        %swap3A_467 = arith.index_cast %while3A_360 : i32 to index
        %swap3A_468 = arith.constant 336 : index
        %swap3A_469 = tpu.vector_load %arg9[%swap3A_467, %swap3A_468] {strides = array<i32>} : memref<64x512xf32, #tpu.memory_space<vmem>>, vector<16xf32>,
        tpu.vector_store %arg9[%swap3A_467, %swap3A_468], %broadcast_in_dim3A_466 {strides = array<i32>} : memref<64x512xf32, #tpu.memory_space<vmem>>, vector<16xf32>,
        %broadcast_in_dim3A_470 = arith.constant 0.000000e+00 : f32
        %broadcast_in_dim3A_471 = vector.broadcast %broadcast_in_dim3A_470 : f32 to vector<16xf32>
        %swap3A_472 = arith.index_cast %while3A_360 : i32 to index
        %swap3A_473 = arith.constant 352 : index
        %swap3A_474 = tpu.vector_load %arg9[%swap3A_472, %swap3A_473] {strides = array<i32>} : memref<64x512xf32, #tpu.memory_space<vmem>>, vector<16xf32>,
        tpu.vector_store %arg9[%swap3A_472, %swap3A_473], %broadcast_in_dim3A_471 {strides = array<i32>} : memref<64x512xf32, #tpu.memory_space<vmem>>, vector<16xf32>,
        %broadcast_in_dim3A_475 = arith.constant 0.000000e+00 : f32
        %broadcast_in_dim3A_476 = vector.broadcast %broadcast_in_dim3A_475 : f32 to vector<16xf32>
        %swap3A_477 = arith.index_cast %while3A_360 : i32 to index
        %swap3A_478 = arith.constant 368 : index
        %swap3A_479 = tpu.vector_load %arg9[%swap3A_477, %swap3A_478] {strides = array<i32>} : memref<64x512xf32, #tpu.memory_space<vmem>>, vector<16xf32>,
        tpu.vector_store %arg9[%swap3A_477, %swap3A_478], %broadcast_in_dim3A_476 {strides = array<i32>} : memref<64x512xf32, #tpu.memory_space<vmem>>, vector<16xf32>,
        %broadcast_in_dim3A_480 = arith.constant 0.000000e+00 : f32
        %broadcast_in_dim3A_481 = vector.broadcast %broadcast_in_dim3A_480 : f32 to vector<16xf32>
        %swap3A_482 = arith.index_cast %while3A_360 : i32 to index
        %swap3A_483 = arith.constant 384 : index
        %swap3A_484 = tpu.vector_load %arg9[%swap3A_482, %swap3A_483] {strides = array<i32>} : memref<64x512xf32, #tpu.memory_space<vmem>>, vector<16xf32>,
        tpu.vector_store %arg9[%swap3A_482, %swap3A_483], %broadcast_in_dim3A_481 {strides = array<i32>} : memref<64x512xf32, #tpu.memory_space<vmem>>, vector<16xf32>,
        %broadcast_in_dim3A_485 = arith.constant 0.000000e+00 : f32
        %broadcast_in_dim3A_486 = vector.broadcast %broadcast_in_dim3A_485 : f32 to vector<16xf32>
        %swap3A_487 = arith.index_cast %while3A_360 : i32 to index
        %swap3A_488 = arith.constant 400 : index
        %swap3A_489 = tpu.vector_load %arg9[%swap3A_487, %swap3A_488] {strides = array<i32>} : memref<64x512xf32, #tpu.memory_space<vmem>>, vector<16xf32>,
        tpu.vector_store %arg9[%swap3A_487, %swap3A_488], %broadcast_in_dim3A_486 {strides = array<i32>} : memref<64x512xf32, #tpu.memory_space<vmem>>, vector<16xf32>,
        %broadcast_in_dim3A_490 = arith.constant 0.000000e+00 : f32
        %broadcast_in_dim3A_491 = vector.broadcast %broadcast_in_dim3A_490 : f32 to vector<16xf32>
        %swap3A_492 = arith.index_cast %while3A_360 : i32 to index
        %swap3A_493 = arith.constant 416 : index
        %swap3A_494 = tpu.vector_load %arg9[%swap3A_492, %swap3A_493] {strides = array<i32>} : memref<64x512xf32, #tpu.memory_space<vmem>>, vector<16xf32>,
        tpu.vector_store %arg9[%swap3A_492, %swap3A_493], %broadcast_in_dim3A_491 {strides = array<i32>} : memref<64x512xf32, #tpu.memory_space<vmem>>, vector<16xf32>,
        %broadcast_in_dim3A_495 = arith.constant 0.000000e+00 : f32
        %broadcast_in_dim3A_496 = vector.broadcast %broadcast_in_dim3A_495 : f32 to vector<16xf32>
        %swap3A_497 = arith.index_cast %while3A_360 : i32 to index
        %swap3A_498 = arith.constant 432 : index
        %swap3A_499 = tpu.vector_load %arg9[%swap3A_497, %swap3A_498] {strides = array<i32>} : memref<64x512xf32, #tpu.memory_space<vmem>>, vector<16xf32>,
        tpu.vector_store %arg9[%swap3A_497, %swap3A_498], %broadcast_in_dim3A_496 {strides = array<i32>} : memref<64x512xf32, #tpu.memory_space<vmem>>, vector<16xf32>,
        %broadcast_in_dim3A_500 = arith.constant 0.000000e+00 : f32
        %broadcast_in_dim3A_501 = vector.broadcast %broadcast_in_dim3A_500 : f32 to vector<16xf32>
        %swap3A_502 = arith.index_cast %while3A_360 : i32 to index
        %swap3A_503 = arith.constant 448 : index
        %swap3A_504 = tpu.vector_load %arg9[%swap3A_502, %swap3A_503] {strides = array<i32>} : memref<64x512xf32, #tpu.memory_space<vmem>>, vector<16xf32>,
        tpu.vector_store %arg9[%swap3A_502, %swap3A_503], %broadcast_in_dim3A_501 {strides = array<i32>} : memref<64x512xf32, #tpu.memory_space<vmem>>, vector<16xf32>,
        %broadcast_in_dim3A_505 = arith.constant 0.000000e+00 : f32
        %broadcast_in_dim3A_506 = vector.broadcast %broadcast_in_dim3A_505 : f32 to vector<16xf32>
        %swap3A_507 = arith.index_cast %while3A_360 : i32 to index
        %swap3A_508 = arith.constant 464 : index
        %swap3A_509 = tpu.vector_load %arg9[%swap3A_507, %swap3A_508] {strides = array<i32>} : memref<64x512xf32, #tpu.memory_space<vmem>>, vector<16xf32>,
        tpu.vector_store %arg9[%swap3A_507, %swap3A_508], %broadcast_in_dim3A_506 {strides = array<i32>} : memref<64x512xf32, #tpu.memory_space<vmem>>, vector<16xf32>,
        %broadcast_in_dim3A_510 = arith.constant 0.000000e+00 : f32
        %broadcast_in_dim3A_511 = vector.broadcast %broadcast_in_dim3A_510 : f32 to vector<16xf32>
        %swap3A_512 = arith.index_cast %while3A_360 : i32 to index
        %swap3A_513 = arith.constant 480 : index
        %swap3A_514 = tpu.vector_load %arg9[%swap3A_512, %swap3A_513] {strides = array<i32>} : memref<64x512xf32, #tpu.memory_space<vmem>>, vector<16xf32>,
        tpu.vector_store %arg9[%swap3A_512, %swap3A_513], %broadcast_in_dim3A_511 {strides = array<i32>} : memref<64x512xf32, #tpu.memory_space<vmem>>, vector<16xf32>,
        %broadcast_in_dim3A_515 = arith.constant 0.000000e+00 : f32
        %broadcast_in_dim3A_516 = vector.broadcast %broadcast_in_dim3A_515 : f32 to vector<16xf32>
        %swap3A_517 = arith.index_cast %while3A_360 : i32 to index
        %swap3A_518 = arith.constant 496 : index
        %swap3A_519 = tpu.vector_load %arg9[%swap3A_517, %swap3A_518] {strides = array<i32>} : memref<64x512xf32, #tpu.memory_space<vmem>>, vector<16xf32>,
        tpu.vector_store %arg9[%swap3A_517, %swap3A_518], %broadcast_in_dim3A_516 {strides = array<i32>} : memref<64x512xf32, #tpu.memory_space<vmem>>, vector<16xf32>,
        %while3A_520 = arith.constant 0 : i32
        scf.yield %while3A_520 : i32
      }
      %add3A_359 = arith.addi %mul3A_2, %add3A_332 : i32
      "tpu.region"() ({
        %run_scoped3A = tpu.sem_alloc : memref<!tpu.dma_semaphore, #tpu.memory_space<semaphore_mem>>
        %dma_start3A_360 = arith.constant 0 : i32
        %dma_start3A_361 = tpu.memref_slice %arg4[%add3A_359, %dma_start3A_360] : memref<65536x512xf32, #tpu.memory_space<hbm>> -> memref<64x512xf32, #tpu.memory_space<hbm>>
        %dma_start3A_362 = arith.constant 0 : i32
        %dma_start3A_363 = tpu.memref_slice %arg4[%add3A_359, %dma_start3A_362] : memref<65536x512xf32, #tpu.memory_space<hbm>> -> memref<64x512xf32, #tpu.memory_space<hbm>>
        tpu.enqueue_dma source(%arg9 : memref<64x512xf32, #tpu.memory_space<vmem>>) target(%dma_start3A_363 : memref<64x512xf32, #tpu.memory_space<hbm>>) target_semaphore(%run_scoped3A : memref<!tpu.dma_semaphore, #tpu.memory_space<semaphore_mem>>)
        %dma_wait3A_364 = arith.constant 0 : i32
        %dma_wait3A_365 = tpu.memref_slice %arg4[%add3A_359, %dma_wait3A_364] : memref<65536x512xf32, #tpu.memory_space<hbm>> -> memref<64x512xf32, #tpu.memory_space<hbm>>
        %dma_wait3A_366 = arith.constant 0 : i32
        %dma_wait3A_367 = tpu.memref_slice %arg4[%add3A_359, %dma_wait3A_366] : memref<65536x512xf32, #tpu.memory_space<hbm>> -> memref<64x512xf32, #tpu.memory_space<hbm>>
        tpu.wait_dma2 semaphore(%run_scoped3A : memref<!tpu.dma_semaphore, #tpu.memory_space<semaphore_mem>>) src(%arg9 : memref<64x512xf32, #tpu.memory_space<vmem>>) dst(%dma_wait3A_367 : memref<64x512xf32, #tpu.memory_space<hbm>>)
        tpu.yield
      }) : () -> ()
    } else {
    }
    %scan3A_81 = arith.constant 0 : i32
    %scan3A_82 = arith.constant 0 : i32
    %scan3A_83 = arith.constant 32 : i32
    %scan3A_84 = arith.addi %scan3A_82, %scan3A_83 : i32
    %scan3A_85 = arith.constant 1 : i32
    %scan3A_86 = scf.for %scan3A_327 = %scan3A_82 to %scan3A_84 step %scan3A_85 iter_args(%scan3A_328 = %scan3A_81) -> (i32)  : i32 {
      %mul3A_329 = arith.constant 16 : i32
      %mul3A_330 = arith.muli %scan3A_327, %mul3A_329 : i32
      %add3A_331 = arith.constant 512 : i32
      %add3A_332 = arith.addi %add3A_331, %mul3A_330 : i32
      %get3A = arith.index_cast %add3A_332 : i32 to index
      %get3A_333 = tpu.vector_load %arg7[%get3A] {strides = array<i32>} : memref<2048xi32, #tpu.memory_space<vmem>>, vector<16xi32>,
      %lt3A = arith.constant 8192 : i32
      %lt3A_334 = vector.broadcast %lt3A : i32 to vector<16xi32>
      %lt3A_335 = arith.cmpi slt, %get3A_333, %lt3A_334 : vector<16xi32>
      %convert_element_type3A_336 = arith.extui %lt3A_335 : vector<16xi1> to vector<16xi32>
      %reduce_sum3A = arith.constant true
      %reduce_sum3A_337 = vector.broadcast %reduce_sum3A : i1 to vector<16xi1>
      %reduce_sum3A_338 = tpu.scan <sum>, %convert_element_type3A_336 masked %reduce_sum3A_337 : vector<16xi32>, vector<16xi1> -> vector<16xi32>
      %reduce_sum3A_339 = vector.extract %reduce_sum3A_338[15] : i32 from vector<16xi32>
      %add3A_340 = arith.addi %scan3A_328, %reduce_sum3A_339 : i32
      scf.yield %add3A_340 : i32
    }
    %scan3A_87 = arith.constant 32 : i32
    %add3A_88 = arith.constant 64 : i32
    %add3A_89 = arith.addi %scan3A_86, %add3A_88 : i32
    %sub3A_90 = arith.constant 1 : i32
    %sub3A_91 = arith.subi %add3A_89, %sub3A_90 : i32
    %jit3A_92 = arith.constant 64 : i32
    %div3A_93 = arith.divsi %sub3A_91, %jit3A_92 : i32
    %sign3A_94 = arith.constant 0 : i32
    %sign3A_95 = arith.cmpi sgt, %sub3A_91, %sign3A_94 : i32
    %sign3A_96 = arith.extui %sign3A_95 : i1 to i32
    %sign3A_97 = arith.constant 0 : i32
    %sign3A_98 = arith.cmpi slt, %sub3A_91, %sign3A_97 : i32
    %sign3A_99 = arith.extui %sign3A_98 : i1 to i32
    %sign3A_100 = arith.subi %sign3A_96, %sign3A_99 : i32
    %sign3A_101 = arith.constant 0 : i32
    %sign3A_102 = arith.cmpi sgt, %jit3A_92, %sign3A_101 : i32
    %sign3A_103 = arith.extui %sign3A_102 : i1 to i32
    %sign3A_104 = arith.constant 0 : i32
    %sign3A_105 = arith.cmpi slt, %jit3A_92, %sign3A_104 : i32
    %sign3A_106 = arith.extui %sign3A_105 : i1 to i32
    %sign3A_107 = arith.subi %sign3A_103, %sign3A_106 : i32
    %ne3A_108 = arith.cmpi ne, %sign3A_100, %sign3A_107 : i32
    %rem3A_109 = arith.remsi %sub3A_91, %jit3A_92 : i32
    %ne3A_110 = arith.constant 0 : i32
    %ne3A_111 = arith.cmpi ne, %rem3A_109, %ne3A_110 : i32
    %and3A_112 = arith.andi %ne3A_108, %ne3A_111 : i1
    %sub3A_113 = arith.constant 1 : i32
    %sub3A_114 = arith.subi %div3A_93, %sub3A_113 : i32
    %select_n3A_115 = arith.select %and3A_112, %sub3A_114, %div3A_93 : i32
    %sub3A_116 = arith.constant 1 : i32
    %sub3A_117 = arith.subi %select_n3A_115, %sub3A_116 : i32
    %max3A_118 = arith.constant 0 : i32
    %max3A_119 = arith.maxsi %sub3A_117, %max3A_118 : i32
    %add3A_120 = arith.constant 1 : i32
    %add3A_121 = arith.addi %max3A_119, %add3A_120 : i32
    %jit3A_122 = arith.constant 2 : i32
    %div3A_123 = arith.divsi %add3A_121, %jit3A_122 : i32
    %sign3A_124 = arith.constant 0 : i32
    %sign3A_125 = arith.cmpi sgt, %add3A_121, %sign3A_124 : i32
    %sign3A_126 = arith.extui %sign3A_125 : i1 to i32
    %sign3A_127 = arith.constant 0 : i32
    %sign3A_128 = arith.cmpi slt, %add3A_121, %sign3A_127 : i32
    %sign3A_129 = arith.extui %sign3A_128 : i1 to i32
    %sign3A_130 = arith.subi %sign3A_126, %sign3A_129 : i32
    %sign3A_131 = arith.constant 0 : i32
    %sign3A_132 = arith.cmpi sgt, %jit3A_122, %sign3A_131 : i32
    %sign3A_133 = arith.extui %sign3A_132 : i1 to i32
    %sign3A_134 = arith.constant 0 : i32
    %sign3A_135 = arith.cmpi slt, %jit3A_122, %sign3A_134 : i32
    %sign3A_136 = arith.extui %sign3A_135 : i1 to i32
    %sign3A_137 = arith.subi %sign3A_133, %sign3A_136 : i32
    %ne3A_138 = arith.cmpi ne, %sign3A_130, %sign3A_137 : i32
    %rem3A_139 = arith.remsi %add3A_121, %jit3A_122 : i32
    %ne3A_140 = arith.constant 0 : i32
    %ne3A_141 = arith.cmpi ne, %rem3A_139, %ne3A_140 : i32
    %and3A_142 = arith.andi %ne3A_138, %ne3A_141 : i1
    %sub3A_143 = arith.constant 1 : i32
    %sub3A_144 = arith.subi %div3A_123, %sub3A_143 : i32
    %select_n3A_145 = arith.select %and3A_142, %sub3A_144, %div3A_123 : i32
    %while3A_146 = arith.constant 0 : i32
    %while3A_147 = arith.constant 0 : i32
    %while3A_148 = arith.subi %select_n3A_145, %while3A_146 : i32
    %while3A_149 = arith.addi %while3A_146, %while3A_148 : i32
    %while3A_150 = arith.constant 1 : i32
    %while3A_151 = arith.divsi %while3A_148, %while3A_150 : i32
    %while3A_152 = arith.muli %while3A_151, %while3A_150 : i32
    %while3A_153 = arith.addi %while3A_146, %while3A_152 : i32
    %while3A_154 = arith.constant 1 : i32
    %while3A_155 = scf.for %while3A_327 = %while3A_146 to %while3A_153 step %while3A_154 iter_args(%while3A_328 = %while3A_147) -> (i32)  : i32 {
      %mul3A_329 = arith.constant 2 : i32
      %mul3A_330 = arith.muli %mul3A_329, %while3A_327 : i32
      %mul3A_331 = arith.constant 64 : i32
      %mul3A_332 = arith.muli %mul3A_330, %mul3A_331 : i32
      %add3A_333 = arith.constant 512 : i32
      %add3A_334 = arith.addi %add3A_333, %mul3A_332 : i32
      %add3A_335 = arith.constant 64 : i32
      %add3A_336 = arith.addi %add3A_334, %add3A_335 : i32
      %mul3A_337 = arith.constant 2 : i32
      %mul3A_338 = arith.muli %mul3A_337, %while3A_327 : i32
      %add3A_339 = arith.constant 1 : i32
      %add3A_340 = arith.addi %mul3A_338, %add3A_339 : i32
      %sub3A_341 = arith.constant 1 : i32
      %sub3A_342 = arith.subi %select_n3A_115, %sub3A_341 : i32
      %lt3A = arith.cmpi slt, %add3A_340, %sub3A_342 : i32
      %dma_start3A = tpu.memref_slice %arg7[%add3A_334] : memref<2048xi32, #tpu.memory_space<vmem>> -> memref<64xi32, #tpu.memory_space<vmem>>
      %dma_start3A_343 = arith.constant 0 : i32
      %dma_start3A_344 = arith.constant 0 : i32
      %dma_start3A_345 = tpu.memref_slice %arg2[%dma_start3A_343, %dma_start3A_344] : memref<8192x512xf32, #tpu.memory_space<hbm>> -> memref<8192x512xf32, #tpu.memory_space<hbm>>
      tpu.enqueue_indirect_dma source(%dma_start3A_345 : memref<8192x512xf32, #tpu.memory_space<hbm>>) target(%arg9 : memref<64x512xf32, #tpu.memory_space<vmem>>) offsets(%dma_start3A : memref<64xi32, #tpu.memory_space<vmem>>) semaphore(%arg11 : memref<!tpu.dma_semaphore, #tpu.memory_space<semaphore_mem>>)
      %convert_element_type3A_346 = arith.extui %lt3A : i1 to i32
      %cond3A_347 = arith.constant 0 : i32
      %cond3A_348 = arith.cmpi ne, %convert_element_type3A_346, %cond3A_347 : i32
      scf.if %cond3A_348 {
        %dma_start3A_369 = tpu.memref_slice %arg7[%add3A_336] : memref<2048xi32, #tpu.memory_space<vmem>> -> memref<64xi32, #tpu.memory_space<vmem>>
        %dma_start3A_370 = arith.constant 0 : i32
        %dma_start3A_371 = arith.constant 0 : i32
        %dma_start3A_372 = tpu.memref_slice %arg2[%dma_start3A_370, %dma_start3A_371] : memref<8192x512xf32, #tpu.memory_space<hbm>> -> memref<8192x512xf32, #tpu.memory_space<hbm>>
        tpu.enqueue_indirect_dma source(%dma_start3A_372 : memref<8192x512xf32, #tpu.memory_space<hbm>>) target(%arg10 : memref<64x512xf32, #tpu.memory_space<vmem>>) offsets(%dma_start3A_369 : memref<64xi32, #tpu.memory_space<vmem>>) semaphore(%arg12 : memref<!tpu.dma_semaphore, #tpu.memory_space<semaphore_mem>>)
      } else {
      }
      %dma_wait3A = tpu.memref_slice %arg7[%add3A_334] : memref<2048xi32, #tpu.memory_space<vmem>> -> memref<64xi32, #tpu.memory_space<vmem>>
      %dma_wait3A_349 = arith.constant 0 : i32
      %dma_wait3A_350 = arith.constant 0 : i32
      %dma_wait3A_351 = tpu.memref_slice %arg2[%dma_wait3A_349, %dma_wait3A_350] : memref<8192x512xf32, #tpu.memory_space<hbm>> -> memref<8192x512xf32, #tpu.memory_space<hbm>>
      tpu.wait_indirect_dma semaphore(%arg11 : memref<!tpu.dma_semaphore, #tpu.memory_space<semaphore_mem>>) src(%dma_wait3A_351 : memref<8192x512xf32, #tpu.memory_space<hbm>>) dst(%arg9 : memref<64x512xf32, #tpu.memory_space<vmem>>)
      %add3A_352 = arith.addi %mul3A_2, %add3A_334 : i32
      %dma_start3A_353 = arith.constant 0 : i32
      %dma_start3A_354 = tpu.memref_slice %arg4[%add3A_352, %dma_start3A_353] : memref<65536x512xf32, #tpu.memory_space<hbm>> -> memref<64x512xf32, #tpu.memory_space<hbm>>
      %dma_start3A_355 = arith.constant 0 : i32
      %dma_start3A_356 = tpu.memref_slice %arg4[%add3A_352, %dma_start3A_355] : memref<65536x512xf32, #tpu.memory_space<hbm>> -> memref<64x512xf32, #tpu.memory_space<hbm>>
      tpu.enqueue_dma source(%arg9 : memref<64x512xf32, #tpu.memory_space<vmem>>) target(%dma_start3A_356 : memref<64x512xf32, #tpu.memory_space<hbm>>) target_semaphore(%arg13 : memref<!tpu.dma_semaphore, #tpu.memory_space<semaphore_mem>>)
      %convert_element_type3A_357 = arith.extui %lt3A : i1 to i32
      %cond3A_358 = arith.constant 0 : i32
      %cond3A_359 = arith.cmpi ne, %convert_element_type3A_357, %cond3A_358 : i32
      scf.if %cond3A_359 {
        %dma_wait3A_369 = tpu.memref_slice %arg7[%add3A_336] : memref<2048xi32, #tpu.memory_space<vmem>> -> memref<64xi32, #tpu.memory_space<vmem>>
        %dma_wait3A_370 = arith.constant 0 : i32
        %dma_wait3A_371 = arith.constant 0 : i32
        %dma_wait3A_372 = tpu.memref_slice %arg2[%dma_wait3A_370, %dma_wait3A_371] : memref<8192x512xf32, #tpu.memory_space<hbm>> -> memref<8192x512xf32, #tpu.memory_space<hbm>>
        tpu.wait_indirect_dma semaphore(%arg12 : memref<!tpu.dma_semaphore, #tpu.memory_space<semaphore_mem>>) src(%dma_wait3A_372 : memref<8192x512xf32, #tpu.memory_space<hbm>>) dst(%arg10 : memref<64x512xf32, #tpu.memory_space<vmem>>)
        %add3A_373 = arith.addi %mul3A_2, %add3A_336 : i32
        %dma_start3A_374 = arith.constant 0 : i32
        %dma_start3A_375 = tpu.memref_slice %arg4[%add3A_373, %dma_start3A_374] : memref<65536x512xf32, #tpu.memory_space<hbm>> -> memref<64x512xf32, #tpu.memory_space<hbm>>
        %dma_start3A_376 = arith.constant 0 : i32
        %dma_start3A_377 = tpu.memref_slice %arg4[%add3A_373, %dma_start3A_376] : memref<65536x512xf32, #tpu.memory_space<hbm>> -> memref<64x512xf32, #tpu.memory_space<hbm>>
        tpu.enqueue_dma source(%arg10 : memref<64x512xf32, #tpu.memory_space<vmem>>) target(%dma_start3A_377 : memref<64x512xf32, #tpu.memory_space<hbm>>) target_semaphore(%arg14 : memref<!tpu.dma_semaphore, #tpu.memory_space<semaphore_mem>>)
      } else {
      }
      %add3A_360 = arith.addi %mul3A_2, %add3A_334 : i32
      %dma_wait3A_361 = arith.constant 0 : i32
      %dma_wait3A_362 = tpu.memref_slice %arg4[%add3A_360, %dma_wait3A_361] : memref<65536x512xf32, #tpu.memory_space<hbm>> -> memref<64x512xf32, #tpu.memory_space<hbm>>
      %dma_wait3A_363 = arith.constant 0 : i32
      %dma_wait3A_364 = tpu.memref_slice %arg4[%add3A_360, %dma_wait3A_363] : memref<65536x512xf32, #tpu.memory_space<hbm>> -> memref<64x512xf32, #tpu.memory_space<hbm>>
      tpu.wait_dma2 semaphore(%arg13 : memref<!tpu.dma_semaphore, #tpu.memory_space<semaphore_mem>>) src(%arg9 : memref<64x512xf32, #tpu.memory_space<vmem>>) dst(%dma_wait3A_364 : memref<64x512xf32, #tpu.memory_space<hbm>>)
      %convert_element_type3A_365 = arith.extui %lt3A : i1 to i32
      %cond3A_366 = arith.constant 0 : i32
      %cond3A_367 = arith.cmpi ne, %convert_element_type3A_365, %cond3A_366 : i32
      scf.if %cond3A_367 {
        %add3A_369 = arith.addi %mul3A_2, %add3A_336 : i32
        %dma_wait3A_370 = arith.constant 0 : i32
        %dma_wait3A_371 = tpu.memref_slice %arg4[%add3A_369, %dma_wait3A_370] : memref<65536x512xf32, #tpu.memory_space<hbm>> -> memref<64x512xf32, #tpu.memory_space<hbm>>
        %dma_wait3A_372 = arith.constant 0 : i32
        %dma_wait3A_373 = tpu.memref_slice %arg4[%add3A_369, %dma_wait3A_372] : memref<65536x512xf32, #tpu.memory_space<hbm>> -> memref<64x512xf32, #tpu.memory_space<hbm>>
        tpu.wait_dma2 semaphore(%arg14 : memref<!tpu.dma_semaphore, #tpu.memory_space<semaphore_mem>>) src(%arg10 : memref<64x512xf32, #tpu.memory_space<vmem>>) dst(%dma_wait3A_373 : memref<64x512xf32, #tpu.memory_space<hbm>>)
      } else {
      }
      %while3A_368 = arith.constant 0 : i32
      scf.yield %while3A_368 : i32
    }
    %while3A_156 = arith.constant 1 : i32
    %while3A_157 = scf.for %while3A_327 = %while3A_153 to %while3A_149 step %while3A_156 iter_args(%while3A_328 = %while3A_155) -> (i32)  : i32 {
      %mul3A_329 = arith.constant 2 : i32
      %mul3A_330 = arith.muli %mul3A_329, %while3A_327 : i32
      %mul3A_331 = arith.constant 64 : i32
      %mul3A_332 = arith.muli %mul3A_330, %mul3A_331 : i32
      %add3A_333 = arith.constant 512 : i32
      %add3A_334 = arith.addi %add3A_333, %mul3A_332 : i32
      %add3A_335 = arith.constant 64 : i32
      %add3A_336 = arith.addi %add3A_334, %add3A_335 : i32
      %mul3A_337 = arith.constant 2 : i32
      %mul3A_338 = arith.muli %mul3A_337, %while3A_327 : i32
      %add3A_339 = arith.constant 1 : i32
      %add3A_340 = arith.addi %mul3A_338, %add3A_339 : i32
      %sub3A_341 = arith.constant 1 : i32
      %sub3A_342 = arith.subi %select_n3A_115, %sub3A_341 : i32
      %lt3A = arith.cmpi slt, %add3A_340, %sub3A_342 : i32
      %dma_start3A = tpu.memref_slice %arg7[%add3A_334] : memref<2048xi32, #tpu.memory_space<vmem>> -> memref<64xi32, #tpu.memory_space<vmem>>
      %dma_start3A_343 = arith.constant 0 : i32
      %dma_start3A_344 = arith.constant 0 : i32
      %dma_start3A_345 = tpu.memref_slice %arg2[%dma_start3A_343, %dma_start3A_344] : memref<8192x512xf32, #tpu.memory_space<hbm>> -> memref<8192x512xf32, #tpu.memory_space<hbm>>
      tpu.enqueue_indirect_dma source(%dma_start3A_345 : memref<8192x512xf32, #tpu.memory_space<hbm>>) target(%arg9 : memref<64x512xf32, #tpu.memory_space<vmem>>) offsets(%dma_start3A : memref<64xi32, #tpu.memory_space<vmem>>) semaphore(%arg11 : memref<!tpu.dma_semaphore, #tpu.memory_space<semaphore_mem>>)
      %convert_element_type3A_346 = arith.extui %lt3A : i1 to i32
      %cond3A_347 = arith.constant 0 : i32
      %cond3A_348 = arith.cmpi ne, %convert_element_type3A_346, %cond3A_347 : i32
      scf.if %cond3A_348 {
        %dma_start3A_369 = tpu.memref_slice %arg7[%add3A_336] : memref<2048xi32, #tpu.memory_space<vmem>> -> memref<64xi32, #tpu.memory_space<vmem>>
        %dma_start3A_370 = arith.constant 0 : i32
        %dma_start3A_371 = arith.constant 0 : i32
        %dma_start3A_372 = tpu.memref_slice %arg2[%dma_start3A_370, %dma_start3A_371] : memref<8192x512xf32, #tpu.memory_space<hbm>> -> memref<8192x512xf32, #tpu.memory_space<hbm>>
        tpu.enqueue_indirect_dma source(%dma_start3A_372 : memref<8192x512xf32, #tpu.memory_space<hbm>>) target(%arg10 : memref<64x512xf32, #tpu.memory_space<vmem>>) offsets(%dma_start3A_369 : memref<64xi32, #tpu.memory_space<vmem>>) semaphore(%arg12 : memref<!tpu.dma_semaphore, #tpu.memory_space<semaphore_mem>>)
      } else {
      }
      %dma_wait3A = tpu.memref_slice %arg7[%add3A_334] : memref<2048xi32, #tpu.memory_space<vmem>> -> memref<64xi32, #tpu.memory_space<vmem>>
      %dma_wait3A_349 = arith.constant 0 : i32
      %dma_wait3A_350 = arith.constant 0 : i32
      %dma_wait3A_351 = tpu.memref_slice %arg2[%dma_wait3A_349, %dma_wait3A_350] : memref<8192x512xf32, #tpu.memory_space<hbm>> -> memref<8192x512xf32, #tpu.memory_space<hbm>>
      tpu.wait_indirect_dma semaphore(%arg11 : memref<!tpu.dma_semaphore, #tpu.memory_space<semaphore_mem>>) src(%dma_wait3A_351 : memref<8192x512xf32, #tpu.memory_space<hbm>>) dst(%arg9 : memref<64x512xf32, #tpu.memory_space<vmem>>)
      %add3A_352 = arith.addi %mul3A_2, %add3A_334 : i32
      %dma_start3A_353 = arith.constant 0 : i32
      %dma_start3A_354 = tpu.memref_slice %arg4[%add3A_352, %dma_start3A_353] : memref<65536x512xf32, #tpu.memory_space<hbm>> -> memref<64x512xf32, #tpu.memory_space<hbm>>
      %dma_start3A_355 = arith.constant 0 : i32
      %dma_start3A_356 = tpu.memref_slice %arg4[%add3A_352, %dma_start3A_355] : memref<65536x512xf32, #tpu.memory_space<hbm>> -> memref<64x512xf32, #tpu.memory_space<hbm>>
      tpu.enqueue_dma source(%arg9 : memref<64x512xf32, #tpu.memory_space<vmem>>) target(%dma_start3A_356 : memref<64x512xf32, #tpu.memory_space<hbm>>) target_semaphore(%arg13 : memref<!tpu.dma_semaphore, #tpu.memory_space<semaphore_mem>>)
      %convert_element_type3A_357 = arith.extui %lt3A : i1 to i32
      %cond3A_358 = arith.constant 0 : i32
      %cond3A_359 = arith.cmpi ne, %convert_element_type3A_357, %cond3A_358 : i32
      scf.if %cond3A_359 {
        %dma_wait3A_369 = tpu.memref_slice %arg7[%add3A_336] : memref<2048xi32, #tpu.memory_space<vmem>> -> memref<64xi32, #tpu.memory_space<vmem>>
        %dma_wait3A_370 = arith.constant 0 : i32
        %dma_wait3A_371 = arith.constant 0 : i32
        %dma_wait3A_372 = tpu.memref_slice %arg2[%dma_wait3A_370, %dma_wait3A_371] : memref<8192x512xf32, #tpu.memory_space<hbm>> -> memref<8192x512xf32, #tpu.memory_space<hbm>>
        tpu.wait_indirect_dma semaphore(%arg12 : memref<!tpu.dma_semaphore, #tpu.memory_space<semaphore_mem>>) src(%dma_wait3A_372 : memref<8192x512xf32, #tpu.memory_space<hbm>>) dst(%arg10 : memref<64x512xf32, #tpu.memory_space<vmem>>)
        %add3A_373 = arith.addi %mul3A_2, %add3A_336 : i32
        %dma_start3A_374 = arith.constant 0 : i32
        %dma_start3A_375 = tpu.memref_slice %arg4[%add3A_373, %dma_start3A_374] : memref<65536x512xf32, #tpu.memory_space<hbm>> -> memref<64x512xf32, #tpu.memory_space<hbm>>
        %dma_start3A_376 = arith.constant 0 : i32
        %dma_start3A_377 = tpu.memref_slice %arg4[%add3A_373, %dma_start3A_376] : memref<65536x512xf32, #tpu.memory_space<hbm>> -> memref<64x512xf32, #tpu.memory_space<hbm>>
        tpu.enqueue_dma source(%arg10 : memref<64x512xf32, #tpu.memory_space<vmem>>) target(%dma_start3A_377 : memref<64x512xf32, #tpu.memory_space<hbm>>) target_semaphore(%arg14 : memref<!tpu.dma_semaphore, #tpu.memory_space<semaphore_mem>>)
      } else {
      }
      %add3A_360 = arith.addi %mul3A_2, %add3A_334 : i32
      %dma_wait3A_361 = arith.constant 0 : i32
      %dma_wait3A_362 = tpu.memref_slice %arg4[%add3A_360, %dma_wait3A_361] : memref<65536x512xf32, #tpu.memory_space<hbm>> -> memref<64x512xf32, #tpu.memory_space<hbm>>
      %dma_wait3A_363 = arith.constant 0 : i32
      %dma_wait3A_364 = tpu.memref_slice %arg4[%add3A_360, %dma_wait3A_363] : memref<65536x512xf32, #tpu.memory_space<hbm>> -> memref<64x512xf32, #tpu.memory_space<hbm>>
      tpu.wait_dma2 semaphore(%arg13 : memref<!tpu.dma_semaphore, #tpu.memory_space<semaphore_mem>>) src(%arg9 : memref<64x512xf32, #tpu.memory_space<vmem>>) dst(%dma_wait3A_364 : memref<64x512xf32, #tpu.memory_space<hbm>>)
      %convert_element_type3A_365 = arith.extui %lt3A : i1 to i32
      %cond3A_366 = arith.constant 0 : i32
      %cond3A_367 = arith.cmpi ne, %convert_element_type3A_365, %cond3A_366 : i32
      scf.if %cond3A_367 {
        %add3A_369 = arith.addi %mul3A_2, %add3A_336 : i32
        %dma_wait3A_370 = arith.constant 0 : i32
        %dma_wait3A_371 = tpu.memref_slice %arg4[%add3A_369, %dma_wait3A_370] : memref<65536x512xf32, #tpu.memory_space<hbm>> -> memref<64x512xf32, #tpu.memory_space<hbm>>
        %dma_wait3A_372 = arith.constant 0 : i32
        %dma_wait3A_373 = tpu.memref_slice %arg4[%add3A_369, %dma_wait3A_372] : memref<65536x512xf32, #tpu.memory_space<hbm>> -> memref<64x512xf32, #tpu.memory_space<hbm>>
        tpu.wait_dma2 semaphore(%arg14 : memref<!tpu.dma_semaphore, #tpu.memory_space<semaphore_mem>>) src(%arg10 : memref<64x512xf32, #tpu.memory_space<vmem>>) dst(%dma_wait3A_373 : memref<64x512xf32, #tpu.memory_space<hbm>>)
      } else {
      }
      %while3A_368 = arith.constant 0 : i32
      scf.yield %while3A_368 : i32
    }
    %gt3A_158 = arith.constant 0 : i32
    %gt3A_159 = arith.cmpi sgt, %select_n3A_115, %gt3A_158 : i32
    %convert_element_type3A_160 = arith.extui %gt3A_159 : i1 to i32
    %cond3A_161 = arith.constant 0 : i32
    %cond3A_162 = arith.cmpi ne, %convert_element_type3A_160, %cond3A_161 : i32
    scf.if %cond3A_162 {
      %sub3A_327 = arith.constant 1 : i32
      %sub3A_328 = arith.subi %select_n3A_115, %sub3A_327 : i32
      %mul3A_329 = arith.constant 64 : i32
      %mul3A_330 = arith.muli %sub3A_328, %mul3A_329 : i32
      %add3A_331 = arith.constant 512 : i32
      %add3A_332 = arith.addi %add3A_331, %mul3A_330 : i32
      %scan3A_333 = arith.constant 0 : i32
      %scan3A_334 = arith.constant 4 : i32
      %scan3A_335 = arith.addi %scan3A_333, %scan3A_334 : i32
      %scan3A_336 = arith.constant 1 : i32
      scf.for %scan3A_360 = %scan3A_333 to %scan3A_335 step %scan3A_336  : i32 {
        %mul3A_361 = arith.constant 16 : i32
        %mul3A_362 = arith.muli %scan3A_360, %mul3A_361 : i32
        %add3A_363 = arith.constant 0 : i32
        %add3A_364 = arith.addi %add3A_363, %mul3A_362 : i32
        %add3A_365 = arith.addi %add3A_332, %add3A_364 : i32
        %get3A = arith.index_cast %add3A_365 : i32 to index
        %get3A_366 = tpu.vector_load %arg7[%get3A] {strides = array<i32>} : memref<2048xi32, #tpu.memory_space<vmem>>, vector<16xi32>,
        %add3A_367 = arith.addi %mul3A_2, %add3A_332 : i32
        %add3A_368 = arith.addi %add3A_367, %add3A_364 : i32
        %iota3A = tpu.iota {dimensions = array<i32: 0>} : vector<16xi32>
        %add3A_369 = vector.broadcast %add3A_368 : i32 to vector<16xi32>
        %add3A_370 = arith.addi %add3A_369, %iota3A : vector<16xi32>
        %and3A_371 = arith.constant 8191 : i32
        %and3A_372 = vector.broadcast %and3A_371 : i32 to vector<16xi32>
        %and3A_373 = arith.andi %add3A_370, %and3A_372 : vector<16xi32>
        %lt3A = arith.constant 8192 : i32
        %lt3A_374 = vector.broadcast %lt3A : i32 to vector<16xi32>
        %lt3A_375 = arith.cmpi slt, %get3A_366, %lt3A_374 : vector<16xi32>
        %select_n3A_376 = arith.select %lt3A_375, %get3A_366, %and3A_373 : vector<16xi1>, vector<16xi32>
        %swap3A = arith.index_cast %add3A_364 : i32 to index
        %swap3A_377 = tpu.vector_load %arg8[%swap3A] {strides = array<i32>} : memref<64xi32, #tpu.memory_space<vmem>>, vector<16xi32>,
        tpu.vector_store %arg8[%swap3A], %select_n3A_376 {strides = array<i32>} : memref<64xi32, #tpu.memory_space<vmem>>, vector<16xi32>,
      }
      %scan3A_337 = arith.constant 4 : i32
      %dma_start3A = arith.constant 0 : i32
      %dma_start3A_338 = arith.constant 0 : i32
      %dma_start3A_339 = tpu.memref_slice %arg2[%dma_start3A, %dma_start3A_338] : memref<8192x512xf32, #tpu.memory_space<hbm>> -> memref<8192x512xf32, #tpu.memory_space<hbm>>
      tpu.enqueue_indirect_dma source(%dma_start3A_339 : memref<8192x512xf32, #tpu.memory_space<hbm>>) target(%arg9 : memref<64x512xf32, #tpu.memory_space<vmem>>) offsets(%arg8 : memref<64xi32, #tpu.memory_space<vmem>>) semaphore(%arg11 : memref<!tpu.dma_semaphore, #tpu.memory_space<semaphore_mem>>)
      %dma_wait3A = arith.constant 0 : i32
      %dma_wait3A_340 = arith.constant 0 : i32
      %dma_wait3A_341 = tpu.memref_slice %arg2[%dma_wait3A, %dma_wait3A_340] : memref<8192x512xf32, #tpu.memory_space<hbm>> -> memref<8192x512xf32, #tpu.memory_space<hbm>>
      tpu.wait_indirect_dma semaphore(%arg11 : memref<!tpu.dma_semaphore, #tpu.memory_space<semaphore_mem>>) src(%dma_wait3A_341 : memref<8192x512xf32, #tpu.memory_space<hbm>>) dst(%arg9 : memref<64x512xf32, #tpu.memory_space<vmem>>)
      %sub3A_342 = arith.constant 1 : i32
      %sub3A_343 = arith.subi %select_n3A_115, %sub3A_342 : i32
      %mul3A_344 = arith.constant 64 : i32
      %mul3A_345 = arith.muli %sub3A_343, %mul3A_344 : i32
      %sub3A_346 = arith.subi %scan3A_86, %mul3A_345 : i32
      %while3A_347 = arith.constant 64 : i32
      %while3A_348 = arith.constant 0 : i32
      %while3A_349 = arith.subi %while3A_347, %sub3A_346 : i32
      %while3A_350 = arith.addi %sub3A_346, %while3A_349 : i32
      %while3A_351 = arith.constant 1 : i32
      %while3A_352 = arith.divsi %while3A_349, %while3A_351 : i32
      %while3A_353 = arith.muli %while3A_352, %while3A_351 : i32
      %while3A_354 = arith.addi %sub3A_346, %while3A_353 : i32
      %while3A_355 = arith.constant 1 : i32
      %while3A_356 = scf.for %while3A_360 = %sub3A_346 to %while3A_354 step %while3A_355 iter_args(%while3A_361 = %while3A_348) -> (i32)  : i32 {
        %broadcast_in_dim3A = arith.constant 0.000000e+00 : f32
        %broadcast_in_dim3A_362 = vector.broadcast %broadcast_in_dim3A : f32 to vector<16xf32>
        %swap3A = arith.index_cast %while3A_360 : i32 to index
        %swap3A_363 = arith.constant 0 : index
        %swap3A_364 = tpu.vector_load %arg9[%swap3A, %swap3A_363] {strides = array<i32>} : memref<64x512xf32, #tpu.memory_space<vmem>>, vector<16xf32>,
        tpu.vector_store %arg9[%swap3A, %swap3A_363], %broadcast_in_dim3A_362 {strides = array<i32>} : memref<64x512xf32, #tpu.memory_space<vmem>>, vector<16xf32>,
        %broadcast_in_dim3A_365 = arith.constant 0.000000e+00 : f32
        %broadcast_in_dim3A_366 = vector.broadcast %broadcast_in_dim3A_365 : f32 to vector<16xf32>
        %swap3A_367 = arith.index_cast %while3A_360 : i32 to index
        %swap3A_368 = arith.constant 16 : index
        %swap3A_369 = tpu.vector_load %arg9[%swap3A_367, %swap3A_368] {strides = array<i32>} : memref<64x512xf32, #tpu.memory_space<vmem>>, vector<16xf32>,
        tpu.vector_store %arg9[%swap3A_367, %swap3A_368], %broadcast_in_dim3A_366 {strides = array<i32>} : memref<64x512xf32, #tpu.memory_space<vmem>>, vector<16xf32>,
        %broadcast_in_dim3A_370 = arith.constant 0.000000e+00 : f32
        %broadcast_in_dim3A_371 = vector.broadcast %broadcast_in_dim3A_370 : f32 to vector<16xf32>
        %swap3A_372 = arith.index_cast %while3A_360 : i32 to index
        %swap3A_373 = arith.constant 32 : index
        %swap3A_374 = tpu.vector_load %arg9[%swap3A_372, %swap3A_373] {strides = array<i32>} : memref<64x512xf32, #tpu.memory_space<vmem>>, vector<16xf32>,
        tpu.vector_store %arg9[%swap3A_372, %swap3A_373], %broadcast_in_dim3A_371 {strides = array<i32>} : memref<64x512xf32, #tpu.memory_space<vmem>>, vector<16xf32>,
        %broadcast_in_dim3A_375 = arith.constant 0.000000e+00 : f32
        %broadcast_in_dim3A_376 = vector.broadcast %broadcast_in_dim3A_375 : f32 to vector<16xf32>
        %swap3A_377 = arith.index_cast %while3A_360 : i32 to index
        %swap3A_378 = arith.constant 48 : index
        %swap3A_379 = tpu.vector_load %arg9[%swap3A_377, %swap3A_378] {strides = array<i32>} : memref<64x512xf32, #tpu.memory_space<vmem>>, vector<16xf32>,
        tpu.vector_store %arg9[%swap3A_377, %swap3A_378], %broadcast_in_dim3A_376 {strides = array<i32>} : memref<64x512xf32, #tpu.memory_space<vmem>>, vector<16xf32>,
        %broadcast_in_dim3A_380 = arith.constant 0.000000e+00 : f32
        %broadcast_in_dim3A_381 = vector.broadcast %broadcast_in_dim3A_380 : f32 to vector<16xf32>
        %swap3A_382 = arith.index_cast %while3A_360 : i32 to index
        %swap3A_383 = arith.constant 64 : index
        %swap3A_384 = tpu.vector_load %arg9[%swap3A_382, %swap3A_383] {strides = array<i32>} : memref<64x512xf32, #tpu.memory_space<vmem>>, vector<16xf32>,
        tpu.vector_store %arg9[%swap3A_382, %swap3A_383], %broadcast_in_dim3A_381 {strides = array<i32>} : memref<64x512xf32, #tpu.memory_space<vmem>>, vector<16xf32>,
        %broadcast_in_dim3A_385 = arith.constant 0.000000e+00 : f32
        %broadcast_in_dim3A_386 = vector.broadcast %broadcast_in_dim3A_385 : f32 to vector<16xf32>
        %swap3A_387 = arith.index_cast %while3A_360 : i32 to index
        %swap3A_388 = arith.constant 80 : index
        %swap3A_389 = tpu.vector_load %arg9[%swap3A_387, %swap3A_388] {strides = array<i32>} : memref<64x512xf32, #tpu.memory_space<vmem>>, vector<16xf32>,
        tpu.vector_store %arg9[%swap3A_387, %swap3A_388], %broadcast_in_dim3A_386 {strides = array<i32>} : memref<64x512xf32, #tpu.memory_space<vmem>>, vector<16xf32>,
        %broadcast_in_dim3A_390 = arith.constant 0.000000e+00 : f32
        %broadcast_in_dim3A_391 = vector.broadcast %broadcast_in_dim3A_390 : f32 to vector<16xf32>
        %swap3A_392 = arith.index_cast %while3A_360 : i32 to index
        %swap3A_393 = arith.constant 96 : index
        %swap3A_394 = tpu.vector_load %arg9[%swap3A_392, %swap3A_393] {strides = array<i32>} : memref<64x512xf32, #tpu.memory_space<vmem>>, vector<16xf32>,
        tpu.vector_store %arg9[%swap3A_392, %swap3A_393], %broadcast_in_dim3A_391 {strides = array<i32>} : memref<64x512xf32, #tpu.memory_space<vmem>>, vector<16xf32>,
        %broadcast_in_dim3A_395 = arith.constant 0.000000e+00 : f32
        %broadcast_in_dim3A_396 = vector.broadcast %broadcast_in_dim3A_395 : f32 to vector<16xf32>
        %swap3A_397 = arith.index_cast %while3A_360 : i32 to index
        %swap3A_398 = arith.constant 112 : index
        %swap3A_399 = tpu.vector_load %arg9[%swap3A_397, %swap3A_398] {strides = array<i32>} : memref<64x512xf32, #tpu.memory_space<vmem>>, vector<16xf32>,
        tpu.vector_store %arg9[%swap3A_397, %swap3A_398], %broadcast_in_dim3A_396 {strides = array<i32>} : memref<64x512xf32, #tpu.memory_space<vmem>>, vector<16xf32>,
        %broadcast_in_dim3A_400 = arith.constant 0.000000e+00 : f32
        %broadcast_in_dim3A_401 = vector.broadcast %broadcast_in_dim3A_400 : f32 to vector<16xf32>
        %swap3A_402 = arith.index_cast %while3A_360 : i32 to index
        %swap3A_403 = arith.constant 128 : index
        %swap3A_404 = tpu.vector_load %arg9[%swap3A_402, %swap3A_403] {strides = array<i32>} : memref<64x512xf32, #tpu.memory_space<vmem>>, vector<16xf32>,
        tpu.vector_store %arg9[%swap3A_402, %swap3A_403], %broadcast_in_dim3A_401 {strides = array<i32>} : memref<64x512xf32, #tpu.memory_space<vmem>>, vector<16xf32>,
        %broadcast_in_dim3A_405 = arith.constant 0.000000e+00 : f32
        %broadcast_in_dim3A_406 = vector.broadcast %broadcast_in_dim3A_405 : f32 to vector<16xf32>
        %swap3A_407 = arith.index_cast %while3A_360 : i32 to index
        %swap3A_408 = arith.constant 144 : index
        %swap3A_409 = tpu.vector_load %arg9[%swap3A_407, %swap3A_408] {strides = array<i32>} : memref<64x512xf32, #tpu.memory_space<vmem>>, vector<16xf32>,
        tpu.vector_store %arg9[%swap3A_407, %swap3A_408], %broadcast_in_dim3A_406 {strides = array<i32>} : memref<64x512xf32, #tpu.memory_space<vmem>>, vector<16xf32>,
        %broadcast_in_dim3A_410 = arith.constant 0.000000e+00 : f32
        %broadcast_in_dim3A_411 = vector.broadcast %broadcast_in_dim3A_410 : f32 to vector<16xf32>
        %swap3A_412 = arith.index_cast %while3A_360 : i32 to index
        %swap3A_413 = arith.constant 160 : index
        %swap3A_414 = tpu.vector_load %arg9[%swap3A_412, %swap3A_413] {strides = array<i32>} : memref<64x512xf32, #tpu.memory_space<vmem>>, vector<16xf32>,
        tpu.vector_store %arg9[%swap3A_412, %swap3A_413], %broadcast_in_dim3A_411 {strides = array<i32>} : memref<64x512xf32, #tpu.memory_space<vmem>>, vector<16xf32>,
        %broadcast_in_dim3A_415 = arith.constant 0.000000e+00 : f32
        %broadcast_in_dim3A_416 = vector.broadcast %broadcast_in_dim3A_415 : f32 to vector<16xf32>
        %swap3A_417 = arith.index_cast %while3A_360 : i32 to index
        %swap3A_418 = arith.constant 176 : index
        %swap3A_419 = tpu.vector_load %arg9[%swap3A_417, %swap3A_418] {strides = array<i32>} : memref<64x512xf32, #tpu.memory_space<vmem>>, vector<16xf32>,
        tpu.vector_store %arg9[%swap3A_417, %swap3A_418], %broadcast_in_dim3A_416 {strides = array<i32>} : memref<64x512xf32, #tpu.memory_space<vmem>>, vector<16xf32>,
        %broadcast_in_dim3A_420 = arith.constant 0.000000e+00 : f32
        %broadcast_in_dim3A_421 = vector.broadcast %broadcast_in_dim3A_420 : f32 to vector<16xf32>
        %swap3A_422 = arith.index_cast %while3A_360 : i32 to index
        %swap3A_423 = arith.constant 192 : index
        %swap3A_424 = tpu.vector_load %arg9[%swap3A_422, %swap3A_423] {strides = array<i32>} : memref<64x512xf32, #tpu.memory_space<vmem>>, vector<16xf32>,
        tpu.vector_store %arg9[%swap3A_422, %swap3A_423], %broadcast_in_dim3A_421 {strides = array<i32>} : memref<64x512xf32, #tpu.memory_space<vmem>>, vector<16xf32>,
        %broadcast_in_dim3A_425 = arith.constant 0.000000e+00 : f32
        %broadcast_in_dim3A_426 = vector.broadcast %broadcast_in_dim3A_425 : f32 to vector<16xf32>
        %swap3A_427 = arith.index_cast %while3A_360 : i32 to index
        %swap3A_428 = arith.constant 208 : index
        %swap3A_429 = tpu.vector_load %arg9[%swap3A_427, %swap3A_428] {strides = array<i32>} : memref<64x512xf32, #tpu.memory_space<vmem>>, vector<16xf32>,
        tpu.vector_store %arg9[%swap3A_427, %swap3A_428], %broadcast_in_dim3A_426 {strides = array<i32>} : memref<64x512xf32, #tpu.memory_space<vmem>>, vector<16xf32>,
        %broadcast_in_dim3A_430 = arith.constant 0.000000e+00 : f32
        %broadcast_in_dim3A_431 = vector.broadcast %broadcast_in_dim3A_430 : f32 to vector<16xf32>
        %swap3A_432 = arith.index_cast %while3A_360 : i32 to index
        %swap3A_433 = arith.constant 224 : index
        %swap3A_434 = tpu.vector_load %arg9[%swap3A_432, %swap3A_433] {strides = array<i32>} : memref<64x512xf32, #tpu.memory_space<vmem>>, vector<16xf32>,
        tpu.vector_store %arg9[%swap3A_432, %swap3A_433], %broadcast_in_dim3A_431 {strides = array<i32>} : memref<64x512xf32, #tpu.memory_space<vmem>>, vector<16xf32>,
        %broadcast_in_dim3A_435 = arith.constant 0.000000e+00 : f32
        %broadcast_in_dim3A_436 = vector.broadcast %broadcast_in_dim3A_435 : f32 to vector<16xf32>
        %swap3A_437 = arith.index_cast %while3A_360 : i32 to index
        %swap3A_438 = arith.constant 240 : index
        %swap3A_439 = tpu.vector_load %arg9[%swap3A_437, %swap3A_438] {strides = array<i32>} : memref<64x512xf32, #tpu.memory_space<vmem>>, vector<16xf32>,
        tpu.vector_store %arg9[%swap3A_437, %swap3A_438], %broadcast_in_dim3A_436 {strides = array<i32>} : memref<64x512xf32, #tpu.memory_space<vmem>>, vector<16xf32>,
        %broadcast_in_dim3A_440 = arith.constant 0.000000e+00 : f32
        %broadcast_in_dim3A_441 = vector.broadcast %broadcast_in_dim3A_440 : f32 to vector<16xf32>
        %swap3A_442 = arith.index_cast %while3A_360 : i32 to index
        %swap3A_443 = arith.constant 256 : index
        %swap3A_444 = tpu.vector_load %arg9[%swap3A_442, %swap3A_443] {strides = array<i32>} : memref<64x512xf32, #tpu.memory_space<vmem>>, vector<16xf32>,
        tpu.vector_store %arg9[%swap3A_442, %swap3A_443], %broadcast_in_dim3A_441 {strides = array<i32>} : memref<64x512xf32, #tpu.memory_space<vmem>>, vector<16xf32>,
        %broadcast_in_dim3A_445 = arith.constant 0.000000e+00 : f32
        %broadcast_in_dim3A_446 = vector.broadcast %broadcast_in_dim3A_445 : f32 to vector<16xf32>
        %swap3A_447 = arith.index_cast %while3A_360 : i32 to index
        %swap3A_448 = arith.constant 272 : index
        %swap3A_449 = tpu.vector_load %arg9[%swap3A_447, %swap3A_448] {strides = array<i32>} : memref<64x512xf32, #tpu.memory_space<vmem>>, vector<16xf32>,
        tpu.vector_store %arg9[%swap3A_447, %swap3A_448], %broadcast_in_dim3A_446 {strides = array<i32>} : memref<64x512xf32, #tpu.memory_space<vmem>>, vector<16xf32>,
        %broadcast_in_dim3A_450 = arith.constant 0.000000e+00 : f32
        %broadcast_in_dim3A_451 = vector.broadcast %broadcast_in_dim3A_450 : f32 to vector<16xf32>
        %swap3A_452 = arith.index_cast %while3A_360 : i32 to index
        %swap3A_453 = arith.constant 288 : index
        %swap3A_454 = tpu.vector_load %arg9[%swap3A_452, %swap3A_453] {strides = array<i32>} : memref<64x512xf32, #tpu.memory_space<vmem>>, vector<16xf32>,
        tpu.vector_store %arg9[%swap3A_452, %swap3A_453], %broadcast_in_dim3A_451 {strides = array<i32>} : memref<64x512xf32, #tpu.memory_space<vmem>>, vector<16xf32>,
        %broadcast_in_dim3A_455 = arith.constant 0.000000e+00 : f32
        %broadcast_in_dim3A_456 = vector.broadcast %broadcast_in_dim3A_455 : f32 to vector<16xf32>
        %swap3A_457 = arith.index_cast %while3A_360 : i32 to index
        %swap3A_458 = arith.constant 304 : index
        %swap3A_459 = tpu.vector_load %arg9[%swap3A_457, %swap3A_458] {strides = array<i32>} : memref<64x512xf32, #tpu.memory_space<vmem>>, vector<16xf32>,
        tpu.vector_store %arg9[%swap3A_457, %swap3A_458], %broadcast_in_dim3A_456 {strides = array<i32>} : memref<64x512xf32, #tpu.memory_space<vmem>>, vector<16xf32>,
        %broadcast_in_dim3A_460 = arith.constant 0.000000e+00 : f32
        %broadcast_in_dim3A_461 = vector.broadcast %broadcast_in_dim3A_460 : f32 to vector<16xf32>
        %swap3A_462 = arith.index_cast %while3A_360 : i32 to index
        %swap3A_463 = arith.constant 320 : index
        %swap3A_464 = tpu.vector_load %arg9[%swap3A_462, %swap3A_463] {strides = array<i32>} : memref<64x512xf32, #tpu.memory_space<vmem>>, vector<16xf32>,
        tpu.vector_store %arg9[%swap3A_462, %swap3A_463], %broadcast_in_dim3A_461 {strides = array<i32>} : memref<64x512xf32, #tpu.memory_space<vmem>>, vector<16xf32>,
        %broadcast_in_dim3A_465 = arith.constant 0.000000e+00 : f32
        %broadcast_in_dim3A_466 = vector.broadcast %broadcast_in_dim3A_465 : f32 to vector<16xf32>
        %swap3A_467 = arith.index_cast %while3A_360 : i32 to index
        %swap3A_468 = arith.constant 336 : index
        %swap3A_469 = tpu.vector_load %arg9[%swap3A_467, %swap3A_468] {strides = array<i32>} : memref<64x512xf32, #tpu.memory_space<vmem>>, vector<16xf32>,
        tpu.vector_store %arg9[%swap3A_467, %swap3A_468], %broadcast_in_dim3A_466 {strides = array<i32>} : memref<64x512xf32, #tpu.memory_space<vmem>>, vector<16xf32>,
        %broadcast_in_dim3A_470 = arith.constant 0.000000e+00 : f32
        %broadcast_in_dim3A_471 = vector.broadcast %broadcast_in_dim3A_470 : f32 to vector<16xf32>
        %swap3A_472 = arith.index_cast %while3A_360 : i32 to index
        %swap3A_473 = arith.constant 352 : index
        %swap3A_474 = tpu.vector_load %arg9[%swap3A_472, %swap3A_473] {strides = array<i32>} : memref<64x512xf32, #tpu.memory_space<vmem>>, vector<16xf32>,
        tpu.vector_store %arg9[%swap3A_472, %swap3A_473], %broadcast_in_dim3A_471 {strides = array<i32>} : memref<64x512xf32, #tpu.memory_space<vmem>>, vector<16xf32>,
        %broadcast_in_dim3A_475 = arith.constant 0.000000e+00 : f32
        %broadcast_in_dim3A_476 = vector.broadcast %broadcast_in_dim3A_475 : f32 to vector<16xf32>
        %swap3A_477 = arith.index_cast %while3A_360 : i32 to index
        %swap3A_478 = arith.constant 368 : index
        %swap3A_479 = tpu.vector_load %arg9[%swap3A_477, %swap3A_478] {strides = array<i32>} : memref<64x512xf32, #tpu.memory_space<vmem>>, vector<16xf32>,
        tpu.vector_store %arg9[%swap3A_477, %swap3A_478], %broadcast_in_dim3A_476 {strides = array<i32>} : memref<64x512xf32, #tpu.memory_space<vmem>>, vector<16xf32>,
        %broadcast_in_dim3A_480 = arith.constant 0.000000e+00 : f32
        %broadcast_in_dim3A_481 = vector.broadcast %broadcast_in_dim3A_480 : f32 to vector<16xf32>
        %swap3A_482 = arith.index_cast %while3A_360 : i32 to index
        %swap3A_483 = arith.constant 384 : index
        %swap3A_484 = tpu.vector_load %arg9[%swap3A_482, %swap3A_483] {strides = array<i32>} : memref<64x512xf32, #tpu.memory_space<vmem>>, vector<16xf32>,
        tpu.vector_store %arg9[%swap3A_482, %swap3A_483], %broadcast_in_dim3A_481 {strides = array<i32>} : memref<64x512xf32, #tpu.memory_space<vmem>>, vector<16xf32>,
        %broadcast_in_dim3A_485 = arith.constant 0.000000e+00 : f32
        %broadcast_in_dim3A_486 = vector.broadcast %broadcast_in_dim3A_485 : f32 to vector<16xf32>
        %swap3A_487 = arith.index_cast %while3A_360 : i32 to index
        %swap3A_488 = arith.constant 400 : index
        %swap3A_489 = tpu.vector_load %arg9[%swap3A_487, %swap3A_488] {strides = array<i32>} : memref<64x512xf32, #tpu.memory_space<vmem>>, vector<16xf32>,
        tpu.vector_store %arg9[%swap3A_487, %swap3A_488], %broadcast_in_dim3A_486 {strides = array<i32>} : memref<64x512xf32, #tpu.memory_space<vmem>>, vector<16xf32>,
        %broadcast_in_dim3A_490 = arith.constant 0.000000e+00 : f32
        %broadcast_in_dim3A_491 = vector.broadcast %broadcast_in_dim3A_490 : f32 to vector<16xf32>
        %swap3A_492 = arith.index_cast %while3A_360 : i32 to index
        %swap3A_493 = arith.constant 416 : index
        %swap3A_494 = tpu.vector_load %arg9[%swap3A_492, %swap3A_493] {strides = array<i32>} : memref<64x512xf32, #tpu.memory_space<vmem>>, vector<16xf32>,
        tpu.vector_store %arg9[%swap3A_492, %swap3A_493], %broadcast_in_dim3A_491 {strides = array<i32>} : memref<64x512xf32, #tpu.memory_space<vmem>>, vector<16xf32>,
        %broadcast_in_dim3A_495 = arith.constant 0.000000e+00 : f32
        %broadcast_in_dim3A_496 = vector.broadcast %broadcast_in_dim3A_495 : f32 to vector<16xf32>
        %swap3A_497 = arith.index_cast %while3A_360 : i32 to index
        %swap3A_498 = arith.constant 432 : index
        %swap3A_499 = tpu.vector_load %arg9[%swap3A_497, %swap3A_498] {strides = array<i32>} : memref<64x512xf32, #tpu.memory_space<vmem>>, vector<16xf32>,
        tpu.vector_store %arg9[%swap3A_497, %swap3A_498], %broadcast_in_dim3A_496 {strides = array<i32>} : memref<64x512xf32, #tpu.memory_space<vmem>>, vector<16xf32>,
        %broadcast_in_dim3A_500 = arith.constant 0.000000e+00 : f32
        %broadcast_in_dim3A_501 = vector.broadcast %broadcast_in_dim3A_500 : f32 to vector<16xf32>
        %swap3A_502 = arith.index_cast %while3A_360 : i32 to index
        %swap3A_503 = arith.constant 448 : index
        %swap3A_504 = tpu.vector_load %arg9[%swap3A_502, %swap3A_503] {strides = array<i32>} : memref<64x512xf32, #tpu.memory_space<vmem>>, vector<16xf32>,
        tpu.vector_store %arg9[%swap3A_502, %swap3A_503], %broadcast_in_dim3A_501 {strides = array<i32>} : memref<64x512xf32, #tpu.memory_space<vmem>>, vector<16xf32>,
        %broadcast_in_dim3A_505 = arith.constant 0.000000e+00 : f32
        %broadcast_in_dim3A_506 = vector.broadcast %broadcast_in_dim3A_505 : f32 to vector<16xf32>
        %swap3A_507 = arith.index_cast %while3A_360 : i32 to index
        %swap3A_508 = arith.constant 464 : index
        %swap3A_509 = tpu.vector_load %arg9[%swap3A_507, %swap3A_508] {strides = array<i32>} : memref<64x512xf32, #tpu.memory_space<vmem>>, vector<16xf32>,
        tpu.vector_store %arg9[%swap3A_507, %swap3A_508], %broadcast_in_dim3A_506 {strides = array<i32>} : memref<64x512xf32, #tpu.memory_space<vmem>>, vector<16xf32>,
        %broadcast_in_dim3A_510 = arith.constant 0.000000e+00 : f32
        %broadcast_in_dim3A_511 = vector.broadcast %broadcast_in_dim3A_510 : f32 to vector<16xf32>
        %swap3A_512 = arith.index_cast %while3A_360 : i32 to index
        %swap3A_513 = arith.constant 480 : index
        %swap3A_514 = tpu.vector_load %arg9[%swap3A_512, %swap3A_513] {strides = array<i32>} : memref<64x512xf32, #tpu.memory_space<vmem>>, vector<16xf32>,
        tpu.vector_store %arg9[%swap3A_512, %swap3A_513], %broadcast_in_dim3A_511 {strides = array<i32>} : memref<64x512xf32, #tpu.memory_space<vmem>>, vector<16xf32>,
        %broadcast_in_dim3A_515 = arith.constant 0.000000e+00 : f32
        %broadcast_in_dim3A_516 = vector.broadcast %broadcast_in_dim3A_515 : f32 to vector<16xf32>
        %swap3A_517 = arith.index_cast %while3A_360 : i32 to index
        %swap3A_518 = arith.constant 496 : index
        %swap3A_519 = tpu.vector_load %arg9[%swap3A_517, %swap3A_518] {strides = array<i32>} : memref<64x512xf32, #tpu.memory_space<vmem>>, vector<16xf32>,
        tpu.vector_store %arg9[%swap3A_517, %swap3A_518], %broadcast_in_dim3A_516 {strides = array<i32>} : memref<64x512xf32, #tpu.memory_space<vmem>>, vector<16xf32>,
        %while3A_520 = arith.constant 0 : i32
        scf.yield %while3A_520 : i32
      }
      %while3A_357 = arith.constant 1 : i32
      %while3A_358 = scf.for %while3A_360 = %while3A_354 to %while3A_350 step %while3A_357 iter_args(%while3A_361 = %while3A_356) -> (i32)  : i32 {
        %broadcast_in_dim3A = arith.constant 0.000000e+00 : f32
        %broadcast_in_dim3A_362 = vector.broadcast %broadcast_in_dim3A : f32 to vector<16xf32>
        %swap3A = arith.index_cast %while3A_360 : i32 to index
        %swap3A_363 = arith.constant 0 : index
        %swap3A_364 = tpu.vector_load %arg9[%swap3A, %swap3A_363] {strides = array<i32>} : memref<64x512xf32, #tpu.memory_space<vmem>>, vector<16xf32>,
        tpu.vector_store %arg9[%swap3A, %swap3A_363], %broadcast_in_dim3A_362 {strides = array<i32>} : memref<64x512xf32, #tpu.memory_space<vmem>>, vector<16xf32>,
        %broadcast_in_dim3A_365 = arith.constant 0.000000e+00 : f32
        %broadcast_in_dim3A_366 = vector.broadcast %broadcast_in_dim3A_365 : f32 to vector<16xf32>
        %swap3A_367 = arith.index_cast %while3A_360 : i32 to index
        %swap3A_368 = arith.constant 16 : index
        %swap3A_369 = tpu.vector_load %arg9[%swap3A_367, %swap3A_368] {strides = array<i32>} : memref<64x512xf32, #tpu.memory_space<vmem>>, vector<16xf32>,
        tpu.vector_store %arg9[%swap3A_367, %swap3A_368], %broadcast_in_dim3A_366 {strides = array<i32>} : memref<64x512xf32, #tpu.memory_space<vmem>>, vector<16xf32>,
        %broadcast_in_dim3A_370 = arith.constant 0.000000e+00 : f32
        %broadcast_in_dim3A_371 = vector.broadcast %broadcast_in_dim3A_370 : f32 to vector<16xf32>
        %swap3A_372 = arith.index_cast %while3A_360 : i32 to index
        %swap3A_373 = arith.constant 32 : index
        %swap3A_374 = tpu.vector_load %arg9[%swap3A_372, %swap3A_373] {strides = array<i32>} : memref<64x512xf32, #tpu.memory_space<vmem>>, vector<16xf32>,
        tpu.vector_store %arg9[%swap3A_372, %swap3A_373], %broadcast_in_dim3A_371 {strides = array<i32>} : memref<64x512xf32, #tpu.memory_space<vmem>>, vector<16xf32>,
        %broadcast_in_dim3A_375 = arith.constant 0.000000e+00 : f32
        %broadcast_in_dim3A_376 = vector.broadcast %broadcast_in_dim3A_375 : f32 to vector<16xf32>
        %swap3A_377 = arith.index_cast %while3A_360 : i32 to index
        %swap3A_378 = arith.constant 48 : index
        %swap3A_379 = tpu.vector_load %arg9[%swap3A_377, %swap3A_378] {strides = array<i32>} : memref<64x512xf32, #tpu.memory_space<vmem>>, vector<16xf32>,
        tpu.vector_store %arg9[%swap3A_377, %swap3A_378], %broadcast_in_dim3A_376 {strides = array<i32>} : memref<64x512xf32, #tpu.memory_space<vmem>>, vector<16xf32>,
        %broadcast_in_dim3A_380 = arith.constant 0.000000e+00 : f32
        %broadcast_in_dim3A_381 = vector.broadcast %broadcast_in_dim3A_380 : f32 to vector<16xf32>
        %swap3A_382 = arith.index_cast %while3A_360 : i32 to index
        %swap3A_383 = arith.constant 64 : index
        %swap3A_384 = tpu.vector_load %arg9[%swap3A_382, %swap3A_383] {strides = array<i32>} : memref<64x512xf32, #tpu.memory_space<vmem>>, vector<16xf32>,
        tpu.vector_store %arg9[%swap3A_382, %swap3A_383], %broadcast_in_dim3A_381 {strides = array<i32>} : memref<64x512xf32, #tpu.memory_space<vmem>>, vector<16xf32>,
        %broadcast_in_dim3A_385 = arith.constant 0.000000e+00 : f32
        %broadcast_in_dim3A_386 = vector.broadcast %broadcast_in_dim3A_385 : f32 to vector<16xf32>
        %swap3A_387 = arith.index_cast %while3A_360 : i32 to index
        %swap3A_388 = arith.constant 80 : index
        %swap3A_389 = tpu.vector_load %arg9[%swap3A_387, %swap3A_388] {strides = array<i32>} : memref<64x512xf32, #tpu.memory_space<vmem>>, vector<16xf32>,
        tpu.vector_store %arg9[%swap3A_387, %swap3A_388], %broadcast_in_dim3A_386 {strides = array<i32>} : memref<64x512xf32, #tpu.memory_space<vmem>>, vector<16xf32>,
        %broadcast_in_dim3A_390 = arith.constant 0.000000e+00 : f32
        %broadcast_in_dim3A_391 = vector.broadcast %broadcast_in_dim3A_390 : f32 to vector<16xf32>
        %swap3A_392 = arith.index_cast %while3A_360 : i32 to index
        %swap3A_393 = arith.constant 96 : index
        %swap3A_394 = tpu.vector_load %arg9[%swap3A_392, %swap3A_393] {strides = array<i32>} : memref<64x512xf32, #tpu.memory_space<vmem>>, vector<16xf32>,
        tpu.vector_store %arg9[%swap3A_392, %swap3A_393], %broadcast_in_dim3A_391 {strides = array<i32>} : memref<64x512xf32, #tpu.memory_space<vmem>>, vector<16xf32>,
        %broadcast_in_dim3A_395 = arith.constant 0.000000e+00 : f32
        %broadcast_in_dim3A_396 = vector.broadcast %broadcast_in_dim3A_395 : f32 to vector<16xf32>
        %swap3A_397 = arith.index_cast %while3A_360 : i32 to index
        %swap3A_398 = arith.constant 112 : index
        %swap3A_399 = tpu.vector_load %arg9[%swap3A_397, %swap3A_398] {strides = array<i32>} : memref<64x512xf32, #tpu.memory_space<vmem>>, vector<16xf32>,
        tpu.vector_store %arg9[%swap3A_397, %swap3A_398], %broadcast_in_dim3A_396 {strides = array<i32>} : memref<64x512xf32, #tpu.memory_space<vmem>>, vector<16xf32>,
        %broadcast_in_dim3A_400 = arith.constant 0.000000e+00 : f32
        %broadcast_in_dim3A_401 = vector.broadcast %broadcast_in_dim3A_400 : f32 to vector<16xf32>
        %swap3A_402 = arith.index_cast %while3A_360 : i32 to index
        %swap3A_403 = arith.constant 128 : index
        %swap3A_404 = tpu.vector_load %arg9[%swap3A_402, %swap3A_403] {strides = array<i32>} : memref<64x512xf32, #tpu.memory_space<vmem>>, vector<16xf32>,
        tpu.vector_store %arg9[%swap3A_402, %swap3A_403], %broadcast_in_dim3A_401 {strides = array<i32>} : memref<64x512xf32, #tpu.memory_space<vmem>>, vector<16xf32>,
        %broadcast_in_dim3A_405 = arith.constant 0.000000e+00 : f32
        %broadcast_in_dim3A_406 = vector.broadcast %broadcast_in_dim3A_405 : f32 to vector<16xf32>
        %swap3A_407 = arith.index_cast %while3A_360 : i32 to index
        %swap3A_408 = arith.constant 144 : index
        %swap3A_409 = tpu.vector_load %arg9[%swap3A_407, %swap3A_408] {strides = array<i32>} : memref<64x512xf32, #tpu.memory_space<vmem>>, vector<16xf32>,
        tpu.vector_store %arg9[%swap3A_407, %swap3A_408], %broadcast_in_dim3A_406 {strides = array<i32>} : memref<64x512xf32, #tpu.memory_space<vmem>>, vector<16xf32>,
        %broadcast_in_dim3A_410 = arith.constant 0.000000e+00 : f32
        %broadcast_in_dim3A_411 = vector.broadcast %broadcast_in_dim3A_410 : f32 to vector<16xf32>
        %swap3A_412 = arith.index_cast %while3A_360 : i32 to index
        %swap3A_413 = arith.constant 160 : index
        %swap3A_414 = tpu.vector_load %arg9[%swap3A_412, %swap3A_413] {strides = array<i32>} : memref<64x512xf32, #tpu.memory_space<vmem>>, vector<16xf32>,
        tpu.vector_store %arg9[%swap3A_412, %swap3A_413], %broadcast_in_dim3A_411 {strides = array<i32>} : memref<64x512xf32, #tpu.memory_space<vmem>>, vector<16xf32>,
        %broadcast_in_dim3A_415 = arith.constant 0.000000e+00 : f32
        %broadcast_in_dim3A_416 = vector.broadcast %broadcast_in_dim3A_415 : f32 to vector<16xf32>
        %swap3A_417 = arith.index_cast %while3A_360 : i32 to index
        %swap3A_418 = arith.constant 176 : index
        %swap3A_419 = tpu.vector_load %arg9[%swap3A_417, %swap3A_418] {strides = array<i32>} : memref<64x512xf32, #tpu.memory_space<vmem>>, vector<16xf32>,
        tpu.vector_store %arg9[%swap3A_417, %swap3A_418], %broadcast_in_dim3A_416 {strides = array<i32>} : memref<64x512xf32, #tpu.memory_space<vmem>>, vector<16xf32>,
        %broadcast_in_dim3A_420 = arith.constant 0.000000e+00 : f32
        %broadcast_in_dim3A_421 = vector.broadcast %broadcast_in_dim3A_420 : f32 to vector<16xf32>
        %swap3A_422 = arith.index_cast %while3A_360 : i32 to index
        %swap3A_423 = arith.constant 192 : index
        %swap3A_424 = tpu.vector_load %arg9[%swap3A_422, %swap3A_423] {strides = array<i32>} : memref<64x512xf32, #tpu.memory_space<vmem>>, vector<16xf32>,
        tpu.vector_store %arg9[%swap3A_422, %swap3A_423], %broadcast_in_dim3A_421 {strides = array<i32>} : memref<64x512xf32, #tpu.memory_space<vmem>>, vector<16xf32>,
        %broadcast_in_dim3A_425 = arith.constant 0.000000e+00 : f32
        %broadcast_in_dim3A_426 = vector.broadcast %broadcast_in_dim3A_425 : f32 to vector<16xf32>
        %swap3A_427 = arith.index_cast %while3A_360 : i32 to index
        %swap3A_428 = arith.constant 208 : index
        %swap3A_429 = tpu.vector_load %arg9[%swap3A_427, %swap3A_428] {strides = array<i32>} : memref<64x512xf32, #tpu.memory_space<vmem>>, vector<16xf32>,
        tpu.vector_store %arg9[%swap3A_427, %swap3A_428], %broadcast_in_dim3A_426 {strides = array<i32>} : memref<64x512xf32, #tpu.memory_space<vmem>>, vector<16xf32>,
        %broadcast_in_dim3A_430 = arith.constant 0.000000e+00 : f32
        %broadcast_in_dim3A_431 = vector.broadcast %broadcast_in_dim3A_430 : f32 to vector<16xf32>
        %swap3A_432 = arith.index_cast %while3A_360 : i32 to index
        %swap3A_433 = arith.constant 224 : index
        %swap3A_434 = tpu.vector_load %arg9[%swap3A_432, %swap3A_433] {strides = array<i32>} : memref<64x512xf32, #tpu.memory_space<vmem>>, vector<16xf32>,
        tpu.vector_store %arg9[%swap3A_432, %swap3A_433], %broadcast_in_dim3A_431 {strides = array<i32>} : memref<64x512xf32, #tpu.memory_space<vmem>>, vector<16xf32>,
        %broadcast_in_dim3A_435 = arith.constant 0.000000e+00 : f32
        %broadcast_in_dim3A_436 = vector.broadcast %broadcast_in_dim3A_435 : f32 to vector<16xf32>
        %swap3A_437 = arith.index_cast %while3A_360 : i32 to index
        %swap3A_438 = arith.constant 240 : index
        %swap3A_439 = tpu.vector_load %arg9[%swap3A_437, %swap3A_438] {strides = array<i32>} : memref<64x512xf32, #tpu.memory_space<vmem>>, vector<16xf32>,
        tpu.vector_store %arg9[%swap3A_437, %swap3A_438], %broadcast_in_dim3A_436 {strides = array<i32>} : memref<64x512xf32, #tpu.memory_space<vmem>>, vector<16xf32>,
        %broadcast_in_dim3A_440 = arith.constant 0.000000e+00 : f32
        %broadcast_in_dim3A_441 = vector.broadcast %broadcast_in_dim3A_440 : f32 to vector<16xf32>
        %swap3A_442 = arith.index_cast %while3A_360 : i32 to index
        %swap3A_443 = arith.constant 256 : index
        %swap3A_444 = tpu.vector_load %arg9[%swap3A_442, %swap3A_443] {strides = array<i32>} : memref<64x512xf32, #tpu.memory_space<vmem>>, vector<16xf32>,
        tpu.vector_store %arg9[%swap3A_442, %swap3A_443], %broadcast_in_dim3A_441 {strides = array<i32>} : memref<64x512xf32, #tpu.memory_space<vmem>>, vector<16xf32>,
        %broadcast_in_dim3A_445 = arith.constant 0.000000e+00 : f32
        %broadcast_in_dim3A_446 = vector.broadcast %broadcast_in_dim3A_445 : f32 to vector<16xf32>
        %swap3A_447 = arith.index_cast %while3A_360 : i32 to index
        %swap3A_448 = arith.constant 272 : index
        %swap3A_449 = tpu.vector_load %arg9[%swap3A_447, %swap3A_448] {strides = array<i32>} : memref<64x512xf32, #tpu.memory_space<vmem>>, vector<16xf32>,
        tpu.vector_store %arg9[%swap3A_447, %swap3A_448], %broadcast_in_dim3A_446 {strides = array<i32>} : memref<64x512xf32, #tpu.memory_space<vmem>>, vector<16xf32>,
        %broadcast_in_dim3A_450 = arith.constant 0.000000e+00 : f32
        %broadcast_in_dim3A_451 = vector.broadcast %broadcast_in_dim3A_450 : f32 to vector<16xf32>
        %swap3A_452 = arith.index_cast %while3A_360 : i32 to index
        %swap3A_453 = arith.constant 288 : index
        %swap3A_454 = tpu.vector_load %arg9[%swap3A_452, %swap3A_453] {strides = array<i32>} : memref<64x512xf32, #tpu.memory_space<vmem>>, vector<16xf32>,
        tpu.vector_store %arg9[%swap3A_452, %swap3A_453], %broadcast_in_dim3A_451 {strides = array<i32>} : memref<64x512xf32, #tpu.memory_space<vmem>>, vector<16xf32>,
        %broadcast_in_dim3A_455 = arith.constant 0.000000e+00 : f32
        %broadcast_in_dim3A_456 = vector.broadcast %broadcast_in_dim3A_455 : f32 to vector<16xf32>
        %swap3A_457 = arith.index_cast %while3A_360 : i32 to index
        %swap3A_458 = arith.constant 304 : index
        %swap3A_459 = tpu.vector_load %arg9[%swap3A_457, %swap3A_458] {strides = array<i32>} : memref<64x512xf32, #tpu.memory_space<vmem>>, vector<16xf32>,
        tpu.vector_store %arg9[%swap3A_457, %swap3A_458], %broadcast_in_dim3A_456 {strides = array<i32>} : memref<64x512xf32, #tpu.memory_space<vmem>>, vector<16xf32>,
        %broadcast_in_dim3A_460 = arith.constant 0.000000e+00 : f32
        %broadcast_in_dim3A_461 = vector.broadcast %broadcast_in_dim3A_460 : f32 to vector<16xf32>
        %swap3A_462 = arith.index_cast %while3A_360 : i32 to index
        %swap3A_463 = arith.constant 320 : index
        %swap3A_464 = tpu.vector_load %arg9[%swap3A_462, %swap3A_463] {strides = array<i32>} : memref<64x512xf32, #tpu.memory_space<vmem>>, vector<16xf32>,
        tpu.vector_store %arg9[%swap3A_462, %swap3A_463], %broadcast_in_dim3A_461 {strides = array<i32>} : memref<64x512xf32, #tpu.memory_space<vmem>>, vector<16xf32>,
        %broadcast_in_dim3A_465 = arith.constant 0.000000e+00 : f32
        %broadcast_in_dim3A_466 = vector.broadcast %broadcast_in_dim3A_465 : f32 to vector<16xf32>
        %swap3A_467 = arith.index_cast %while3A_360 : i32 to index
        %swap3A_468 = arith.constant 336 : index
        %swap3A_469 = tpu.vector_load %arg9[%swap3A_467, %swap3A_468] {strides = array<i32>} : memref<64x512xf32, #tpu.memory_space<vmem>>, vector<16xf32>,
        tpu.vector_store %arg9[%swap3A_467, %swap3A_468], %broadcast_in_dim3A_466 {strides = array<i32>} : memref<64x512xf32, #tpu.memory_space<vmem>>, vector<16xf32>,
        %broadcast_in_dim3A_470 = arith.constant 0.000000e+00 : f32
        %broadcast_in_dim3A_471 = vector.broadcast %broadcast_in_dim3A_470 : f32 to vector<16xf32>
        %swap3A_472 = arith.index_cast %while3A_360 : i32 to index
        %swap3A_473 = arith.constant 352 : index
        %swap3A_474 = tpu.vector_load %arg9[%swap3A_472, %swap3A_473] {strides = array<i32>} : memref<64x512xf32, #tpu.memory_space<vmem>>, vector<16xf32>,
        tpu.vector_store %arg9[%swap3A_472, %swap3A_473], %broadcast_in_dim3A_471 {strides = array<i32>} : memref<64x512xf32, #tpu.memory_space<vmem>>, vector<16xf32>,
        %broadcast_in_dim3A_475 = arith.constant 0.000000e+00 : f32
        %broadcast_in_dim3A_476 = vector.broadcast %broadcast_in_dim3A_475 : f32 to vector<16xf32>
        %swap3A_477 = arith.index_cast %while3A_360 : i32 to index
        %swap3A_478 = arith.constant 368 : index
        %swap3A_479 = tpu.vector_load %arg9[%swap3A_477, %swap3A_478] {strides = array<i32>} : memref<64x512xf32, #tpu.memory_space<vmem>>, vector<16xf32>,
        tpu.vector_store %arg9[%swap3A_477, %swap3A_478], %broadcast_in_dim3A_476 {strides = array<i32>} : memref<64x512xf32, #tpu.memory_space<vmem>>, vector<16xf32>,
        %broadcast_in_dim3A_480 = arith.constant 0.000000e+00 : f32
        %broadcast_in_dim3A_481 = vector.broadcast %broadcast_in_dim3A_480 : f32 to vector<16xf32>
        %swap3A_482 = arith.index_cast %while3A_360 : i32 to index
        %swap3A_483 = arith.constant 384 : index
        %swap3A_484 = tpu.vector_load %arg9[%swap3A_482, %swap3A_483] {strides = array<i32>} : memref<64x512xf32, #tpu.memory_space<vmem>>, vector<16xf32>,
        tpu.vector_store %arg9[%swap3A_482, %swap3A_483], %broadcast_in_dim3A_481 {strides = array<i32>} : memref<64x512xf32, #tpu.memory_space<vmem>>, vector<16xf32>,
        %broadcast_in_dim3A_485 = arith.constant 0.000000e+00 : f32
        %broadcast_in_dim3A_486 = vector.broadcast %broadcast_in_dim3A_485 : f32 to vector<16xf32>
        %swap3A_487 = arith.index_cast %while3A_360 : i32 to index
        %swap3A_488 = arith.constant 400 : index
        %swap3A_489 = tpu.vector_load %arg9[%swap3A_487, %swap3A_488] {strides = array<i32>} : memref<64x512xf32, #tpu.memory_space<vmem>>, vector<16xf32>,
        tpu.vector_store %arg9[%swap3A_487, %swap3A_488], %broadcast_in_dim3A_486 {strides = array<i32>} : memref<64x512xf32, #tpu.memory_space<vmem>>, vector<16xf32>,
        %broadcast_in_dim3A_490 = arith.constant 0.000000e+00 : f32
        %broadcast_in_dim3A_491 = vector.broadcast %broadcast_in_dim3A_490 : f32 to vector<16xf32>
        %swap3A_492 = arith.index_cast %while3A_360 : i32 to index
        %swap3A_493 = arith.constant 416 : index
        %swap3A_494 = tpu.vector_load %arg9[%swap3A_492, %swap3A_493] {strides = array<i32>} : memref<64x512xf32, #tpu.memory_space<vmem>>, vector<16xf32>,
        tpu.vector_store %arg9[%swap3A_492, %swap3A_493], %broadcast_in_dim3A_491 {strides = array<i32>} : memref<64x512xf32, #tpu.memory_space<vmem>>, vector<16xf32>,
        %broadcast_in_dim3A_495 = arith.constant 0.000000e+00 : f32
        %broadcast_in_dim3A_496 = vector.broadcast %broadcast_in_dim3A_495 : f32 to vector<16xf32>
        %swap3A_497 = arith.index_cast %while3A_360 : i32 to index
        %swap3A_498 = arith.constant 432 : index
        %swap3A_499 = tpu.vector_load %arg9[%swap3A_497, %swap3A_498] {strides = array<i32>} : memref<64x512xf32, #tpu.memory_space<vmem>>, vector<16xf32>,
        tpu.vector_store %arg9[%swap3A_497, %swap3A_498], %broadcast_in_dim3A_496 {strides = array<i32>} : memref<64x512xf32, #tpu.memory_space<vmem>>, vector<16xf32>,
        %broadcast_in_dim3A_500 = arith.constant 0.000000e+00 : f32
        %broadcast_in_dim3A_501 = vector.broadcast %broadcast_in_dim3A_500 : f32 to vector<16xf32>
        %swap3A_502 = arith.index_cast %while3A_360 : i32 to index
        %swap3A_503 = arith.constant 448 : index
        %swap3A_504 = tpu.vector_load %arg9[%swap3A_502, %swap3A_503] {strides = array<i32>} : memref<64x512xf32, #tpu.memory_space<vmem>>, vector<16xf32>,
        tpu.vector_store %arg9[%swap3A_502, %swap3A_503], %broadcast_in_dim3A_501 {strides = array<i32>} : memref<64x512xf32, #tpu.memory_space<vmem>>, vector<16xf32>,
        %broadcast_in_dim3A_505 = arith.constant 0.000000e+00 : f32
        %broadcast_in_dim3A_506 = vector.broadcast %broadcast_in_dim3A_505 : f32 to vector<16xf32>
        %swap3A_507 = arith.index_cast %while3A_360 : i32 to index
        %swap3A_508 = arith.constant 464 : index
        %swap3A_509 = tpu.vector_load %arg9[%swap3A_507, %swap3A_508] {strides = array<i32>} : memref<64x512xf32, #tpu.memory_space<vmem>>, vector<16xf32>,
        tpu.vector_store %arg9[%swap3A_507, %swap3A_508], %broadcast_in_dim3A_506 {strides = array<i32>} : memref<64x512xf32, #tpu.memory_space<vmem>>, vector<16xf32>,
        %broadcast_in_dim3A_510 = arith.constant 0.000000e+00 : f32
        %broadcast_in_dim3A_511 = vector.broadcast %broadcast_in_dim3A_510 : f32 to vector<16xf32>
        %swap3A_512 = arith.index_cast %while3A_360 : i32 to index
        %swap3A_513 = arith.constant 480 : index
        %swap3A_514 = tpu.vector_load %arg9[%swap3A_512, %swap3A_513] {strides = array<i32>} : memref<64x512xf32, #tpu.memory_space<vmem>>, vector<16xf32>,
        tpu.vector_store %arg9[%swap3A_512, %swap3A_513], %broadcast_in_dim3A_511 {strides = array<i32>} : memref<64x512xf32, #tpu.memory_space<vmem>>, vector<16xf32>,
        %broadcast_in_dim3A_515 = arith.constant 0.000000e+00 : f32
        %broadcast_in_dim3A_516 = vector.broadcast %broadcast_in_dim3A_515 : f32 to vector<16xf32>
        %swap3A_517 = arith.index_cast %while3A_360 : i32 to index
        %swap3A_518 = arith.constant 496 : index
        %swap3A_519 = tpu.vector_load %arg9[%swap3A_517, %swap3A_518] {strides = array<i32>} : memref<64x512xf32, #tpu.memory_space<vmem>>, vector<16xf32>,
        tpu.vector_store %arg9[%swap3A_517, %swap3A_518], %broadcast_in_dim3A_516 {strides = array<i32>} : memref<64x512xf32, #tpu.memory_space<vmem>>, vector<16xf32>,
        %while3A_520 = arith.constant 0 : i32
        scf.yield %while3A_520 : i32
      }
      %add3A_359 = arith.addi %mul3A_2, %add3A_332 : i32
      "tpu.region"() ({
        %run_scoped3A = tpu.sem_alloc : memref<!tpu.dma_semaphore, #tpu.memory_space<semaphore_mem>>
        %dma_start3A_360 = arith.constant 0 : i32
        %dma_start3A_361 = tpu.memref_slice %arg4[%add3A_359, %dma_start3A_360] : memref<65536x512xf32, #tpu.memory_space<hbm>> -> memref<64x512xf32, #tpu.memory_space<hbm>>
        %dma_start3A_362 = arith.constant 0 : i32
        %dma_start3A_363 = tpu.memref_slice %arg4[%add3A_359, %dma_start3A_362] : memref<65536x512xf32, #tpu.memory_space<hbm>> -> memref<64x512xf32, #tpu.memory_space<hbm>>
        tpu.enqueue_dma source(%arg9 : memref<64x512xf32, #tpu.memory_space<vmem>>) target(%dma_start3A_363 : memref<64x512xf32, #tpu.memory_space<hbm>>) target_semaphore(%run_scoped3A : memref<!tpu.dma_semaphore, #tpu.memory_space<semaphore_mem>>)
        %dma_wait3A_364 = arith.constant 0 : i32
        %dma_wait3A_365 = tpu.memref_slice %arg4[%add3A_359, %dma_wait3A_364] : memref<65536x512xf32, #tpu.memory_space<hbm>> -> memref<64x512xf32, #tpu.memory_space<hbm>>
        %dma_wait3A_366 = arith.constant 0 : i32
        %dma_wait3A_367 = tpu.memref_slice %arg4[%add3A_359, %dma_wait3A_366] : memref<65536x512xf32, #tpu.memory_space<hbm>> -> memref<64x512xf32, #tpu.memory_space<hbm>>
        tpu.wait_dma2 semaphore(%run_scoped3A : memref<!tpu.dma_semaphore, #tpu.memory_space<semaphore_mem>>) src(%arg9 : memref<64x512xf32, #tpu.memory_space<vmem>>) dst(%dma_wait3A_367 : memref<64x512xf32, #tpu.memory_space<hbm>>)
        tpu.yield
      }) : () -> ()
    } else {
    }
    %scan3A_163 = arith.constant 0 : i32
    %scan3A_164 = arith.constant 0 : i32
    %scan3A_165 = arith.constant 32 : i32
    %scan3A_166 = arith.addi %scan3A_164, %scan3A_165 : i32
    %scan3A_167 = arith.constant 1 : i32
    %scan3A_168 = scf.for %scan3A_327 = %scan3A_164 to %scan3A_166 step %scan3A_167 iter_args(%scan3A_328 = %scan3A_163) -> (i32)  : i32 {
      %mul3A_329 = arith.constant 16 : i32
      %mul3A_330 = arith.muli %scan3A_327, %mul3A_329 : i32
      %add3A_331 = arith.constant 1024 : i32
      %add3A_332 = arith.addi %add3A_331, %mul3A_330 : i32
      %get3A = arith.index_cast %add3A_332 : i32 to index
      %get3A_333 = tpu.vector_load %arg7[%get3A] {strides = array<i32>} : memref<2048xi32, #tpu.memory_space<vmem>>, vector<16xi32>,
      %lt3A = arith.constant 8192 : i32
      %lt3A_334 = vector.broadcast %lt3A : i32 to vector<16xi32>
      %lt3A_335 = arith.cmpi slt, %get3A_333, %lt3A_334 : vector<16xi32>
      %convert_element_type3A_336 = arith.extui %lt3A_335 : vector<16xi1> to vector<16xi32>
      %reduce_sum3A = arith.constant true
      %reduce_sum3A_337 = vector.broadcast %reduce_sum3A : i1 to vector<16xi1>
      %reduce_sum3A_338 = tpu.scan <sum>, %convert_element_type3A_336 masked %reduce_sum3A_337 : vector<16xi32>, vector<16xi1> -> vector<16xi32>
      %reduce_sum3A_339 = vector.extract %reduce_sum3A_338[15] : i32 from vector<16xi32>
      %add3A_340 = arith.addi %scan3A_328, %reduce_sum3A_339 : i32
      scf.yield %add3A_340 : i32
    }
    %scan3A_169 = arith.constant 32 : i32
    %add3A_170 = arith.constant 64 : i32
    %add3A_171 = arith.addi %scan3A_168, %add3A_170 : i32
    %sub3A_172 = arith.constant 1 : i32
    %sub3A_173 = arith.subi %add3A_171, %sub3A_172 : i32
    %jit3A_174 = arith.constant 64 : i32
    %div3A_175 = arith.divsi %sub3A_173, %jit3A_174 : i32
    %sign3A_176 = arith.constant 0 : i32
    %sign3A_177 = arith.cmpi sgt, %sub3A_173, %sign3A_176 : i32
    %sign3A_178 = arith.extui %sign3A_177 : i1 to i32
    %sign3A_179 = arith.constant 0 : i32
    %sign3A_180 = arith.cmpi slt, %sub3A_173, %sign3A_179 : i32
    %sign3A_181 = arith.extui %sign3A_180 : i1 to i32
    %sign3A_182 = arith.subi %sign3A_178, %sign3A_181 : i32
    %sign3A_183 = arith.constant 0 : i32
    %sign3A_184 = arith.cmpi sgt, %jit3A_174, %sign3A_183 : i32
    %sign3A_185 = arith.extui %sign3A_184 : i1 to i32
    %sign3A_186 = arith.constant 0 : i32
    %sign3A_187 = arith.cmpi slt, %jit3A_174, %sign3A_186 : i32
    %sign3A_188 = arith.extui %sign3A_187 : i1 to i32
    %sign3A_189 = arith.subi %sign3A_185, %sign3A_188 : i32
    %ne3A_190 = arith.cmpi ne, %sign3A_182, %sign3A_189 : i32
    %rem3A_191 = arith.remsi %sub3A_173, %jit3A_174 : i32
    %ne3A_192 = arith.constant 0 : i32
    %ne3A_193 = arith.cmpi ne, %rem3A_191, %ne3A_192 : i32
    %and3A_194 = arith.andi %ne3A_190, %ne3A_193 : i1
    %sub3A_195 = arith.constant 1 : i32
    %sub3A_196 = arith.subi %div3A_175, %sub3A_195 : i32
    %select_n3A_197 = arith.select %and3A_194, %sub3A_196, %div3A_175 : i32
    %sub3A_198 = arith.constant 1 : i32
    %sub3A_199 = arith.subi %select_n3A_197, %sub3A_198 : i32
    %max3A_200 = arith.constant 0 : i32
    %max3A_201 = arith.maxsi %sub3A_199, %max3A_200 : i32
    %add3A_202 = arith.constant 1 : i32
    %add3A_203 = arith.addi %max3A_201, %add3A_202 : i32
    %jit3A_204 = arith.constant 2 : i32
    %div3A_205 = arith.divsi %add3A_203, %jit3A_204 : i32
    %sign3A_206 = arith.constant 0 : i32
    %sign3A_207 = arith.cmpi sgt, %add3A_203, %sign3A_206 : i32
    %sign3A_208 = arith.extui %sign3A_207 : i1 to i32
    %sign3A_209 = arith.constant 0 : i32
    %sign3A_210 = arith.cmpi slt, %add3A_203, %sign3A_209 : i32
    %sign3A_211 = arith.extui %sign3A_210 : i1 to i32
    %sign3A_212 = arith.subi %sign3A_208, %sign3A_211 : i32
    %sign3A_213 = arith.constant 0 : i32
    %sign3A_214 = arith.cmpi sgt, %jit3A_204, %sign3A_213 : i32
    %sign3A_215 = arith.extui %sign3A_214 : i1 to i32
    %sign3A_216 = arith.constant 0 : i32
    %sign3A_217 = arith.cmpi slt, %jit3A_204, %sign3A_216 : i32
    %sign3A_218 = arith.extui %sign3A_217 : i1 to i32
    %sign3A_219 = arith.subi %sign3A_215, %sign3A_218 : i32
    %ne3A_220 = arith.cmpi ne, %sign3A_212, %sign3A_219 : i32
    %rem3A_221 = arith.remsi %add3A_203, %jit3A_204 : i32
    %ne3A_222 = arith.constant 0 : i32
    %ne3A_223 = arith.cmpi ne, %rem3A_221, %ne3A_222 : i32
    %and3A_224 = arith.andi %ne3A_220, %ne3A_223 : i1
    %sub3A_225 = arith.constant 1 : i32
    %sub3A_226 = arith.subi %div3A_205, %sub3A_225 : i32
    %select_n3A_227 = arith.select %and3A_224, %sub3A_226, %div3A_205 : i32
    %while3A_228 = arith.constant 0 : i32
    %while3A_229 = arith.constant 0 : i32
    %while3A_230 = arith.subi %select_n3A_227, %while3A_228 : i32
    %while3A_231 = arith.addi %while3A_228, %while3A_230 : i32
    %while3A_232 = arith.constant 1 : i32
    %while3A_233 = arith.divsi %while3A_230, %while3A_232 : i32
    %while3A_234 = arith.muli %while3A_233, %while3A_232 : i32
    %while3A_235 = arith.addi %while3A_228, %while3A_234 : i32
    %while3A_236 = arith.constant 1 : i32
    %while3A_237 = scf.for %while3A_327 = %while3A_228 to %while3A_235 step %while3A_236 iter_args(%while3A_328 = %while3A_229) -> (i32)  : i32 {
      %mul3A_329 = arith.constant 2 : i32
      %mul3A_330 = arith.muli %mul3A_329, %while3A_327 : i32
      %mul3A_331 = arith.constant 64 : i32
      %mul3A_332 = arith.muli %mul3A_330, %mul3A_331 : i32
      %add3A_333 = arith.constant 1024 : i32
      %add3A_334 = arith.addi %add3A_333, %mul3A_332 : i32
      %add3A_335 = arith.constant 64 : i32
      %add3A_336 = arith.addi %add3A_334, %add3A_335 : i32
      %mul3A_337 = arith.constant 2 : i32
      %mul3A_338 = arith.muli %mul3A_337, %while3A_327 : i32
      %add3A_339 = arith.constant 1 : i32
      %add3A_340 = arith.addi %mul3A_338, %add3A_339 : i32
      %sub3A_341 = arith.constant 1 : i32
      %sub3A_342 = arith.subi %select_n3A_197, %sub3A_341 : i32
      %lt3A = arith.cmpi slt, %add3A_340, %sub3A_342 : i32
      %dma_start3A = tpu.memref_slice %arg7[%add3A_334] : memref<2048xi32, #tpu.memory_space<vmem>> -> memref<64xi32, #tpu.memory_space<vmem>>
      %dma_start3A_343 = arith.constant 0 : i32
      %dma_start3A_344 = arith.constant 0 : i32
      %dma_start3A_345 = tpu.memref_slice %arg2[%dma_start3A_343, %dma_start3A_344] : memref<8192x512xf32, #tpu.memory_space<hbm>> -> memref<8192x512xf32, #tpu.memory_space<hbm>>
      tpu.enqueue_indirect_dma source(%dma_start3A_345 : memref<8192x512xf32, #tpu.memory_space<hbm>>) target(%arg9 : memref<64x512xf32, #tpu.memory_space<vmem>>) offsets(%dma_start3A : memref<64xi32, #tpu.memory_space<vmem>>) semaphore(%arg11 : memref<!tpu.dma_semaphore, #tpu.memory_space<semaphore_mem>>)
      %convert_element_type3A_346 = arith.extui %lt3A : i1 to i32
      %cond3A_347 = arith.constant 0 : i32
      %cond3A_348 = arith.cmpi ne, %convert_element_type3A_346, %cond3A_347 : i32
      scf.if %cond3A_348 {
        %dma_start3A_369 = tpu.memref_slice %arg7[%add3A_336] : memref<2048xi32, #tpu.memory_space<vmem>> -> memref<64xi32, #tpu.memory_space<vmem>>
        %dma_start3A_370 = arith.constant 0 : i32
        %dma_start3A_371 = arith.constant 0 : i32
        %dma_start3A_372 = tpu.memref_slice %arg2[%dma_start3A_370, %dma_start3A_371] : memref<8192x512xf32, #tpu.memory_space<hbm>> -> memref<8192x512xf32, #tpu.memory_space<hbm>>
        tpu.enqueue_indirect_dma source(%dma_start3A_372 : memref<8192x512xf32, #tpu.memory_space<hbm>>) target(%arg10 : memref<64x512xf32, #tpu.memory_space<vmem>>) offsets(%dma_start3A_369 : memref<64xi32, #tpu.memory_space<vmem>>) semaphore(%arg12 : memref<!tpu.dma_semaphore, #tpu.memory_space<semaphore_mem>>)
      } else {
      }
      %dma_wait3A = tpu.memref_slice %arg7[%add3A_334] : memref<2048xi32, #tpu.memory_space<vmem>> -> memref<64xi32, #tpu.memory_space<vmem>>
      %dma_wait3A_349 = arith.constant 0 : i32
      %dma_wait3A_350 = arith.constant 0 : i32
      %dma_wait3A_351 = tpu.memref_slice %arg2[%dma_wait3A_349, %dma_wait3A_350] : memref<8192x512xf32, #tpu.memory_space<hbm>> -> memref<8192x512xf32, #tpu.memory_space<hbm>>
      tpu.wait_indirect_dma semaphore(%arg11 : memref<!tpu.dma_semaphore, #tpu.memory_space<semaphore_mem>>) src(%dma_wait3A_351 : memref<8192x512xf32, #tpu.memory_space<hbm>>) dst(%arg9 : memref<64x512xf32, #tpu.memory_space<vmem>>)
      %add3A_352 = arith.addi %mul3A_2, %add3A_334 : i32
      %dma_start3A_353 = arith.constant 0 : i32
      %dma_start3A_354 = tpu.memref_slice %arg4[%add3A_352, %dma_start3A_353] : memref<65536x512xf32, #tpu.memory_space<hbm>> -> memref<64x512xf32, #tpu.memory_space<hbm>>
      %dma_start3A_355 = arith.constant 0 : i32
      %dma_start3A_356 = tpu.memref_slice %arg4[%add3A_352, %dma_start3A_355] : memref<65536x512xf32, #tpu.memory_space<hbm>> -> memref<64x512xf32, #tpu.memory_space<hbm>>
      tpu.enqueue_dma source(%arg9 : memref<64x512xf32, #tpu.memory_space<vmem>>) target(%dma_start3A_356 : memref<64x512xf32, #tpu.memory_space<hbm>>) target_semaphore(%arg13 : memref<!tpu.dma_semaphore, #tpu.memory_space<semaphore_mem>>)
      %convert_element_type3A_357 = arith.extui %lt3A : i1 to i32
      %cond3A_358 = arith.constant 0 : i32
      %cond3A_359 = arith.cmpi ne, %convert_element_type3A_357, %cond3A_358 : i32
      scf.if %cond3A_359 {
        %dma_wait3A_369 = tpu.memref_slice %arg7[%add3A_336] : memref<2048xi32, #tpu.memory_space<vmem>> -> memref<64xi32, #tpu.memory_space<vmem>>
        %dma_wait3A_370 = arith.constant 0 : i32
        %dma_wait3A_371 = arith.constant 0 : i32
        %dma_wait3A_372 = tpu.memref_slice %arg2[%dma_wait3A_370, %dma_wait3A_371] : memref<8192x512xf32, #tpu.memory_space<hbm>> -> memref<8192x512xf32, #tpu.memory_space<hbm>>
        tpu.wait_indirect_dma semaphore(%arg12 : memref<!tpu.dma_semaphore, #tpu.memory_space<semaphore_mem>>) src(%dma_wait3A_372 : memref<8192x512xf32, #tpu.memory_space<hbm>>) dst(%arg10 : memref<64x512xf32, #tpu.memory_space<vmem>>)
        %add3A_373 = arith.addi %mul3A_2, %add3A_336 : i32
        %dma_start3A_374 = arith.constant 0 : i32
        %dma_start3A_375 = tpu.memref_slice %arg4[%add3A_373, %dma_start3A_374] : memref<65536x512xf32, #tpu.memory_space<hbm>> -> memref<64x512xf32, #tpu.memory_space<hbm>>
        %dma_start3A_376 = arith.constant 0 : i32
        %dma_start3A_377 = tpu.memref_slice %arg4[%add3A_373, %dma_start3A_376] : memref<65536x512xf32, #tpu.memory_space<hbm>> -> memref<64x512xf32, #tpu.memory_space<hbm>>
        tpu.enqueue_dma source(%arg10 : memref<64x512xf32, #tpu.memory_space<vmem>>) target(%dma_start3A_377 : memref<64x512xf32, #tpu.memory_space<hbm>>) target_semaphore(%arg14 : memref<!tpu.dma_semaphore, #tpu.memory_space<semaphore_mem>>)
      } else {
      }
      %add3A_360 = arith.addi %mul3A_2, %add3A_334 : i32
      %dma_wait3A_361 = arith.constant 0 : i32
      %dma_wait3A_362 = tpu.memref_slice %arg4[%add3A_360, %dma_wait3A_361] : memref<65536x512xf32, #tpu.memory_space<hbm>> -> memref<64x512xf32, #tpu.memory_space<hbm>>
      %dma_wait3A_363 = arith.constant 0 : i32
      %dma_wait3A_364 = tpu.memref_slice %arg4[%add3A_360, %dma_wait3A_363] : memref<65536x512xf32, #tpu.memory_space<hbm>> -> memref<64x512xf32, #tpu.memory_space<hbm>>
      tpu.wait_dma2 semaphore(%arg13 : memref<!tpu.dma_semaphore, #tpu.memory_space<semaphore_mem>>) src(%arg9 : memref<64x512xf32, #tpu.memory_space<vmem>>) dst(%dma_wait3A_364 : memref<64x512xf32, #tpu.memory_space<hbm>>)
      %convert_element_type3A_365 = arith.extui %lt3A : i1 to i32
      %cond3A_366 = arith.constant 0 : i32
      %cond3A_367 = arith.cmpi ne, %convert_element_type3A_365, %cond3A_366 : i32
      scf.if %cond3A_367 {
        %add3A_369 = arith.addi %mul3A_2, %add3A_336 : i32
        %dma_wait3A_370 = arith.constant 0 : i32
        %dma_wait3A_371 = tpu.memref_slice %arg4[%add3A_369, %dma_wait3A_370] : memref<65536x512xf32, #tpu.memory_space<hbm>> -> memref<64x512xf32, #tpu.memory_space<hbm>>
        %dma_wait3A_372 = arith.constant 0 : i32
        %dma_wait3A_373 = tpu.memref_slice %arg4[%add3A_369, %dma_wait3A_372] : memref<65536x512xf32, #tpu.memory_space<hbm>> -> memref<64x512xf32, #tpu.memory_space<hbm>>
        tpu.wait_dma2 semaphore(%arg14 : memref<!tpu.dma_semaphore, #tpu.memory_space<semaphore_mem>>) src(%arg10 : memref<64x512xf32, #tpu.memory_space<vmem>>) dst(%dma_wait3A_373 : memref<64x512xf32, #tpu.memory_space<hbm>>)
      } else {
      }
      %while3A_368 = arith.constant 0 : i32
      scf.yield %while3A_368 : i32
    }
    %while3A_238 = arith.constant 1 : i32
    %while3A_239 = scf.for %while3A_327 = %while3A_235 to %while3A_231 step %while3A_238 iter_args(%while3A_328 = %while3A_237) -> (i32)  : i32 {
      %mul3A_329 = arith.constant 2 : i32
      %mul3A_330 = arith.muli %mul3A_329, %while3A_327 : i32
      %mul3A_331 = arith.constant 64 : i32
      %mul3A_332 = arith.muli %mul3A_330, %mul3A_331 : i32
      %add3A_333 = arith.constant 1024 : i32
      %add3A_334 = arith.addi %add3A_333, %mul3A_332 : i32
      %add3A_335 = arith.constant 64 : i32
      %add3A_336 = arith.addi %add3A_334, %add3A_335 : i32
      %mul3A_337 = arith.constant 2 : i32
      %mul3A_338 = arith.muli %mul3A_337, %while3A_327 : i32
      %add3A_339 = arith.constant 1 : i32
      %add3A_340 = arith.addi %mul3A_338, %add3A_339 : i32
      %sub3A_341 = arith.constant 1 : i32
      %sub3A_342 = arith.subi %select_n3A_197, %sub3A_341 : i32
      %lt3A = arith.cmpi slt, %add3A_340, %sub3A_342 : i32
      %dma_start3A = tpu.memref_slice %arg7[%add3A_334] : memref<2048xi32, #tpu.memory_space<vmem>> -> memref<64xi32, #tpu.memory_space<vmem>>
      %dma_start3A_343 = arith.constant 0 : i32
      %dma_start3A_344 = arith.constant 0 : i32
      %dma_start3A_345 = tpu.memref_slice %arg2[%dma_start3A_343, %dma_start3A_344] : memref<8192x512xf32, #tpu.memory_space<hbm>> -> memref<8192x512xf32, #tpu.memory_space<hbm>>
      tpu.enqueue_indirect_dma source(%dma_start3A_345 : memref<8192x512xf32, #tpu.memory_space<hbm>>) target(%arg9 : memref<64x512xf32, #tpu.memory_space<vmem>>) offsets(%dma_start3A : memref<64xi32, #tpu.memory_space<vmem>>) semaphore(%arg11 : memref<!tpu.dma_semaphore, #tpu.memory_space<semaphore_mem>>)
      %convert_element_type3A_346 = arith.extui %lt3A : i1 to i32
      %cond3A_347 = arith.constant 0 : i32
      %cond3A_348 = arith.cmpi ne, %convert_element_type3A_346, %cond3A_347 : i32
      scf.if %cond3A_348 {
        %dma_start3A_369 = tpu.memref_slice %arg7[%add3A_336] : memref<2048xi32, #tpu.memory_space<vmem>> -> memref<64xi32, #tpu.memory_space<vmem>>
        %dma_start3A_370 = arith.constant 0 : i32
        %dma_start3A_371 = arith.constant 0 : i32
        %dma_start3A_372 = tpu.memref_slice %arg2[%dma_start3A_370, %dma_start3A_371] : memref<8192x512xf32, #tpu.memory_space<hbm>> -> memref<8192x512xf32, #tpu.memory_space<hbm>>
        tpu.enqueue_indirect_dma source(%dma_start3A_372 : memref<8192x512xf32, #tpu.memory_space<hbm>>) target(%arg10 : memref<64x512xf32, #tpu.memory_space<vmem>>) offsets(%dma_start3A_369 : memref<64xi32, #tpu.memory_space<vmem>>) semaphore(%arg12 : memref<!tpu.dma_semaphore, #tpu.memory_space<semaphore_mem>>)
      } else {
      }
      %dma_wait3A = tpu.memref_slice %arg7[%add3A_334] : memref<2048xi32, #tpu.memory_space<vmem>> -> memref<64xi32, #tpu.memory_space<vmem>>
      %dma_wait3A_349 = arith.constant 0 : i32
      %dma_wait3A_350 = arith.constant 0 : i32
      %dma_wait3A_351 = tpu.memref_slice %arg2[%dma_wait3A_349, %dma_wait3A_350] : memref<8192x512xf32, #tpu.memory_space<hbm>> -> memref<8192x512xf32, #tpu.memory_space<hbm>>
      tpu.wait_indirect_dma semaphore(%arg11 : memref<!tpu.dma_semaphore, #tpu.memory_space<semaphore_mem>>) src(%dma_wait3A_351 : memref<8192x512xf32, #tpu.memory_space<hbm>>) dst(%arg9 : memref<64x512xf32, #tpu.memory_space<vmem>>)
      %add3A_352 = arith.addi %mul3A_2, %add3A_334 : i32
      %dma_start3A_353 = arith.constant 0 : i32
      %dma_start3A_354 = tpu.memref_slice %arg4[%add3A_352, %dma_start3A_353] : memref<65536x512xf32, #tpu.memory_space<hbm>> -> memref<64x512xf32, #tpu.memory_space<hbm>>
      %dma_start3A_355 = arith.constant 0 : i32
      %dma_start3A_356 = tpu.memref_slice %arg4[%add3A_352, %dma_start3A_355] : memref<65536x512xf32, #tpu.memory_space<hbm>> -> memref<64x512xf32, #tpu.memory_space<hbm>>
      tpu.enqueue_dma source(%arg9 : memref<64x512xf32, #tpu.memory_space<vmem>>) target(%dma_start3A_356 : memref<64x512xf32, #tpu.memory_space<hbm>>) target_semaphore(%arg13 : memref<!tpu.dma_semaphore, #tpu.memory_space<semaphore_mem>>)
      %convert_element_type3A_357 = arith.extui %lt3A : i1 to i32
      %cond3A_358 = arith.constant 0 : i32
      %cond3A_359 = arith.cmpi ne, %convert_element_type3A_357, %cond3A_358 : i32
      scf.if %cond3A_359 {
        %dma_wait3A_369 = tpu.memref_slice %arg7[%add3A_336] : memref<2048xi32, #tpu.memory_space<vmem>> -> memref<64xi32, #tpu.memory_space<vmem>>
        %dma_wait3A_370 = arith.constant 0 : i32
        %dma_wait3A_371 = arith.constant 0 : i32
        %dma_wait3A_372 = tpu.memref_slice %arg2[%dma_wait3A_370, %dma_wait3A_371] : memref<8192x512xf32, #tpu.memory_space<hbm>> -> memref<8192x512xf32, #tpu.memory_space<hbm>>
        tpu.wait_indirect_dma semaphore(%arg12 : memref<!tpu.dma_semaphore, #tpu.memory_space<semaphore_mem>>) src(%dma_wait3A_372 : memref<8192x512xf32, #tpu.memory_space<hbm>>) dst(%arg10 : memref<64x512xf32, #tpu.memory_space<vmem>>)
        %add3A_373 = arith.addi %mul3A_2, %add3A_336 : i32
        %dma_start3A_374 = arith.constant 0 : i32
        %dma_start3A_375 = tpu.memref_slice %arg4[%add3A_373, %dma_start3A_374] : memref<65536x512xf32, #tpu.memory_space<hbm>> -> memref<64x512xf32, #tpu.memory_space<hbm>>
        %dma_start3A_376 = arith.constant 0 : i32
        %dma_start3A_377 = tpu.memref_slice %arg4[%add3A_373, %dma_start3A_376] : memref<65536x512xf32, #tpu.memory_space<hbm>> -> memref<64x512xf32, #tpu.memory_space<hbm>>
        tpu.enqueue_dma source(%arg10 : memref<64x512xf32, #tpu.memory_space<vmem>>) target(%dma_start3A_377 : memref<64x512xf32, #tpu.memory_space<hbm>>) target_semaphore(%arg14 : memref<!tpu.dma_semaphore, #tpu.memory_space<semaphore_mem>>)
      } else {
      }
      %add3A_360 = arith.addi %mul3A_2, %add3A_334 : i32
      %dma_wait3A_361 = arith.constant 0 : i32
      %dma_wait3A_362 = tpu.memref_slice %arg4[%add3A_360, %dma_wait3A_361] : memref<65536x512xf32, #tpu.memory_space<hbm>> -> memref<64x512xf32, #tpu.memory_space<hbm>>
      %dma_wait3A_363 = arith.constant 0 : i32
      %dma_wait3A_364 = tpu.memref_slice %arg4[%add3A_360, %dma_wait3A_363] : memref<65536x512xf32, #tpu.memory_space<hbm>> -> memref<64x512xf32, #tpu.memory_space<hbm>>
      tpu.wait_dma2 semaphore(%arg13 : memref<!tpu.dma_semaphore, #tpu.memory_space<semaphore_mem>>) src(%arg9 : memref<64x512xf32, #tpu.memory_space<vmem>>) dst(%dma_wait3A_364 : memref<64x512xf32, #tpu.memory_space<hbm>>)
      %convert_element_type3A_365 = arith.extui %lt3A : i1 to i32
      %cond3A_366 = arith.constant 0 : i32
      %cond3A_367 = arith.cmpi ne, %convert_element_type3A_365, %cond3A_366 : i32
      scf.if %cond3A_367 {
        %add3A_369 = arith.addi %mul3A_2, %add3A_336 : i32
        %dma_wait3A_370 = arith.constant 0 : i32
        %dma_wait3A_371 = tpu.memref_slice %arg4[%add3A_369, %dma_wait3A_370] : memref<65536x512xf32, #tpu.memory_space<hbm>> -> memref<64x512xf32, #tpu.memory_space<hbm>>
        %dma_wait3A_372 = arith.constant 0 : i32
        %dma_wait3A_373 = tpu.memref_slice %arg4[%add3A_369, %dma_wait3A_372] : memref<65536x512xf32, #tpu.memory_space<hbm>> -> memref<64x512xf32, #tpu.memory_space<hbm>>
        tpu.wait_dma2 semaphore(%arg14 : memref<!tpu.dma_semaphore, #tpu.memory_space<semaphore_mem>>) src(%arg10 : memref<64x512xf32, #tpu.memory_space<vmem>>) dst(%dma_wait3A_373 : memref<64x512xf32, #tpu.memory_space<hbm>>)
      } else {
      }
      %while3A_368 = arith.constant 0 : i32
      scf.yield %while3A_368 : i32
    }
    %gt3A_240 = arith.constant 0 : i32
    %gt3A_241 = arith.cmpi sgt, %select_n3A_197, %gt3A_240 : i32
    %convert_element_type3A_242 = arith.extui %gt3A_241 : i1 to i32
    %cond3A_243 = arith.constant 0 : i32
    %cond3A_244 = arith.cmpi ne, %convert_element_type3A_242, %cond3A_243 : i32
    scf.if %cond3A_244 {
      %sub3A_327 = arith.constant 1 : i32
      %sub3A_328 = arith.subi %select_n3A_197, %sub3A_327 : i32
      %mul3A_329 = arith.constant 64 : i32
      %mul3A_330 = arith.muli %sub3A_328, %mul3A_329 : i32
      %add3A_331 = arith.constant 1024 : i32
      %add3A_332 = arith.addi %add3A_331, %mul3A_330 : i32
      %scan3A_333 = arith.constant 0 : i32
      %scan3A_334 = arith.constant 4 : i32
      %scan3A_335 = arith.addi %scan3A_333, %scan3A_334 : i32
      %scan3A_336 = arith.constant 1 : i32
      scf.for %scan3A_360 = %scan3A_333 to %scan3A_335 step %scan3A_336  : i32 {
        %mul3A_361 = arith.constant 16 : i32
        %mul3A_362 = arith.muli %scan3A_360, %mul3A_361 : i32
        %add3A_363 = arith.constant 0 : i32
        %add3A_364 = arith.addi %add3A_363, %mul3A_362 : i32
        %add3A_365 = arith.addi %add3A_332, %add3A_364 : i32
        %get3A = arith.index_cast %add3A_365 : i32 to index
        %get3A_366 = tpu.vector_load %arg7[%get3A] {strides = array<i32>} : memref<2048xi32, #tpu.memory_space<vmem>>, vector<16xi32>,
        %add3A_367 = arith.addi %mul3A_2, %add3A_332 : i32
        %add3A_368 = arith.addi %add3A_367, %add3A_364 : i32
        %iota3A = tpu.iota {dimensions = array<i32: 0>} : vector<16xi32>
        %add3A_369 = vector.broadcast %add3A_368 : i32 to vector<16xi32>
        %add3A_370 = arith.addi %add3A_369, %iota3A : vector<16xi32>
        %and3A_371 = arith.constant 8191 : i32
        %and3A_372 = vector.broadcast %and3A_371 : i32 to vector<16xi32>
        %and3A_373 = arith.andi %add3A_370, %and3A_372 : vector<16xi32>
        %lt3A = arith.constant 8192 : i32
        %lt3A_374 = vector.broadcast %lt3A : i32 to vector<16xi32>
        %lt3A_375 = arith.cmpi slt, %get3A_366, %lt3A_374 : vector<16xi32>
        %select_n3A_376 = arith.select %lt3A_375, %get3A_366, %and3A_373 : vector<16xi1>, vector<16xi32>
        %swap3A = arith.index_cast %add3A_364 : i32 to index
        %swap3A_377 = tpu.vector_load %arg8[%swap3A] {strides = array<i32>} : memref<64xi32, #tpu.memory_space<vmem>>, vector<16xi32>,
        tpu.vector_store %arg8[%swap3A], %select_n3A_376 {strides = array<i32>} : memref<64xi32, #tpu.memory_space<vmem>>, vector<16xi32>,
      }
      %scan3A_337 = arith.constant 4 : i32
      %dma_start3A = arith.constant 0 : i32
      %dma_start3A_338 = arith.constant 0 : i32
      %dma_start3A_339 = tpu.memref_slice %arg2[%dma_start3A, %dma_start3A_338] : memref<8192x512xf32, #tpu.memory_space<hbm>> -> memref<8192x512xf32, #tpu.memory_space<hbm>>
      tpu.enqueue_indirect_dma source(%dma_start3A_339 : memref<8192x512xf32, #tpu.memory_space<hbm>>) target(%arg9 : memref<64x512xf32, #tpu.memory_space<vmem>>) offsets(%arg8 : memref<64xi32, #tpu.memory_space<vmem>>) semaphore(%arg11 : memref<!tpu.dma_semaphore, #tpu.memory_space<semaphore_mem>>)
      %dma_wait3A = arith.constant 0 : i32
      %dma_wait3A_340 = arith.constant 0 : i32
      %dma_wait3A_341 = tpu.memref_slice %arg2[%dma_wait3A, %dma_wait3A_340] : memref<8192x512xf32, #tpu.memory_space<hbm>> -> memref<8192x512xf32, #tpu.memory_space<hbm>>
      tpu.wait_indirect_dma semaphore(%arg11 : memref<!tpu.dma_semaphore, #tpu.memory_space<semaphore_mem>>) src(%dma_wait3A_341 : memref<8192x512xf32, #tpu.memory_space<hbm>>) dst(%arg9 : memref<64x512xf32, #tpu.memory_space<vmem>>)
      %sub3A_342 = arith.constant 1 : i32
      %sub3A_343 = arith.subi %select_n3A_197, %sub3A_342 : i32
      %mul3A_344 = arith.constant 64 : i32
      %mul3A_345 = arith.muli %sub3A_343, %mul3A_344 : i32
      %sub3A_346 = arith.subi %scan3A_168, %mul3A_345 : i32
      %while3A_347 = arith.constant 64 : i32
      %while3A_348 = arith.constant 0 : i32
      %while3A_349 = arith.subi %while3A_347, %sub3A_346 : i32
      %while3A_350 = arith.addi %sub3A_346, %while3A_349 : i32
      %while3A_351 = arith.constant 1 : i32
      %while3A_352 = arith.divsi %while3A_349, %while3A_351 : i32
      %while3A_353 = arith.muli %while3A_352, %while3A_351 : i32
      %while3A_354 = arith.addi %sub3A_346, %while3A_353 : i32
      %while3A_355 = arith.constant 1 : i32
      %while3A_356 = scf.for %while3A_360 = %sub3A_346 to %while3A_354 step %while3A_355 iter_args(%while3A_361 = %while3A_348) -> (i32)  : i32 {
        %broadcast_in_dim3A = arith.constant 0.000000e+00 : f32
        %broadcast_in_dim3A_362 = vector.broadcast %broadcast_in_dim3A : f32 to vector<16xf32>
        %swap3A = arith.index_cast %while3A_360 : i32 to index
        %swap3A_363 = arith.constant 0 : index
        %swap3A_364 = tpu.vector_load %arg9[%swap3A, %swap3A_363] {strides = array<i32>} : memref<64x512xf32, #tpu.memory_space<vmem>>, vector<16xf32>,
        tpu.vector_store %arg9[%swap3A, %swap3A_363], %broadcast_in_dim3A_362 {strides = array<i32>} : memref<64x512xf32, #tpu.memory_space<vmem>>, vector<16xf32>,
        %broadcast_in_dim3A_365 = arith.constant 0.000000e+00 : f32
        %broadcast_in_dim3A_366 = vector.broadcast %broadcast_in_dim3A_365 : f32 to vector<16xf32>
        %swap3A_367 = arith.index_cast %while3A_360 : i32 to index
        %swap3A_368 = arith.constant 16 : index
        %swap3A_369 = tpu.vector_load %arg9[%swap3A_367, %swap3A_368] {strides = array<i32>} : memref<64x512xf32, #tpu.memory_space<vmem>>, vector<16xf32>,
        tpu.vector_store %arg9[%swap3A_367, %swap3A_368], %broadcast_in_dim3A_366 {strides = array<i32>} : memref<64x512xf32, #tpu.memory_space<vmem>>, vector<16xf32>,
        %broadcast_in_dim3A_370 = arith.constant 0.000000e+00 : f32
        %broadcast_in_dim3A_371 = vector.broadcast %broadcast_in_dim3A_370 : f32 to vector<16xf32>
        %swap3A_372 = arith.index_cast %while3A_360 : i32 to index
        %swap3A_373 = arith.constant 32 : index
        %swap3A_374 = tpu.vector_load %arg9[%swap3A_372, %swap3A_373] {strides = array<i32>} : memref<64x512xf32, #tpu.memory_space<vmem>>, vector<16xf32>,
        tpu.vector_store %arg9[%swap3A_372, %swap3A_373], %broadcast_in_dim3A_371 {strides = array<i32>} : memref<64x512xf32, #tpu.memory_space<vmem>>, vector<16xf32>,
        %broadcast_in_dim3A_375 = arith.constant 0.000000e+00 : f32
        %broadcast_in_dim3A_376 = vector.broadcast %broadcast_in_dim3A_375 : f32 to vector<16xf32>
        %swap3A_377 = arith.index_cast %while3A_360 : i32 to index
        %swap3A_378 = arith.constant 48 : index
        %swap3A_379 = tpu.vector_load %arg9[%swap3A_377, %swap3A_378] {strides = array<i32>} : memref<64x512xf32, #tpu.memory_space<vmem>>, vector<16xf32>,
        tpu.vector_store %arg9[%swap3A_377, %swap3A_378], %broadcast_in_dim3A_376 {strides = array<i32>} : memref<64x512xf32, #tpu.memory_space<vmem>>, vector<16xf32>,
        %broadcast_in_dim3A_380 = arith.constant 0.000000e+00 : f32
        %broadcast_in_dim3A_381 = vector.broadcast %broadcast_in_dim3A_380 : f32 to vector<16xf32>
        %swap3A_382 = arith.index_cast %while3A_360 : i32 to index
        %swap3A_383 = arith.constant 64 : index
        %swap3A_384 = tpu.vector_load %arg9[%swap3A_382, %swap3A_383] {strides = array<i32>} : memref<64x512xf32, #tpu.memory_space<vmem>>, vector<16xf32>,
        tpu.vector_store %arg9[%swap3A_382, %swap3A_383], %broadcast_in_dim3A_381 {strides = array<i32>} : memref<64x512xf32, #tpu.memory_space<vmem>>, vector<16xf32>,
        %broadcast_in_dim3A_385 = arith.constant 0.000000e+00 : f32
        %broadcast_in_dim3A_386 = vector.broadcast %broadcast_in_dim3A_385 : f32 to vector<16xf32>
        %swap3A_387 = arith.index_cast %while3A_360 : i32 to index
        %swap3A_388 = arith.constant 80 : index
        %swap3A_389 = tpu.vector_load %arg9[%swap3A_387, %swap3A_388] {strides = array<i32>} : memref<64x512xf32, #tpu.memory_space<vmem>>, vector<16xf32>,
        tpu.vector_store %arg9[%swap3A_387, %swap3A_388], %broadcast_in_dim3A_386 {strides = array<i32>} : memref<64x512xf32, #tpu.memory_space<vmem>>, vector<16xf32>,
        %broadcast_in_dim3A_390 = arith.constant 0.000000e+00 : f32
        %broadcast_in_dim3A_391 = vector.broadcast %broadcast_in_dim3A_390 : f32 to vector<16xf32>
        %swap3A_392 = arith.index_cast %while3A_360 : i32 to index
        %swap3A_393 = arith.constant 96 : index
        %swap3A_394 = tpu.vector_load %arg9[%swap3A_392, %swap3A_393] {strides = array<i32>} : memref<64x512xf32, #tpu.memory_space<vmem>>, vector<16xf32>,
        tpu.vector_store %arg9[%swap3A_392, %swap3A_393], %broadcast_in_dim3A_391 {strides = array<i32>} : memref<64x512xf32, #tpu.memory_space<vmem>>, vector<16xf32>,
        %broadcast_in_dim3A_395 = arith.constant 0.000000e+00 : f32
        %broadcast_in_dim3A_396 = vector.broadcast %broadcast_in_dim3A_395 : f32 to vector<16xf32>
        %swap3A_397 = arith.index_cast %while3A_360 : i32 to index
        %swap3A_398 = arith.constant 112 : index
        %swap3A_399 = tpu.vector_load %arg9[%swap3A_397, %swap3A_398] {strides = array<i32>} : memref<64x512xf32, #tpu.memory_space<vmem>>, vector<16xf32>,
        tpu.vector_store %arg9[%swap3A_397, %swap3A_398], %broadcast_in_dim3A_396 {strides = array<i32>} : memref<64x512xf32, #tpu.memory_space<vmem>>, vector<16xf32>,
        %broadcast_in_dim3A_400 = arith.constant 0.000000e+00 : f32
        %broadcast_in_dim3A_401 = vector.broadcast %broadcast_in_dim3A_400 : f32 to vector<16xf32>
        %swap3A_402 = arith.index_cast %while3A_360 : i32 to index
        %swap3A_403 = arith.constant 128 : index
        %swap3A_404 = tpu.vector_load %arg9[%swap3A_402, %swap3A_403] {strides = array<i32>} : memref<64x512xf32, #tpu.memory_space<vmem>>, vector<16xf32>,
        tpu.vector_store %arg9[%swap3A_402, %swap3A_403], %broadcast_in_dim3A_401 {strides = array<i32>} : memref<64x512xf32, #tpu.memory_space<vmem>>, vector<16xf32>,
        %broadcast_in_dim3A_405 = arith.constant 0.000000e+00 : f32
        %broadcast_in_dim3A_406 = vector.broadcast %broadcast_in_dim3A_405 : f32 to vector<16xf32>
        %swap3A_407 = arith.index_cast %while3A_360 : i32 to index
        %swap3A_408 = arith.constant 144 : index
        %swap3A_409 = tpu.vector_load %arg9[%swap3A_407, %swap3A_408] {strides = array<i32>} : memref<64x512xf32, #tpu.memory_space<vmem>>, vector<16xf32>,
        tpu.vector_store %arg9[%swap3A_407, %swap3A_408], %broadcast_in_dim3A_406 {strides = array<i32>} : memref<64x512xf32, #tpu.memory_space<vmem>>, vector<16xf32>,
        %broadcast_in_dim3A_410 = arith.constant 0.000000e+00 : f32
        %broadcast_in_dim3A_411 = vector.broadcast %broadcast_in_dim3A_410 : f32 to vector<16xf32>
        %swap3A_412 = arith.index_cast %while3A_360 : i32 to index
        %swap3A_413 = arith.constant 160 : index
        %swap3A_414 = tpu.vector_load %arg9[%swap3A_412, %swap3A_413] {strides = array<i32>} : memref<64x512xf32, #tpu.memory_space<vmem>>, vector<16xf32>,
        tpu.vector_store %arg9[%swap3A_412, %swap3A_413], %broadcast_in_dim3A_411 {strides = array<i32>} : memref<64x512xf32, #tpu.memory_space<vmem>>, vector<16xf32>,
        %broadcast_in_dim3A_415 = arith.constant 0.000000e+00 : f32
        %broadcast_in_dim3A_416 = vector.broadcast %broadcast_in_dim3A_415 : f32 to vector<16xf32>
        %swap3A_417 = arith.index_cast %while3A_360 : i32 to index
        %swap3A_418 = arith.constant 176 : index
        %swap3A_419 = tpu.vector_load %arg9[%swap3A_417, %swap3A_418] {strides = array<i32>} : memref<64x512xf32, #tpu.memory_space<vmem>>, vector<16xf32>,
        tpu.vector_store %arg9[%swap3A_417, %swap3A_418], %broadcast_in_dim3A_416 {strides = array<i32>} : memref<64x512xf32, #tpu.memory_space<vmem>>, vector<16xf32>,
        %broadcast_in_dim3A_420 = arith.constant 0.000000e+00 : f32
        %broadcast_in_dim3A_421 = vector.broadcast %broadcast_in_dim3A_420 : f32 to vector<16xf32>
        %swap3A_422 = arith.index_cast %while3A_360 : i32 to index
        %swap3A_423 = arith.constant 192 : index
        %swap3A_424 = tpu.vector_load %arg9[%swap3A_422, %swap3A_423] {strides = array<i32>} : memref<64x512xf32, #tpu.memory_space<vmem>>, vector<16xf32>,
        tpu.vector_store %arg9[%swap3A_422, %swap3A_423], %broadcast_in_dim3A_421 {strides = array<i32>} : memref<64x512xf32, #tpu.memory_space<vmem>>, vector<16xf32>,
        %broadcast_in_dim3A_425 = arith.constant 0.000000e+00 : f32
        %broadcast_in_dim3A_426 = vector.broadcast %broadcast_in_dim3A_425 : f32 to vector<16xf32>
        %swap3A_427 = arith.index_cast %while3A_360 : i32 to index
        %swap3A_428 = arith.constant 208 : index
        %swap3A_429 = tpu.vector_load %arg9[%swap3A_427, %swap3A_428] {strides = array<i32>} : memref<64x512xf32, #tpu.memory_space<vmem>>, vector<16xf32>,
        tpu.vector_store %arg9[%swap3A_427, %swap3A_428], %broadcast_in_dim3A_426 {strides = array<i32>} : memref<64x512xf32, #tpu.memory_space<vmem>>, vector<16xf32>,
        %broadcast_in_dim3A_430 = arith.constant 0.000000e+00 : f32
        %broadcast_in_dim3A_431 = vector.broadcast %broadcast_in_dim3A_430 : f32 to vector<16xf32>
        %swap3A_432 = arith.index_cast %while3A_360 : i32 to index
        %swap3A_433 = arith.constant 224 : index
        %swap3A_434 = tpu.vector_load %arg9[%swap3A_432, %swap3A_433] {strides = array<i32>} : memref<64x512xf32, #tpu.memory_space<vmem>>, vector<16xf32>,
        tpu.vector_store %arg9[%swap3A_432, %swap3A_433], %broadcast_in_dim3A_431 {strides = array<i32>} : memref<64x512xf32, #tpu.memory_space<vmem>>, vector<16xf32>,
        %broadcast_in_dim3A_435 = arith.constant 0.000000e+00 : f32
        %broadcast_in_dim3A_436 = vector.broadcast %broadcast_in_dim3A_435 : f32 to vector<16xf32>
        %swap3A_437 = arith.index_cast %while3A_360 : i32 to index
        %swap3A_438 = arith.constant 240 : index
        %swap3A_439 = tpu.vector_load %arg9[%swap3A_437, %swap3A_438] {strides = array<i32>} : memref<64x512xf32, #tpu.memory_space<vmem>>, vector<16xf32>,
        tpu.vector_store %arg9[%swap3A_437, %swap3A_438], %broadcast_in_dim3A_436 {strides = array<i32>} : memref<64x512xf32, #tpu.memory_space<vmem>>, vector<16xf32>,
        %broadcast_in_dim3A_440 = arith.constant 0.000000e+00 : f32
        %broadcast_in_dim3A_441 = vector.broadcast %broadcast_in_dim3A_440 : f32 to vector<16xf32>
        %swap3A_442 = arith.index_cast %while3A_360 : i32 to index
        %swap3A_443 = arith.constant 256 : index
        %swap3A_444 = tpu.vector_load %arg9[%swap3A_442, %swap3A_443] {strides = array<i32>} : memref<64x512xf32, #tpu.memory_space<vmem>>, vector<16xf32>,
        tpu.vector_store %arg9[%swap3A_442, %swap3A_443], %broadcast_in_dim3A_441 {strides = array<i32>} : memref<64x512xf32, #tpu.memory_space<vmem>>, vector<16xf32>,
        %broadcast_in_dim3A_445 = arith.constant 0.000000e+00 : f32
        %broadcast_in_dim3A_446 = vector.broadcast %broadcast_in_dim3A_445 : f32 to vector<16xf32>
        %swap3A_447 = arith.index_cast %while3A_360 : i32 to index
        %swap3A_448 = arith.constant 272 : index
        %swap3A_449 = tpu.vector_load %arg9[%swap3A_447, %swap3A_448] {strides = array<i32>} : memref<64x512xf32, #tpu.memory_space<vmem>>, vector<16xf32>,
        tpu.vector_store %arg9[%swap3A_447, %swap3A_448], %broadcast_in_dim3A_446 {strides = array<i32>} : memref<64x512xf32, #tpu.memory_space<vmem>>, vector<16xf32>,
        %broadcast_in_dim3A_450 = arith.constant 0.000000e+00 : f32
        %broadcast_in_dim3A_451 = vector.broadcast %broadcast_in_dim3A_450 : f32 to vector<16xf32>
        %swap3A_452 = arith.index_cast %while3A_360 : i32 to index
        %swap3A_453 = arith.constant 288 : index
        %swap3A_454 = tpu.vector_load %arg9[%swap3A_452, %swap3A_453] {strides = array<i32>} : memref<64x512xf32, #tpu.memory_space<vmem>>, vector<16xf32>,
        tpu.vector_store %arg9[%swap3A_452, %swap3A_453], %broadcast_in_dim3A_451 {strides = array<i32>} : memref<64x512xf32, #tpu.memory_space<vmem>>, vector<16xf32>,
        %broadcast_in_dim3A_455 = arith.constant 0.000000e+00 : f32
        %broadcast_in_dim3A_456 = vector.broadcast %broadcast_in_dim3A_455 : f32 to vector<16xf32>
        %swap3A_457 = arith.index_cast %while3A_360 : i32 to index
        %swap3A_458 = arith.constant 304 : index
        %swap3A_459 = tpu.vector_load %arg9[%swap3A_457, %swap3A_458] {strides = array<i32>} : memref<64x512xf32, #tpu.memory_space<vmem>>, vector<16xf32>,
        tpu.vector_store %arg9[%swap3A_457, %swap3A_458], %broadcast_in_dim3A_456 {strides = array<i32>} : memref<64x512xf32, #tpu.memory_space<vmem>>, vector<16xf32>,
        %broadcast_in_dim3A_460 = arith.constant 0.000000e+00 : f32
        %broadcast_in_dim3A_461 = vector.broadcast %broadcast_in_dim3A_460 : f32 to vector<16xf32>
        %swap3A_462 = arith.index_cast %while3A_360 : i32 to index
        %swap3A_463 = arith.constant 320 : index
        %swap3A_464 = tpu.vector_load %arg9[%swap3A_462, %swap3A_463] {strides = array<i32>} : memref<64x512xf32, #tpu.memory_space<vmem>>, vector<16xf32>,
        tpu.vector_store %arg9[%swap3A_462, %swap3A_463], %broadcast_in_dim3A_461 {strides = array<i32>} : memref<64x512xf32, #tpu.memory_space<vmem>>, vector<16xf32>,
        %broadcast_in_dim3A_465 = arith.constant 0.000000e+00 : f32
        %broadcast_in_dim3A_466 = vector.broadcast %broadcast_in_dim3A_465 : f32 to vector<16xf32>
        %swap3A_467 = arith.index_cast %while3A_360 : i32 to index
        %swap3A_468 = arith.constant 336 : index
        %swap3A_469 = tpu.vector_load %arg9[%swap3A_467, %swap3A_468] {strides = array<i32>} : memref<64x512xf32, #tpu.memory_space<vmem>>, vector<16xf32>,
        tpu.vector_store %arg9[%swap3A_467, %swap3A_468], %broadcast_in_dim3A_466 {strides = array<i32>} : memref<64x512xf32, #tpu.memory_space<vmem>>, vector<16xf32>,
        %broadcast_in_dim3A_470 = arith.constant 0.000000e+00 : f32
        %broadcast_in_dim3A_471 = vector.broadcast %broadcast_in_dim3A_470 : f32 to vector<16xf32>
        %swap3A_472 = arith.index_cast %while3A_360 : i32 to index
        %swap3A_473 = arith.constant 352 : index
        %swap3A_474 = tpu.vector_load %arg9[%swap3A_472, %swap3A_473] {strides = array<i32>} : memref<64x512xf32, #tpu.memory_space<vmem>>, vector<16xf32>,
        tpu.vector_store %arg9[%swap3A_472, %swap3A_473], %broadcast_in_dim3A_471 {strides = array<i32>} : memref<64x512xf32, #tpu.memory_space<vmem>>, vector<16xf32>,
        %broadcast_in_dim3A_475 = arith.constant 0.000000e+00 : f32
        %broadcast_in_dim3A_476 = vector.broadcast %broadcast_in_dim3A_475 : f32 to vector<16xf32>
        %swap3A_477 = arith.index_cast %while3A_360 : i32 to index
        %swap3A_478 = arith.constant 368 : index
        %swap3A_479 = tpu.vector_load %arg9[%swap3A_477, %swap3A_478] {strides = array<i32>} : memref<64x512xf32, #tpu.memory_space<vmem>>, vector<16xf32>,
        tpu.vector_store %arg9[%swap3A_477, %swap3A_478], %broadcast_in_dim3A_476 {strides = array<i32>} : memref<64x512xf32, #tpu.memory_space<vmem>>, vector<16xf32>,
        %broadcast_in_dim3A_480 = arith.constant 0.000000e+00 : f32
        %broadcast_in_dim3A_481 = vector.broadcast %broadcast_in_dim3A_480 : f32 to vector<16xf32>
        %swap3A_482 = arith.index_cast %while3A_360 : i32 to index
        %swap3A_483 = arith.constant 384 : index
        %swap3A_484 = tpu.vector_load %arg9[%swap3A_482, %swap3A_483] {strides = array<i32>} : memref<64x512xf32, #tpu.memory_space<vmem>>, vector<16xf32>,
        tpu.vector_store %arg9[%swap3A_482, %swap3A_483], %broadcast_in_dim3A_481 {strides = array<i32>} : memref<64x512xf32, #tpu.memory_space<vmem>>, vector<16xf32>,
        %broadcast_in_dim3A_485 = arith.constant 0.000000e+00 : f32
        %broadcast_in_dim3A_486 = vector.broadcast %broadcast_in_dim3A_485 : f32 to vector<16xf32>
        %swap3A_487 = arith.index_cast %while3A_360 : i32 to index
        %swap3A_488 = arith.constant 400 : index
        %swap3A_489 = tpu.vector_load %arg9[%swap3A_487, %swap3A_488] {strides = array<i32>} : memref<64x512xf32, #tpu.memory_space<vmem>>, vector<16xf32>,
        tpu.vector_store %arg9[%swap3A_487, %swap3A_488], %broadcast_in_dim3A_486 {strides = array<i32>} : memref<64x512xf32, #tpu.memory_space<vmem>>, vector<16xf32>,
        %broadcast_in_dim3A_490 = arith.constant 0.000000e+00 : f32
        %broadcast_in_dim3A_491 = vector.broadcast %broadcast_in_dim3A_490 : f32 to vector<16xf32>
        %swap3A_492 = arith.index_cast %while3A_360 : i32 to index
        %swap3A_493 = arith.constant 416 : index
        %swap3A_494 = tpu.vector_load %arg9[%swap3A_492, %swap3A_493] {strides = array<i32>} : memref<64x512xf32, #tpu.memory_space<vmem>>, vector<16xf32>,
        tpu.vector_store %arg9[%swap3A_492, %swap3A_493], %broadcast_in_dim3A_491 {strides = array<i32>} : memref<64x512xf32, #tpu.memory_space<vmem>>, vector<16xf32>,
        %broadcast_in_dim3A_495 = arith.constant 0.000000e+00 : f32
        %broadcast_in_dim3A_496 = vector.broadcast %broadcast_in_dim3A_495 : f32 to vector<16xf32>
        %swap3A_497 = arith.index_cast %while3A_360 : i32 to index
        %swap3A_498 = arith.constant 432 : index
        %swap3A_499 = tpu.vector_load %arg9[%swap3A_497, %swap3A_498] {strides = array<i32>} : memref<64x512xf32, #tpu.memory_space<vmem>>, vector<16xf32>,
        tpu.vector_store %arg9[%swap3A_497, %swap3A_498], %broadcast_in_dim3A_496 {strides = array<i32>} : memref<64x512xf32, #tpu.memory_space<vmem>>, vector<16xf32>,
        %broadcast_in_dim3A_500 = arith.constant 0.000000e+00 : f32
        %broadcast_in_dim3A_501 = vector.broadcast %broadcast_in_dim3A_500 : f32 to vector<16xf32>
        %swap3A_502 = arith.index_cast %while3A_360 : i32 to index
        %swap3A_503 = arith.constant 448 : index
        %swap3A_504 = tpu.vector_load %arg9[%swap3A_502, %swap3A_503] {strides = array<i32>} : memref<64x512xf32, #tpu.memory_space<vmem>>, vector<16xf32>,
        tpu.vector_store %arg9[%swap3A_502, %swap3A_503], %broadcast_in_dim3A_501 {strides = array<i32>} : memref<64x512xf32, #tpu.memory_space<vmem>>, vector<16xf32>,
        %broadcast_in_dim3A_505 = arith.constant 0.000000e+00 : f32
        %broadcast_in_dim3A_506 = vector.broadcast %broadcast_in_dim3A_505 : f32 to vector<16xf32>
        %swap3A_507 = arith.index_cast %while3A_360 : i32 to index
        %swap3A_508 = arith.constant 464 : index
        %swap3A_509 = tpu.vector_load %arg9[%swap3A_507, %swap3A_508] {strides = array<i32>} : memref<64x512xf32, #tpu.memory_space<vmem>>, vector<16xf32>,
        tpu.vector_store %arg9[%swap3A_507, %swap3A_508], %broadcast_in_dim3A_506 {strides = array<i32>} : memref<64x512xf32, #tpu.memory_space<vmem>>, vector<16xf32>,
        %broadcast_in_dim3A_510 = arith.constant 0.000000e+00 : f32
        %broadcast_in_dim3A_511 = vector.broadcast %broadcast_in_dim3A_510 : f32 to vector<16xf32>
        %swap3A_512 = arith.index_cast %while3A_360 : i32 to index
        %swap3A_513 = arith.constant 480 : index
        %swap3A_514 = tpu.vector_load %arg9[%swap3A_512, %swap3A_513] {strides = array<i32>} : memref<64x512xf32, #tpu.memory_space<vmem>>, vector<16xf32>,
        tpu.vector_store %arg9[%swap3A_512, %swap3A_513], %broadcast_in_dim3A_511 {strides = array<i32>} : memref<64x512xf32, #tpu.memory_space<vmem>>, vector<16xf32>,
        %broadcast_in_dim3A_515 = arith.constant 0.000000e+00 : f32
        %broadcast_in_dim3A_516 = vector.broadcast %broadcast_in_dim3A_515 : f32 to vector<16xf32>
        %swap3A_517 = arith.index_cast %while3A_360 : i32 to index
        %swap3A_518 = arith.constant 496 : index
        %swap3A_519 = tpu.vector_load %arg9[%swap3A_517, %swap3A_518] {strides = array<i32>} : memref<64x512xf32, #tpu.memory_space<vmem>>, vector<16xf32>,
        tpu.vector_store %arg9[%swap3A_517, %swap3A_518], %broadcast_in_dim3A_516 {strides = array<i32>} : memref<64x512xf32, #tpu.memory_space<vmem>>, vector<16xf32>,
        %while3A_520 = arith.constant 0 : i32
        scf.yield %while3A_520 : i32
      }
      %while3A_357 = arith.constant 1 : i32
      %while3A_358 = scf.for %while3A_360 = %while3A_354 to %while3A_350 step %while3A_357 iter_args(%while3A_361 = %while3A_356) -> (i32)  : i32 {
        %broadcast_in_dim3A = arith.constant 0.000000e+00 : f32
        %broadcast_in_dim3A_362 = vector.broadcast %broadcast_in_dim3A : f32 to vector<16xf32>
        %swap3A = arith.index_cast %while3A_360 : i32 to index
        %swap3A_363 = arith.constant 0 : index
        %swap3A_364 = tpu.vector_load %arg9[%swap3A, %swap3A_363] {strides = array<i32>} : memref<64x512xf32, #tpu.memory_space<vmem>>, vector<16xf32>,
        tpu.vector_store %arg9[%swap3A, %swap3A_363], %broadcast_in_dim3A_362 {strides = array<i32>} : memref<64x512xf32, #tpu.memory_space<vmem>>, vector<16xf32>,
        %broadcast_in_dim3A_365 = arith.constant 0.000000e+00 : f32
        %broadcast_in_dim3A_366 = vector.broadcast %broadcast_in_dim3A_365 : f32 to vector<16xf32>
        %swap3A_367 = arith.index_cast %while3A_360 : i32 to index
        %swap3A_368 = arith.constant 16 : index
        %swap3A_369 = tpu.vector_load %arg9[%swap3A_367, %swap3A_368] {strides = array<i32>} : memref<64x512xf32, #tpu.memory_space<vmem>>, vector<16xf32>,
        tpu.vector_store %arg9[%swap3A_367, %swap3A_368], %broadcast_in_dim3A_366 {strides = array<i32>} : memref<64x512xf32, #tpu.memory_space<vmem>>, vector<16xf32>,
        %broadcast_in_dim3A_370 = arith.constant 0.000000e+00 : f32
        %broadcast_in_dim3A_371 = vector.broadcast %broadcast_in_dim3A_370 : f32 to vector<16xf32>
        %swap3A_372 = arith.index_cast %while3A_360 : i32 to index
        %swap3A_373 = arith.constant 32 : index
        %swap3A_374 = tpu.vector_load %arg9[%swap3A_372, %swap3A_373] {strides = array<i32>} : memref<64x512xf32, #tpu.memory_space<vmem>>, vector<16xf32>,
        tpu.vector_store %arg9[%swap3A_372, %swap3A_373], %broadcast_in_dim3A_371 {strides = array<i32>} : memref<64x512xf32, #tpu.memory_space<vmem>>, vector<16xf32>,
        %broadcast_in_dim3A_375 = arith.constant 0.000000e+00 : f32
        %broadcast_in_dim3A_376 = vector.broadcast %broadcast_in_dim3A_375 : f32 to vector<16xf32>
        %swap3A_377 = arith.index_cast %while3A_360 : i32 to index
        %swap3A_378 = arith.constant 48 : index
        %swap3A_379 = tpu.vector_load %arg9[%swap3A_377, %swap3A_378] {strides = array<i32>} : memref<64x512xf32, #tpu.memory_space<vmem>>, vector<16xf32>,
        tpu.vector_store %arg9[%swap3A_377, %swap3A_378], %broadcast_in_dim3A_376 {strides = array<i32>} : memref<64x512xf32, #tpu.memory_space<vmem>>, vector<16xf32>,
        %broadcast_in_dim3A_380 = arith.constant 0.000000e+00 : f32
        %broadcast_in_dim3A_381 = vector.broadcast %broadcast_in_dim3A_380 : f32 to vector<16xf32>
        %swap3A_382 = arith.index_cast %while3A_360 : i32 to index
        %swap3A_383 = arith.constant 64 : index
        %swap3A_384 = tpu.vector_load %arg9[%swap3A_382, %swap3A_383] {strides = array<i32>} : memref<64x512xf32, #tpu.memory_space<vmem>>, vector<16xf32>,
        tpu.vector_store %arg9[%swap3A_382, %swap3A_383], %broadcast_in_dim3A_381 {strides = array<i32>} : memref<64x512xf32, #tpu.memory_space<vmem>>, vector<16xf32>,
        %broadcast_in_dim3A_385 = arith.constant 0.000000e+00 : f32
        %broadcast_in_dim3A_386 = vector.broadcast %broadcast_in_dim3A_385 : f32 to vector<16xf32>
        %swap3A_387 = arith.index_cast %while3A_360 : i32 to index
        %swap3A_388 = arith.constant 80 : index
        %swap3A_389 = tpu.vector_load %arg9[%swap3A_387, %swap3A_388] {strides = array<i32>} : memref<64x512xf32, #tpu.memory_space<vmem>>, vector<16xf32>,
        tpu.vector_store %arg9[%swap3A_387, %swap3A_388], %broadcast_in_dim3A_386 {strides = array<i32>} : memref<64x512xf32, #tpu.memory_space<vmem>>, vector<16xf32>,
        %broadcast_in_dim3A_390 = arith.constant 0.000000e+00 : f32
        %broadcast_in_dim3A_391 = vector.broadcast %broadcast_in_dim3A_390 : f32 to vector<16xf32>
        %swap3A_392 = arith.index_cast %while3A_360 : i32 to index
        %swap3A_393 = arith.constant 96 : index
        %swap3A_394 = tpu.vector_load %arg9[%swap3A_392, %swap3A_393] {strides = array<i32>} : memref<64x512xf32, #tpu.memory_space<vmem>>, vector<16xf32>,
        tpu.vector_store %arg9[%swap3A_392, %swap3A_393], %broadcast_in_dim3A_391 {strides = array<i32>} : memref<64x512xf32, #tpu.memory_space<vmem>>, vector<16xf32>,
        %broadcast_in_dim3A_395 = arith.constant 0.000000e+00 : f32
        %broadcast_in_dim3A_396 = vector.broadcast %broadcast_in_dim3A_395 : f32 to vector<16xf32>
        %swap3A_397 = arith.index_cast %while3A_360 : i32 to index
        %swap3A_398 = arith.constant 112 : index
        %swap3A_399 = tpu.vector_load %arg9[%swap3A_397, %swap3A_398] {strides = array<i32>} : memref<64x512xf32, #tpu.memory_space<vmem>>, vector<16xf32>,
        tpu.vector_store %arg9[%swap3A_397, %swap3A_398], %broadcast_in_dim3A_396 {strides = array<i32>} : memref<64x512xf32, #tpu.memory_space<vmem>>, vector<16xf32>,
        %broadcast_in_dim3A_400 = arith.constant 0.000000e+00 : f32
        %broadcast_in_dim3A_401 = vector.broadcast %broadcast_in_dim3A_400 : f32 to vector<16xf32>
        %swap3A_402 = arith.index_cast %while3A_360 : i32 to index
        %swap3A_403 = arith.constant 128 : index
        %swap3A_404 = tpu.vector_load %arg9[%swap3A_402, %swap3A_403] {strides = array<i32>} : memref<64x512xf32, #tpu.memory_space<vmem>>, vector<16xf32>,
        tpu.vector_store %arg9[%swap3A_402, %swap3A_403], %broadcast_in_dim3A_401 {strides = array<i32>} : memref<64x512xf32, #tpu.memory_space<vmem>>, vector<16xf32>,
        %broadcast_in_dim3A_405 = arith.constant 0.000000e+00 : f32
        %broadcast_in_dim3A_406 = vector.broadcast %broadcast_in_dim3A_405 : f32 to vector<16xf32>
        %swap3A_407 = arith.index_cast %while3A_360 : i32 to index
        %swap3A_408 = arith.constant 144 : index
        %swap3A_409 = tpu.vector_load %arg9[%swap3A_407, %swap3A_408] {strides = array<i32>} : memref<64x512xf32, #tpu.memory_space<vmem>>, vector<16xf32>,
        tpu.vector_store %arg9[%swap3A_407, %swap3A_408], %broadcast_in_dim3A_406 {strides = array<i32>} : memref<64x512xf32, #tpu.memory_space<vmem>>, vector<16xf32>,
        %broadcast_in_dim3A_410 = arith.constant 0.000000e+00 : f32
        %broadcast_in_dim3A_411 = vector.broadcast %broadcast_in_dim3A_410 : f32 to vector<16xf32>
        %swap3A_412 = arith.index_cast %while3A_360 : i32 to index
        %swap3A_413 = arith.constant 160 : index
        %swap3A_414 = tpu.vector_load %arg9[%swap3A_412, %swap3A_413] {strides = array<i32>} : memref<64x512xf32, #tpu.memory_space<vmem>>, vector<16xf32>,
        tpu.vector_store %arg9[%swap3A_412, %swap3A_413], %broadcast_in_dim3A_411 {strides = array<i32>} : memref<64x512xf32, #tpu.memory_space<vmem>>, vector<16xf32>,
        %broadcast_in_dim3A_415 = arith.constant 0.000000e+00 : f32
        %broadcast_in_dim3A_416 = vector.broadcast %broadcast_in_dim3A_415 : f32 to vector<16xf32>
        %swap3A_417 = arith.index_cast %while3A_360 : i32 to index
        %swap3A_418 = arith.constant 176 : index
        %swap3A_419 = tpu.vector_load %arg9[%swap3A_417, %swap3A_418] {strides = array<i32>} : memref<64x512xf32, #tpu.memory_space<vmem>>, vector<16xf32>,
        tpu.vector_store %arg9[%swap3A_417, %swap3A_418], %broadcast_in_dim3A_416 {strides = array<i32>} : memref<64x512xf32, #tpu.memory_space<vmem>>, vector<16xf32>,
        %broadcast_in_dim3A_420 = arith.constant 0.000000e+00 : f32
        %broadcast_in_dim3A_421 = vector.broadcast %broadcast_in_dim3A_420 : f32 to vector<16xf32>
        %swap3A_422 = arith.index_cast %while3A_360 : i32 to index
        %swap3A_423 = arith.constant 192 : index
        %swap3A_424 = tpu.vector_load %arg9[%swap3A_422, %swap3A_423] {strides = array<i32>} : memref<64x512xf32, #tpu.memory_space<vmem>>, vector<16xf32>,
        tpu.vector_store %arg9[%swap3A_422, %swap3A_423], %broadcast_in_dim3A_421 {strides = array<i32>} : memref<64x512xf32, #tpu.memory_space<vmem>>, vector<16xf32>,
        %broadcast_in_dim3A_425 = arith.constant 0.000000e+00 : f32
        %broadcast_in_dim3A_426 = vector.broadcast %broadcast_in_dim3A_425 : f32 to vector<16xf32>
        %swap3A_427 = arith.index_cast %while3A_360 : i32 to index
        %swap3A_428 = arith.constant 208 : index
        %swap3A_429 = tpu.vector_load %arg9[%swap3A_427, %swap3A_428] {strides = array<i32>} : memref<64x512xf32, #tpu.memory_space<vmem>>, vector<16xf32>,
        tpu.vector_store %arg9[%swap3A_427, %swap3A_428], %broadcast_in_dim3A_426 {strides = array<i32>} : memref<64x512xf32, #tpu.memory_space<vmem>>, vector<16xf32>,
        %broadcast_in_dim3A_430 = arith.constant 0.000000e+00 : f32
        %broadcast_in_dim3A_431 = vector.broadcast %broadcast_in_dim3A_430 : f32 to vector<16xf32>
        %swap3A_432 = arith.index_cast %while3A_360 : i32 to index
        %swap3A_433 = arith.constant 224 : index
        %swap3A_434 = tpu.vector_load %arg9[%swap3A_432, %swap3A_433] {strides = array<i32>} : memref<64x512xf32, #tpu.memory_space<vmem>>, vector<16xf32>,
        tpu.vector_store %arg9[%swap3A_432, %swap3A_433], %broadcast_in_dim3A_431 {strides = array<i32>} : memref<64x512xf32, #tpu.memory_space<vmem>>, vector<16xf32>,
        %broadcast_in_dim3A_435 = arith.constant 0.000000e+00 : f32
        %broadcast_in_dim3A_436 = vector.broadcast %broadcast_in_dim3A_435 : f32 to vector<16xf32>
        %swap3A_437 = arith.index_cast %while3A_360 : i32 to index
        %swap3A_438 = arith.constant 240 : index
        %swap3A_439 = tpu.vector_load %arg9[%swap3A_437, %swap3A_438] {strides = array<i32>} : memref<64x512xf32, #tpu.memory_space<vmem>>, vector<16xf32>,
        tpu.vector_store %arg9[%swap3A_437, %swap3A_438], %broadcast_in_dim3A_436 {strides = array<i32>} : memref<64x512xf32, #tpu.memory_space<vmem>>, vector<16xf32>,
        %broadcast_in_dim3A_440 = arith.constant 0.000000e+00 : f32
        %broadcast_in_dim3A_441 = vector.broadcast %broadcast_in_dim3A_440 : f32 to vector<16xf32>
        %swap3A_442 = arith.index_cast %while3A_360 : i32 to index
        %swap3A_443 = arith.constant 256 : index
        %swap3A_444 = tpu.vector_load %arg9[%swap3A_442, %swap3A_443] {strides = array<i32>} : memref<64x512xf32, #tpu.memory_space<vmem>>, vector<16xf32>,
        tpu.vector_store %arg9[%swap3A_442, %swap3A_443], %broadcast_in_dim3A_441 {strides = array<i32>} : memref<64x512xf32, #tpu.memory_space<vmem>>, vector<16xf32>,
        %broadcast_in_dim3A_445 = arith.constant 0.000000e+00 : f32
        %broadcast_in_dim3A_446 = vector.broadcast %broadcast_in_dim3A_445 : f32 to vector<16xf32>
        %swap3A_447 = arith.index_cast %while3A_360 : i32 to index
        %swap3A_448 = arith.constant 272 : index
        %swap3A_449 = tpu.vector_load %arg9[%swap3A_447, %swap3A_448] {strides = array<i32>} : memref<64x512xf32, #tpu.memory_space<vmem>>, vector<16xf32>,
        tpu.vector_store %arg9[%swap3A_447, %swap3A_448], %broadcast_in_dim3A_446 {strides = array<i32>} : memref<64x512xf32, #tpu.memory_space<vmem>>, vector<16xf32>,
        %broadcast_in_dim3A_450 = arith.constant 0.000000e+00 : f32
        %broadcast_in_dim3A_451 = vector.broadcast %broadcast_in_dim3A_450 : f32 to vector<16xf32>
        %swap3A_452 = arith.index_cast %while3A_360 : i32 to index
        %swap3A_453 = arith.constant 288 : index
        %swap3A_454 = tpu.vector_load %arg9[%swap3A_452, %swap3A_453] {strides = array<i32>} : memref<64x512xf32, #tpu.memory_space<vmem>>, vector<16xf32>,
        tpu.vector_store %arg9[%swap3A_452, %swap3A_453], %broadcast_in_dim3A_451 {strides = array<i32>} : memref<64x512xf32, #tpu.memory_space<vmem>>, vector<16xf32>,
        %broadcast_in_dim3A_455 = arith.constant 0.000000e+00 : f32
        %broadcast_in_dim3A_456 = vector.broadcast %broadcast_in_dim3A_455 : f32 to vector<16xf32>
        %swap3A_457 = arith.index_cast %while3A_360 : i32 to index
        %swap3A_458 = arith.constant 304 : index
        %swap3A_459 = tpu.vector_load %arg9[%swap3A_457, %swap3A_458] {strides = array<i32>} : memref<64x512xf32, #tpu.memory_space<vmem>>, vector<16xf32>,
        tpu.vector_store %arg9[%swap3A_457, %swap3A_458], %broadcast_in_dim3A_456 {strides = array<i32>} : memref<64x512xf32, #tpu.memory_space<vmem>>, vector<16xf32>,
        %broadcast_in_dim3A_460 = arith.constant 0.000000e+00 : f32
        %broadcast_in_dim3A_461 = vector.broadcast %broadcast_in_dim3A_460 : f32 to vector<16xf32>
        %swap3A_462 = arith.index_cast %while3A_360 : i32 to index
        %swap3A_463 = arith.constant 320 : index
        %swap3A_464 = tpu.vector_load %arg9[%swap3A_462, %swap3A_463] {strides = array<i32>} : memref<64x512xf32, #tpu.memory_space<vmem>>, vector<16xf32>,
        tpu.vector_store %arg9[%swap3A_462, %swap3A_463], %broadcast_in_dim3A_461 {strides = array<i32>} : memref<64x512xf32, #tpu.memory_space<vmem>>, vector<16xf32>,
        %broadcast_in_dim3A_465 = arith.constant 0.000000e+00 : f32
        %broadcast_in_dim3A_466 = vector.broadcast %broadcast_in_dim3A_465 : f32 to vector<16xf32>
        %swap3A_467 = arith.index_cast %while3A_360 : i32 to index
        %swap3A_468 = arith.constant 336 : index
        %swap3A_469 = tpu.vector_load %arg9[%swap3A_467, %swap3A_468] {strides = array<i32>} : memref<64x512xf32, #tpu.memory_space<vmem>>, vector<16xf32>,
        tpu.vector_store %arg9[%swap3A_467, %swap3A_468], %broadcast_in_dim3A_466 {strides = array<i32>} : memref<64x512xf32, #tpu.memory_space<vmem>>, vector<16xf32>,
        %broadcast_in_dim3A_470 = arith.constant 0.000000e+00 : f32
        %broadcast_in_dim3A_471 = vector.broadcast %broadcast_in_dim3A_470 : f32 to vector<16xf32>
        %swap3A_472 = arith.index_cast %while3A_360 : i32 to index
        %swap3A_473 = arith.constant 352 : index
        %swap3A_474 = tpu.vector_load %arg9[%swap3A_472, %swap3A_473] {strides = array<i32>} : memref<64x512xf32, #tpu.memory_space<vmem>>, vector<16xf32>,
        tpu.vector_store %arg9[%swap3A_472, %swap3A_473], %broadcast_in_dim3A_471 {strides = array<i32>} : memref<64x512xf32, #tpu.memory_space<vmem>>, vector<16xf32>,
        %broadcast_in_dim3A_475 = arith.constant 0.000000e+00 : f32
        %broadcast_in_dim3A_476 = vector.broadcast %broadcast_in_dim3A_475 : f32 to vector<16xf32>
        %swap3A_477 = arith.index_cast %while3A_360 : i32 to index
        %swap3A_478 = arith.constant 368 : index
        %swap3A_479 = tpu.vector_load %arg9[%swap3A_477, %swap3A_478] {strides = array<i32>} : memref<64x512xf32, #tpu.memory_space<vmem>>, vector<16xf32>,
        tpu.vector_store %arg9[%swap3A_477, %swap3A_478], %broadcast_in_dim3A_476 {strides = array<i32>} : memref<64x512xf32, #tpu.memory_space<vmem>>, vector<16xf32>,
        %broadcast_in_dim3A_480 = arith.constant 0.000000e+00 : f32
        %broadcast_in_dim3A_481 = vector.broadcast %broadcast_in_dim3A_480 : f32 to vector<16xf32>
        %swap3A_482 = arith.index_cast %while3A_360 : i32 to index
        %swap3A_483 = arith.constant 384 : index
        %swap3A_484 = tpu.vector_load %arg9[%swap3A_482, %swap3A_483] {strides = array<i32>} : memref<64x512xf32, #tpu.memory_space<vmem>>, vector<16xf32>,
        tpu.vector_store %arg9[%swap3A_482, %swap3A_483], %broadcast_in_dim3A_481 {strides = array<i32>} : memref<64x512xf32, #tpu.memory_space<vmem>>, vector<16xf32>,
        %broadcast_in_dim3A_485 = arith.constant 0.000000e+00 : f32
        %broadcast_in_dim3A_486 = vector.broadcast %broadcast_in_dim3A_485 : f32 to vector<16xf32>
        %swap3A_487 = arith.index_cast %while3A_360 : i32 to index
        %swap3A_488 = arith.constant 400 : index
        %swap3A_489 = tpu.vector_load %arg9[%swap3A_487, %swap3A_488] {strides = array<i32>} : memref<64x512xf32, #tpu.memory_space<vmem>>, vector<16xf32>,
        tpu.vector_store %arg9[%swap3A_487, %swap3A_488], %broadcast_in_dim3A_486 {strides = array<i32>} : memref<64x512xf32, #tpu.memory_space<vmem>>, vector<16xf32>,
        %broadcast_in_dim3A_490 = arith.constant 0.000000e+00 : f32
        %broadcast_in_dim3A_491 = vector.broadcast %broadcast_in_dim3A_490 : f32 to vector<16xf32>
        %swap3A_492 = arith.index_cast %while3A_360 : i32 to index
        %swap3A_493 = arith.constant 416 : index
        %swap3A_494 = tpu.vector_load %arg9[%swap3A_492, %swap3A_493] {strides = array<i32>} : memref<64x512xf32, #tpu.memory_space<vmem>>, vector<16xf32>,
        tpu.vector_store %arg9[%swap3A_492, %swap3A_493], %broadcast_in_dim3A_491 {strides = array<i32>} : memref<64x512xf32, #tpu.memory_space<vmem>>, vector<16xf32>,
        %broadcast_in_dim3A_495 = arith.constant 0.000000e+00 : f32
        %broadcast_in_dim3A_496 = vector.broadcast %broadcast_in_dim3A_495 : f32 to vector<16xf32>
        %swap3A_497 = arith.index_cast %while3A_360 : i32 to index
        %swap3A_498 = arith.constant 432 : index
        %swap3A_499 = tpu.vector_load %arg9[%swap3A_497, %swap3A_498] {strides = array<i32>} : memref<64x512xf32, #tpu.memory_space<vmem>>, vector<16xf32>,
        tpu.vector_store %arg9[%swap3A_497, %swap3A_498], %broadcast_in_dim3A_496 {strides = array<i32>} : memref<64x512xf32, #tpu.memory_space<vmem>>, vector<16xf32>,
        %broadcast_in_dim3A_500 = arith.constant 0.000000e+00 : f32
        %broadcast_in_dim3A_501 = vector.broadcast %broadcast_in_dim3A_500 : f32 to vector<16xf32>
        %swap3A_502 = arith.index_cast %while3A_360 : i32 to index
        %swap3A_503 = arith.constant 448 : index
        %swap3A_504 = tpu.vector_load %arg9[%swap3A_502, %swap3A_503] {strides = array<i32>} : memref<64x512xf32, #tpu.memory_space<vmem>>, vector<16xf32>,
        tpu.vector_store %arg9[%swap3A_502, %swap3A_503], %broadcast_in_dim3A_501 {strides = array<i32>} : memref<64x512xf32, #tpu.memory_space<vmem>>, vector<16xf32>,
        %broadcast_in_dim3A_505 = arith.constant 0.000000e+00 : f32
        %broadcast_in_dim3A_506 = vector.broadcast %broadcast_in_dim3A_505 : f32 to vector<16xf32>
        %swap3A_507 = arith.index_cast %while3A_360 : i32 to index
        %swap3A_508 = arith.constant 464 : index
        %swap3A_509 = tpu.vector_load %arg9[%swap3A_507, %swap3A_508] {strides = array<i32>} : memref<64x512xf32, #tpu.memory_space<vmem>>, vector<16xf32>,
        tpu.vector_store %arg9[%swap3A_507, %swap3A_508], %broadcast_in_dim3A_506 {strides = array<i32>} : memref<64x512xf32, #tpu.memory_space<vmem>>, vector<16xf32>,
        %broadcast_in_dim3A_510 = arith.constant 0.000000e+00 : f32
        %broadcast_in_dim3A_511 = vector.broadcast %broadcast_in_dim3A_510 : f32 to vector<16xf32>
        %swap3A_512 = arith.index_cast %while3A_360 : i32 to index
        %swap3A_513 = arith.constant 480 : index
        %swap3A_514 = tpu.vector_load %arg9[%swap3A_512, %swap3A_513] {strides = array<i32>} : memref<64x512xf32, #tpu.memory_space<vmem>>, vector<16xf32>,
        tpu.vector_store %arg9[%swap3A_512, %swap3A_513], %broadcast_in_dim3A_511 {strides = array<i32>} : memref<64x512xf32, #tpu.memory_space<vmem>>, vector<16xf32>,
        %broadcast_in_dim3A_515 = arith.constant 0.000000e+00 : f32
        %broadcast_in_dim3A_516 = vector.broadcast %broadcast_in_dim3A_515 : f32 to vector<16xf32>
        %swap3A_517 = arith.index_cast %while3A_360 : i32 to index
        %swap3A_518 = arith.constant 496 : index
        %swap3A_519 = tpu.vector_load %arg9[%swap3A_517, %swap3A_518] {strides = array<i32>} : memref<64x512xf32, #tpu.memory_space<vmem>>, vector<16xf32>,
        tpu.vector_store %arg9[%swap3A_517, %swap3A_518], %broadcast_in_dim3A_516 {strides = array<i32>} : memref<64x512xf32, #tpu.memory_space<vmem>>, vector<16xf32>,
        %while3A_520 = arith.constant 0 : i32
        scf.yield %while3A_520 : i32
      }
      %add3A_359 = arith.addi %mul3A_2, %add3A_332 : i32
      "tpu.region"() ({
        %run_scoped3A = tpu.sem_alloc : memref<!tpu.dma_semaphore, #tpu.memory_space<semaphore_mem>>
        %dma_start3A_360 = arith.constant 0 : i32
        %dma_start3A_361 = tpu.memref_slice %arg4[%add3A_359, %dma_start3A_360] : memref<65536x512xf32, #tpu.memory_space<hbm>> -> memref<64x512xf32, #tpu.memory_space<hbm>>
        %dma_start3A_362 = arith.constant 0 : i32
        %dma_start3A_363 = tpu.memref_slice %arg4[%add3A_359, %dma_start3A_362] : memref<65536x512xf32, #tpu.memory_space<hbm>> -> memref<64x512xf32, #tpu.memory_space<hbm>>
        tpu.enqueue_dma source(%arg9 : memref<64x512xf32, #tpu.memory_space<vmem>>) target(%dma_start3A_363 : memref<64x512xf32, #tpu.memory_space<hbm>>) target_semaphore(%run_scoped3A : memref<!tpu.dma_semaphore, #tpu.memory_space<semaphore_mem>>)
        %dma_wait3A_364 = arith.constant 0 : i32
        %dma_wait3A_365 = tpu.memref_slice %arg4[%add3A_359, %dma_wait3A_364] : memref<65536x512xf32, #tpu.memory_space<hbm>> -> memref<64x512xf32, #tpu.memory_space<hbm>>
        %dma_wait3A_366 = arith.constant 0 : i32
        %dma_wait3A_367 = tpu.memref_slice %arg4[%add3A_359, %dma_wait3A_366] : memref<65536x512xf32, #tpu.memory_space<hbm>> -> memref<64x512xf32, #tpu.memory_space<hbm>>
        tpu.wait_dma2 semaphore(%run_scoped3A : memref<!tpu.dma_semaphore, #tpu.memory_space<semaphore_mem>>) src(%arg9 : memref<64x512xf32, #tpu.memory_space<vmem>>) dst(%dma_wait3A_367 : memref<64x512xf32, #tpu.memory_space<hbm>>)
        tpu.yield
      }) : () -> ()
    } else {
    }
    %scan3A_245 = arith.constant 0 : i32
    %scan3A_246 = arith.constant 0 : i32
    %scan3A_247 = arith.constant 32 : i32
    %scan3A_248 = arith.addi %scan3A_246, %scan3A_247 : i32
    %scan3A_249 = arith.constant 1 : i32
    %scan3A_250 = scf.for %scan3A_327 = %scan3A_246 to %scan3A_248 step %scan3A_249 iter_args(%scan3A_328 = %scan3A_245) -> (i32)  : i32 {
      %mul3A_329 = arith.constant 16 : i32
      %mul3A_330 = arith.muli %scan3A_327, %mul3A_329 : i32
      %add3A_331 = arith.constant 1536 : i32
      %add3A_332 = arith.addi %add3A_331, %mul3A_330 : i32
      %get3A = arith.index_cast %add3A_332 : i32 to index
      %get3A_333 = tpu.vector_load %arg7[%get3A] {strides = array<i32>} : memref<2048xi32, #tpu.memory_space<vmem>>, vector<16xi32>,
      %lt3A = arith.constant 8192 : i32
      %lt3A_334 = vector.broadcast %lt3A : i32 to vector<16xi32>
      %lt3A_335 = arith.cmpi slt, %get3A_333, %lt3A_334 : vector<16xi32>
      %convert_element_type3A_336 = arith.extui %lt3A_335 : vector<16xi1> to vector<16xi32>
      %reduce_sum3A = arith.constant true
      %reduce_sum3A_337 = vector.broadcast %reduce_sum3A : i1 to vector<16xi1>
      %reduce_sum3A_338 = tpu.scan <sum>, %convert_element_type3A_336 masked %reduce_sum3A_337 : vector<16xi32>, vector<16xi1> -> vector<16xi32>
      %reduce_sum3A_339 = vector.extract %reduce_sum3A_338[15] : i32 from vector<16xi32>
      %add3A_340 = arith.addi %scan3A_328, %reduce_sum3A_339 : i32
      scf.yield %add3A_340 : i32
    }
    %scan3A_251 = arith.constant 32 : i32
    %add3A_252 = arith.constant 64 : i32
    %add3A_253 = arith.addi %scan3A_250, %add3A_252 : i32
    %sub3A_254 = arith.constant 1 : i32
    %sub3A_255 = arith.subi %add3A_253, %sub3A_254 : i32
    %jit3A_256 = arith.constant 64 : i32
    %div3A_257 = arith.divsi %sub3A_255, %jit3A_256 : i32
    %sign3A_258 = arith.constant 0 : i32
    %sign3A_259 = arith.cmpi sgt, %sub3A_255, %sign3A_258 : i32
    %sign3A_260 = arith.extui %sign3A_259 : i1 to i32
    %sign3A_261 = arith.constant 0 : i32
    %sign3A_262 = arith.cmpi slt, %sub3A_255, %sign3A_261 : i32
    %sign3A_263 = arith.extui %sign3A_262 : i1 to i32
    %sign3A_264 = arith.subi %sign3A_260, %sign3A_263 : i32
    %sign3A_265 = arith.constant 0 : i32
    %sign3A_266 = arith.cmpi sgt, %jit3A_256, %sign3A_265 : i32
    %sign3A_267 = arith.extui %sign3A_266 : i1 to i32
    %sign3A_268 = arith.constant 0 : i32
    %sign3A_269 = arith.cmpi slt, %jit3A_256, %sign3A_268 : i32
    %sign3A_270 = arith.extui %sign3A_269 : i1 to i32
    %sign3A_271 = arith.subi %sign3A_267, %sign3A_270 : i32
    %ne3A_272 = arith.cmpi ne, %sign3A_264, %sign3A_271 : i32
    %rem3A_273 = arith.remsi %sub3A_255, %jit3A_256 : i32
    %ne3A_274 = arith.constant 0 : i32
    %ne3A_275 = arith.cmpi ne, %rem3A_273, %ne3A_274 : i32
    %and3A_276 = arith.andi %ne3A_272, %ne3A_275 : i1
    %sub3A_277 = arith.constant 1 : i32
    %sub3A_278 = arith.subi %div3A_257, %sub3A_277 : i32
    %select_n3A_279 = arith.select %and3A_276, %sub3A_278, %div3A_257 : i32
    %sub3A_280 = arith.constant 1 : i32
    %sub3A_281 = arith.subi %select_n3A_279, %sub3A_280 : i32
    %max3A_282 = arith.constant 0 : i32
    %max3A_283 = arith.maxsi %sub3A_281, %max3A_282 : i32
    %add3A_284 = arith.constant 1 : i32
    %add3A_285 = arith.addi %max3A_283, %add3A_284 : i32
    %jit3A_286 = arith.constant 2 : i32
    %div3A_287 = arith.divsi %add3A_285, %jit3A_286 : i32
    %sign3A_288 = arith.constant 0 : i32
    %sign3A_289 = arith.cmpi sgt, %add3A_285, %sign3A_288 : i32
    %sign3A_290 = arith.extui %sign3A_289 : i1 to i32
    %sign3A_291 = arith.constant 0 : i32
    %sign3A_292 = arith.cmpi slt, %add3A_285, %sign3A_291 : i32
    %sign3A_293 = arith.extui %sign3A_292 : i1 to i32
    %sign3A_294 = arith.subi %sign3A_290, %sign3A_293 : i32
    %sign3A_295 = arith.constant 0 : i32
    %sign3A_296 = arith.cmpi sgt, %jit3A_286, %sign3A_295 : i32
    %sign3A_297 = arith.extui %sign3A_296 : i1 to i32
    %sign3A_298 = arith.constant 0 : i32
    %sign3A_299 = arith.cmpi slt, %jit3A_286, %sign3A_298 : i32
    %sign3A_300 = arith.extui %sign3A_299 : i1 to i32
    %sign3A_301 = arith.subi %sign3A_297, %sign3A_300 : i32
    %ne3A_302 = arith.cmpi ne, %sign3A_294, %sign3A_301 : i32
    %rem3A_303 = arith.remsi %add3A_285, %jit3A_286 : i32
    %ne3A_304 = arith.constant 0 : i32
    %ne3A_305 = arith.cmpi ne, %rem3A_303, %ne3A_304 : i32
    %and3A_306 = arith.andi %ne3A_302, %ne3A_305 : i1
    %sub3A_307 = arith.constant 1 : i32
    %sub3A_308 = arith.subi %div3A_287, %sub3A_307 : i32
    %select_n3A_309 = arith.select %and3A_306, %sub3A_308, %div3A_287 : i32
    %while3A_310 = arith.constant 0 : i32
    %while3A_311 = arith.constant 0 : i32
    %while3A_312 = arith.subi %select_n3A_309, %while3A_310 : i32
    %while3A_313 = arith.addi %while3A_310, %while3A_312 : i32
    %while3A_314 = arith.constant 1 : i32
    %while3A_315 = arith.divsi %while3A_312, %while3A_314 : i32
    %while3A_316 = arith.muli %while3A_315, %while3A_314 : i32
    %while3A_317 = arith.addi %while3A_310, %while3A_316 : i32
    %while3A_318 = arith.constant 1 : i32
    %while3A_319 = scf.for %while3A_327 = %while3A_310 to %while3A_317 step %while3A_318 iter_args(%while3A_328 = %while3A_311) -> (i32)  : i32 {
      %mul3A_329 = arith.constant 2 : i32
      %mul3A_330 = arith.muli %mul3A_329, %while3A_327 : i32
      %mul3A_331 = arith.constant 64 : i32
      %mul3A_332 = arith.muli %mul3A_330, %mul3A_331 : i32
      %add3A_333 = arith.constant 1536 : i32
      %add3A_334 = arith.addi %add3A_333, %mul3A_332 : i32
      %add3A_335 = arith.constant 64 : i32
      %add3A_336 = arith.addi %add3A_334, %add3A_335 : i32
      %mul3A_337 = arith.constant 2 : i32
      %mul3A_338 = arith.muli %mul3A_337, %while3A_327 : i32
      %add3A_339 = arith.constant 1 : i32
      %add3A_340 = arith.addi %mul3A_338, %add3A_339 : i32
      %sub3A_341 = arith.constant 1 : i32
      %sub3A_342 = arith.subi %select_n3A_279, %sub3A_341 : i32
      %lt3A = arith.cmpi slt, %add3A_340, %sub3A_342 : i32
      %dma_start3A = tpu.memref_slice %arg7[%add3A_334] : memref<2048xi32, #tpu.memory_space<vmem>> -> memref<64xi32, #tpu.memory_space<vmem>>
      %dma_start3A_343 = arith.constant 0 : i32
      %dma_start3A_344 = arith.constant 0 : i32
      %dma_start3A_345 = tpu.memref_slice %arg2[%dma_start3A_343, %dma_start3A_344] : memref<8192x512xf32, #tpu.memory_space<hbm>> -> memref<8192x512xf32, #tpu.memory_space<hbm>>
      tpu.enqueue_indirect_dma source(%dma_start3A_345 : memref<8192x512xf32, #tpu.memory_space<hbm>>) target(%arg9 : memref<64x512xf32, #tpu.memory_space<vmem>>) offsets(%dma_start3A : memref<64xi32, #tpu.memory_space<vmem>>) semaphore(%arg11 : memref<!tpu.dma_semaphore, #tpu.memory_space<semaphore_mem>>)
      %convert_element_type3A_346 = arith.extui %lt3A : i1 to i32
      %cond3A_347 = arith.constant 0 : i32
      %cond3A_348 = arith.cmpi ne, %convert_element_type3A_346, %cond3A_347 : i32
      scf.if %cond3A_348 {
        %dma_start3A_369 = tpu.memref_slice %arg7[%add3A_336] : memref<2048xi32, #tpu.memory_space<vmem>> -> memref<64xi32, #tpu.memory_space<vmem>>
        %dma_start3A_370 = arith.constant 0 : i32
        %dma_start3A_371 = arith.constant 0 : i32
        %dma_start3A_372 = tpu.memref_slice %arg2[%dma_start3A_370, %dma_start3A_371] : memref<8192x512xf32, #tpu.memory_space<hbm>> -> memref<8192x512xf32, #tpu.memory_space<hbm>>
        tpu.enqueue_indirect_dma source(%dma_start3A_372 : memref<8192x512xf32, #tpu.memory_space<hbm>>) target(%arg10 : memref<64x512xf32, #tpu.memory_space<vmem>>) offsets(%dma_start3A_369 : memref<64xi32, #tpu.memory_space<vmem>>) semaphore(%arg12 : memref<!tpu.dma_semaphore, #tpu.memory_space<semaphore_mem>>)
      } else {
      }
      %dma_wait3A = tpu.memref_slice %arg7[%add3A_334] : memref<2048xi32, #tpu.memory_space<vmem>> -> memref<64xi32, #tpu.memory_space<vmem>>
      %dma_wait3A_349 = arith.constant 0 : i32
      %dma_wait3A_350 = arith.constant 0 : i32
      %dma_wait3A_351 = tpu.memref_slice %arg2[%dma_wait3A_349, %dma_wait3A_350] : memref<8192x512xf32, #tpu.memory_space<hbm>> -> memref<8192x512xf32, #tpu.memory_space<hbm>>
      tpu.wait_indirect_dma semaphore(%arg11 : memref<!tpu.dma_semaphore, #tpu.memory_space<semaphore_mem>>) src(%dma_wait3A_351 : memref<8192x512xf32, #tpu.memory_space<hbm>>) dst(%arg9 : memref<64x512xf32, #tpu.memory_space<vmem>>)
      %add3A_352 = arith.addi %mul3A_2, %add3A_334 : i32
      %dma_start3A_353 = arith.constant 0 : i32
      %dma_start3A_354 = tpu.memref_slice %arg4[%add3A_352, %dma_start3A_353] : memref<65536x512xf32, #tpu.memory_space<hbm>> -> memref<64x512xf32, #tpu.memory_space<hbm>>
      %dma_start3A_355 = arith.constant 0 : i32
      %dma_start3A_356 = tpu.memref_slice %arg4[%add3A_352, %dma_start3A_355] : memref<65536x512xf32, #tpu.memory_space<hbm>> -> memref<64x512xf32, #tpu.memory_space<hbm>>
      tpu.enqueue_dma source(%arg9 : memref<64x512xf32, #tpu.memory_space<vmem>>) target(%dma_start3A_356 : memref<64x512xf32, #tpu.memory_space<hbm>>) target_semaphore(%arg13 : memref<!tpu.dma_semaphore, #tpu.memory_space<semaphore_mem>>)
      %convert_element_type3A_357 = arith.extui %lt3A : i1 to i32
      %cond3A_358 = arith.constant 0 : i32
      %cond3A_359 = arith.cmpi ne, %convert_element_type3A_357, %cond3A_358 : i32
      scf.if %cond3A_359 {
        %dma_wait3A_369 = tpu.memref_slice %arg7[%add3A_336] : memref<2048xi32, #tpu.memory_space<vmem>> -> memref<64xi32, #tpu.memory_space<vmem>>
        %dma_wait3A_370 = arith.constant 0 : i32
        %dma_wait3A_371 = arith.constant 0 : i32
        %dma_wait3A_372 = tpu.memref_slice %arg2[%dma_wait3A_370, %dma_wait3A_371] : memref<8192x512xf32, #tpu.memory_space<hbm>> -> memref<8192x512xf32, #tpu.memory_space<hbm>>
        tpu.wait_indirect_dma semaphore(%arg12 : memref<!tpu.dma_semaphore, #tpu.memory_space<semaphore_mem>>) src(%dma_wait3A_372 : memref<8192x512xf32, #tpu.memory_space<hbm>>) dst(%arg10 : memref<64x512xf32, #tpu.memory_space<vmem>>)
        %add3A_373 = arith.addi %mul3A_2, %add3A_336 : i32
        %dma_start3A_374 = arith.constant 0 : i32
        %dma_start3A_375 = tpu.memref_slice %arg4[%add3A_373, %dma_start3A_374] : memref<65536x512xf32, #tpu.memory_space<hbm>> -> memref<64x512xf32, #tpu.memory_space<hbm>>
        %dma_start3A_376 = arith.constant 0 : i32
        %dma_start3A_377 = tpu.memref_slice %arg4[%add3A_373, %dma_start3A_376] : memref<65536x512xf32, #tpu.memory_space<hbm>> -> memref<64x512xf32, #tpu.memory_space<hbm>>
        tpu.enqueue_dma source(%arg10 : memref<64x512xf32, #tpu.memory_space<vmem>>) target(%dma_start3A_377 : memref<64x512xf32, #tpu.memory_space<hbm>>) target_semaphore(%arg14 : memref<!tpu.dma_semaphore, #tpu.memory_space<semaphore_mem>>)
      } else {
      }
      %add3A_360 = arith.addi %mul3A_2, %add3A_334 : i32
      %dma_wait3A_361 = arith.constant 0 : i32
      %dma_wait3A_362 = tpu.memref_slice %arg4[%add3A_360, %dma_wait3A_361] : memref<65536x512xf32, #tpu.memory_space<hbm>> -> memref<64x512xf32, #tpu.memory_space<hbm>>
      %dma_wait3A_363 = arith.constant 0 : i32
      %dma_wait3A_364 = tpu.memref_slice %arg4[%add3A_360, %dma_wait3A_363] : memref<65536x512xf32, #tpu.memory_space<hbm>> -> memref<64x512xf32, #tpu.memory_space<hbm>>
      tpu.wait_dma2 semaphore(%arg13 : memref<!tpu.dma_semaphore, #tpu.memory_space<semaphore_mem>>) src(%arg9 : memref<64x512xf32, #tpu.memory_space<vmem>>) dst(%dma_wait3A_364 : memref<64x512xf32, #tpu.memory_space<hbm>>)
      %convert_element_type3A_365 = arith.extui %lt3A : i1 to i32
      %cond3A_366 = arith.constant 0 : i32
      %cond3A_367 = arith.cmpi ne, %convert_element_type3A_365, %cond3A_366 : i32
      scf.if %cond3A_367 {
        %add3A_369 = arith.addi %mul3A_2, %add3A_336 : i32
        %dma_wait3A_370 = arith.constant 0 : i32
        %dma_wait3A_371 = tpu.memref_slice %arg4[%add3A_369, %dma_wait3A_370] : memref<65536x512xf32, #tpu.memory_space<hbm>> -> memref<64x512xf32, #tpu.memory_space<hbm>>
        %dma_wait3A_372 = arith.constant 0 : i32
        %dma_wait3A_373 = tpu.memref_slice %arg4[%add3A_369, %dma_wait3A_372] : memref<65536x512xf32, #tpu.memory_space<hbm>> -> memref<64x512xf32, #tpu.memory_space<hbm>>
        tpu.wait_dma2 semaphore(%arg14 : memref<!tpu.dma_semaphore, #tpu.memory_space<semaphore_mem>>) src(%arg10 : memref<64x512xf32, #tpu.memory_space<vmem>>) dst(%dma_wait3A_373 : memref<64x512xf32, #tpu.memory_space<hbm>>)
      } else {
      }
      %while3A_368 = arith.constant 0 : i32
      scf.yield %while3A_368 : i32
    }
    %while3A_320 = arith.constant 1 : i32
    %while3A_321 = scf.for %while3A_327 = %while3A_317 to %while3A_313 step %while3A_320 iter_args(%while3A_328 = %while3A_319) -> (i32)  : i32 {
      %mul3A_329 = arith.constant 2 : i32
      %mul3A_330 = arith.muli %mul3A_329, %while3A_327 : i32
      %mul3A_331 = arith.constant 64 : i32
      %mul3A_332 = arith.muli %mul3A_330, %mul3A_331 : i32
      %add3A_333 = arith.constant 1536 : i32
      %add3A_334 = arith.addi %add3A_333, %mul3A_332 : i32
      %add3A_335 = arith.constant 64 : i32
      %add3A_336 = arith.addi %add3A_334, %add3A_335 : i32
      %mul3A_337 = arith.constant 2 : i32
      %mul3A_338 = arith.muli %mul3A_337, %while3A_327 : i32
      %add3A_339 = arith.constant 1 : i32
      %add3A_340 = arith.addi %mul3A_338, %add3A_339 : i32
      %sub3A_341 = arith.constant 1 : i32
      %sub3A_342 = arith.subi %select_n3A_279, %sub3A_341 : i32
      %lt3A = arith.cmpi slt, %add3A_340, %sub3A_342 : i32
      %dma_start3A = tpu.memref_slice %arg7[%add3A_334] : memref<2048xi32, #tpu.memory_space<vmem>> -> memref<64xi32, #tpu.memory_space<vmem>>
      %dma_start3A_343 = arith.constant 0 : i32
      %dma_start3A_344 = arith.constant 0 : i32
      %dma_start3A_345 = tpu.memref_slice %arg2[%dma_start3A_343, %dma_start3A_344] : memref<8192x512xf32, #tpu.memory_space<hbm>> -> memref<8192x512xf32, #tpu.memory_space<hbm>>
      tpu.enqueue_indirect_dma source(%dma_start3A_345 : memref<8192x512xf32, #tpu.memory_space<hbm>>) target(%arg9 : memref<64x512xf32, #tpu.memory_space<vmem>>) offsets(%dma_start3A : memref<64xi32, #tpu.memory_space<vmem>>) semaphore(%arg11 : memref<!tpu.dma_semaphore, #tpu.memory_space<semaphore_mem>>)
      %convert_element_type3A_346 = arith.extui %lt3A : i1 to i32
      %cond3A_347 = arith.constant 0 : i32
      %cond3A_348 = arith.cmpi ne, %convert_element_type3A_346, %cond3A_347 : i32
      scf.if %cond3A_348 {
        %dma_start3A_369 = tpu.memref_slice %arg7[%add3A_336] : memref<2048xi32, #tpu.memory_space<vmem>> -> memref<64xi32, #tpu.memory_space<vmem>>
        %dma_start3A_370 = arith.constant 0 : i32
        %dma_start3A_371 = arith.constant 0 : i32
        %dma_start3A_372 = tpu.memref_slice %arg2[%dma_start3A_370, %dma_start3A_371] : memref<8192x512xf32, #tpu.memory_space<hbm>> -> memref<8192x512xf32, #tpu.memory_space<hbm>>
        tpu.enqueue_indirect_dma source(%dma_start3A_372 : memref<8192x512xf32, #tpu.memory_space<hbm>>) target(%arg10 : memref<64x512xf32, #tpu.memory_space<vmem>>) offsets(%dma_start3A_369 : memref<64xi32, #tpu.memory_space<vmem>>) semaphore(%arg12 : memref<!tpu.dma_semaphore, #tpu.memory_space<semaphore_mem>>)
      } else {
      }
      %dma_wait3A = tpu.memref_slice %arg7[%add3A_334] : memref<2048xi32, #tpu.memory_space<vmem>> -> memref<64xi32, #tpu.memory_space<vmem>>
      %dma_wait3A_349 = arith.constant 0 : i32
      %dma_wait3A_350 = arith.constant 0 : i32
      %dma_wait3A_351 = tpu.memref_slice %arg2[%dma_wait3A_349, %dma_wait3A_350] : memref<8192x512xf32, #tpu.memory_space<hbm>> -> memref<8192x512xf32, #tpu.memory_space<hbm>>
      tpu.wait_indirect_dma semaphore(%arg11 : memref<!tpu.dma_semaphore, #tpu.memory_space<semaphore_mem>>) src(%dma_wait3A_351 : memref<8192x512xf32, #tpu.memory_space<hbm>>) dst(%arg9 : memref<64x512xf32, #tpu.memory_space<vmem>>)
      %add3A_352 = arith.addi %mul3A_2, %add3A_334 : i32
      %dma_start3A_353 = arith.constant 0 : i32
      %dma_start3A_354 = tpu.memref_slice %arg4[%add3A_352, %dma_start3A_353] : memref<65536x512xf32, #tpu.memory_space<hbm>> -> memref<64x512xf32, #tpu.memory_space<hbm>>
      %dma_start3A_355 = arith.constant 0 : i32
      %dma_start3A_356 = tpu.memref_slice %arg4[%add3A_352, %dma_start3A_355] : memref<65536x512xf32, #tpu.memory_space<hbm>> -> memref<64x512xf32, #tpu.memory_space<hbm>>
      tpu.enqueue_dma source(%arg9 : memref<64x512xf32, #tpu.memory_space<vmem>>) target(%dma_start3A_356 : memref<64x512xf32, #tpu.memory_space<hbm>>) target_semaphore(%arg13 : memref<!tpu.dma_semaphore, #tpu.memory_space<semaphore_mem>>)
      %convert_element_type3A_357 = arith.extui %lt3A : i1 to i32
      %cond3A_358 = arith.constant 0 : i32
      %cond3A_359 = arith.cmpi ne, %convert_element_type3A_357, %cond3A_358 : i32
      scf.if %cond3A_359 {
        %dma_wait3A_369 = tpu.memref_slice %arg7[%add3A_336] : memref<2048xi32, #tpu.memory_space<vmem>> -> memref<64xi32, #tpu.memory_space<vmem>>
        %dma_wait3A_370 = arith.constant 0 : i32
        %dma_wait3A_371 = arith.constant 0 : i32
        %dma_wait3A_372 = tpu.memref_slice %arg2[%dma_wait3A_370, %dma_wait3A_371] : memref<8192x512xf32, #tpu.memory_space<hbm>> -> memref<8192x512xf32, #tpu.memory_space<hbm>>
        tpu.wait_indirect_dma semaphore(%arg12 : memref<!tpu.dma_semaphore, #tpu.memory_space<semaphore_mem>>) src(%dma_wait3A_372 : memref<8192x512xf32, #tpu.memory_space<hbm>>) dst(%arg10 : memref<64x512xf32, #tpu.memory_space<vmem>>)
        %add3A_373 = arith.addi %mul3A_2, %add3A_336 : i32
        %dma_start3A_374 = arith.constant 0 : i32
        %dma_start3A_375 = tpu.memref_slice %arg4[%add3A_373, %dma_start3A_374] : memref<65536x512xf32, #tpu.memory_space<hbm>> -> memref<64x512xf32, #tpu.memory_space<hbm>>
        %dma_start3A_376 = arith.constant 0 : i32
        %dma_start3A_377 = tpu.memref_slice %arg4[%add3A_373, %dma_start3A_376] : memref<65536x512xf32, #tpu.memory_space<hbm>> -> memref<64x512xf32, #tpu.memory_space<hbm>>
        tpu.enqueue_dma source(%arg10 : memref<64x512xf32, #tpu.memory_space<vmem>>) target(%dma_start3A_377 : memref<64x512xf32, #tpu.memory_space<hbm>>) target_semaphore(%arg14 : memref<!tpu.dma_semaphore, #tpu.memory_space<semaphore_mem>>)
      } else {
      }
      %add3A_360 = arith.addi %mul3A_2, %add3A_334 : i32
      %dma_wait3A_361 = arith.constant 0 : i32
      %dma_wait3A_362 = tpu.memref_slice %arg4[%add3A_360, %dma_wait3A_361] : memref<65536x512xf32, #tpu.memory_space<hbm>> -> memref<64x512xf32, #tpu.memory_space<hbm>>
      %dma_wait3A_363 = arith.constant 0 : i32
      %dma_wait3A_364 = tpu.memref_slice %arg4[%add3A_360, %dma_wait3A_363] : memref<65536x512xf32, #tpu.memory_space<hbm>> -> memref<64x512xf32, #tpu.memory_space<hbm>>
      tpu.wait_dma2 semaphore(%arg13 : memref<!tpu.dma_semaphore, #tpu.memory_space<semaphore_mem>>) src(%arg9 : memref<64x512xf32, #tpu.memory_space<vmem>>) dst(%dma_wait3A_364 : memref<64x512xf32, #tpu.memory_space<hbm>>)
      %convert_element_type3A_365 = arith.extui %lt3A : i1 to i32
      %cond3A_366 = arith.constant 0 : i32
      %cond3A_367 = arith.cmpi ne, %convert_element_type3A_365, %cond3A_366 : i32
      scf.if %cond3A_367 {
        %add3A_369 = arith.addi %mul3A_2, %add3A_336 : i32
        %dma_wait3A_370 = arith.constant 0 : i32
        %dma_wait3A_371 = tpu.memref_slice %arg4[%add3A_369, %dma_wait3A_370] : memref<65536x512xf32, #tpu.memory_space<hbm>> -> memref<64x512xf32, #tpu.memory_space<hbm>>
        %dma_wait3A_372 = arith.constant 0 : i32
        %dma_wait3A_373 = tpu.memref_slice %arg4[%add3A_369, %dma_wait3A_372] : memref<65536x512xf32, #tpu.memory_space<hbm>> -> memref<64x512xf32, #tpu.memory_space<hbm>>
        tpu.wait_dma2 semaphore(%arg14 : memref<!tpu.dma_semaphore, #tpu.memory_space<semaphore_mem>>) src(%arg10 : memref<64x512xf32, #tpu.memory_space<vmem>>) dst(%dma_wait3A_373 : memref<64x512xf32, #tpu.memory_space<hbm>>)
      } else {
      }
      %while3A_368 = arith.constant 0 : i32
      scf.yield %while3A_368 : i32
    }
    %gt3A_322 = arith.constant 0 : i32
    %gt3A_323 = arith.cmpi sgt, %select_n3A_279, %gt3A_322 : i32
    %convert_element_type3A_324 = arith.extui %gt3A_323 : i1 to i32
    %cond3A_325 = arith.constant 0 : i32
    %cond3A_326 = arith.cmpi ne, %convert_element_type3A_324, %cond3A_325 : i32
    scf.if %cond3A_326 {
      %sub3A_327 = arith.constant 1 : i32
      %sub3A_328 = arith.subi %select_n3A_279, %sub3A_327 : i32
      %mul3A_329 = arith.constant 64 : i32
      %mul3A_330 = arith.muli %sub3A_328, %mul3A_329 : i32
      %add3A_331 = arith.constant 1536 : i32
      %add3A_332 = arith.addi %add3A_331, %mul3A_330 : i32
      %scan3A_333 = arith.constant 0 : i32
      %scan3A_334 = arith.constant 4 : i32
      %scan3A_335 = arith.addi %scan3A_333, %scan3A_334 : i32
      %scan3A_336 = arith.constant 1 : i32
      scf.for %scan3A_360 = %scan3A_333 to %scan3A_335 step %scan3A_336  : i32 {
        %mul3A_361 = arith.constant 16 : i32
        %mul3A_362 = arith.muli %scan3A_360, %mul3A_361 : i32
        %add3A_363 = arith.constant 0 : i32
        %add3A_364 = arith.addi %add3A_363, %mul3A_362 : i32
        %add3A_365 = arith.addi %add3A_332, %add3A_364 : i32
        %get3A = arith.index_cast %add3A_365 : i32 to index
        %get3A_366 = tpu.vector_load %arg7[%get3A] {strides = array<i32>} : memref<2048xi32, #tpu.memory_space<vmem>>, vector<16xi32>,
        %add3A_367 = arith.addi %mul3A_2, %add3A_332 : i32
        %add3A_368 = arith.addi %add3A_367, %add3A_364 : i32
        %iota3A = tpu.iota {dimensions = array<i32: 0>} : vector<16xi32>
        %add3A_369 = vector.broadcast %add3A_368 : i32 to vector<16xi32>
        %add3A_370 = arith.addi %add3A_369, %iota3A : vector<16xi32>
        %and3A_371 = arith.constant 8191 : i32
        %and3A_372 = vector.broadcast %and3A_371 : i32 to vector<16xi32>
        %and3A_373 = arith.andi %add3A_370, %and3A_372 : vector<16xi32>
        %lt3A = arith.constant 8192 : i32
        %lt3A_374 = vector.broadcast %lt3A : i32 to vector<16xi32>
        %lt3A_375 = arith.cmpi slt, %get3A_366, %lt3A_374 : vector<16xi32>
        %select_n3A_376 = arith.select %lt3A_375, %get3A_366, %and3A_373 : vector<16xi1>, vector<16xi32>
        %swap3A = arith.index_cast %add3A_364 : i32 to index
        %swap3A_377 = tpu.vector_load %arg8[%swap3A] {strides = array<i32>} : memref<64xi32, #tpu.memory_space<vmem>>, vector<16xi32>,
        tpu.vector_store %arg8[%swap3A], %select_n3A_376 {strides = array<i32>} : memref<64xi32, #tpu.memory_space<vmem>>, vector<16xi32>,
      }
      %scan3A_337 = arith.constant 4 : i32
      %dma_start3A = arith.constant 0 : i32
      %dma_start3A_338 = arith.constant 0 : i32
      %dma_start3A_339 = tpu.memref_slice %arg2[%dma_start3A, %dma_start3A_338] : memref<8192x512xf32, #tpu.memory_space<hbm>> -> memref<8192x512xf32, #tpu.memory_space<hbm>>
      tpu.enqueue_indirect_dma source(%dma_start3A_339 : memref<8192x512xf32, #tpu.memory_space<hbm>>) target(%arg9 : memref<64x512xf32, #tpu.memory_space<vmem>>) offsets(%arg8 : memref<64xi32, #tpu.memory_space<vmem>>) semaphore(%arg11 : memref<!tpu.dma_semaphore, #tpu.memory_space<semaphore_mem>>)
      %dma_wait3A = arith.constant 0 : i32
      %dma_wait3A_340 = arith.constant 0 : i32
      %dma_wait3A_341 = tpu.memref_slice %arg2[%dma_wait3A, %dma_wait3A_340] : memref<8192x512xf32, #tpu.memory_space<hbm>> -> memref<8192x512xf32, #tpu.memory_space<hbm>>
      tpu.wait_indirect_dma semaphore(%arg11 : memref<!tpu.dma_semaphore, #tpu.memory_space<semaphore_mem>>) src(%dma_wait3A_341 : memref<8192x512xf32, #tpu.memory_space<hbm>>) dst(%arg9 : memref<64x512xf32, #tpu.memory_space<vmem>>)
      %sub3A_342 = arith.constant 1 : i32
      %sub3A_343 = arith.subi %select_n3A_279, %sub3A_342 : i32
      %mul3A_344 = arith.constant 64 : i32
      %mul3A_345 = arith.muli %sub3A_343, %mul3A_344 : i32
      %sub3A_346 = arith.subi %scan3A_250, %mul3A_345 : i32
      %while3A_347 = arith.constant 64 : i32
      %while3A_348 = arith.constant 0 : i32
      %while3A_349 = arith.subi %while3A_347, %sub3A_346 : i32
      %while3A_350 = arith.addi %sub3A_346, %while3A_349 : i32
      %while3A_351 = arith.constant 1 : i32
      %while3A_352 = arith.divsi %while3A_349, %while3A_351 : i32
      %while3A_353 = arith.muli %while3A_352, %while3A_351 : i32
      %while3A_354 = arith.addi %sub3A_346, %while3A_353 : i32
      %while3A_355 = arith.constant 1 : i32
      %while3A_356 = scf.for %while3A_360 = %sub3A_346 to %while3A_354 step %while3A_355 iter_args(%while3A_361 = %while3A_348) -> (i32)  : i32 {
        %broadcast_in_dim3A = arith.constant 0.000000e+00 : f32
        %broadcast_in_dim3A_362 = vector.broadcast %broadcast_in_dim3A : f32 to vector<16xf32>
        %swap3A = arith.index_cast %while3A_360 : i32 to index
        %swap3A_363 = arith.constant 0 : index
        %swap3A_364 = tpu.vector_load %arg9[%swap3A, %swap3A_363] {strides = array<i32>} : memref<64x512xf32, #tpu.memory_space<vmem>>, vector<16xf32>,
        tpu.vector_store %arg9[%swap3A, %swap3A_363], %broadcast_in_dim3A_362 {strides = array<i32>} : memref<64x512xf32, #tpu.memory_space<vmem>>, vector<16xf32>,
        %broadcast_in_dim3A_365 = arith.constant 0.000000e+00 : f32
        %broadcast_in_dim3A_366 = vector.broadcast %broadcast_in_dim3A_365 : f32 to vector<16xf32>
        %swap3A_367 = arith.index_cast %while3A_360 : i32 to index
        %swap3A_368 = arith.constant 16 : index
        %swap3A_369 = tpu.vector_load %arg9[%swap3A_367, %swap3A_368] {strides = array<i32>} : memref<64x512xf32, #tpu.memory_space<vmem>>, vector<16xf32>,
        tpu.vector_store %arg9[%swap3A_367, %swap3A_368], %broadcast_in_dim3A_366 {strides = array<i32>} : memref<64x512xf32, #tpu.memory_space<vmem>>, vector<16xf32>,
        %broadcast_in_dim3A_370 = arith.constant 0.000000e+00 : f32
        %broadcast_in_dim3A_371 = vector.broadcast %broadcast_in_dim3A_370 : f32 to vector<16xf32>
        %swap3A_372 = arith.index_cast %while3A_360 : i32 to index
        %swap3A_373 = arith.constant 32 : index
        %swap3A_374 = tpu.vector_load %arg9[%swap3A_372, %swap3A_373] {strides = array<i32>} : memref<64x512xf32, #tpu.memory_space<vmem>>, vector<16xf32>,
        tpu.vector_store %arg9[%swap3A_372, %swap3A_373], %broadcast_in_dim3A_371 {strides = array<i32>} : memref<64x512xf32, #tpu.memory_space<vmem>>, vector<16xf32>,
        %broadcast_in_dim3A_375 = arith.constant 0.000000e+00 : f32
        %broadcast_in_dim3A_376 = vector.broadcast %broadcast_in_dim3A_375 : f32 to vector<16xf32>
        %swap3A_377 = arith.index_cast %while3A_360 : i32 to index
        %swap3A_378 = arith.constant 48 : index
        %swap3A_379 = tpu.vector_load %arg9[%swap3A_377, %swap3A_378] {strides = array<i32>} : memref<64x512xf32, #tpu.memory_space<vmem>>, vector<16xf32>,
        tpu.vector_store %arg9[%swap3A_377, %swap3A_378], %broadcast_in_dim3A_376 {strides = array<i32>} : memref<64x512xf32, #tpu.memory_space<vmem>>, vector<16xf32>,
        %broadcast_in_dim3A_380 = arith.constant 0.000000e+00 : f32
        %broadcast_in_dim3A_381 = vector.broadcast %broadcast_in_dim3A_380 : f32 to vector<16xf32>
        %swap3A_382 = arith.index_cast %while3A_360 : i32 to index
        %swap3A_383 = arith.constant 64 : index
        %swap3A_384 = tpu.vector_load %arg9[%swap3A_382, %swap3A_383] {strides = array<i32>} : memref<64x512xf32, #tpu.memory_space<vmem>>, vector<16xf32>,
        tpu.vector_store %arg9[%swap3A_382, %swap3A_383], %broadcast_in_dim3A_381 {strides = array<i32>} : memref<64x512xf32, #tpu.memory_space<vmem>>, vector<16xf32>,
        %broadcast_in_dim3A_385 = arith.constant 0.000000e+00 : f32
        %broadcast_in_dim3A_386 = vector.broadcast %broadcast_in_dim3A_385 : f32 to vector<16xf32>
        %swap3A_387 = arith.index_cast %while3A_360 : i32 to index
        %swap3A_388 = arith.constant 80 : index
        %swap3A_389 = tpu.vector_load %arg9[%swap3A_387, %swap3A_388] {strides = array<i32>} : memref<64x512xf32, #tpu.memory_space<vmem>>, vector<16xf32>,
        tpu.vector_store %arg9[%swap3A_387, %swap3A_388], %broadcast_in_dim3A_386 {strides = array<i32>} : memref<64x512xf32, #tpu.memory_space<vmem>>, vector<16xf32>,
        %broadcast_in_dim3A_390 = arith.constant 0.000000e+00 : f32
        %broadcast_in_dim3A_391 = vector.broadcast %broadcast_in_dim3A_390 : f32 to vector<16xf32>
        %swap3A_392 = arith.index_cast %while3A_360 : i32 to index
        %swap3A_393 = arith.constant 96 : index
        %swap3A_394 = tpu.vector_load %arg9[%swap3A_392, %swap3A_393] {strides = array<i32>} : memref<64x512xf32, #tpu.memory_space<vmem>>, vector<16xf32>,
        tpu.vector_store %arg9[%swap3A_392, %swap3A_393], %broadcast_in_dim3A_391 {strides = array<i32>} : memref<64x512xf32, #tpu.memory_space<vmem>>, vector<16xf32>,
        %broadcast_in_dim3A_395 = arith.constant 0.000000e+00 : f32
        %broadcast_in_dim3A_396 = vector.broadcast %broadcast_in_dim3A_395 : f32 to vector<16xf32>
        %swap3A_397 = arith.index_cast %while3A_360 : i32 to index
        %swap3A_398 = arith.constant 112 : index
        %swap3A_399 = tpu.vector_load %arg9[%swap3A_397, %swap3A_398] {strides = array<i32>} : memref<64x512xf32, #tpu.memory_space<vmem>>, vector<16xf32>,
        tpu.vector_store %arg9[%swap3A_397, %swap3A_398], %broadcast_in_dim3A_396 {strides = array<i32>} : memref<64x512xf32, #tpu.memory_space<vmem>>, vector<16xf32>,
        %broadcast_in_dim3A_400 = arith.constant 0.000000e+00 : f32
        %broadcast_in_dim3A_401 = vector.broadcast %broadcast_in_dim3A_400 : f32 to vector<16xf32>
        %swap3A_402 = arith.index_cast %while3A_360 : i32 to index
        %swap3A_403 = arith.constant 128 : index
        %swap3A_404 = tpu.vector_load %arg9[%swap3A_402, %swap3A_403] {strides = array<i32>} : memref<64x512xf32, #tpu.memory_space<vmem>>, vector<16xf32>,
        tpu.vector_store %arg9[%swap3A_402, %swap3A_403], %broadcast_in_dim3A_401 {strides = array<i32>} : memref<64x512xf32, #tpu.memory_space<vmem>>, vector<16xf32>,
        %broadcast_in_dim3A_405 = arith.constant 0.000000e+00 : f32
        %broadcast_in_dim3A_406 = vector.broadcast %broadcast_in_dim3A_405 : f32 to vector<16xf32>
        %swap3A_407 = arith.index_cast %while3A_360 : i32 to index
        %swap3A_408 = arith.constant 144 : index
        %swap3A_409 = tpu.vector_load %arg9[%swap3A_407, %swap3A_408] {strides = array<i32>} : memref<64x512xf32, #tpu.memory_space<vmem>>, vector<16xf32>,
        tpu.vector_store %arg9[%swap3A_407, %swap3A_408], %broadcast_in_dim3A_406 {strides = array<i32>} : memref<64x512xf32, #tpu.memory_space<vmem>>, vector<16xf32>,
        %broadcast_in_dim3A_410 = arith.constant 0.000000e+00 : f32
        %broadcast_in_dim3A_411 = vector.broadcast %broadcast_in_dim3A_410 : f32 to vector<16xf32>
        %swap3A_412 = arith.index_cast %while3A_360 : i32 to index
        %swap3A_413 = arith.constant 160 : index
        %swap3A_414 = tpu.vector_load %arg9[%swap3A_412, %swap3A_413] {strides = array<i32>} : memref<64x512xf32, #tpu.memory_space<vmem>>, vector<16xf32>,
        tpu.vector_store %arg9[%swap3A_412, %swap3A_413], %broadcast_in_dim3A_411 {strides = array<i32>} : memref<64x512xf32, #tpu.memory_space<vmem>>, vector<16xf32>,
        %broadcast_in_dim3A_415 = arith.constant 0.000000e+00 : f32
        %broadcast_in_dim3A_416 = vector.broadcast %broadcast_in_dim3A_415 : f32 to vector<16xf32>
        %swap3A_417 = arith.index_cast %while3A_360 : i32 to index
        %swap3A_418 = arith.constant 176 : index
        %swap3A_419 = tpu.vector_load %arg9[%swap3A_417, %swap3A_418] {strides = array<i32>} : memref<64x512xf32, #tpu.memory_space<vmem>>, vector<16xf32>,
        tpu.vector_store %arg9[%swap3A_417, %swap3A_418], %broadcast_in_dim3A_416 {strides = array<i32>} : memref<64x512xf32, #tpu.memory_space<vmem>>, vector<16xf32>,
        %broadcast_in_dim3A_420 = arith.constant 0.000000e+00 : f32
        %broadcast_in_dim3A_421 = vector.broadcast %broadcast_in_dim3A_420 : f32 to vector<16xf32>
        %swap3A_422 = arith.index_cast %while3A_360 : i32 to index
        %swap3A_423 = arith.constant 192 : index
        %swap3A_424 = tpu.vector_load %arg9[%swap3A_422, %swap3A_423] {strides = array<i32>} : memref<64x512xf32, #tpu.memory_space<vmem>>, vector<16xf32>,
        tpu.vector_store %arg9[%swap3A_422, %swap3A_423], %broadcast_in_dim3A_421 {strides = array<i32>} : memref<64x512xf32, #tpu.memory_space<vmem>>, vector<16xf32>,
        %broadcast_in_dim3A_425 = arith.constant 0.000000e+00 : f32
        %broadcast_in_dim3A_426 = vector.broadcast %broadcast_in_dim3A_425 : f32 to vector<16xf32>
        %swap3A_427 = arith.index_cast %while3A_360 : i32 to index
        %swap3A_428 = arith.constant 208 : index
        %swap3A_429 = tpu.vector_load %arg9[%swap3A_427, %swap3A_428] {strides = array<i32>} : memref<64x512xf32, #tpu.memory_space<vmem>>, vector<16xf32>,
        tpu.vector_store %arg9[%swap3A_427, %swap3A_428], %broadcast_in_dim3A_426 {strides = array<i32>} : memref<64x512xf32, #tpu.memory_space<vmem>>, vector<16xf32>,
        %broadcast_in_dim3A_430 = arith.constant 0.000000e+00 : f32
        %broadcast_in_dim3A_431 = vector.broadcast %broadcast_in_dim3A_430 : f32 to vector<16xf32>
        %swap3A_432 = arith.index_cast %while3A_360 : i32 to index
        %swap3A_433 = arith.constant 224 : index
        %swap3A_434 = tpu.vector_load %arg9[%swap3A_432, %swap3A_433] {strides = array<i32>} : memref<64x512xf32, #tpu.memory_space<vmem>>, vector<16xf32>,
        tpu.vector_store %arg9[%swap3A_432, %swap3A_433], %broadcast_in_dim3A_431 {strides = array<i32>} : memref<64x512xf32, #tpu.memory_space<vmem>>, vector<16xf32>,
        %broadcast_in_dim3A_435 = arith.constant 0.000000e+00 : f32
        %broadcast_in_dim3A_436 = vector.broadcast %broadcast_in_dim3A_435 : f32 to vector<16xf32>
        %swap3A_437 = arith.index_cast %while3A_360 : i32 to index
        %swap3A_438 = arith.constant 240 : index
        %swap3A_439 = tpu.vector_load %arg9[%swap3A_437, %swap3A_438] {strides = array<i32>} : memref<64x512xf32, #tpu.memory_space<vmem>>, vector<16xf32>,
        tpu.vector_store %arg9[%swap3A_437, %swap3A_438], %broadcast_in_dim3A_436 {strides = array<i32>} : memref<64x512xf32, #tpu.memory_space<vmem>>, vector<16xf32>,
        %broadcast_in_dim3A_440 = arith.constant 0.000000e+00 : f32
        %broadcast_in_dim3A_441 = vector.broadcast %broadcast_in_dim3A_440 : f32 to vector<16xf32>
        %swap3A_442 = arith.index_cast %while3A_360 : i32 to index
        %swap3A_443 = arith.constant 256 : index
        %swap3A_444 = tpu.vector_load %arg9[%swap3A_442, %swap3A_443] {strides = array<i32>} : memref<64x512xf32, #tpu.memory_space<vmem>>, vector<16xf32>,
        tpu.vector_store %arg9[%swap3A_442, %swap3A_443], %broadcast_in_dim3A_441 {strides = array<i32>} : memref<64x512xf32, #tpu.memory_space<vmem>>, vector<16xf32>,
        %broadcast_in_dim3A_445 = arith.constant 0.000000e+00 : f32
        %broadcast_in_dim3A_446 = vector.broadcast %broadcast_in_dim3A_445 : f32 to vector<16xf32>
        %swap3A_447 = arith.index_cast %while3A_360 : i32 to index
        %swap3A_448 = arith.constant 272 : index
        %swap3A_449 = tpu.vector_load %arg9[%swap3A_447, %swap3A_448] {strides = array<i32>} : memref<64x512xf32, #tpu.memory_space<vmem>>, vector<16xf32>,
        tpu.vector_store %arg9[%swap3A_447, %swap3A_448], %broadcast_in_dim3A_446 {strides = array<i32>} : memref<64x512xf32, #tpu.memory_space<vmem>>, vector<16xf32>,
        %broadcast_in_dim3A_450 = arith.constant 0.000000e+00 : f32
        %broadcast_in_dim3A_451 = vector.broadcast %broadcast_in_dim3A_450 : f32 to vector<16xf32>
        %swap3A_452 = arith.index_cast %while3A_360 : i32 to index
        %swap3A_453 = arith.constant 288 : index
        %swap3A_454 = tpu.vector_load %arg9[%swap3A_452, %swap3A_453] {strides = array<i32>} : memref<64x512xf32, #tpu.memory_space<vmem>>, vector<16xf32>,
        tpu.vector_store %arg9[%swap3A_452, %swap3A_453], %broadcast_in_dim3A_451 {strides = array<i32>} : memref<64x512xf32, #tpu.memory_space<vmem>>, vector<16xf32>,
        %broadcast_in_dim3A_455 = arith.constant 0.000000e+00 : f32
        %broadcast_in_dim3A_456 = vector.broadcast %broadcast_in_dim3A_455 : f32 to vector<16xf32>
        %swap3A_457 = arith.index_cast %while3A_360 : i32 to index
        %swap3A_458 = arith.constant 304 : index
        %swap3A_459 = tpu.vector_load %arg9[%swap3A_457, %swap3A_458] {strides = array<i32>} : memref<64x512xf32, #tpu.memory_space<vmem>>, vector<16xf32>,
        tpu.vector_store %arg9[%swap3A_457, %swap3A_458], %broadcast_in_dim3A_456 {strides = array<i32>} : memref<64x512xf32, #tpu.memory_space<vmem>>, vector<16xf32>,
        %broadcast_in_dim3A_460 = arith.constant 0.000000e+00 : f32
        %broadcast_in_dim3A_461 = vector.broadcast %broadcast_in_dim3A_460 : f32 to vector<16xf32>
        %swap3A_462 = arith.index_cast %while3A_360 : i32 to index
        %swap3A_463 = arith.constant 320 : index
        %swap3A_464 = tpu.vector_load %arg9[%swap3A_462, %swap3A_463] {strides = array<i32>} : memref<64x512xf32, #tpu.memory_space<vmem>>, vector<16xf32>,
        tpu.vector_store %arg9[%swap3A_462, %swap3A_463], %broadcast_in_dim3A_461 {strides = array<i32>} : memref<64x512xf32, #tpu.memory_space<vmem>>, vector<16xf32>,
        %broadcast_in_dim3A_465 = arith.constant 0.000000e+00 : f32
        %broadcast_in_dim3A_466 = vector.broadcast %broadcast_in_dim3A_465 : f32 to vector<16xf32>
        %swap3A_467 = arith.index_cast %while3A_360 : i32 to index
        %swap3A_468 = arith.constant 336 : index
        %swap3A_469 = tpu.vector_load %arg9[%swap3A_467, %swap3A_468] {strides = array<i32>} : memref<64x512xf32, #tpu.memory_space<vmem>>, vector<16xf32>,
        tpu.vector_store %arg9[%swap3A_467, %swap3A_468], %broadcast_in_dim3A_466 {strides = array<i32>} : memref<64x512xf32, #tpu.memory_space<vmem>>, vector<16xf32>,
        %broadcast_in_dim3A_470 = arith.constant 0.000000e+00 : f32
        %broadcast_in_dim3A_471 = vector.broadcast %broadcast_in_dim3A_470 : f32 to vector<16xf32>
        %swap3A_472 = arith.index_cast %while3A_360 : i32 to index
        %swap3A_473 = arith.constant 352 : index
        %swap3A_474 = tpu.vector_load %arg9[%swap3A_472, %swap3A_473] {strides = array<i32>} : memref<64x512xf32, #tpu.memory_space<vmem>>, vector<16xf32>,
        tpu.vector_store %arg9[%swap3A_472, %swap3A_473], %broadcast_in_dim3A_471 {strides = array<i32>} : memref<64x512xf32, #tpu.memory_space<vmem>>, vector<16xf32>,
        %broadcast_in_dim3A_475 = arith.constant 0.000000e+00 : f32
        %broadcast_in_dim3A_476 = vector.broadcast %broadcast_in_dim3A_475 : f32 to vector<16xf32>
        %swap3A_477 = arith.index_cast %while3A_360 : i32 to index
        %swap3A_478 = arith.constant 368 : index
        %swap3A_479 = tpu.vector_load %arg9[%swap3A_477, %swap3A_478] {strides = array<i32>} : memref<64x512xf32, #tpu.memory_space<vmem>>, vector<16xf32>,
        tpu.vector_store %arg9[%swap3A_477, %swap3A_478], %broadcast_in_dim3A_476 {strides = array<i32>} : memref<64x512xf32, #tpu.memory_space<vmem>>, vector<16xf32>,
        %broadcast_in_dim3A_480 = arith.constant 0.000000e+00 : f32
        %broadcast_in_dim3A_481 = vector.broadcast %broadcast_in_dim3A_480 : f32 to vector<16xf32>
        %swap3A_482 = arith.index_cast %while3A_360 : i32 to index
        %swap3A_483 = arith.constant 384 : index
        %swap3A_484 = tpu.vector_load %arg9[%swap3A_482, %swap3A_483] {strides = array<i32>} : memref<64x512xf32, #tpu.memory_space<vmem>>, vector<16xf32>,
        tpu.vector_store %arg9[%swap3A_482, %swap3A_483], %broadcast_in_dim3A_481 {strides = array<i32>} : memref<64x512xf32, #tpu.memory_space<vmem>>, vector<16xf32>,
        %broadcast_in_dim3A_485 = arith.constant 0.000000e+00 : f32
        %broadcast_in_dim3A_486 = vector.broadcast %broadcast_in_dim3A_485 : f32 to vector<16xf32>
        %swap3A_487 = arith.index_cast %while3A_360 : i32 to index
        %swap3A_488 = arith.constant 400 : index
        %swap3A_489 = tpu.vector_load %arg9[%swap3A_487, %swap3A_488] {strides = array<i32>} : memref<64x512xf32, #tpu.memory_space<vmem>>, vector<16xf32>,
        tpu.vector_store %arg9[%swap3A_487, %swap3A_488], %broadcast_in_dim3A_486 {strides = array<i32>} : memref<64x512xf32, #tpu.memory_space<vmem>>, vector<16xf32>,
        %broadcast_in_dim3A_490 = arith.constant 0.000000e+00 : f32
        %broadcast_in_dim3A_491 = vector.broadcast %broadcast_in_dim3A_490 : f32 to vector<16xf32>
        %swap3A_492 = arith.index_cast %while3A_360 : i32 to index
        %swap3A_493 = arith.constant 416 : index
        %swap3A_494 = tpu.vector_load %arg9[%swap3A_492, %swap3A_493] {strides = array<i32>} : memref<64x512xf32, #tpu.memory_space<vmem>>, vector<16xf32>,
        tpu.vector_store %arg9[%swap3A_492, %swap3A_493], %broadcast_in_dim3A_491 {strides = array<i32>} : memref<64x512xf32, #tpu.memory_space<vmem>>, vector<16xf32>,
        %broadcast_in_dim3A_495 = arith.constant 0.000000e+00 : f32
        %broadcast_in_dim3A_496 = vector.broadcast %broadcast_in_dim3A_495 : f32 to vector<16xf32>
        %swap3A_497 = arith.index_cast %while3A_360 : i32 to index
        %swap3A_498 = arith.constant 432 : index
        %swap3A_499 = tpu.vector_load %arg9[%swap3A_497, %swap3A_498] {strides = array<i32>} : memref<64x512xf32, #tpu.memory_space<vmem>>, vector<16xf32>,
        tpu.vector_store %arg9[%swap3A_497, %swap3A_498], %broadcast_in_dim3A_496 {strides = array<i32>} : memref<64x512xf32, #tpu.memory_space<vmem>>, vector<16xf32>,
        %broadcast_in_dim3A_500 = arith.constant 0.000000e+00 : f32
        %broadcast_in_dim3A_501 = vector.broadcast %broadcast_in_dim3A_500 : f32 to vector<16xf32>
        %swap3A_502 = arith.index_cast %while3A_360 : i32 to index
        %swap3A_503 = arith.constant 448 : index
        %swap3A_504 = tpu.vector_load %arg9[%swap3A_502, %swap3A_503] {strides = array<i32>} : memref<64x512xf32, #tpu.memory_space<vmem>>, vector<16xf32>,
        tpu.vector_store %arg9[%swap3A_502, %swap3A_503], %broadcast_in_dim3A_501 {strides = array<i32>} : memref<64x512xf32, #tpu.memory_space<vmem>>, vector<16xf32>,
        %broadcast_in_dim3A_505 = arith.constant 0.000000e+00 : f32
        %broadcast_in_dim3A_506 = vector.broadcast %broadcast_in_dim3A_505 : f32 to vector<16xf32>
        %swap3A_507 = arith.index_cast %while3A_360 : i32 to index
        %swap3A_508 = arith.constant 464 : index
        %swap3A_509 = tpu.vector_load %arg9[%swap3A_507, %swap3A_508] {strides = array<i32>} : memref<64x512xf32, #tpu.memory_space<vmem>>, vector<16xf32>,
        tpu.vector_store %arg9[%swap3A_507, %swap3A_508], %broadcast_in_dim3A_506 {strides = array<i32>} : memref<64x512xf32, #tpu.memory_space<vmem>>, vector<16xf32>,
        %broadcast_in_dim3A_510 = arith.constant 0.000000e+00 : f32
        %broadcast_in_dim3A_511 = vector.broadcast %broadcast_in_dim3A_510 : f32 to vector<16xf32>
        %swap3A_512 = arith.index_cast %while3A_360 : i32 to index
        %swap3A_513 = arith.constant 480 : index
        %swap3A_514 = tpu.vector_load %arg9[%swap3A_512, %swap3A_513] {strides = array<i32>} : memref<64x512xf32, #tpu.memory_space<vmem>>, vector<16xf32>,
        tpu.vector_store %arg9[%swap3A_512, %swap3A_513], %broadcast_in_dim3A_511 {strides = array<i32>} : memref<64x512xf32, #tpu.memory_space<vmem>>, vector<16xf32>,
        %broadcast_in_dim3A_515 = arith.constant 0.000000e+00 : f32
        %broadcast_in_dim3A_516 = vector.broadcast %broadcast_in_dim3A_515 : f32 to vector<16xf32>
        %swap3A_517 = arith.index_cast %while3A_360 : i32 to index
        %swap3A_518 = arith.constant 496 : index
        %swap3A_519 = tpu.vector_load %arg9[%swap3A_517, %swap3A_518] {strides = array<i32>} : memref<64x512xf32, #tpu.memory_space<vmem>>, vector<16xf32>,
        tpu.vector_store %arg9[%swap3A_517, %swap3A_518], %broadcast_in_dim3A_516 {strides = array<i32>} : memref<64x512xf32, #tpu.memory_space<vmem>>, vector<16xf32>,
        %while3A_520 = arith.constant 0 : i32
        scf.yield %while3A_520 : i32
      }
      %while3A_357 = arith.constant 1 : i32
      %while3A_358 = scf.for %while3A_360 = %while3A_354 to %while3A_350 step %while3A_357 iter_args(%while3A_361 = %while3A_356) -> (i32)  : i32 {
        %broadcast_in_dim3A = arith.constant 0.000000e+00 : f32
        %broadcast_in_dim3A_362 = vector.broadcast %broadcast_in_dim3A : f32 to vector<16xf32>
        %swap3A = arith.index_cast %while3A_360 : i32 to index
        %swap3A_363 = arith.constant 0 : index
        %swap3A_364 = tpu.vector_load %arg9[%swap3A, %swap3A_363] {strides = array<i32>} : memref<64x512xf32, #tpu.memory_space<vmem>>, vector<16xf32>,
        tpu.vector_store %arg9[%swap3A, %swap3A_363], %broadcast_in_dim3A_362 {strides = array<i32>} : memref<64x512xf32, #tpu.memory_space<vmem>>, vector<16xf32>,
        %broadcast_in_dim3A_365 = arith.constant 0.000000e+00 : f32
        %broadcast_in_dim3A_366 = vector.broadcast %broadcast_in_dim3A_365 : f32 to vector<16xf32>
        %swap3A_367 = arith.index_cast %while3A_360 : i32 to index
        %swap3A_368 = arith.constant 16 : index
        %swap3A_369 = tpu.vector_load %arg9[%swap3A_367, %swap3A_368] {strides = array<i32>} : memref<64x512xf32, #tpu.memory_space<vmem>>, vector<16xf32>,
        tpu.vector_store %arg9[%swap3A_367, %swap3A_368], %broadcast_in_dim3A_366 {strides = array<i32>} : memref<64x512xf32, #tpu.memory_space<vmem>>, vector<16xf32>,
        %broadcast_in_dim3A_370 = arith.constant 0.000000e+00 : f32
        %broadcast_in_dim3A_371 = vector.broadcast %broadcast_in_dim3A_370 : f32 to vector<16xf32>
        %swap3A_372 = arith.index_cast %while3A_360 : i32 to index
        %swap3A_373 = arith.constant 32 : index
        %swap3A_374 = tpu.vector_load %arg9[%swap3A_372, %swap3A_373] {strides = array<i32>} : memref<64x512xf32, #tpu.memory_space<vmem>>, vector<16xf32>,
        tpu.vector_store %arg9[%swap3A_372, %swap3A_373], %broadcast_in_dim3A_371 {strides = array<i32>} : memref<64x512xf32, #tpu.memory_space<vmem>>, vector<16xf32>,
        %broadcast_in_dim3A_375 = arith.constant 0.000000e+00 : f32
        %broadcast_in_dim3A_376 = vector.broadcast %broadcast_in_dim3A_375 : f32 to vector<16xf32>
        %swap3A_377 = arith.index_cast %while3A_360 : i32 to index
        %swap3A_378 = arith.constant 48 : index
        %swap3A_379 = tpu.vector_load %arg9[%swap3A_377, %swap3A_378] {strides = array<i32>} : memref<64x512xf32, #tpu.memory_space<vmem>>, vector<16xf32>,
        tpu.vector_store %arg9[%swap3A_377, %swap3A_378], %broadcast_in_dim3A_376 {strides = array<i32>} : memref<64x512xf32, #tpu.memory_space<vmem>>, vector<16xf32>,
        %broadcast_in_dim3A_380 = arith.constant 0.000000e+00 : f32
        %broadcast_in_dim3A_381 = vector.broadcast %broadcast_in_dim3A_380 : f32 to vector<16xf32>
        %swap3A_382 = arith.index_cast %while3A_360 : i32 to index
        %swap3A_383 = arith.constant 64 : index
        %swap3A_384 = tpu.vector_load %arg9[%swap3A_382, %swap3A_383] {strides = array<i32>} : memref<64x512xf32, #tpu.memory_space<vmem>>, vector<16xf32>,
        tpu.vector_store %arg9[%swap3A_382, %swap3A_383], %broadcast_in_dim3A_381 {strides = array<i32>} : memref<64x512xf32, #tpu.memory_space<vmem>>, vector<16xf32>,
        %broadcast_in_dim3A_385 = arith.constant 0.000000e+00 : f32
        %broadcast_in_dim3A_386 = vector.broadcast %broadcast_in_dim3A_385 : f32 to vector<16xf32>
        %swap3A_387 = arith.index_cast %while3A_360 : i32 to index
        %swap3A_388 = arith.constant 80 : index
        %swap3A_389 = tpu.vector_load %arg9[%swap3A_387, %swap3A_388] {strides = array<i32>} : memref<64x512xf32, #tpu.memory_space<vmem>>, vector<16xf32>,
        tpu.vector_store %arg9[%swap3A_387, %swap3A_388], %broadcast_in_dim3A_386 {strides = array<i32>} : memref<64x512xf32, #tpu.memory_space<vmem>>, vector<16xf32>,
        %broadcast_in_dim3A_390 = arith.constant 0.000000e+00 : f32
        %broadcast_in_dim3A_391 = vector.broadcast %broadcast_in_dim3A_390 : f32 to vector<16xf32>
        %swap3A_392 = arith.index_cast %while3A_360 : i32 to index
        %swap3A_393 = arith.constant 96 : index
        %swap3A_394 = tpu.vector_load %arg9[%swap3A_392, %swap3A_393] {strides = array<i32>} : memref<64x512xf32, #tpu.memory_space<vmem>>, vector<16xf32>,
        tpu.vector_store %arg9[%swap3A_392, %swap3A_393], %broadcast_in_dim3A_391 {strides = array<i32>} : memref<64x512xf32, #tpu.memory_space<vmem>>, vector<16xf32>,
        %broadcast_in_dim3A_395 = arith.constant 0.000000e+00 : f32
        %broadcast_in_dim3A_396 = vector.broadcast %broadcast_in_dim3A_395 : f32 to vector<16xf32>
        %swap3A_397 = arith.index_cast %while3A_360 : i32 to index
        %swap3A_398 = arith.constant 112 : index
        %swap3A_399 = tpu.vector_load %arg9[%swap3A_397, %swap3A_398] {strides = array<i32>} : memref<64x512xf32, #tpu.memory_space<vmem>>, vector<16xf32>,
        tpu.vector_store %arg9[%swap3A_397, %swap3A_398], %broadcast_in_dim3A_396 {strides = array<i32>} : memref<64x512xf32, #tpu.memory_space<vmem>>, vector<16xf32>,
        %broadcast_in_dim3A_400 = arith.constant 0.000000e+00 : f32
        %broadcast_in_dim3A_401 = vector.broadcast %broadcast_in_dim3A_400 : f32 to vector<16xf32>
        %swap3A_402 = arith.index_cast %while3A_360 : i32 to index
        %swap3A_403 = arith.constant 128 : index
        %swap3A_404 = tpu.vector_load %arg9[%swap3A_402, %swap3A_403] {strides = array<i32>} : memref<64x512xf32, #tpu.memory_space<vmem>>, vector<16xf32>,
        tpu.vector_store %arg9[%swap3A_402, %swap3A_403], %broadcast_in_dim3A_401 {strides = array<i32>} : memref<64x512xf32, #tpu.memory_space<vmem>>, vector<16xf32>,
        %broadcast_in_dim3A_405 = arith.constant 0.000000e+00 : f32
        %broadcast_in_dim3A_406 = vector.broadcast %broadcast_in_dim3A_405 : f32 to vector<16xf32>
        %swap3A_407 = arith.index_cast %while3A_360 : i32 to index
        %swap3A_408 = arith.constant 144 : index
        %swap3A_409 = tpu.vector_load %arg9[%swap3A_407, %swap3A_408] {strides = array<i32>} : memref<64x512xf32, #tpu.memory_space<vmem>>, vector<16xf32>,
        tpu.vector_store %arg9[%swap3A_407, %swap3A_408], %broadcast_in_dim3A_406 {strides = array<i32>} : memref<64x512xf32, #tpu.memory_space<vmem>>, vector<16xf32>,
        %broadcast_in_dim3A_410 = arith.constant 0.000000e+00 : f32
        %broadcast_in_dim3A_411 = vector.broadcast %broadcast_in_dim3A_410 : f32 to vector<16xf32>
        %swap3A_412 = arith.index_cast %while3A_360 : i32 to index
        %swap3A_413 = arith.constant 160 : index
        %swap3A_414 = tpu.vector_load %arg9[%swap3A_412, %swap3A_413] {strides = array<i32>} : memref<64x512xf32, #tpu.memory_space<vmem>>, vector<16xf32>,
        tpu.vector_store %arg9[%swap3A_412, %swap3A_413], %broadcast_in_dim3A_411 {strides = array<i32>} : memref<64x512xf32, #tpu.memory_space<vmem>>, vector<16xf32>,
        %broadcast_in_dim3A_415 = arith.constant 0.000000e+00 : f32
        %broadcast_in_dim3A_416 = vector.broadcast %broadcast_in_dim3A_415 : f32 to vector<16xf32>
        %swap3A_417 = arith.index_cast %while3A_360 : i32 to index
        %swap3A_418 = arith.constant 176 : index
        %swap3A_419 = tpu.vector_load %arg9[%swap3A_417, %swap3A_418] {strides = array<i32>} : memref<64x512xf32, #tpu.memory_space<vmem>>, vector<16xf32>,
        tpu.vector_store %arg9[%swap3A_417, %swap3A_418], %broadcast_in_dim3A_416 {strides = array<i32>} : memref<64x512xf32, #tpu.memory_space<vmem>>, vector<16xf32>,
        %broadcast_in_dim3A_420 = arith.constant 0.000000e+00 : f32
        %broadcast_in_dim3A_421 = vector.broadcast %broadcast_in_dim3A_420 : f32 to vector<16xf32>
        %swap3A_422 = arith.index_cast %while3A_360 : i32 to index
        %swap3A_423 = arith.constant 192 : index
        %swap3A_424 = tpu.vector_load %arg9[%swap3A_422, %swap3A_423] {strides = array<i32>} : memref<64x512xf32, #tpu.memory_space<vmem>>, vector<16xf32>,
        tpu.vector_store %arg9[%swap3A_422, %swap3A_423], %broadcast_in_dim3A_421 {strides = array<i32>} : memref<64x512xf32, #tpu.memory_space<vmem>>, vector<16xf32>,
        %broadcast_in_dim3A_425 = arith.constant 0.000000e+00 : f32
        %broadcast_in_dim3A_426 = vector.broadcast %broadcast_in_dim3A_425 : f32 to vector<16xf32>
        %swap3A_427 = arith.index_cast %while3A_360 : i32 to index
        %swap3A_428 = arith.constant 208 : index
        %swap3A_429 = tpu.vector_load %arg9[%swap3A_427, %swap3A_428] {strides = array<i32>} : memref<64x512xf32, #tpu.memory_space<vmem>>, vector<16xf32>,
        tpu.vector_store %arg9[%swap3A_427, %swap3A_428], %broadcast_in_dim3A_426 {strides = array<i32>} : memref<64x512xf32, #tpu.memory_space<vmem>>, vector<16xf32>,
        %broadcast_in_dim3A_430 = arith.constant 0.000000e+00 : f32
        %broadcast_in_dim3A_431 = vector.broadcast %broadcast_in_dim3A_430 : f32 to vector<16xf32>
        %swap3A_432 = arith.index_cast %while3A_360 : i32 to index
        %swap3A_433 = arith.constant 224 : index
        %swap3A_434 = tpu.vector_load %arg9[%swap3A_432, %swap3A_433] {strides = array<i32>} : memref<64x512xf32, #tpu.memory_space<vmem>>, vector<16xf32>,
        tpu.vector_store %arg9[%swap3A_432, %swap3A_433], %broadcast_in_dim3A_431 {strides = array<i32>} : memref<64x512xf32, #tpu.memory_space<vmem>>, vector<16xf32>,
        %broadcast_in_dim3A_435 = arith.constant 0.000000e+00 : f32
        %broadcast_in_dim3A_436 = vector.broadcast %broadcast_in_dim3A_435 : f32 to vector<16xf32>
        %swap3A_437 = arith.index_cast %while3A_360 : i32 to index
        %swap3A_438 = arith.constant 240 : index
        %swap3A_439 = tpu.vector_load %arg9[%swap3A_437, %swap3A_438] {strides = array<i32>} : memref<64x512xf32, #tpu.memory_space<vmem>>, vector<16xf32>,
        tpu.vector_store %arg9[%swap3A_437, %swap3A_438], %broadcast_in_dim3A_436 {strides = array<i32>} : memref<64x512xf32, #tpu.memory_space<vmem>>, vector<16xf32>,
        %broadcast_in_dim3A_440 = arith.constant 0.000000e+00 : f32
        %broadcast_in_dim3A_441 = vector.broadcast %broadcast_in_dim3A_440 : f32 to vector<16xf32>
        %swap3A_442 = arith.index_cast %while3A_360 : i32 to index
        %swap3A_443 = arith.constant 256 : index
        %swap3A_444 = tpu.vector_load %arg9[%swap3A_442, %swap3A_443] {strides = array<i32>} : memref<64x512xf32, #tpu.memory_space<vmem>>, vector<16xf32>,
        tpu.vector_store %arg9[%swap3A_442, %swap3A_443], %broadcast_in_dim3A_441 {strides = array<i32>} : memref<64x512xf32, #tpu.memory_space<vmem>>, vector<16xf32>,
        %broadcast_in_dim3A_445 = arith.constant 0.000000e+00 : f32
        %broadcast_in_dim3A_446 = vector.broadcast %broadcast_in_dim3A_445 : f32 to vector<16xf32>
        %swap3A_447 = arith.index_cast %while3A_360 : i32 to index
        %swap3A_448 = arith.constant 272 : index
        %swap3A_449 = tpu.vector_load %arg9[%swap3A_447, %swap3A_448] {strides = array<i32>} : memref<64x512xf32, #tpu.memory_space<vmem>>, vector<16xf32>,
        tpu.vector_store %arg9[%swap3A_447, %swap3A_448], %broadcast_in_dim3A_446 {strides = array<i32>} : memref<64x512xf32, #tpu.memory_space<vmem>>, vector<16xf32>,
        %broadcast_in_dim3A_450 = arith.constant 0.000000e+00 : f32
        %broadcast_in_dim3A_451 = vector.broadcast %broadcast_in_dim3A_450 : f32 to vector<16xf32>
        %swap3A_452 = arith.index_cast %while3A_360 : i32 to index
        %swap3A_453 = arith.constant 288 : index
        %swap3A_454 = tpu.vector_load %arg9[%swap3A_452, %swap3A_453] {strides = array<i32>} : memref<64x512xf32, #tpu.memory_space<vmem>>, vector<16xf32>,
        tpu.vector_store %arg9[%swap3A_452, %swap3A_453], %broadcast_in_dim3A_451 {strides = array<i32>} : memref<64x512xf32, #tpu.memory_space<vmem>>, vector<16xf32>,
        %broadcast_in_dim3A_455 = arith.constant 0.000000e+00 : f32
        %broadcast_in_dim3A_456 = vector.broadcast %broadcast_in_dim3A_455 : f32 to vector<16xf32>
        %swap3A_457 = arith.index_cast %while3A_360 : i32 to index
        %swap3A_458 = arith.constant 304 : index
        %swap3A_459 = tpu.vector_load %arg9[%swap3A_457, %swap3A_458] {strides = array<i32>} : memref<64x512xf32, #tpu.memory_space<vmem>>, vector<16xf32>,
        tpu.vector_store %arg9[%swap3A_457, %swap3A_458], %broadcast_in_dim3A_456 {strides = array<i32>} : memref<64x512xf32, #tpu.memory_space<vmem>>, vector<16xf32>,
        %broadcast_in_dim3A_460 = arith.constant 0.000000e+00 : f32
        %broadcast_in_dim3A_461 = vector.broadcast %broadcast_in_dim3A_460 : f32 to vector<16xf32>
        %swap3A_462 = arith.index_cast %while3A_360 : i32 to index
        %swap3A_463 = arith.constant 320 : index
        %swap3A_464 = tpu.vector_load %arg9[%swap3A_462, %swap3A_463] {strides = array<i32>} : memref<64x512xf32, #tpu.memory_space<vmem>>, vector<16xf32>,
        tpu.vector_store %arg9[%swap3A_462, %swap3A_463], %broadcast_in_dim3A_461 {strides = array<i32>} : memref<64x512xf32, #tpu.memory_space<vmem>>, vector<16xf32>,
        %broadcast_in_dim3A_465 = arith.constant 0.000000e+00 : f32
        %broadcast_in_dim3A_466 = vector.broadcast %broadcast_in_dim3A_465 : f32 to vector<16xf32>
        %swap3A_467 = arith.index_cast %while3A_360 : i32 to index
        %swap3A_468 = arith.constant 336 : index
        %swap3A_469 = tpu.vector_load %arg9[%swap3A_467, %swap3A_468] {strides = array<i32>} : memref<64x512xf32, #tpu.memory_space<vmem>>, vector<16xf32>,
        tpu.vector_store %arg9[%swap3A_467, %swap3A_468], %broadcast_in_dim3A_466 {strides = array<i32>} : memref<64x512xf32, #tpu.memory_space<vmem>>, vector<16xf32>,
        %broadcast_in_dim3A_470 = arith.constant 0.000000e+00 : f32
        %broadcast_in_dim3A_471 = vector.broadcast %broadcast_in_dim3A_470 : f32 to vector<16xf32>
        %swap3A_472 = arith.index_cast %while3A_360 : i32 to index
        %swap3A_473 = arith.constant 352 : index
        %swap3A_474 = tpu.vector_load %arg9[%swap3A_472, %swap3A_473] {strides = array<i32>} : memref<64x512xf32, #tpu.memory_space<vmem>>, vector<16xf32>,
        tpu.vector_store %arg9[%swap3A_472, %swap3A_473], %broadcast_in_dim3A_471 {strides = array<i32>} : memref<64x512xf32, #tpu.memory_space<vmem>>, vector<16xf32>,
        %broadcast_in_dim3A_475 = arith.constant 0.000000e+00 : f32
        %broadcast_in_dim3A_476 = vector.broadcast %broadcast_in_dim3A_475 : f32 to vector<16xf32>
        %swap3A_477 = arith.index_cast %while3A_360 : i32 to index
        %swap3A_478 = arith.constant 368 : index
        %swap3A_479 = tpu.vector_load %arg9[%swap3A_477, %swap3A_478] {strides = array<i32>} : memref<64x512xf32, #tpu.memory_space<vmem>>, vector<16xf32>,
        tpu.vector_store %arg9[%swap3A_477, %swap3A_478], %broadcast_in_dim3A_476 {strides = array<i32>} : memref<64x512xf32, #tpu.memory_space<vmem>>, vector<16xf32>,
        %broadcast_in_dim3A_480 = arith.constant 0.000000e+00 : f32
        %broadcast_in_dim3A_481 = vector.broadcast %broadcast_in_dim3A_480 : f32 to vector<16xf32>
        %swap3A_482 = arith.index_cast %while3A_360 : i32 to index
        %swap3A_483 = arith.constant 384 : index
        %swap3A_484 = tpu.vector_load %arg9[%swap3A_482, %swap3A_483] {strides = array<i32>} : memref<64x512xf32, #tpu.memory_space<vmem>>, vector<16xf32>,
        tpu.vector_store %arg9[%swap3A_482, %swap3A_483], %broadcast_in_dim3A_481 {strides = array<i32>} : memref<64x512xf32, #tpu.memory_space<vmem>>, vector<16xf32>,
        %broadcast_in_dim3A_485 = arith.constant 0.000000e+00 : f32
        %broadcast_in_dim3A_486 = vector.broadcast %broadcast_in_dim3A_485 : f32 to vector<16xf32>
        %swap3A_487 = arith.index_cast %while3A_360 : i32 to index
        %swap3A_488 = arith.constant 400 : index
        %swap3A_489 = tpu.vector_load %arg9[%swap3A_487, %swap3A_488] {strides = array<i32>} : memref<64x512xf32, #tpu.memory_space<vmem>>, vector<16xf32>,
        tpu.vector_store %arg9[%swap3A_487, %swap3A_488], %broadcast_in_dim3A_486 {strides = array<i32>} : memref<64x512xf32, #tpu.memory_space<vmem>>, vector<16xf32>,
        %broadcast_in_dim3A_490 = arith.constant 0.000000e+00 : f32
        %broadcast_in_dim3A_491 = vector.broadcast %broadcast_in_dim3A_490 : f32 to vector<16xf32>
        %swap3A_492 = arith.index_cast %while3A_360 : i32 to index
        %swap3A_493 = arith.constant 416 : index
        %swap3A_494 = tpu.vector_load %arg9[%swap3A_492, %swap3A_493] {strides = array<i32>} : memref<64x512xf32, #tpu.memory_space<vmem>>, vector<16xf32>,
        tpu.vector_store %arg9[%swap3A_492, %swap3A_493], %broadcast_in_dim3A_491 {strides = array<i32>} : memref<64x512xf32, #tpu.memory_space<vmem>>, vector<16xf32>,
        %broadcast_in_dim3A_495 = arith.constant 0.000000e+00 : f32
        %broadcast_in_dim3A_496 = vector.broadcast %broadcast_in_dim3A_495 : f32 to vector<16xf32>
        %swap3A_497 = arith.index_cast %while3A_360 : i32 to index
        %swap3A_498 = arith.constant 432 : index
        %swap3A_499 = tpu.vector_load %arg9[%swap3A_497, %swap3A_498] {strides = array<i32>} : memref<64x512xf32, #tpu.memory_space<vmem>>, vector<16xf32>,
        tpu.vector_store %arg9[%swap3A_497, %swap3A_498], %broadcast_in_dim3A_496 {strides = array<i32>} : memref<64x512xf32, #tpu.memory_space<vmem>>, vector<16xf32>,
        %broadcast_in_dim3A_500 = arith.constant 0.000000e+00 : f32
        %broadcast_in_dim3A_501 = vector.broadcast %broadcast_in_dim3A_500 : f32 to vector<16xf32>
        %swap3A_502 = arith.index_cast %while3A_360 : i32 to index
        %swap3A_503 = arith.constant 448 : index
        %swap3A_504 = tpu.vector_load %arg9[%swap3A_502, %swap3A_503] {strides = array<i32>} : memref<64x512xf32, #tpu.memory_space<vmem>>, vector<16xf32>,
        tpu.vector_store %arg9[%swap3A_502, %swap3A_503], %broadcast_in_dim3A_501 {strides = array<i32>} : memref<64x512xf32, #tpu.memory_space<vmem>>, vector<16xf32>,
        %broadcast_in_dim3A_505 = arith.constant 0.000000e+00 : f32
        %broadcast_in_dim3A_506 = vector.broadcast %broadcast_in_dim3A_505 : f32 to vector<16xf32>
        %swap3A_507 = arith.index_cast %while3A_360 : i32 to index
        %swap3A_508 = arith.constant 464 : index
        %swap3A_509 = tpu.vector_load %arg9[%swap3A_507, %swap3A_508] {strides = array<i32>} : memref<64x512xf32, #tpu.memory_space<vmem>>, vector<16xf32>,
        tpu.vector_store %arg9[%swap3A_507, %swap3A_508], %broadcast_in_dim3A_506 {strides = array<i32>} : memref<64x512xf32, #tpu.memory_space<vmem>>, vector<16xf32>,
        %broadcast_in_dim3A_510 = arith.constant 0.000000e+00 : f32
        %broadcast_in_dim3A_511 = vector.broadcast %broadcast_in_dim3A_510 : f32 to vector<16xf32>
        %swap3A_512 = arith.index_cast %while3A_360 : i32 to index
        %swap3A_513 = arith.constant 480 : index
        %swap3A_514 = tpu.vector_load %arg9[%swap3A_512, %swap3A_513] {strides = array<i32>} : memref<64x512xf32, #tpu.memory_space<vmem>>, vector<16xf32>,
        tpu.vector_store %arg9[%swap3A_512, %swap3A_513], %broadcast_in_dim3A_511 {strides = array<i32>} : memref<64x512xf32, #tpu.memory_space<vmem>>, vector<16xf32>,
        %broadcast_in_dim3A_515 = arith.constant 0.000000e+00 : f32
        %broadcast_in_dim3A_516 = vector.broadcast %broadcast_in_dim3A_515 : f32 to vector<16xf32>
        %swap3A_517 = arith.index_cast %while3A_360 : i32 to index
        %swap3A_518 = arith.constant 496 : index
        %swap3A_519 = tpu.vector_load %arg9[%swap3A_517, %swap3A_518] {strides = array<i32>} : memref<64x512xf32, #tpu.memory_space<vmem>>, vector<16xf32>,
        tpu.vector_store %arg9[%swap3A_517, %swap3A_518], %broadcast_in_dim3A_516 {strides = array<i32>} : memref<64x512xf32, #tpu.memory_space<vmem>>, vector<16xf32>,
        %while3A_520 = arith.constant 0 : i32
        scf.yield %while3A_520 : i32
      }
      %add3A_359 = arith.addi %mul3A_2, %add3A_332 : i32
      "tpu.region"() ({
        %run_scoped3A = tpu.sem_alloc : memref<!tpu.dma_semaphore, #tpu.memory_space<semaphore_mem>>
        %dma_start3A_360 = arith.constant 0 : i32
        %dma_start3A_361 = tpu.memref_slice %arg4[%add3A_359, %dma_start3A_360] : memref<65536x512xf32, #tpu.memory_space<hbm>> -> memref<64x512xf32, #tpu.memory_space<hbm>>
        %dma_start3A_362 = arith.constant 0 : i32
        %dma_start3A_363 = tpu.memref_slice %arg4[%add3A_359, %dma_start3A_362] : memref<65536x512xf32, #tpu.memory_space<hbm>> -> memref<64x512xf32, #tpu.memory_space<hbm>>
        tpu.enqueue_dma source(%arg9 : memref<64x512xf32, #tpu.memory_space<vmem>>) target(%dma_start3A_363 : memref<64x512xf32, #tpu.memory_space<hbm>>) target_semaphore(%run_scoped3A : memref<!tpu.dma_semaphore, #tpu.memory_space<semaphore_mem>>)
        %dma_wait3A_364 = arith.constant 0 : i32
        %dma_wait3A_365 = tpu.memref_slice %arg4[%add3A_359, %dma_wait3A_364] : memref<65536x512xf32, #tpu.memory_space<hbm>> -> memref<64x512xf32, #tpu.memory_space<hbm>>
        %dma_wait3A_366 = arith.constant 0 : i32
        %dma_wait3A_367 = tpu.memref_slice %arg4[%add3A_359, %dma_wait3A_366] : memref<65536x512xf32, #tpu.memory_space<hbm>> -> memref<64x512xf32, #tpu.memory_space<hbm>>
        tpu.wait_dma2 semaphore(%run_scoped3A : memref<!tpu.dma_semaphore, #tpu.memory_space<semaphore_mem>>) src(%arg9 : memref<64x512xf32, #tpu.memory_space<vmem>>) dst(%dma_wait3A_367 : memref<64x512xf32, #tpu.memory_space<hbm>>)
        tpu.yield
      }) : () -> ()
    } else {
    }
    return
  }
}

module attributes {stable_mosaic.version = 14 : i64} {
  func.func @_prep_body(%arg0: i32, %arg1: memref<2048x2048xbf16, #tpu.memory_space<vmem>>, %arg2: memref<1x1x2048xi32, #tpu.memory_space<vmem>>, %arg3: memref<1x1x2048xi32, #tpu.memory_space<vmem>>, %arg4: memref<128x1xi32, #tpu.memory_space<vmem>>, %arg5: memref<2048x512xf32, #tpu.memory_space<vmem>>, %arg6: memref<128x1xf32, #tpu.memory_space<vmem>>) attributes {dimension_semantics = [#tpu.dimension_semantics<arbitrary>], iteration_bounds = array<i64: 32>, scalar_prefetch = 0 : i64, scratch_operands = 1 : i64, tpu.core_type = #tpu.core_type<tc>, window_params = [{pipeline_mode = #tpu.pipeline_mode<synchronous>, transform_indices = @transform_0, window_bounds = array<i64: 2048, 2048>}, {transform_indices = @transform_1, window_bounds = array<i64: 1, 1, 2048>}, {transform_indices = @transform_2, window_bounds = array<i64: 1, 1, 2048>}, {pipeline_mode = #tpu.pipeline_mode<synchronous>, transform_indices = @transform_3, window_bounds = array<i64: 128, 1>}, {transform_indices = @transform_4, window_bounds = array<i64: 2048, 512>}]} {
    %broadcast_in_dim3A = arith.constant 0.000000e+00 : f32
    %broadcast_in_dim3A_0 = vector.broadcast %broadcast_in_dim3A : f32 to vector<2048x512xf32>
    %swap3A = arith.constant 0 : index
    %swap3A_1 = arith.constant 0 : index
    %swap3A_2 = vector.load %arg5[%swap3A, %swap3A_1] : memref<2048x512xf32, #tpu.memory_space<vmem>>, vector<2048x512xf32>
    tpu.vector_store %arg5[%swap3A, %swap3A_1], %broadcast_in_dim3A_0 {strides = array<i32>} : memref<2048x512xf32, #tpu.memory_space<vmem>>, vector<2048x512xf32>,
    %eq3A = arith.constant 0 : i32
    %eq3A_3 = arith.cmpi eq, %arg0, %eq3A : i32
    %convert_element_type3A = arith.extui %eq3A_3 : i1 to i32
    %cond3A = arith.constant 0 : i32
    %cond3A_4 = arith.cmpi ne, %convert_element_type3A, %cond3A : i32
    scf.if %cond3A_4 {
      %broadcast_in_dim3A_14 = arith.constant 0.000000e+00 : f32
      %broadcast_in_dim3A_15 = vector.broadcast %broadcast_in_dim3A_14 : f32 to vector<128x1xf32>
      %swap3A_16 = arith.constant 0 : index
      %swap3A_17 = arith.constant 0 : index
      %swap3A_18 = vector.load %arg6[%swap3A_16, %swap3A_17] : memref<128x1xf32, #tpu.memory_space<vmem>>, vector<128x1xf32>
      tpu.vector_store %arg6[%swap3A_16, %swap3A_17], %broadcast_in_dim3A_15 {strides = array<i32>} : memref<128x1xf32, #tpu.memory_space<vmem>>, vector<128x1xf32>,
    } else {
    }
    %lt3A = arith.constant 4 : i32
    %lt3A_5 = arith.cmpi slt, %arg0, %lt3A : i32
    %convert_element_type3A_6 = arith.extui %lt3A_5 : i1 to i32
    %cond3A_7 = arith.constant 0 : i32
    %cond3A_8 = arith.cmpi ne, %convert_element_type3A_6, %cond3A_7 : i32
    scf.if %cond3A_8 {
      %get3A = arith.constant 0 : index
      %get3A_14 = arith.constant 0 : index
      %get3A_15 = arith.constant 0 : index
      %get3A_16 = vector.load %arg2[%get3A, %get3A_14, %get3A_15] : memref<1x1x2048xi32, #tpu.memory_space<vmem>>, vector<1x1x2048xi32>
      %get3A_17 = vector.shape_cast %get3A_16 : vector<1x1x2048xi32> to vector<2048xi32>
      %iota3A = tpu.iota {dimensions = array<i32: 0>} : vector<128x2048xi32>
      %broadcast_in_dim3A_18 = vector.shape_cast %get3A_17 : vector<2048xi32> to vector<1x2048xi32>
      %eq3A_19 = vector.broadcast %broadcast_in_dim3A_18 : vector<1x2048xi32> to vector<128x2048xi32>
      %eq3A_20 = arith.cmpi eq, %iota3A, %eq3A_19 : vector<128x2048xi32>
      %convert_element_type3A_21 = arith.extui %eq3A_20 : vector<128x2048xi1> to vector<128x2048xi32>
      %convert_element_type3A_22 = arith.sitofp %convert_element_type3A_21 : vector<128x2048xi32> to vector<128x2048xf32>
      %convert_element_type3A_23 = arith.truncf %convert_element_type3A_22 : vector<128x2048xf32> to vector<128x2048xbf16>
      %get3A_24 = arith.constant 0 : index
      %get3A_25 = arith.constant 0 : index
      %get3A_26 = vector.load %arg1[%get3A_24, %get3A_25] : memref<2048x2048xbf16, #tpu.memory_space<vmem>>, vector<2048x2048xbf16>
      %dot_general3A = arith.constant dense<0.000000e+00> : vector<128x2048xf32>
      %dot_general3A_27 = tpu.matmul %convert_element_type3A_23, %get3A_26, %dot_general3A {dimension_numbers = #tpu.dot_dimension_numbers<[1], [0], [0], [1], [0, 0, 1, 1], [], []>, transpose_lhs_hint = false} : vector<128x2048xbf16>, vector<2048x2048xbf16>, vector<128x2048xf32> -> vector<128x2048xf32>
      %get3A_28 = arith.constant 0 : index
      %get3A_29 = arith.constant 0 : index
      %get3A_30 = vector.load %arg6[%get3A_28, %get3A_29] : memref<128x1xf32, #tpu.memory_space<vmem>>, vector<128x1xf32>
      %add3A = vector.broadcast %get3A_30 : vector<128x1xf32> to vector<128x2048xf32>
      %add3A_31 = arith.addf %dot_general3A_27, %add3A : vector<128x2048xf32>
      %jit3A = arith.constant 0.000000e+00 : f32
      %broadcast_in_dim3A_32 = vector.broadcast %jit3A : f32 to vector<128x2048xf32>
      %select_n3A = arith.select %eq3A_20, %add3A_31, %broadcast_in_dim3A_32 : vector<128x2048xi1>, vector<128x2048xf32>
      %reduce_sum3A = arith.constant dense<0.000000e+00> : vector<2048xf32>
      %reduce_sum3A_33 = vector.multi_reduction <add>, %select_n3A, %reduce_sum3A [0] : vector<128x2048xf32> to vector<2048xf32>
      %sub3A = arith.constant 1.000000e+00 : f32
      %sub3A_34 = vector.broadcast %sub3A : f32 to vector<2048xf32>
      %sub3A_35 = arith.subf %reduce_sum3A_33, %sub3A_34 : vector<2048xf32>
      %convert_element_type3A_36 = arith.fptosi %sub3A_35 : vector<2048xf32> to vector<2048xi32>
      %mul3A = arith.constant 512 : i32
      %mul3A_37 = vector.broadcast %mul3A : i32 to vector<2048xi32>
      %mul3A_38 = arith.muli %get3A_17, %mul3A_37 : vector<2048xi32>
      %add3A_39 = arith.addi %mul3A_38, %convert_element_type3A_36 : vector<2048xi32>
      %lt3A_40 = arith.constant 512 : i32
      %lt3A_41 = vector.broadcast %lt3A_40 : i32 to vector<2048xi32>
      %lt3A_42 = arith.cmpi slt, %convert_element_type3A_36, %lt3A_41 : vector<2048xi32>
      %jit3A_43 = arith.constant 1073741824 : i32
      %broadcast_in_dim3A_44 = vector.broadcast %jit3A_43 : i32 to vector<2048xi32>
      %select_n3A_45 = arith.select %lt3A_42, %add3A_39, %broadcast_in_dim3A_44 : vector<2048xi1>, vector<2048xi32>
      %swap3A_46 = arith.constant 0 : index
      %swap3A_47 = arith.constant 0 : index
      %swap3A_48 = arith.constant 0 : index
      %swap3A_49 = vector.load %arg3[%swap3A_46, %swap3A_47, %swap3A_48] : memref<1x1x2048xi32, #tpu.memory_space<vmem>>, vector<1x1x2048xi32>
      %swap3A_50 = vector.shape_cast %swap3A_49 : vector<1x1x2048xi32> to vector<2048xi32>
      %swap3A_51 = vector.shape_cast %select_n3A_45 : vector<2048xi32> to vector<1x1x2048xi32>
      tpu.vector_store %arg3[%swap3A_46, %swap3A_47, %swap3A_48], %swap3A_51 {strides = array<i32>} : memref<1x1x2048xi32, #tpu.memory_space<vmem>>, vector<1x1x2048xi32>,
      %get3A_52 = arith.constant 0 : index
      %get3A_53 = arith.constant 0 : index
      %get3A_54 = vector.load %arg6[%get3A_52, %get3A_53] : memref<128x1xf32, #tpu.memory_space<vmem>>, vector<128x1xf32>
      %slice3A = vector.extract_strided_slice %dot_general3A_27 {offsets = [0, 2047], sizes = [128, 1], strides = [1, 1]} : vector<128x2048xf32> to vector<128x1xf32>
      %add3A_55 = arith.addf %get3A_54, %slice3A : vector<128x1xf32>
      %swap3A_56 = arith.constant 0 : index
      %swap3A_57 = arith.constant 0 : index
      %swap3A_58 = vector.load %arg6[%swap3A_56, %swap3A_57] : memref<128x1xf32, #tpu.memory_space<vmem>>, vector<128x1xf32>
      tpu.vector_store %arg6[%swap3A_56, %swap3A_57], %add3A_55 {strides = array<i32>} : memref<128x1xf32, #tpu.memory_space<vmem>>, vector<128x1xf32>,
    } else {
    }
    %eq3A_9 = arith.constant 3 : i32
    %eq3A_10 = arith.cmpi eq, %arg0, %eq3A_9 : i32
    %convert_element_type3A_11 = arith.extui %eq3A_10 : i1 to i32
    %cond3A_12 = arith.constant 0 : i32
    %cond3A_13 = arith.cmpi ne, %convert_element_type3A_11, %cond3A_12 : i32
    scf.if %cond3A_13 {
      %get3A = arith.constant 0 : index
      %get3A_14 = arith.constant 0 : index
      %get3A_15 = vector.load %arg6[%get3A, %get3A_14] : memref<128x1xf32, #tpu.memory_space<vmem>>, vector<128x1xf32>
      %convert_element_type3A_16 = arith.fptosi %get3A_15 : vector<128x1xf32> to vector<128x1xi32>
      %swap3A_17 = arith.constant 0 : index
      %swap3A_18 = arith.constant 0 : index
      %swap3A_19 = vector.load %arg4[%swap3A_17, %swap3A_18] : memref<128x1xi32, #tpu.memory_space<vmem>>, vector<128x1xi32>
      tpu.vector_store %arg4[%swap3A_17, %swap3A_18], %convert_element_type3A_16 {strides = array<i32>} : memref<128x1xi32, #tpu.memory_space<vmem>>, vector<128x1xi32>,
    } else {
    }
    return
  }
  func.func @transform_0(%arg0: i32) -> (i32, i32) {
    %c0_i32 = arith.constant 0 : i32
    %c0_i32_0 = arith.constant 0 : i32
    %c0_i32_1 = arith.constant 0 : i32
    return %c0_i32, %c0_i32_0 : i32, i32
  }
  func.func @transform_1(%arg0: i32) -> (i32, i32, i32) {
    %min3A = arith.constant 3 : i32
    %min3A_0 = arith.minsi %arg0, %min3A : i32
    %c0_i32 = arith.constant 0 : i32
    %c0_i32_1 = arith.constant 0 : i32
    %c0_i32_2 = arith.constant 0 : i32
    return %min3A_0, %c0_i32, %c0_i32_1 : i32, i32, i32
  }
  func.func @transform_2(%arg0: i32) -> (i32, i32, i32) {
    %min3A = arith.constant 3 : i32
    %min3A_0 = arith.minsi %arg0, %min3A : i32
    %c0_i32 = arith.constant 0 : i32
    %c0_i32_1 = arith.constant 0 : i32
    %c0_i32_2 = arith.constant 0 : i32
    return %min3A_0, %c0_i32, %c0_i32_1 : i32, i32, i32
  }
  func.func @transform_3(%arg0: i32) -> (i32, i32) {
    %c0_i32 = arith.constant 0 : i32
    %c0_i32_0 = arith.constant 0 : i32
    %c0_i32_1 = arith.constant 0 : i32
    return %c0_i32, %c0_i32_0 : i32, i32
  }
  func.func @transform_4(%arg0: i32) -> (i32, i32) {
    %c0_i32 = arith.constant 0 : i32
    %c0_i32_0 = arith.constant 0 : i32
    return %arg0, %c0_i32 : i32, i32
  }
}

</mosaic_0001>

<sc_bundles>
// kernel: kernel.4.cloned.1.call-start
scs
__scs_entry_jumppad:
0x0: {  	(pc) =	sbr.rel $0x88, $3  }
0x1: {  	(tag) =	ssettag $0x0;
	lr =	simm.s32 $0x1  }
0x2: {  	[smem:$0x3F9F] =	sst lr;
	_ =	strace $0xD0000000  }
0x3: {  	_ = 	snop  }
0x4: {  	_ = 	snop  }
0x5: {  	_ = 	snop  }
0x6: {  	_ = 	snop  }
0x7: {  	_ = 	snop  }
__scs_overlays_trampoline_lowered:
0x8: {  	[smem:$0x3FAE] =	sst s0  }
0x9: {  	[smem:$0x3FAF] =	sst s1  }
0xa: {  	[smem:$0x3FB0] =	sst s2  }
0xb: {  	[smem:$0x3FB1] =	sst s3  }
0xc: {  	[smem:$0x3FB2] =	sst s4  }
0xd: {  	[smem:$0x3FB3] =	sst s5  }
0xe: {  	[smem:$0x3FB4] =	sst s6  }
0xf: {  	[smem:$0x3FB5] =	sst s7  }
0x10: {  	[smem:$0x3FB6] =	sst s8  }
0x11: {  	[smem:$0x3FB7] =	sst s9;
	s0 =	simm.s32 @!p0 $0x0  }
0x12: {  	s1 =	sld [smem:$0x3F9D];
	s0 =	simm.s32 @p0 $0x1  }
0x13: {  	[smem:$0x3FB8] =	sst s0;
	s0 =	simm.s32 @!p1 $0x0  }
0x14: {  	s2 =	sld [smem:$0x3F9C];
	s0 =	simm.s32 @p1 $0x1  }
0x15: {  	[smem:$0x3FB9] =	sst s0;
	s0 =	simm.s32 @!p2 $0x0  }
0x16: {  	s3 =	sld [smem:$0x3FDB];
	s0 =	simm.s32 @p2 $0x1  }
0x17: {  	s4 =	simm.s32 $0x1BF5;
	[smem:$0x3FBB] =	sst s0  }
0x18: {  	s0 =	sld [smem:$0x3F9E];
	_ =	swait.ge [sflag:s4], $0x0  }
0x19: {  	s7 =	sld [smem:$0x3F9F]  }
0x1a: {  	s8 =	sadd.s32 $0xFFFFE003, lr  }
0x1b: {  	s9 =	sadd.s32 $0xFFFFFEF7, lr;
	s5 =	simm.s32 $0xFFFFFFFF;
	p2 =	slt.u32 s8, $0xFFFFF086  }
0x1c: {  	p1 =	slt.u32 s9, $0xF7A;
	s5 =	simm.s32 @!p2 $0x0  }
0x1d: {  	s5 =	simm.s32 @p1 $0x1;
	p0 =	seq.s32 s7, s2  }
0x1e: {  	s7 =	smul.u32 @!p0 $0xF7A, s2;
	p2 =	seq.s32 @!p0 s5, $0x0  }
0x1f: {  	s9 =	smul.u32 $0xF7A, s1;
	s8 =	simm.s32 @!p0 $0x1BF5;
	p2 =	por !p2, p0  }
0x20: {  	[sflag:s8] =	ssyncset.s32 @!p0 $0xFFFFF086;
	s6 =	sadd.s32 @!p0 s3, s7;
	s7 =	simm.s32 @!p0 $0x108  }
0x21: {  	s3 =	sadd.s32 s3, s9;
	s6 =	sadd.s32 @!p0 $0x88, s6;
	s7 =	simm.s32 @p2 $0x1082  }
0x22: {  	[simem:s7], [sflag:s8] =	dma.local @!p0 [hbm:s6], $0xF7A  }
0x23: {  	s9 =	sor.u32 $0xD0000000, s2;
	s6 =	simm.s32 $0x108;
	_ =	swait.ge @!p0 [sflag:s8], $0x0  }
0x24: {  	s3 =	sadd.s32 $0x88, s3;
	s6 =	simm.s32 @!p1 $0x1082;
	[sflag:s4] =	ssyncset.s32 $0xFFFFF086  }
0x25: {  	[simem:s6], [sflag:s4] =	dma.local [hbm:s3], $0xF7A  }
0x26: {  	[smem:$0x3F9F] =	sst s1;
	(tag) =	ssettag s2;
	_ =	strace s9  }
0x27: {  	s1 =	sld [smem:$0x3FAF]  }
0x28: {  	s2 =	sld [smem:$0x3FB0]  }
0x29: {  	s4 =	sld [smem:$0x3FB2]  }
0x2a: {  	p0 =	seq.s32 s5, $0x0;
	s5 =	sld [smem:$0x3FB3]  }
0x2b: {  	s6 =	sld [smem:$0x3FB4]  }
0x2c: {  	s7 =	sld [smem:$0x3FB5]  }
0x2d: {  	s3 =	simm.s32 $0x108;
	s8 =	sld [smem:$0x3FB6]  }
0x2e: {  	s3 =	simm.s32 @!p0 $0x1082;
	s9 =	sld [smem:$0x3FB7]  }
0x2f: {  	lr =	sadd.s32 s0, s3;
	s0 =	sld [smem:$0x3FAE]  }
0x30: {  	s3 =	sld [smem:$0x3FB1]  }
0x31: {  	[smem:$0x3FBA] =	sst s10  }
0x32: {  	s10 =	sld [smem:$0x3FB8];
	_ =	sdelay $0x3  }
0x33: {  	p0 =	seq.s32 s10, $0x1;
	s10 =	sld [smem:$0x3FBA];
	_ =	sdelay $0x3  }
0x34: {  	[smem:$0x3FBA] =	sst s10  }
0x35: {  	s10 =	sld [smem:$0x3FB9];
	_ =	sdelay $0x3  }
0x36: {  	p1 =	seq.s32 s10, $0x1;
	s10 =	sld [smem:$0x3FBA];
	_ =	sdelay $0x3  }
0x37: {  	[smem:$0x3FBA] =	sst s10  }
0x38: {  	s10 =	sld [smem:$0x3FBB]  }
0x39: {  	_ = 	snop;
	(pc) =	sbr.ind lr, $3  }
0x3a: {  	_ = 	snop  }
0x3b: {  	_ = 	snop  }
0x3c: {  	p2 =	seq.s32 s10, $0x1;
	s10 =	sld [smem:$0x3FBA]  }
0x3d: {  	_ =	shalt  }
0x3e: {  	_ =	shalt  }
0x3f: {  	_ =	shalt  }
0x40: {  	_ =	shalt  }
0x41: {  	_ =	shalt  }
0x42: {  	_ =	shalt  }
0x43: {  	_ =	shalt  }
0x44: {  	_ =	shalt  }
0x45: {  	_ =	shalt  }
0x46: {  	_ =	shalt  }
0x47: {  	_ =	shalt  }
0x48: {  	_ =	shalt  }
0x49: {  	_ =	shalt  }
0x4a: {  	_ =	shalt  }
0x4b: {  	_ =	shalt  }
0x4c: {  	_ =	shalt  }
0x4d: {  	_ =	shalt  }
0x4e: {  	_ =	shalt  }
0x4f: {  	_ =	shalt  }
0x50: {  	_ =	shalt  }
0x51: {  	_ =	shalt  }
0x52: {  	_ =	shalt  }
0x53: {  	_ =	shalt  }
0x54: {  	_ =	shalt  }
0x55: {  	_ =	shalt  }
0x56: {  	_ =	shalt  }
0x57: {  	_ =	shalt  }
0x58: {  	_ =	shalt  }
0x59: {  	_ =	shalt  }
0x5a: {  	_ =	shalt  }
0x5b: {  	_ =	shalt  }
0x5c: {  	_ =	shalt  }
0x5d: {  	_ =	shalt  }
0x5e: {  	_ =	shalt  }
0x5f: {  	_ =	shalt  }
0x60: {  	_ =	shalt  }
0x61: {  	_ =	shalt  }
0x62: {  	_ =	shalt  }
0x63: {  	_ =	shalt  }
0x64: {  	_ =	shalt  }
0x65: {  	_ =	shalt  }
0x66: {  	_ =	shalt  }
0x67: {  	_ =	shalt  }
0x68: {  	_ =	shalt  }
0x69: {  	_ =	shalt  }
0x6a: {  	_ =	shalt  }
0x6b: {  	_ =	shalt  }
0x6c: {  	_ =	shalt  }
0x6d: {  	_ =	shalt  }
0x6e: {  	_ =	shalt  }
0x6f: {  	_ =	shalt  }
0x70: {  	_ =	shalt  }
0x71: {  	_ =	shalt  }
0x72: {  	_ =	shalt  }
0x73: {  	_ =	shalt  }
0x74: {  	_ =	shalt  }
0x75: {  	_ =	shalt  }
0x76: {  	_ =	shalt  }
0x77: {  	_ =	shalt  }
0x78: {  	_ =	shalt  }
0x79: {  	_ =	shalt  }
0x7a: {  	_ =	shalt  }
0x7b: {  	_ =	shalt  }
0x7c: {  	_ =	shalt  }
0x7d: {  	_ =	shalt  }
0x7e: {  	_ =	shalt  }
0x7f: {  	_ =	shalt  }
0x80: {  	_ =	shalt  }
0x81: {  	_ =	shalt  }
0x82: {  	_ =	shalt  }
0x83: {  	_ =	shalt  }
0x84: {  	_ =	shalt  }
0x85: {  	_ =	shalt  }
0x86: {  	_ =	shalt  }
0x87: {  	_ =	shalt  }
.Lfunc_end0:
.L_simem_size_0:
called_computation_lowered:
.L_overlay_start_0:
0x88: {  	s2 =	sld [smem:$0x3FD9]  }
0x89: {  	s3 =	sld [smem:$0x3FFE];
	_ =	sdelay $0x1  }
0x8a: {  	s1 =	srdreg.scid  }
0x8b: {  	s0 =	sand.u32 $0x1, s1  }
0x8c: {  	s14 =	sshll.u32 s0, $0xA;
	s2 =	sadd.s32 s3, s2  }
0x8d: {  	s2 =	sadd.s32 s2, s14  }
0x8e: {  	[smem:$0x3FC6] =	sst s2  }
0x8f: {  	_ = 	snop  }
0x90: {  	s2 =	sld [smem:$0x3FD0];
	_ =	sdelay $0x2  }
0x91: {  	s4 =	simm.s32 $0xA;
	s5 =	simm.s32 $0x10;
	s15 =	sld [smem:$0x3FC9]  }
0x92: {  	[smem:s5], [sflag:s4] =	dma.local [hbm:s2], $0x1  }
0x93: {  	_ =	swait.eq [sflag:s4], $0x1  }
0x94: {  	[sflag:s4] =	ssyncset.done $0x0  }
0x95: {  	[sflag:s4] =	ssyncadd.s32 $0xFFFFFFFF  }
0x96: {  	s16 =	sld [smem:$0x10];
	(tm) =	ssettm $0x1  }
0x97: {  	s17 =	sld [smem:$0x3FFB];
	_ =	sdelay $0x3  }
0x98: {  	_ =	strace s17  }
0x99: {  	s4 =	sld [smem:$0x3FFC];
	_ =	sdelay $0x3  }
0x9a: {  	_ =	strace s4  }
0x9b: {  	s4 =	sld [smem:$0x3FFD];
	_ =	sdelay $0x3  }
0x9c: {  	_ =	strace s4  }
0x9d: {  	_ =	strace $0x8FFFFFFF  }
0x9e: {  	s18 =	sld [smem:$0x3FDB];
	_ =	sdelay $0x1  }
0x9f: {  	s19 =	simm.s32 $_scs_section_size  }
0xa0: {  	s6 =	simm.s32 $_size__tile_overlayer_lowered;
	s7 =	simm.s32 $_tile_overlayer_lowered  }
0xa1: {  	s22 =	simm.s32 $0x1BFF;
	s21 =	sshll.u32 s7, $0x1;
	s4 =	sadd.s32 s19, s18  }
0xa2: {  	s8 =	simm.s32 $0x0;
	s20 =	sshll.u32 s6, $0x1;
	s6 =	sadd.s32 s21, s4  }
0xa3: {  	[timem:s8], [sflag:s22] =	dma.local [hbm:s6], s20  }
0xa4: {  	_ =	swait.ge [sflag:s22], s20  }
0xa5: {  	s5 =	ssub.s32 $0x0, s20;
	[sflag:s22] =	ssyncset.done $0x0  }
0xa6: {  	[sflag:s22] =	ssyncadd.s32 s5;
	_ =	sdelay $0x1  }
0xa7: {  	s23 =	simm.s32 $0x1B8B  }
0xa8: {  	_ =	swait.ge [sflag:s23], $0x1  }
0xa9: {  	[sflag:s23] =	ssyncset.done $0x0  }
0xaa: {  	s25 =	simm.s32 $0x1B8E;
	s24 =	sld [smem:$0x3FFE];
	[sflag:s23] =	ssyncadd.s32 $0xFFFFFFFF  }
0xab: {  	s26 =	simm.s32 $execute0_lowered;
	[smem:$0x3FD2] =	sst s25  }
0xac: {  	s6 =	sshll.u32 s26, $0x1;
	_ =	strace $0x80000046;
	[dreg:$0x1] =	wrdreg $0xFFFFFFFF  }
0xad: {  	s28 =	simm.s32 $_size_execute0_lowered;
	s4 =	sadd.s32 s4, s6;
	[dreg:$0x0] =	wrdreg $0x0  }
0xae: {  	s6 =	sshll.u32 s28, $0x1;
	[dreg:$0x2] =	wrdreg s4  }
0xaf: {  	[dreg:$0x3] =	wrdreg s6  }
0xb0: {  	[dreg:$0x4] =	wrdreg $0xC0  }
0xb1: {  	_ =	task [dreg:s8], $0x5FFFF  }
0xb2: {  	[dreg:$0x1] =	wrdreg $0xFFFFFFFF  }
0xb3: {  	[dreg:$0x0] =	wrdreg $0x60  }
0xb4: {  	[dreg:$0x2] =	wrdreg s15  }
0xb5: {  	[dreg:$0x3] =	wrdreg s24  }
0xb6: {  	[dreg:$0x4] =	wrdreg s16  }
0xb7: {  	[dreg:$0x5] =	wrdreg $0x9  }
0xb8: {  	_ =	task.clear_ibuf [dreg:s8], $0x6FFFF;
	_ =	strace $0x90000046  }
0xb9: {  	s29 =	simm.s32 $0x9;
	_ =	strace $0x80000048  }
0xba: {  	_ =	swait.ge [sflag:s29], $0x1  }
0xbb: {  	[sflag:s29] =	ssyncadd.s32 $0xFFFFFFFF  }
0xbc: {  	_ =	strace $0x90000048  }
0xbd: {  	_ =	sfence  }
0xbe: {  	s30 =	sld [smem:$0x0];
	_ =	sdelay $0x2  }
0xbf: {  	s31 =	sshll.u32 s1, $0xD;
	s1 =	sshrl.u32 s1, $0x2  }
0xc0: {  	s3 =	sand.u32 $0x4000, s31;
	s1 =	sadd.s32 s1, s30  }
0xc1: {  	s0 =	sor.u32 s3, s0;
	s1 =	sshll.u32 s1, $0x11  }
0xc2: {  	s0 =	sor.u32 s1, s0  }
0xc3: {  	s0 =	sadd.s32 $0x8F2B, s0  }
0xc4: {  	[sflag:s0] =	ssyncadd.remote.s32 $0x1  }
0xc5: {  	_ =	sfence.sel $0xFFFF  }
0xc6: {  	[dreg:$0x0] =	wrdreg $0xFFFFFFFF;
	(pc) =	sbr.abs _section_cstart, $3  }
0xc7: {  	[dreg:$0x1] =	wrdreg $0xFFFFFFFF  }
0xc8: {  	_ =	task.clear_ibuf [dreg:s8], $0x2FFFF;
	_ =	strace $0x9FFFFFFF  }
0xc9: {  	(tm) =	ssettm $0x7FFFFFFF  }
tec
execute0_lowered:
.L_overlay_start_1:
0x0: {  	(tag) =	ssettag $0x1  }
0x1: {  	s1 =	rddreg [dreg:$0x0]  }
0x2: {  	s0 =	rddreg [dreg:$0x1]  }
0x3: {  	s7 =	rddreg [dreg:$0x2];
	s3 =	simm.s32 $0x0  }
0x4: {  	s2 =	srdreg.scid;
	s5 =	stileid.u32;
	s14 =	simm.s32 $0x2000  }
0x5: {  	s15 =	simm.s32 $0x1;
	s16 =	simm.s32 $0x2880;
	s17 =	simm.s32 $0x3080  }
0x6: {  	s18 =	simm.s32 $0x3880;
	s19 =	simm.s32 $0x4080;
	s20 =	simm.s32 $0x4880  }
0x7: {  	s21 =	simm.s32 $0x5080;
	s28 =	simm.s32 $0x8080;
	s29 =	simm.s32 $0x8880  }
0x8: {  	s30 =	simm.s32 $0x9080;
	s31 =	simm.s32 $0x9880;
	s8 =	simm.s32 $0x0  }
0x9: {  	[smem:$0x7FF] =	sst s3;
	s2 =	sand.u32 $0x1, s2;
	s0 =	sadd.s32 $0x800, s0  }
0xa: {  	s23 =	sshll.u32 s5, $0xC;
	s5 =	sshll.u32 s5, $0x12;
	_ =	strace $0x80000047  }
0xb: {  	s4 =	ssub.s32 $0x2, s2;
	[dreg:$0x4] =	wrdreg s0;
	s6 =	sshll.u32 s2, $0xB  }
0xc: {  	s5 =	sadd.s32 s5, s7;
	s2 =	sshll.u32 s2, $0x11;
	s7 =	sadd.s32 $0x100, s1  }
0xd: {  	s22 =	sshrl.u32 s4, $0x1;
	s6 =	sor.u32 s6, s23;
	s2 =	sadd.s32 s2, s5  }
0xe: {  	s23 =	simm.s32 $0x6080;
	s0 =	ssub.s32 s4, s22;
	s24 =	sadd.s32 $0x8000, s2  }
0xf: {  	s25 =	sadd.s32 $0x10000, s2;
	[dreg:$0x6] =	wrdreg s2;
	s26 =	sadd.s32 $0x18000, s2  }
.Ltmp0:
0x10: {  	s22 =	simm.s32 $0x5880;
	[dreg:$0x5] =	wrdreg s6;
	(pc) =	sbr.rel .LBB2_1-.Ltmp0, $4  }
0x11: {  	v0 =	vlaneseq.u32;
	s4 =	simm.s32 $0xA880;
	s2 =	simm.s32 $0x2;
	[dreg:$0x8] =	wrdreg s24  }
0x12: {  	v2 =	vimm.s32 $0x2000;
	v3 =	vimm.s32 $0x0;
	v1 =	vmov s6;
	s6 =	simm.s32 $0x3;
	s0 =	smax.u32 s0, $0x1;
	[dreg:$0x9] =	wrdreg s25  }
0x13: {  	vm0 =	vmmov $0xffff;
	v7 =	vimm.f32 $0.0e+00;
	v5 =	vshrl.u32 v0, $0x3;
	[dreg:$0xa] =	wrdreg s26;
	s24 =	simm.s32 $0x6880;
	s25 =	simm.s32 $0x7080  }
0x14: {  	v4 =	vand.u32 $0x7, v0;
	v6 =	vor.u32 $0x8, v0;
	v5 =	vmul.u32 $0x8, v5;
	s26 =	simm.s32 $0x7880;
	[dreg:$0x7] =	wrdreg s0;
	s0 =	simm.s32 $0xA080  }
.LBB2_59:
0x15: {  	[tilespmem:s5+$0x34D0] =	vst v7  }
0x16: {  	[tilespmem:s5+$0x34E0] =	vst v7  }
.LBB2_60:
0x17: {  	s5 =	sshll.u32 s10, $0x6;
	s8 =	rddreg [dreg:$0x2]  }
0x18: {  	s13 =	simm.s32 $0x5;
	s5 =	sadd.s32 s8, s5  }
0x19: {  	[hbm4b:s5+s3] =	stream.linear.scatter [tilespmem:s16], [sflag:$0x5], $0x8000, $0x38;
	[tilespmem:$0x12880] =	vst v63  }
0x1a: {  	_ =	swait.ge [sflag:s13], $0x8000  }
0x1b: {  	[sflag:s13] =	ssyncset.done $0x0  }
0x1c: {  	s8 =	rddreg [dreg:$0xb];
	[sflag:s13] =	ssyncadd.s32 $0xFFFF8000  }
.LBB2_61:
0x1d: {  	s8 =	sadd.s32 $0x1, s8;
	s5 =	rddreg [dreg:$0x7]  }
0x1e: {  	p0 =	sne.s32 s8, s5  }
.Ltmp1:
0x1f: {  	_ = 	snop;
	(pc) =	sbr.rel @!p0 .LBB2_62-.Ltmp1, $1  }
0x20: {  	_ =	sdelay $0x3  }
.LBB2_1:
0x21: {  	[dreg:$0xb] =	wrdreg s8  }
0x22: {  	s5 =	rddreg [dreg:$0x4];
	s13 =	simm.s32 $0x5  }
0x23: {  	[tilespmem:s3], [sflag:$0x5] =	stream.linear.gather [hbm4b:s5+s3], $0x2000, $0x38;
	[tilespmem:$0x12880] =	vst v63  }
0x24: {  	_ =	swait.ge [sflag:s13], $0x2000  }
0x25: {  	[sflag:s13] =	ssyncset.done $0x0  }
0x26: {  	s10 =	simm.s32 $0x2040;
	[sflag:s13] =	ssyncadd.s32 $0xFFFFE000  }
0x27: {  	[tilespmem:s10+$0xFFFFFFC0] =	vst v2  }
0x28: {  	[tilespmem:s10+$0x30] =	vst v2  }
0x29: {  	[tilespmem:s10+$0x20] =	vst v2  }
0x2a: {  	[tilespmem:s10+$0x10] =	vst v2  }
0x2b: {  	[tilespmem:s10+$0x0] =	vst v2  }
0x2c: {  	[tilespmem:s10+$0xFFFFFFF0] =	vst v2  }
0x2d: {  	s11 =	simm.s32 $0x0;
	s8 =	simm.s32 $0x20;
	[tilespmem:s10+$0xFFFFFFE0] =	vst v2  }
.LBB2_2:
0x2e: {  	s11 =	sadd.s32 $0x8, s11;
	[tilespmem:s10+$0xFFFFFFD0] =	vst v2;
	s10 =	sadd.s32 $0x80, s10;
	s9 =	simm.s32 $0xFFFFFFFC  }
0x2f: {  	[tilespmem:s10+$0xFFFFFFC0] =	vst v2;
	p0 =	slt.u32 s11, $0x78  }
0x30: {  	[tilespmem:s10+$0x30] =	vst v2  }
.Ltmp2:
0x31: {  	[tilespmem:s10+$0x20] =	vst v2;
	(pc) =	sbr.rel @p0 .LBB2_2-.Ltmp2, $4  }
0x32: {  	[tilespmem:s10+$0x10] =	vst v2  }
0x33: {  	[tilespmem:s10+$0x0] =	vst v2  }
0x34: {  	[tilespmem:s10+$0xFFFFFFF0] =	vst v2  }
0x35: {  	s5 =	simm.s32 $0x0;
	[tilespmem:s10+$0xFFFFFFE0] =	vst v2  }
0x36: {  	[tilespmem:s10+$0xFFFFFFD0] =	vst v2;
	s10 =	simm.s32 $0x0  }
.LBB2_4:
0x37: {  	v8 =	vld [tilespmem:s8+$0xFFFFFFE0];
	_ =	sdelay $0x4  }
0x38: {  	v8 =	vsub.s32 v8, v1  }
0x39: {  	vm1 =	vgt.s32 v8, $0x0  }
0x3a: {  	vm2 =	vlt.u32 v8, $0x800;
	v8 =	vnsel vm1, $0x0, v8  }
0x3b: {  	v8 =	vmin.u32 v8, $0x7FF;
	_ =	sdelay $0x3  }
0x3c: {  	v9 =	vor.u32 s10, v0  }
0x3d: {  	[tilespmem:v8+s14+$0x0] =	vst.idx.msk vm2, v9  }
0x3e: {  	v8 =	vld [tilespmem:s8+$0xFFFFFFF0];
	_ =	sdelay $0x4  }
0x3f: {  	v8 =	vsub.s32 v8, v1  }
0x40: {  	vm1 =	vgt.s32 v8, $0x0  }
0x41: {  	vm2 =	vlt.u32 v8, $0x800;
	v8 =	vnsel vm1, $0x0, v8  }
0x42: {  	v8 =	vmin.u32 v8, $0x7FF;
	_ =	sdelay $0x2  }
0x43: {  	s11 =	sadd.s32 $0x10, s10  }
0x44: {  	v61 =	vor.u32 s11, v0  }
0x45: {  	[tilespmem:v8+s14+$0x0] =	vst.idx.msk vm2, v61  }
0x46: {  	v8 =	vld [tilespmem:s8+$0x0];
	_ =	sdelay $0x4  }
0x47: {  	v8 =	vsub.s32 v8, v1  }
0x48: {  	vm1 =	vgt.s32 v8, $0x0  }
0x49: {  	vm2 =	vlt.u32 v8, $0x800;
	v8 =	vnsel vm1, $0x0, v8  }
0x4a: {  	v8 =	vmin.u32 v8, $0x7FF;
	_ =	sdelay $0x2  }
0x4b: {  	s12 =	sadd.s32 $0x20, s10  }
0x4c: {  	v62 =	vor.u32 s12, v0  }
0x4d: {  	[tilespmem:v8+s14+$0x0] =	vst.idx.msk vm2, v62  }
0x4e: {  	v8 =	vld [tilespmem:s8+$0x10];
	_ =	sdelay $0x4  }
0x4f: {  	v8 =	vsub.s32 v8, v1  }
0x50: {  	vm1 =	vgt.s32 v8, $0x0  }
0x51: {  	s9 =	sadd.s32 $0x4, s9;
	vm2 =	vlt.u32 v8, $0x800;
	v8 =	vnsel vm1, $0x0, v8  }
0x52: {  	p0 =	slt.u32 s9, $0x1FC;
	v8 =	vmin.u32 v8, $0x7FF  }
.Ltmp3:
0x53: {  	_ = 	snop;
	(pc) =	sbr.rel @p0 .LBB2_4-.Ltmp3, $4  }
0x54: {  	_ = 	snop  }
0x55: {  	s13 =	sadd.s32 $0x30, s10  }
0x56: {  	v63 =	vor.u32 s13, v0  }
0x57: {  	s10 =	sadd.s32 $0x40, s10;
	s8 =	sadd.s32 $0x40, s8;
	[tilespmem:v8+s14+$0x0] =	vst.idx.msk vm2, v63  }
0x58: {  	s8 =	sshra.s32 s5, $0x2  }
0x59: {  	s9 =	sadd.s32 $0x40, s5;
	v8 =	vld [tilespmem:s8+$0x2000]  }
0x5a: {  	s10 =	sshra.s32 s9, $0x2;
	s9 =	sadd.s32 $0x40, s9  }
0x5b: {  	v9 =	vld [tilespmem:s10+$0x2000];
	s11 =	sshra.s32 s9, $0x2  }
0x5c: {  	v10 =	vld [tilespmem:s11+$0x2000];
	_ =	sdelay $0x1  }
0x5d: {  	vm1 =	vlt.s32 v8, $0x2000  }
0x5e: {  	v8 =	vsel vm1, $0x1, v3  }
0x5f: {  	vm1 =	vlt.s32 v9, $0x2000;
	(xrf0) =	vadd.scan.msk.s32 $0xffff, v8  }
0x60: {  	v8 =	vsel vm1, $0x1, v3;
	vm1 =	vlt.s32 v10, $0x2000  }
0x61: {  	s12 =	sadd.s32 $0x40, s9;
	(xrf0) =	vadd.scan.msk.s32 $0xffff, v8;
	v8 =	vsel vm1, $0x1, v3  }
0x62: {  	s9 =	sshra.s32 s12, $0x2;
	(xrf0) =	vadd.scan.msk.s32 $0xffff, v8  }
0x63: {  	v9 =	vld [tilespmem:s9+$0x2000];
	_ =	sdelay $0x1  }
0x64: {  	v8, _, _ =	vpop (xrf0)  }
0x65: {  	(v2sf) =	vpush v8, $0xF  }
0x66: {  	v8, _, _ =	vpop (xrf0)  }
0x67: {  	vm1 =	vlt.s32 v9, $0x2000;
	(v2sf) =	vpush v8, $0xF;
	v9, _, _ =	vpop (xrf0)  }
0x68: {  	(v2sf) =	vpush v9, $0xF;
	_ =	sdelay $0x4  }
0x69: {  	s8 =	sadd.s32 $0x40, s12  }
0x6a: {  	s13 =	sshra.s32 s8, $0x2;
	v8 =	vsel vm1, $0x1, v3  }
0x6b: {  	(xrf0) =	vadd.scan.msk.s32 $0xffff, v8;
	v8 =	vld [tilespmem:s13+$0x2000];
	_ =	sdelay $0x1  }
0x6c: {  	s8 =	sadd.s32 $0x40, s8  }
.LBB2_6:
0x6d: {  	p0 =	sne.s32 s8, $0x7C0  }
.Ltmp4:
0x6e: {  	s9 =	sshra.s32 s8, $0x2;
	(pc) =	sbr.rel @p0 .LBB2_6-.Ltmp4, $4  }
0x6f: {  	s8 =	sadd.s32 $0x40, s8;
	s10 =	spop (v2sf);
	vm1 =	vlt.s32 v8, $0x2000  }
0x70: {  	s5 =	sadd.s32 s5, s10;
	v8 =	vld [tilespmem:s9+$0x2000];
	v10 =	vsel vm1, $0x1, v3  }
0x71: {  	(xrf0) =	vadd.scan.msk.s32 $0xffff, v10;
	v9, _, _ =	vpop (xrf0)  }
0x72: {  	(v2sf) =	vpush v9, $0xF  }
0x73: {  	_ =	sdelay $0x1  }
0x74: {  	vm1 =	vlt.s32 v8, $0x2000  }
0x75: {  	v8 =	vsel vm1, $0x1, v3  }
0x76: {  	(xrf0) =	vadd.scan.msk.s32 $0xffff, v8;
	_ =	sdelay $0x4  }
0x77: {  	v8, _, _ =	vpop (xrf0)  }
0x78: {  	(v2sf) =	vpush v8, $0xF;
	v8, _, _ =	vpop (xrf0)  }
0x79: {  	(v2sf) =	vpush v8, $0xF;
	_ =	sdelay $0xa  }
0x7a: {  	s8 =	spop (v2sf)  }
0x7b: {  	s9 =	spop (v2sf);
	s5 =	sadd.s32 s5, s8  }
0x7c: {  	s5 =	sadd.s32 s5, s9;
	s13 =	spop (v2sf)  }
0x7d: {  	s5 =	sadd.s32 s5, s13;
	s9 =	spop (v2sf)  }
0x7e: {  	s5 =	sadd.s32 s5, s9;
	s10 =	spop (v2sf)  }
0x7f: {  	[dreg:$0xf] =	wrdreg s5;
	s5 =	sadd.s32 s5, s10  }
0x80: {  	[dreg:$0x1b] =	wrdreg s5;
	s5 =	sadd.s32 $0x3F, s5  }
0x81: {  	s11 =	sand.u32 $0x3F, s5  }
0x82: {  	s12 =	sshra.s32 s5, $0x1F;
	p0 =	slt.s32 s5, $0x1;
	p1 =	sne.s32 s11, $0x0  }
0x83: {  	s13 =	sshrl.u32 s12, $0x1A;
	p0 =	por !p0, !p1  }
0x84: {  	s8 =	simm.s32 $0x1;
	s5 =	sadd.s32 s13, s5;
	p0 =	por !p0, !p0  }
0x85: {  	s5 =	sshra.s32 s5, $0x6;
	s8 =	simm.s32 @!p0 $0x0  }
0x86: {  	s5 =	ssub.s32 s5, s8  }
0x87: {  	[dreg:$0x13] =	wrdreg s10;
	s10 =	sadd.s32 $0xFFFFFFFF, s5  }
0x88: {  	[dreg:$0x17] =	wrdreg s5;
	p0 =	sgt.s32 s10, $0x0;
	s5 =	smov.u32 s10  }
0x89: {  	s5 =	simm.s32 @!p0 $0x0  }
0x8a: {  	s5 =	sadd.s32 $0x1, s5  }
0x8b: {  	s5 =	sshrl.u32 s5, $0x1  }
0x8c: {  	p0 =	seq.s32 s5, $0x0  }
.Ltmp5:
0x8d: {  	_ = 	snop;
	(pc) =	sbr.rel @p0 .LBB2_13-.Ltmp5, $1  }
0x8e: {  	_ =	sdelay $0x3  }
.Ltmp6:
0x8f: {  	(pc) =	sbr.rel .LBB2_9-.Ltmp6, $3  }
0x90: {  	_ =	sdelay $0x1  }
0x91: {  	s8 =	rddreg [dreg:$0x17];
	s12 =	sshll.u32 s5, $0x1;
	s5 =	simm.s32 $0x2040  }
0x92: {  	s9 =	rddreg [dreg:$0x6];
	s11 =	sadd.s32 $0xFFFFFFFE, s8;
	s8 =	simm.s32 $0x0  }
.LBB2_11:
0x93: {  	_ =	swait.ge [sflag:s15], $0x8000  }
0x94: {  	[sflag:s15] =	ssyncset.done $0x0  }
0x95: {  	s13 =	simm.s32 $0x3;
	[sflag:s15] =	ssyncadd.s32 $0xFFFF8000  }
0x96: {  	[hbm4b:s9+s3] =	stream.linear.scatter [tilespmem:s16], [sflag:$0x3], $0x8000, $0x38;
	[tilespmem:$0x12880] =	vst v63  }
.LBB2_12:
0x97: {  	s8 =	sadd.s32 $0x2, s8  }
0x98: {  	p0 =	sne.s32 s12, s8  }
.Ltmp7:
0x99: {  	_ = 	snop;
	(pc) =	sbr.rel @!p0 .LBB2_13-.Ltmp7, $4  }
0x9a: {  	_ = 	snop  }
0x9b: {  	_ =	swait.ge [sflag:s13], $0x8000  }
0x9c: {  	[sflag:s13] =	ssyncset.done $0x0  }
0x9d: {  	s9 =	sadd.s32 $0x2000, s9;
	s5 =	sadd.s32 $0x80, s5;
	[sflag:s13] =	ssyncadd.s32 $0xFFFF8000  }
.LBB2_9:
0x9e: {  	v8 =	vld [tilespmem:s5+$0xFFFFFFC0];
	_ =	sdelay $0x4  }
0x9f: {  	v9 =	vshll.u32 v8, $0x2  }
0xa0: {  	v8 =	vand.u32 $0x7, v8;
	v9 =	vand.u32 $0xFFFFFFE0, v9  }
0xa1: {  	v8 =	vor.u32 v8, v9  }
0xa2: {  	v9 =	vperm.xlane v8, v4;
	_ =	sdelay $0x1  }
0xa3: {  	v9 =	vadd.s32 v5, v9;
	_ =	sdelay $0x1  }
0xa4: {  	v8 =	vperm.xlane v8, v6;
	_ =	sdelay $0x1  }
0xa5: {  	v8 =	vadd.s32 v5, v8  }
0xa6: {  	[tilespmem:s16], [sflag:$0x1] =	stream.indirect_vreg.gather [hbm4b:s1+s3], $0x80, v9, vm0, $0xb8;
	[tilespmem:$0x12880] =	vst v63  }
0xa7: {  	_ = 	snop  }
0xa8: {  	[tilespmem:s17], [sflag:$0x1] =	stream.indirect_vreg.gather [hbm4b:s7+s3], $0x80, v9, vm0, $0xb8;
	[tilespmem:$0x12880] =	vst v63  }
0xa9: {  	_ = 	snop  }
0xaa: {  	[tilespmem:s18], [sflag:$0x1] =	stream.indirect_vreg.gather [hbm4b:s1+s3], $0x80, v8, vm0, $0xb8;
	[tilespmem:$0x12880] =	vst v63  }
0xab: {  	_ = 	snop  }
0xac: {  	[tilespmem:s19], [sflag:$0x1] =	stream.indirect_vreg.gather [hbm4b:s7+s3], $0x80, v8, vm0, $0xb8;
	[tilespmem:$0x12880] =	vst v63  }
0xad: {  	v8 =	vld [tilespmem:s5+$0xFFFFFFD0];
	_ =	sdelay $0x4  }
0xae: {  	v61 =	vshll.u32 v8, $0x2  }
0xaf: {  	v8 =	vand.u32 $0x7, v8;
	v9 =	vand.u32 $0xFFFFFFE0, v61  }
0xb0: {  	v8 =	vor.u32 v8, v9  }
0xb1: {  	v9 =	vperm.xlane v8, v4;
	_ =	sdelay $0x1  }
0xb2: {  	v9 =	vadd.s32 v5, v9;
	_ =	sdelay $0x1  }
0xb3: {  	v8 =	vperm.xlane v8, v6;
	_ =	sdelay $0x1  }
0xb4: {  	v8 =	vadd.s32 v5, v8  }
0xb5: {  	[tilespmem:s20], [sflag:$0x1] =	stream.indirect_vreg.gather [hbm4b:s1+s3], $0x80, v9, vm0, $0xb8;
	[tilespmem:$0x12880] =	vst v63  }
0xb6: {  	_ = 	snop  }
0xb7: {  	[tilespmem:s21], [sflag:$0x1] =	stream.indirect_vreg.gather [hbm4b:s7+s3], $0x80, v9, vm0, $0xb8;
	[tilespmem:$0x12880] =	vst v63  }
0xb8: {  	_ = 	snop  }
0xb9: {  	[tilespmem:s22], [sflag:$0x1] =	stream.indirect_vreg.gather [hbm4b:s1+s3], $0x80, v8, vm0, $0xb8;
	[tilespmem:$0x12880] =	vst v63  }
0xba: {  	_ = 	snop  }
0xbb: {  	[tilespmem:s23], [sflag:$0x1] =	stream.indirect_vreg.gather [hbm4b:s7+s3], $0x80, v8, vm0, $0xb8;
	[tilespmem:$0x12880] =	vst v63  }
0xbc: {  	v8 =	vld [tilespmem:s5+$0xFFFFFFE0];
	_ =	sdelay $0x4  }
0xbd: {  	v62 =	vshll.u32 v8, $0x2  }
0xbe: {  	v8 =	vand.u32 $0x7, v8;
	v9 =	vand.u32 $0xFFFFFFE0, v62  }
0xbf: {  	v8 =	vor.u32 v8, v9  }
0xc0: {  	v9 =	vperm.xlane v8, v4;
	_ =	sdelay $0x1  }
0xc1: {  	v9 =	vadd.s32 v5, v9;
	_ =	sdelay $0x1  }
0xc2: {  	v8 =	vperm.xlane v8, v6;
	_ =	sdelay $0x1  }
0xc3: {  	v8 =	vadd.s32 v5, v8  }
0xc4: {  	[tilespmem:s24], [sflag:$0x1] =	stream.indirect_vreg.gather [hbm4b:s1+s3], $0x80, v9, vm0, $0xb8;
	[tilespmem:$0x12880] =	vst v63  }
0xc5: {  	_ = 	snop  }
0xc6: {  	[tilespmem:s25], [sflag:$0x1] =	stream.indirect_vreg.gather [hbm4b:s7+s3], $0x80, v9, vm0, $0xb8;
	[tilespmem:$0x12880] =	vst v63  }
0xc7: {  	_ = 	snop  }
0xc8: {  	[tilespmem:s26], [sflag:$0x1] =	stream.indirect_vreg.gather [hbm4b:s1+s3], $0x80, v8, vm0, $0xb8;
	[tilespmem:$0x12880] =	vst v63  }
0xc9: {  	_ = 	snop  }
0xca: {  	[tilespmem:s28], [sflag:$0x1] =	stream.indirect_vreg.gather [hbm4b:s7+s3], $0x80, v8, vm0, $0xb8;
	[tilespmem:$0x12880] =	vst v63  }
0xcb: {  	v8 =	vld [tilespmem:s5+$0xFFFFFFF0];
	_ =	sdelay $0x4  }
0xcc: {  	v63 =	vshll.u32 v8, $0x2  }
0xcd: {  	v8 =	vand.u32 $0x7, v8;
	v9 =	vand.u32 $0xFFFFFFE0, v63  }
0xce: {  	v8 =	vor.u32 v8, v9  }
0xcf: {  	v9 =	vperm.xlane v8, v4;
	_ =	sdelay $0x1  }
0xd0: {  	v9 =	vadd.s32 v5, v9;
	_ =	sdelay $0x2  }
0xd1: {  	v8 =	vperm.xlane v8, v6;
	_ =	sdelay $0x1  }
0xd2: {  	v8 =	vadd.s32 v5, v8;
	[tilespmem:s29], [sflag:$0x1] =	stream.indirect_vreg.gather [hbm4b:s1+s3], $0x80, v9, vm0, $0xb8;
	[tilespmem:$0x12880] =	vst v63  }
0xd3: {  	p0 =	sge.s32 s8, s11  }
0xd4: {  	[tilespmem:s30], [sflag:$0x1] =	stream.indirect_vreg.gather [hbm4b:s7+s3], $0x80, v9, vm0, $0xb8;
	[tilespmem:$0x12880] =	vst v63  }
.Ltmp8:
0xd5: {  	_ = 	snop;
	(pc) =	sbr.rel @p0 .LBB2_11-.Ltmp8, $4  }
0xd6: {  	_ = 	snop  }
0xd7: {  	[tilespmem:s31], [sflag:$0x1] =	stream.indirect_vreg.gather [hbm4b:s1+s3], $0x80, v8, vm0, $0xb8;
	[tilespmem:$0x12880] =	vst v63  }
0xd8: {  	_ = 	snop  }
0xd9: {  	[tilespmem:s0], [sflag:$0x1] =	stream.indirect_vreg.gather [hbm4b:s7+s3], $0x80, v8, vm0, $0xb8;
	[tilespmem:$0x12880] =	vst v63  }
0xda: {  	v8 =	vld [tilespmem:s5+$0x0];
	_ =	sdelay $0x4  }
0xdb: {  	v9 =	vshll.u32 v8, $0x2  }
0xdc: {  	v8 =	vand.u32 $0x7, v8;
	v9 =	vand.u32 $0xFFFFFFE0, v9  }
0xdd: {  	v8 =	vor.u32 v8, v9  }
0xde: {  	v9 =	vperm.xlane v8, v4;
	_ =	sdelay $0x1  }
0xdf: {  	v9 =	vadd.s32 v5, v9;
	_ =	sdelay $0x1  }
0xe0: {  	v8 =	vperm.xlane v8, v6;
	_ =	sdelay $0x1  }
0xe1: {  	v8 =	vadd.s32 v5, v8  }
0xe2: {  	[tilespmem:s4], [sflag:$0x2] =	stream.indirect_vreg.gather [hbm4b:s1+s3], $0x80, v9, vm0, $0xb8;
	[tilespmem:$0x12880] =	vst v63  }
0xe3: {  	s13 =	simm.s32 $0xB080  }
0xe4: {  	[tilespmem:s13], [sflag:$0x2] =	stream.indirect_vreg.gather [hbm4b:s7+s3], $0x80, v9, vm0, $0xb8;
	[tilespmem:$0x12880] =	vst v63  }
0xe5: {  	s13 =	simm.s32 $0xB880  }
0xe6: {  	[tilespmem:s13], [sflag:$0x2] =	stream.indirect_vreg.gather [hbm4b:s1+s3], $0x80, v8, vm0, $0xb8;
	[tilespmem:$0x12880] =	vst v63  }
0xe7: {  	s13 =	simm.s32 $0xC080  }
0xe8: {  	[tilespmem:s13], [sflag:$0x2] =	stream.indirect_vreg.gather [hbm4b:s7+s3], $0x80, v8, vm0, $0xb8;
	[tilespmem:$0x12880] =	vst v63  }
0xe9: {  	v8 =	vld [tilespmem:s5+$0x10];
	_ =	sdelay $0x4  }
0xea: {  	v61 =	vshll.u32 v8, $0x2  }
0xeb: {  	v8 =	vand.u32 $0x7, v8;
	v9 =	vand.u32 $0xFFFFFFE0, v61  }
0xec: {  	v8 =	vor.u32 v8, v9  }
0xed: {  	v9 =	vperm.xlane v8, v4;
	_ =	sdelay $0x1  }
0xee: {  	v9 =	vadd.s32 v5, v9;
	_ =	sdelay $0x1  }
0xef: {  	v8 =	vperm.xlane v8, v6;
	_ =	sdelay $0x1  }
0xf0: {  	s13 =	simm.s32 $0xC880;
	v8 =	vadd.s32 v5, v8  }
0xf1: {  	[tilespmem:s13], [sflag:$0x2] =	stream.indirect_vreg.gather [hbm4b:s1+s3], $0x80, v9, vm0, $0xb8;
	[tilespmem:$0x12880] =	vst v63  }
0xf2: {  	s13 =	simm.s32 $0xD080  }
0xf3: {  	[tilespmem:s13], [sflag:$0x2] =	stream.indirect_vreg.gather [hbm4b:s7+s3], $0x80, v9, vm0, $0xb8;
	[tilespmem:$0x12880] =	vst v63  }
0xf4: {  	s13 =	simm.s32 $0xD880  }
0xf5: {  	[tilespmem:s13], [sflag:$0x2] =	stream.indirect_vreg.gather [hbm4b:s1+s3], $0x80, v8, vm0, $0xb8;
	[tilespmem:$0x12880] =	vst v63  }
0xf6: {  	s13 =	simm.s32 $0xE080  }
0xf7: {  	[tilespmem:s13], [sflag:$0x2] =	stream.indirect_vreg.gather [hbm4b:s7+s3], $0x80, v8, vm0, $0xb8;
	[tilespmem:$0x12880] =	vst v63  }
0xf8: {  	v8 =	vld [tilespmem:s5+$0x20];
	_ =	sdelay $0x4  }
0xf9: {  	v62 =	vshll.u32 v8, $0x2  }
0xfa: {  	v8 =	vand.u32 $0x7, v8;
	v9 =	vand.u32 $0xFFFFFFE0, v62  }
0xfb: {  	v8 =	vor.u32 v8, v9  }
0xfc: {  	v9 =	vperm.xlane v8, v4;
	_ =	sdelay $0x1  }
0xfd: {  	v9 =	vadd.s32 v5, v9;
	_ =	sdelay $0x1  }
0xfe: {  	v8 =	vperm.xlane v8, v6;
	_ =	sdelay $0x1  }
0xff: {  	s13 =	simm.s32 $0xE880;
	v8 =	vadd.s32 v5, v8  }
0x100: {  	[tilespmem:s13], [sflag:$0x2] =	stream.indirect_vreg.gather [hbm4b:s1+s3], $0x80, v9, vm0, $0xb8;
	[tilespmem:$0x12880] =	vst v63  }
0x101: {  	s13 =	simm.s32 $0xF080  }
0x102: {  	[tilespmem:s13], [sflag:$0x2] =	stream.indirect_vreg.gather [hbm4b:s7+s3], $0x80, v9, vm0, $0xb8;
	[tilespmem:$0x12880] =	vst v63  }
0x103: {  	s13 =	simm.s32 $0xF880  }
0x104: {  	[tilespmem:s13], [sflag:$0x2] =	stream.indirect_vreg.gather [hbm4b:s1+s3], $0x80, v8, vm0, $0xb8;
	[tilespmem:$0x12880] =	vst v63  }
0x105: {  	s13 =	simm.s32 $0x10080  }
0x106: {  	[tilespmem:s13], [sflag:$0x2] =	stream.indirect_vreg.gather [hbm4b:s7+s3], $0x80, v8, vm0, $0xb8;
	[tilespmem:$0x12880] =	vst v63  }
0x107: {  	v8 =	vld [tilespmem:s5+$0x30];
	_ =	sdelay $0x4  }
0x108: {  	v63 =	vshll.u32 v8, $0x2  }
0x109: {  	v8 =	vand.u32 $0x7, v8;
	v9 =	vand.u32 $0xFFFFFFE0, v63  }
0x10a: {  	v8 =	vor.u32 v8, v9  }
0x10b: {  	v9 =	vperm.xlane v8, v4;
	_ =	sdelay $0x1  }
0x10c: {  	v9 =	vadd.s32 v5, v9;
	_ =	sdelay $0x1  }
0x10d: {  	v8 =	vperm.xlane v8, v6;
	_ =	sdelay $0x1  }
0x10e: {  	s13 =	simm.s32 $0x10880;
	v8 =	vadd.s32 v5, v8  }
0x10f: {  	[tilespmem:s13], [sflag:$0x2] =	stream.indirect_vreg.gather [hbm4b:s1+s3], $0x80, v9, vm0, $0xb8;
	[tilespmem:$0x12880] =	vst v63  }
0x110: {  	s13 =	simm.s32 $0x11080  }
0x111: {  	[tilespmem:s13], [sflag:$0x2] =	stream.indirect_vreg.gather [hbm4b:s7+s3], $0x80, v9, vm0, $0xb8;
	[tilespmem:$0x12880] =	vst v63  }
0x112: {  	s13 =	simm.s32 $0x11880  }
0x113: {  	[tilespmem:s13], [sflag:$0x2] =	stream.indirect_vreg.gather [hbm4b:s1+s3], $0x80, v8, vm0, $0xb8;
	[tilespmem:$0x12880] =	vst v63  }
0x114: {  	s13 =	simm.s32 $0x12080  }
0x115: {  	[tilespmem:s13], [sflag:$0x2] =	stream.indirect_vreg.gather [hbm4b:s7+s3], $0x80, v8, vm0, $0xb8;
	[tilespmem:$0x12880] =	vst v63  }
0x116: {  	_ =	swait.ge [sflag:s15], $0x8000  }
0x117: {  	[sflag:s15] =	ssyncset.done $0x0  }
0x118: {  	[sflag:s15] =	ssyncadd.s32 $0xFFFF8000  }
0x119: {  	[hbm4b:s9+s3] =	stream.linear.scatter [tilespmem:s16], [sflag:$0x3], $0x8000, $0x38;
	[tilespmem:$0x12880] =	vst v63  }
0x11a: {  	_ =	swait.ge [sflag:s2], $0x8000  }
0x11b: {  	[sflag:s2] =	ssyncset.done $0x0  }
.Ltmp9:
0x11c: {  	s13 =	sadd.s32 $0x1000, s9;
	[sflag:s2] =	ssyncadd.s32 $0xFFFF8000;
	(pc) =	sbr.rel .LBB2_12-.Ltmp9, $4  }
0x11d: {  	[hbm4b:s13+s3] =	stream.linear.scatter [tilespmem:s4], [sflag:$0x4], $0x8000, $0x38;
	[tilespmem:$0x12880] =	vst v63  }
0x11e: {  	_ =	swait.ge [sflag:s6], $0x8000  }
0x11f: {  	[sflag:s6] =	ssyncset.done $0x0  }
0x120: {  	s13 =	simm.s32 $0x4;
	[sflag:s6] =	ssyncadd.s32 $0xFFFF8000  }
.LBB2_13:
0x121: {  	s5 =	rddreg [dreg:$0x17]  }
0x122: {  	p0 =	slt.s32 s5, $0x1  }
.Ltmp10:
0x123: {  	_ = 	snop;
	(pc) =	sbr.rel @p0 .LBB2_19-.Ltmp10, $1  }
0x124: {  	_ =	sdelay $0x3  }
0x125: {  	s5 =	sshll.u32 s10, $0x6  }
0x126: {  	v8 =	vld [tilespmem:s5+$0x2000];
	_ =	sdelay $0x1  }
0x127: {  	s8 =	rddreg [dreg:$0x5]  }
0x128: {  	s10 =	sadd.s32 s8, s5  }
0x129: {  	v9 =	vor.u32 s10, v0  }
0x12a: {  	v9 =	vand.u32 $0x1FCF, v9;
	vm1 =	vlt.s32 v8, $0x2000  }
0x12b: {  	v8 =	vsel vm1, v8, v9  }
0x12c: {  	[tilespmem:$0x2800] =	vst v8  }
0x12d: {  	v56 =	vld [tilespmem:s5+$0x2010];
	_ =	sdelay $0x2  }
0x12e: {  	s8 =	sor.u32 $0x10, s10  }
0x12f: {  	v10 =	vor.u32 s8, v0  }
0x130: {  	v10 =	vand.u32 $0x1FFF, v10;
	vm1 =	vlt.s32 v56, $0x2000  }
0x131: {  	v9 =	vsel vm1, v56, v10  }
0x132: {  	[tilespmem:$0x2810] =	vst v9  }
0x133: {  	v9 =	vld [tilespmem:s5+$0x2020];
	_ =	sdelay $0x2  }
0x134: {  	s11 =	sor.u32 $0x20, s10  }
0x135: {  	v57 =	vor.u32 s11, v0  }
0x136: {  	v10 =	vand.u32 $0x1FFF, v57;
	vm1 =	vlt.s32 v9, $0x2000  }
0x137: {  	v58 =	vshll.u32 v8, $0x2;
	v9 =	vsel vm1, v9, v10  }
0x138: {  	v8 =	vand.u32 $0x7, v8;
	v59 =	vand.u32 $0xFFFFFFE0, v58;
	[tilespmem:$0x2820] =	vst v9  }
0x139: {  	v8 =	vor.u32 v8, v59;
	v60 =	vld [tilespmem:s5+$0x2030]  }
0x13a: {  	v9 =	vperm.xlane v8, v4;
	_ =	sdelay $0x1  }
0x13b: {  	s12 =	sor.u32 $0x30, s10;
	v9 =	vadd.s32 v5, v9  }
0x13c: {  	v11 =	vor.u32 s12, v0  }
0x13d: {  	v11 =	vand.u32 $0x1FFF, v11;
	v8 =	vperm.xlane v8, v6;
	vm1 =	vlt.s32 v60, $0x2000  }
0x13e: {  	v10 =	vsel vm1, v60, v11  }
0x13f: {  	v8 =	vadd.s32 v5, v8;
	[tilespmem:$0x2830] =	vst v10  }
0x140: {  	[tilespmem:s16], [sflag:$0x1] =	stream.indirect_vreg.gather [hbm4b:s1+s3], $0x80, v9, vm0, $0xb8;
	[tilespmem:$0x12880] =	vst v63  }
0x141: {  	_ = 	snop  }
0x142: {  	[tilespmem:s17], [sflag:$0x1] =	stream.indirect_vreg.gather [hbm4b:s7+s3], $0x80, v9, vm0, $0xb8;
	[tilespmem:$0x12880] =	vst v63  }
0x143: {  	_ = 	snop  }
0x144: {  	[tilespmem:s18], [sflag:$0x1] =	stream.indirect_vreg.gather [hbm4b:s1+s3], $0x80, v8, vm0, $0xb8;
	[tilespmem:$0x12880] =	vst v63  }
0x145: {  	_ = 	snop  }
0x146: {  	[tilespmem:s19], [sflag:$0x1] =	stream.indirect_vreg.gather [hbm4b:s7+s3], $0x80, v8, vm0, $0xb8;
	[tilespmem:$0x12880] =	vst v63  }
0x147: {  	v8 =	vld [tilespmem:$0x2810];
	_ =	sdelay $0x4  }
0x148: {  	v61 =	vshll.u32 v8, $0x2  }
0x149: {  	v8 =	vand.u32 $0x7, v8;
	v9 =	vand.u32 $0xFFFFFFE0, v61  }
0x14a: {  	v8 =	vor.u32 v8, v9  }
0x14b: {  	v9 =	vperm.xlane v8, v4;
	_ =	sdelay $0x1  }
0x14c: {  	v9 =	vadd.s32 v5, v9;
	_ =	sdelay $0x1  }
0x14d: {  	v8 =	vperm.xlane v8, v6;
	_ =	sdelay $0x1  }
0x14e: {  	v8 =	vadd.s32 v5, v8  }
0x14f: {  	[tilespmem:s20], [sflag:$0x1] =	stream.indirect_vreg.gather [hbm4b:s1+s3], $0x80, v9, vm0, $0xb8;
	[tilespmem:$0x12880] =	vst v63  }
0x150: {  	_ = 	snop  }
0x151: {  	[tilespmem:s21], [sflag:$0x1] =	stream.indirect_vreg.gather [hbm4b:s7+s3], $0x80, v9, vm0, $0xb8;
	[tilespmem:$0x12880] =	vst v63  }
0x152: {  	_ = 	snop  }
0x153: {  	[tilespmem:s22], [sflag:$0x1] =	stream.indirect_vreg.gather [hbm4b:s1+s3], $0x80, v8, vm0, $0xb8;
	[tilespmem:$0x12880] =	vst v63  }
0x154: {  	_ = 	snop  }
0x155: {  	[tilespmem:s23], [sflag:$0x1] =	stream.indirect_vreg.gather [hbm4b:s7+s3], $0x80, v8, vm0, $0xb8;
	[tilespmem:$0x12880] =	vst v63  }
0x156: {  	v8 =	vld [tilespmem:$0x2820];
	_ =	sdelay $0x4  }
0x157: {  	v62 =	vshll.u32 v8, $0x2  }
0x158: {  	v8 =	vand.u32 $0x7, v8;
	v9 =	vand.u32 $0xFFFFFFE0, v62  }
0x159: {  	v8 =	vor.u32 v8, v9  }
0x15a: {  	v9 =	vperm.xlane v8, v4;
	_ =	sdelay $0x1  }
0x15b: {  	v9 =	vadd.s32 v5, v9;
	_ =	sdelay $0x1  }
0x15c: {  	v8 =	vperm.xlane v8, v6;
	_ =	sdelay $0x1  }
0x15d: {  	v8 =	vadd.s32 v5, v8  }
0x15e: {  	[tilespmem:s24], [sflag:$0x1] =	stream.indirect_vreg.gather [hbm4b:s1+s3], $0x80, v9, vm0, $0xb8;
	[tilespmem:$0x12880] =	vst v63  }
0x15f: {  	_ = 	snop  }
0x160: {  	[tilespmem:s25], [sflag:$0x1] =	stream.indirect_vreg.gather [hbm4b:s7+s3], $0x80, v9, vm0, $0xb8;
	[tilespmem:$0x12880] =	vst v63  }
0x161: {  	_ = 	snop  }
0x162: {  	[tilespmem:s26], [sflag:$0x1] =	stream.indirect_vreg.gather [hbm4b:s1+s3], $0x80, v8, vm0, $0xb8;
	[tilespmem:$0x12880] =	vst v63  }
0x163: {  	_ = 	snop  }
0x164: {  	[tilespmem:s28], [sflag:$0x1] =	stream.indirect_vreg.gather [hbm4b:s7+s3], $0x80, v8, vm0, $0xb8;
	[tilespmem:$0x12880] =	vst v63  }
0x165: {  	v8 =	vld [tilespmem:$0x2830];
	_ =	sdelay $0x4  }
0x166: {  	v63 =	vshll.u32 v8, $0x2  }
0x167: {  	v8 =	vand.u32 $0x7, v8;
	v9 =	vand.u32 $0xFFFFFFE0, v63  }
0x168: {  	v8 =	vor.u32 v8, v9  }
0x169: {  	v9 =	vperm.xlane v8, v4;
	_ =	sdelay $0x1  }
0x16a: {  	v9 =	vadd.s32 v5, v9;
	_ =	sdelay $0x1  }
0x16b: {  	v8 =	vperm.xlane v8, v6;
	_ =	sdelay $0x1  }
0x16c: {  	v8 =	vadd.s32 v5, v8  }
0x16d: {  	[tilespmem:s29], [sflag:$0x1] =	stream.indirect_vreg.gather [hbm4b:s1+s3], $0x80, v9, vm0, $0xb8;
	[tilespmem:$0x12880] =	vst v63  }
0x16e: {  	_ = 	snop  }
0x16f: {  	[tilespmem:s30], [sflag:$0x1] =	stream.indirect_vreg.gather [hbm4b:s7+s3], $0x80, v9, vm0, $0xb8;
	[tilespmem:$0x12880] =	vst v63  }
0x170: {  	_ = 	snop  }
0x171: {  	[tilespmem:s31], [sflag:$0x1] =	stream.indirect_vreg.gather [hbm4b:s1+s3], $0x80, v8, vm0, $0xb8;
	[tilespmem:$0x12880] =	vst v63  }
0x172: {  	_ = 	snop  }
0x173: {  	[tilespmem:s0], [sflag:$0x1] =	stream.indirect_vreg.gather [hbm4b:s7+s3], $0x80, v8, vm0, $0xb8;
	[tilespmem:$0x12880] =	vst v63  }
0x174: {  	_ =	swait.ge [sflag:s15], $0x8000  }
0x175: {  	s13 =	rddreg [dreg:$0x1b]  }
0x176: {  	s5 =	ssub.s32 s13, s5  }
0x177: {  	p0 =	sgt.s32 s5, $0x3F  }
.Ltmp11:
0x178: {  	_ = 	snop;
	(pc) =	sbr.rel @p0 .LBB2_18-.Ltmp11, $3  }
0x179: {  	_ =	sdelay $0x1  }
0x17a: {  	[sflag:s15] =	ssyncset.done $0x0  }
0x17b: {  	[sflag:s15] =	ssyncadd.s32 $0xFFFF8000  }
0x17c: {  	s9 =	sshll.u32 s5, $0x7;
	s11 =	sshll.u32 s5, $0x9  }
0x17d: {  	s5 =	sand.u32 $0xFFFFF000, s11;
	s8 =	sand.u32 $0x380, s9  }
0x17e: {  	s5 =	sor.u32 s8, s5  }
0x17f: {  	[tilespmem:s5+$0x34F0] =	vst v7  }
0x180: {  	[tilespmem:s5+$0x2880] =	vst v7  }
0x181: {  	[tilespmem:s5+$0x2890] =	vst v7  }
0x182: {  	[tilespmem:s5+$0x28A0] =	vst v7  }
0x183: {  	[tilespmem:s5+$0x28B0] =	vst v7  }
0x184: {  	[tilespmem:s5+$0x28C0] =	vst v7  }
0x185: {  	[tilespmem:s5+$0x28D0] =	vst v7  }
0x186: {  	[tilespmem:s5+$0x28E0] =	vst v7  }
0x187: {  	[tilespmem:s5+$0x28F0] =	vst v7  }
0x188: {  	[tilespmem:s5+$0x2C80] =	vst v7  }
0x189: {  	[tilespmem:s5+$0x2C90] =	vst v7  }
0x18a: {  	[tilespmem:s5+$0x2CA0] =	vst v7  }
0x18b: {  	[tilespmem:s5+$0x2CB0] =	vst v7  }
0x18c: {  	[tilespmem:s5+$0x2CC0] =	vst v7  }
0x18d: {  	[tilespmem:s5+$0x2CD0] =	vst v7  }
0x18e: {  	[tilespmem:s5+$0x2CE0] =	vst v7  }
0x18f: {  	[tilespmem:s5+$0x2CF0] =	vst v7  }
0x190: {  	[tilespmem:s5+$0x3080] =	vst v7  }
0x191: {  	s12 =	rddreg [dreg:$0x17];
	[tilespmem:s5+$0x3090] =	vst v7  }
0x192: {  	s8 =	sshll.u32 s12, $0x6;
	s12 =	rddreg [dreg:$0x13];
	[tilespmem:s5+$0x30A0] =	vst v7  }
0x193: {  	s13 =	rddreg [dreg:$0xf];
	[tilespmem:s5+$0x30B0] =	vst v7;
	s8 =	ssub.s32 s12, s8  }
0x194: {  	[tilespmem:s5+$0x30C0] =	vst v7;
	s8 =	sadd.s32 s13, s8  }
0x195: {  	[tilespmem:s5+$0x30D0] =	vst v7;
	s8 =	sadd.s32 $0x3F, s8  }
0x196: {  	[tilespmem:s5+$0x30E0] =	vst v7;
	s8 =	sadd.s32 $0x1, s8  }
0x197: {  	[tilespmem:s5+$0x30F0] =	vst v7;
	p0 =	slt.s32 s8, $0x3F  }
.Ltmp12:
0x198: {  	[tilespmem:s5+$0x3480] =	vst v7;
	(pc) =	sbr.rel @!p0 .LBB2_17-.Ltmp12, $4  }
0x199: {  	[tilespmem:s5+$0x3490] =	vst v7  }
0x19a: {  	[tilespmem:s5+$0x34A0] =	vst v7  }
0x19b: {  	[tilespmem:s5+$0x34B0] =	vst v7  }
0x19c: {  	s9 =	sadd.s32 $0x80, s9;
	s11 =	sadd.s32 $0x200, s11;
	[tilespmem:s5+$0x34C0] =	vst v7  }
.LBB2_16:
0x19d: {  	s12 =	sand.u32 $0xFFFFF000, s11;
	s13 =	sand.u32 $0x380, s9;
	s8 =	sadd.s32 $0x1, s8;
	[tilespmem:s5+$0x34D0] =	vst v7  }
0x19e: {  	p0 =	slt.s32 s8, $0x3F;
	[tilespmem:s5+$0x34E0] =	vst v7;
	s5 =	sor.u32 s13, s12  }
0x19f: {  	[tilespmem:s5+$0x34F0] =	vst v7  }
0x1a0: {  	[tilespmem:s5+$0x2880] =	vst v7  }
0x1a1: {  	[tilespmem:s5+$0x2890] =	vst v7  }
0x1a2: {  	[tilespmem:s5+$0x28A0] =	vst v7  }
0x1a3: {  	[tilespmem:s5+$0x28B0] =	vst v7  }
0x1a4: {  	[tilespmem:s5+$0x28C0] =	vst v7  }
0x1a5: {  	[tilespmem:s5+$0x28D0] =	vst v7  }
0x1a6: {  	[tilespmem:s5+$0x28E0] =	vst v7  }
0x1a7: {  	[tilespmem:s5+$0x28F0] =	vst v7  }
0x1a8: {  	[tilespmem:s5+$0x2C80] =	vst v7  }
0x1a9: {  	[tilespmem:s5+$0x2C90] =	vst v7  }
0x1aa: {  	[tilespmem:s5+$0x2CA0] =	vst v7  }
0x1ab: {  	[tilespmem:s5+$0x2CB0] =	vst v7  }
0x1ac: {  	[tilespmem:s5+$0x2CC0] =	vst v7  }
0x1ad: {  	[tilespmem:s5+$0x2CD0] =	vst v7  }
0x1ae: {  	[tilespmem:s5+$0x2CE0] =	vst v7  }
0x1af: {  	[tilespmem:s5+$0x2CF0] =	vst v7  }
0x1b0: {  	[tilespmem:s5+$0x3080] =	vst v7  }
0x1b1: {  	[tilespmem:s5+$0x3090] =	vst v7  }
0x1b2: {  	[tilespmem:s5+$0x30A0] =	vst v7  }
0x1b3: {  	[tilespmem:s5+$0x30B0] =	vst v7  }
0x1b4: {  	[tilespmem:s5+$0x30C0] =	vst v7  }
0x1b5: {  	[tilespmem:s5+$0x30D0] =	vst v7  }
0x1b6: {  	[tilespmem:s5+$0x30E0] =	vst v7  }
0x1b7: {  	[tilespmem:s5+$0x30F0] =	vst v7  }
.Ltmp13:
0x1b8: {  	[tilespmem:s5+$0x3480] =	vst v7;
	(pc) =	sbr.rel @p0 .LBB2_16-.Ltmp13, $4  }
0x1b9: {  	[tilespmem:s5+$0x3490] =	vst v7  }
0x1ba: {  	[tilespmem:s5+$0x34A0] =	vst v7  }
0x1bb: {  	[tilespmem:s5+$0x34B0] =	vst v7  }
0x1bc: {  	s9 =	sadd.s32 $0x80, s9;
	s11 =	sadd.s32 $0x200, s11;
	[tilespmem:s5+$0x34C0] =	vst v7  }
.LBB2_17:
0x1bd: {  	[tilespmem:s5+$0x34D0] =	vst v7  }
0x1be: {  	[tilespmem:s5+$0x34E0] =	vst v7  }
.LBB2_18:
0x1bf: {  	s5 =	sshll.u32 s10, $0x6;
	s8 =	rddreg [dreg:$0x2]  }
0x1c0: {  	s13 =	simm.s32 $0x5;
	s5 =	sadd.s32 s8, s5  }
0x1c1: {  	[hbm4b:s5+s3] =	stream.linear.scatter [tilespmem:s16], [sflag:$0x5], $0x8000, $0x38;
	[tilespmem:$0x12880] =	vst v63  }
0x1c2: {  	_ =	swait.ge [sflag:s13], $0x8000  }
0x1c3: {  	[sflag:s13] =	ssyncset.done $0x0  }
0x1c4: {  	[sflag:s13] =	ssyncadd.s32 $0xFFFF8000  }
.LBB2_19:
0x1c5: {  	s5 =	simm.s32 $0x0  }
0x1c6: {  	s8 =	sand.u32 $0x1F0, s5  }
0x1c7: {  	s9 =	simm.s32 $0x10;
	v8 =	vld [tilespmem:s8+$0x2200]  }
0x1c8: {  	s13 =	simm.s32 $0x20;
	s12 =	sand.u32 $0x1F0, s9  }
0x1c9: {  	s10 =	sand.u32 $0x1F0, s13;
	v9 =	vld [tilespmem:s12+$0x2200]  }
0x1ca: {  	v10 =	vld [tilespmem:s10+$0x2200];
	_ =	sdelay $0x1  }
0x1cb: {  	vm1 =	vlt.s32 v8, $0x2000  }
0x1cc: {  	v8 =	vsel vm1, $0x1, v3  }
0x1cd: {  	vm1 =	vlt.s32 v9, $0x2000;
	(xrf0) =	vadd.scan.msk.s32 $0xffff, v8  }
0x1ce: {  	v8 =	vsel vm1, $0x1, v3;
	vm1 =	vlt.s32 v10, $0x2000  }
0x1cf: {  	s11 =	simm.s32 $0x30;
	(xrf0) =	vadd.scan.msk.s32 $0xffff, v8;
	v8 =	vsel vm1, $0x1, v3  }
0x1d0: {  	s8 =	sand.u32 $0x1F0, s11;
	(xrf0) =	vadd.scan.msk.s32 $0xffff, v8  }
0x1d1: {  	v9 =	vld [tilespmem:s8+$0x2200];
	_ =	sdelay $0x1  }
0x1d2: {  	v8, _, _ =	vpop (xrf0)  }
0x1d3: {  	(v2sf) =	vpush v8, $0xF  }
0x1d4: {  	v8, _, _ =	vpop (xrf0)  }
0x1d5: {  	vm1 =	vlt.s32 v9, $0x2000;
	(v2sf) =	vpush v8, $0xF;
	v9, _, _ =	vpop (xrf0)  }
0x1d6: {  	(v2sf) =	vpush v9, $0xF;
	_ =	sdelay $0x4  }
0x1d7: {  	s12 =	simm.s32 $0x40  }
0x1d8: {  	s13 =	sand.u32 $0x1F0, s12;
	v8 =	vsel vm1, $0x1, v3  }
0x1d9: {  	(xrf0) =	vadd.scan.msk.s32 $0xffff, v8;
	v8 =	vld [tilespmem:s13+$0x2200];
	_ =	sdelay $0x1  }
0x1da: {  	s8 =	simm.s32 $0x50  }
.LBB2_20:
0x1db: {  	p0 =	sne.s32 s8, $0x1F0  }
.Ltmp14:
0x1dc: {  	s9 =	sand.u32 $0x1F0, s8;
	(pc) =	sbr.rel @p0 .LBB2_20-.Ltmp14, $4  }
0x1dd: {  	s8 =	sadd.s32 $0x10, s8;
	s10 =	spop (v2sf);
	vm1 =	vlt.s32 v8, $0x2000  }
0x1de: {  	s5 =	sadd.s32 s5, s10;
	v8 =	vld [tilespmem:s9+$0x2200];
	v10 =	vsel vm1, $0x1, v3  }
0x1df: {  	(xrf0) =	vadd.scan.msk.s32 $0xffff, v10;
	v9, _, _ =	vpop (xrf0)  }
0x1e0: {  	(v2sf) =	vpush v9, $0xF  }
0x1e1: {  	_ =	sdelay $0x1  }
0x1e2: {  	vm1 =	vlt.s32 v8, $0x2000  }
0x1e3: {  	v8 =	vsel vm1, $0x1, v3  }
0x1e4: {  	(xrf0) =	vadd.scan.msk.s32 $0xffff, v8;
	_ =	sdelay $0x4  }
0x1e5: {  	v8, _, _ =	vpop (xrf0)  }
0x1e6: {  	(v2sf) =	vpush v8, $0xF;
	v8, _, _ =	vpop (xrf0)  }
0x1e7: {  	(v2sf) =	vpush v8, $0xF;
	_ =	sdelay $0xa  }
0x1e8: {  	s8 =	spop (v2sf)  }
0x1e9: {  	s9 =	spop (v2sf);
	s5 =	sadd.s32 s5, s8  }
0x1ea: {  	s5 =	sadd.s32 s5, s9;
	s13 =	spop (v2sf)  }
0x1eb: {  	s5 =	sadd.s32 s5, s13;
	s9 =	spop (v2sf)  }
0x1ec: {  	s5 =	sadd.s32 s5, s9;
	s10 =	spop (v2sf)  }
0x1ed: {  	[dreg:$0xc] =	wrdreg s5;
	s5 =	sadd.s32 s5, s10  }
0x1ee: {  	[dreg:$0x18] =	wrdreg s5;
	s5 =	sadd.s32 $0x3F, s5  }
0x1ef: {  	s11 =	sand.u32 $0x3F, s5  }
0x1f0: {  	s12 =	sshra.s32 s5, $0x1F;
	p0 =	slt.s32 s5, $0x1;
	p1 =	sne.s32 s11, $0x0  }
0x1f1: {  	s13 =	sshrl.u32 s12, $0x1A;
	p0 =	por !p0, !p1  }
0x1f2: {  	s8 =	simm.s32 $0x1;
	s5 =	sadd.s32 s13, s5;
	p0 =	por !p0, !p0  }
0x1f3: {  	s5 =	sshra.s32 s5, $0x6;
	s8 =	simm.s32 @!p0 $0x0  }
0x1f4: {  	s5 =	ssub.s32 s5, s8  }
0x1f5: {  	[dreg:$0x10] =	wrdreg s10;
	s10 =	sadd.s32 $0xFFFFFFFF, s5  }
0x1f6: {  	[dreg:$0x14] =	wrdreg s5;
	p0 =	sgt.s32 s10, $0x0;
	s5 =	smov.u32 s10  }
0x1f7: {  	s5 =	simm.s32 @!p0 $0x0  }
0x1f8: {  	s5 =	sadd.s32 $0x1, s5  }
0x1f9: {  	s5 =	sshrl.u32 s5, $0x1  }
0x1fa: {  	p0 =	seq.s32 s5, $0x0  }
.Ltmp15:
0x1fb: {  	_ = 	snop;
	(pc) =	sbr.rel @p0 .LBB2_27-.Ltmp15, $1  }
0x1fc: {  	_ =	sdelay $0x3  }
.Ltmp16:
0x1fd: {  	(pc) =	sbr.rel .LBB2_23-.Ltmp16, $3  }
0x1fe: {  	_ =	sdelay $0x1  }
0x1ff: {  	s8 =	rddreg [dreg:$0x14];
	s12 =	sshll.u32 s5, $0x1;
	s5 =	simm.s32 $0x2270  }
0x200: {  	s9 =	rddreg [dreg:$0x8];
	s11 =	sadd.s32 $0xFFFFFFFE, s8;
	s8 =	simm.s32 $0x0  }
.LBB2_25:
0x201: {  	_ =	swait.ge [sflag:s15], $0x8000  }
0x202: {  	[sflag:s15] =	ssyncset.done $0x0  }
0x203: {  	s13 =	simm.s32 $0x3;
	[sflag:s15] =	ssyncadd.s32 $0xFFFF8000  }
0x204: {  	[hbm4b:s9+s3] =	stream.linear.scatter [tilespmem:s16], [sflag:$0x3], $0x8000, $0x38;
	[tilespmem:$0x12880] =	vst v63  }
.LBB2_26:
0x205: {  	s8 =	sadd.s32 $0x2, s8  }
0x206: {  	p0 =	sne.s32 s12, s8  }
.Ltmp17:
0x207: {  	_ = 	snop;
	(pc) =	sbr.rel @!p0 .LBB2_27-.Ltmp17, $4  }
0x208: {  	_ = 	snop  }
0x209: {  	_ =	swait.ge [sflag:s13], $0x8000  }
0x20a: {  	[sflag:s13] =	ssyncset.done $0x0  }
0x20b: {  	s9 =	sadd.s32 $0x2000, s9;
	s5 =	sadd.s32 $0x80, s5;
	[sflag:s13] =	ssyncadd.s32 $0xFFFF8000  }
.LBB2_23:
0x20c: {  	v8 =	vld [tilespmem:s5+$0xFFFFFF90];
	_ =	sdelay $0x4  }
0x20d: {  	v9 =	vshll.u32 v8, $0x2  }
0x20e: {  	v8 =	vand.u32 $0x7, v8;
	v9 =	vand.u32 $0xFFFFFFE0, v9  }
0x20f: {  	v8 =	vor.u32 v8, v9  }
0x210: {  	v9 =	vperm.xlane v8, v4;
	_ =	sdelay $0x1  }
0x211: {  	v9 =	vadd.s32 v5, v9;
	_ =	sdelay $0x1  }
0x212: {  	v8 =	vperm.xlane v8, v6;
	_ =	sdelay $0x1  }
0x213: {  	v8 =	vadd.s32 v5, v8  }
0x214: {  	[tilespmem:s16], [sflag:$0x1] =	stream.indirect_vreg.gather [hbm4b:s1+s3], $0x80, v9, vm0, $0xb8;
	[tilespmem:$0x12880] =	vst v63  }
0x215: {  	_ = 	snop  }
0x216: {  	[tilespmem:s17], [sflag:$0x1] =	stream.indirect_vreg.gather [hbm4b:s7+s3], $0x80, v9, vm0, $0xb8;
	[tilespmem:$0x12880] =	vst v63  }
0x217: {  	_ = 	snop  }
0x218: {  	[tilespmem:s18], [sflag:$0x1] =	stream.indirect_vreg.gather [hbm4b:s1+s3], $0x80, v8, vm0, $0xb8;
	[tilespmem:$0x12880] =	vst v63  }
0x219: {  	_ = 	snop  }
0x21a: {  	[tilespmem:s19], [sflag:$0x1] =	stream.indirect_vreg.gather [hbm4b:s7+s3], $0x80, v8, vm0, $0xb8;
	[tilespmem:$0x12880] =	vst v63  }
0x21b: {  	v8 =	vld [tilespmem:s5+$0xFFFFFFA0];
	_ =	sdelay $0x4  }
0x21c: {  	v61 =	vshll.u32 v8, $0x2  }
0x21d: {  	v8 =	vand.u32 $0x7, v8;
	v9 =	vand.u32 $0xFFFFFFE0, v61  }
0x21e: {  	v8 =	vor.u32 v8, v9  }
0x21f: {  	v9 =	vperm.xlane v8, v4;
	_ =	sdelay $0x1  }
0x220: {  	v9 =	vadd.s32 v5, v9;
	_ =	sdelay $0x1  }
0x221: {  	v8 =	vperm.xlane v8, v6;
	_ =	sdelay $0x1  }
0x222: {  	v8 =	vadd.s32 v5, v8  }
0x223: {  	[tilespmem:s20], [sflag:$0x1] =	stream.indirect_vreg.gather [hbm4b:s1+s3], $0x80, v9, vm0, $0xb8;
	[tilespmem:$0x12880] =	vst v63  }
0x224: {  	_ = 	snop  }
0x225: {  	[tilespmem:s21], [sflag:$0x1] =	stream.indirect_vreg.gather [hbm4b:s7+s3], $0x80, v9, vm0, $0xb8;
	[tilespmem:$0x12880] =	vst v63  }
0x226: {  	_ = 	snop  }
0x227: {  	[tilespmem:s22], [sflag:$0x1] =	stream.indirect_vreg.gather [hbm4b:s1+s3], $0x80, v8, vm0, $0xb8;
	[tilespmem:$0x12880] =	vst v63  }
0x228: {  	_ = 	snop  }
0x229: {  	[tilespmem:s23], [sflag:$0x1] =	stream.indirect_vreg.gather [hbm4b:s7+s3], $0x80, v8, vm0, $0xb8;
	[tilespmem:$0x12880] =	vst v63  }
0x22a: {  	v8 =	vld [tilespmem:s5+$0xFFFFFFB0];
	_ =	sdelay $0x4  }
0x22b: {  	v62 =	vshll.u32 v8, $0x2  }
0x22c: {  	v8 =	vand.u32 $0x7, v8;
	v9 =	vand.u32 $0xFFFFFFE0, v62  }
0x22d: {  	v8 =	vor.u32 v8, v9  }
0x22e: {  	v9 =	vperm.xlane v8, v4;
	_ =	sdelay $0x1  }
0x22f: {  	v9 =	vadd.s32 v5, v9;
	_ =	sdelay $0x1  }
0x230: {  	v8 =	vperm.xlane v8, v6;
	_ =	sdelay $0x1  }
0x231: {  	v8 =	vadd.s32 v5, v8  }
0x232: {  	[tilespmem:s24], [sflag:$0x1] =	stream.indirect_vreg.gather [hbm4b:s1+s3], $0x80, v9, vm0, $0xb8;
	[tilespmem:$0x12880] =	vst v63  }
0x233: {  	_ = 	snop  }
0x234: {  	[tilespmem:s25], [sflag:$0x1] =	stream.indirect_vreg.gather [hbm4b:s7+s3], $0x80, v9, vm0, $0xb8;
	[tilespmem:$0x12880] =	vst v63  }
0x235: {  	_ = 	snop  }
0x236: {  	[tilespmem:s26], [sflag:$0x1] =	stream.indirect_vreg.gather [hbm4b:s1+s3], $0x80, v8, vm0, $0xb8;
	[tilespmem:$0x12880] =	vst v63  }
0x237: {  	_ = 	snop  }
0x238: {  	[tilespmem:s28], [sflag:$0x1] =	stream.indirect_vreg.gather [hbm4b:s7+s3], $0x80, v8, vm0, $0xb8;
	[tilespmem:$0x12880] =	vst v63  }
0x239: {  	v8 =	vld [tilespmem:s5+$0xFFFFFFC0];
	_ =	sdelay $0x4  }
0x23a: {  	v63 =	vshll.u32 v8, $0x2  }
0x23b: {  	v8 =	vand.u32 $0x7, v8;
	v9 =	vand.u32 $0xFFFFFFE0, v63  }
0x23c: {  	v8 =	vor.u32 v8, v9  }
0x23d: {  	v9 =	vperm.xlane v8, v4;
	_ =	sdelay $0x1  }
0x23e: {  	v9 =	vadd.s32 v5, v9;
	_ =	sdelay $0x2  }
0x23f: {  	v8 =	vperm.xlane v8, v6;
	_ =	sdelay $0x1  }
0x240: {  	v8 =	vadd.s32 v5, v8;
	[tilespmem:s29], [sflag:$0x1] =	stream.indirect_vreg.gather [hbm4b:s1+s3], $0x80, v9, vm0, $0xb8;
	[tilespmem:$0x12880] =	vst v63  }
0x241: {  	p0 =	sge.s32 s8, s11  }
0x242: {  	[tilespmem:s30], [sflag:$0x1] =	stream.indirect_vreg.gather [hbm4b:s7+s3], $0x80, v9, vm0, $0xb8;
	[tilespmem:$0x12880] =	vst v63  }
.Ltmp18:
0x243: {  	_ = 	snop;
	(pc) =	sbr.rel @p0 .LBB2_25-.Ltmp18, $4  }
0x244: {  	_ = 	snop  }
0x245: {  	[tilespmem:s31], [sflag:$0x1] =	stream.indirect_vreg.gather [hbm4b:s1+s3], $0x80, v8, vm0, $0xb8;
	[tilespmem:$0x12880] =	vst v63  }
0x246: {  	_ = 	snop  }
0x247: {  	[tilespmem:s0], [sflag:$0x1] =	stream.indirect_vreg.gather [hbm4b:s7+s3], $0x80, v8, vm0, $0xb8;
	[tilespmem:$0x12880] =	vst v63  }
0x248: {  	v8 =	vld [tilespmem:s5+$0xFFFFFFD0];
	_ =	sdelay $0x4  }
0x249: {  	v9 =	vshll.u32 v8, $0x2  }
0x24a: {  	v8 =	vand.u32 $0x7, v8;
	v9 =	vand.u32 $0xFFFFFFE0, v9  }
0x24b: {  	v8 =	vor.u32 v8, v9  }
0x24c: {  	v9 =	vperm.xlane v8, v4;
	_ =	sdelay $0x1  }
0x24d: {  	v9 =	vadd.s32 v5, v9;
	_ =	sdelay $0x1  }
0x24e: {  	v8 =	vperm.xlane v8, v6;
	_ =	sdelay $0x1  }
0x24f: {  	v8 =	vadd.s32 v5, v8  }
0x250: {  	[tilespmem:s4], [sflag:$0x2] =	stream.indirect_vreg.gather [hbm4b:s1+s3], $0x80, v9, vm0, $0xb8;
	[tilespmem:$0x12880] =	vst v63  }
0x251: {  	s13 =	simm.s32 $0xB080  }
0x252: {  	[tilespmem:s13], [sflag:$0x2] =	stream.indirect_vreg.gather [hbm4b:s7+s3], $0x80, v9, vm0, $0xb8;
	[tilespmem:$0x12880] =	vst v63  }
0x253: {  	s13 =	simm.s32 $0xB880  }
0x254: {  	[tilespmem:s13], [sflag:$0x2] =	stream.indirect_vreg.gather [hbm4b:s1+s3], $0x80, v8, vm0, $0xb8;
	[tilespmem:$0x12880] =	vst v63  }
0x255: {  	s13 =	simm.s32 $0xC080  }
0x256: {  	[tilespmem:s13], [sflag:$0x2] =	stream.indirect_vreg.gather [hbm4b:s7+s3], $0x80, v8, vm0, $0xb8;
	[tilespmem:$0x12880] =	vst v63  }
0x257: {  	v8 =	vld [tilespmem:s5+$0xFFFFFFE0];
	_ =	sdelay $0x4  }
0x258: {  	v61 =	vshll.u32 v8, $0x2  }
0x259: {  	v8 =	vand.u32 $0x7, v8;
	v9 =	vand.u32 $0xFFFFFFE0, v61  }
0x25a: {  	v8 =	vor.u32 v8, v9  }
0x25b: {  	v9 =	vperm.xlane v8, v4;
	_ =	sdelay $0x1  }
0x25c: {  	v9 =	vadd.s32 v5, v9;
	_ =	sdelay $0x1  }
0x25d: {  	v8 =	vperm.xlane v8, v6;
	_ =	sdelay $0x1  }
0x25e: {  	s13 =	simm.s32 $0xC880;
	v8 =	vadd.s32 v5, v8  }
0x25f: {  	[tilespmem:s13], [sflag:$0x2] =	stream.indirect_vreg.gather [hbm4b:s1+s3], $0x80, v9, vm0, $0xb8;
	[tilespmem:$0x12880] =	vst v63  }
0x260: {  	s13 =	simm.s32 $0xD080  }
0x261: {  	[tilespmem:s13], [sflag:$0x2] =	stream.indirect_vreg.gather [hbm4b:s7+s3], $0x80, v9, vm0, $0xb8;
	[tilespmem:$0x12880] =	vst v63  }
0x262: {  	s13 =	simm.s32 $0xD880  }
0x263: {  	[tilespmem:s13], [sflag:$0x2] =	stream.indirect_vreg.gather [hbm4b:s1+s3], $0x80, v8, vm0, $0xb8;
	[tilespmem:$0x12880] =	vst v63  }
0x264: {  	s13 =	simm.s32 $0xE080  }
0x265: {  	[tilespmem:s13], [sflag:$0x2] =	stream.indirect_vreg.gather [hbm4b:s7+s3], $0x80, v8, vm0, $0xb8;
	[tilespmem:$0x12880] =	vst v63  }
0x266: {  	v8 =	vld [tilespmem:s5+$0xFFFFFFF0];
	_ =	sdelay $0x4  }
0x267: {  	v62 =	vshll.u32 v8, $0x2  }
0x268: {  	v8 =	vand.u32 $0x7, v8;
	v9 =	vand.u32 $0xFFFFFFE0, v62  }
0x269: {  	v8 =	vor.u32 v8, v9  }
0x26a: {  	v9 =	vperm.xlane v8, v4;
	_ =	sdelay $0x1  }
0x26b: {  	v9 =	vadd.s32 v5, v9;
	_ =	sdelay $0x1  }
0x26c: {  	v8 =	vperm.xlane v8, v6;
	_ =	sdelay $0x1  }
0x26d: {  	s13 =	simm.s32 $0xE880;
	v8 =	vadd.s32 v5, v8  }
0x26e: {  	[tilespmem:s13], [sflag:$0x2] =	stream.indirect_vreg.gather [hbm4b:s1+s3], $0x80, v9, vm0, $0xb8;
	[tilespmem:$0x12880] =	vst v63  }
0x26f: {  	s13 =	simm.s32 $0xF080  }
0x270: {  	[tilespmem:s13], [sflag:$0x2] =	stream.indirect_vreg.gather [hbm4b:s7+s3], $0x80, v9, vm0, $0xb8;
	[tilespmem:$0x12880] =	vst v63  }
0x271: {  	s13 =	simm.s32 $0xF880  }
0x272: {  	[tilespmem:s13], [sflag:$0x2] =	stream.indirect_vreg.gather [hbm4b:s1+s3], $0x80, v8, vm0, $0xb8;
	[tilespmem:$0x12880] =	vst v63  }
0x273: {  	s13 =	simm.s32 $0x10080  }
0x274: {  	[tilespmem:s13], [sflag:$0x2] =	stream.indirect_vreg.gather [hbm4b:s7+s3], $0x80, v8, vm0, $0xb8;
	[tilespmem:$0x12880] =	vst v63  }
0x275: {  	v8 =	vld [tilespmem:s5+$0x0];
	_ =	sdelay $0x4  }
0x276: {  	v63 =	vshll.u32 v8, $0x2  }
0x277: {  	v8 =	vand.u32 $0x7, v8;
	v9 =	vand.u32 $0xFFFFFFE0, v63  }
0x278: {  	v8 =	vor.u32 v8, v9  }
0x279: {  	v9 =	vperm.xlane v8, v4;
	_ =	sdelay $0x1  }
0x27a: {  	v9 =	vadd.s32 v5, v9;
	_ =	sdelay $0x1  }
0x27b: {  	v8 =	vperm.xlane v8, v6;
	_ =	sdelay $0x1  }
0x27c: {  	s13 =	simm.s32 $0x10880;
	v8 =	vadd.s32 v5, v8  }
0x27d: {  	[tilespmem:s13], [sflag:$0x2] =	stream.indirect_vreg.gather [hbm4b:s1+s3], $0x80, v9, vm0, $0xb8;
	[tilespmem:$0x12880] =	vst v63  }
0x27e: {  	s13 =	simm.s32 $0x11080  }
0x27f: {  	[tilespmem:s13], [sflag:$0x2] =	stream.indirect_vreg.gather [hbm4b:s7+s3], $0x80, v9, vm0, $0xb8;
	[tilespmem:$0x12880] =	vst v63  }
0x280: {  	s13 =	simm.s32 $0x11880  }
0x281: {  	[tilespmem:s13], [sflag:$0x2] =	stream.indirect_vreg.gather [hbm4b:s1+s3], $0x80, v8, vm0, $0xb8;
	[tilespmem:$0x12880] =	vst v63  }
0x282: {  	s13 =	simm.s32 $0x12080  }
0x283: {  	[tilespmem:s13], [sflag:$0x2] =	stream.indirect_vreg.gather [hbm4b:s7+s3], $0x80, v8, vm0, $0xb8;
	[tilespmem:$0x12880] =	vst v63  }
0x284: {  	_ =	swait.ge [sflag:s15], $0x8000  }
0x285: {  	[sflag:s15] =	ssyncset.done $0x0  }
0x286: {  	[sflag:s15] =	ssyncadd.s32 $0xFFFF8000  }
0x287: {  	[hbm4b:s9+s3] =	stream.linear.scatter [tilespmem:s16], [sflag:$0x3], $0x8000, $0x38;
	[tilespmem:$0x12880] =	vst v63  }
0x288: {  	_ =	swait.ge [sflag:s2], $0x8000  }
0x289: {  	[sflag:s2] =	ssyncset.done $0x0  }
.Ltmp19:
0x28a: {  	s13 =	sadd.s32 $0x1000, s9;
	[sflag:s2] =	ssyncadd.s32 $0xFFFF8000;
	(pc) =	sbr.rel .LBB2_26-.Ltmp19, $4  }
0x28b: {  	[hbm4b:s13+s3] =	stream.linear.scatter [tilespmem:s4], [sflag:$0x4], $0x8000, $0x38;
	[tilespmem:$0x12880] =	vst v63  }
0x28c: {  	_ =	swait.ge [sflag:s6], $0x8000  }
0x28d: {  	[sflag:s6] =	ssyncset.done $0x0  }
0x28e: {  	s13 =	simm.s32 $0x4;
	[sflag:s6] =	ssyncadd.s32 $0xFFFF8000  }
.LBB2_27:
0x28f: {  	s5 =	rddreg [dreg:$0x14]  }
0x290: {  	p0 =	slt.s32 s5, $0x1  }
.Ltmp20:
0x291: {  	_ = 	snop;
	(pc) =	sbr.rel @p0 .LBB2_33-.Ltmp20, $1  }
0x292: {  	_ =	sdelay $0x3  }
0x293: {  	s5 =	sshll.u32 s10, $0x6  }
0x294: {  	v8 =	vld [tilespmem:s5+$0x2200]  }
0x295: {  	s8 =	rddreg [dreg:$0x5]  }
0x296: {  	s8 =	sadd.s32 s8, s5  }
0x297: {  	s10 =	sadd.s32 $0x200, s8  }
0x298: {  	v9 =	vor.u32 s10, v0  }
0x299: {  	v9 =	vand.u32 $0x1FCF, v9;
	vm1 =	vlt.s32 v8, $0x2000  }
0x29a: {  	v8 =	vsel vm1, v8, v9  }
0x29b: {  	[tilespmem:$0x2800] =	vst v8  }
0x29c: {  	v56 =	vld [tilespmem:s5+$0x2210];
	_ =	sdelay $0x2  }
0x29d: {  	s9 =	sadd.s32 $0x210, s8  }
0x29e: {  	v10 =	vor.u32 s9, v0  }
0x29f: {  	v10 =	vand.u32 $0x1FFF, v10;
	vm1 =	vlt.s32 v56, $0x2000  }
0x2a0: {  	v9 =	vsel vm1, v56, v10  }
0x2a1: {  	[tilespmem:$0x2810] =	vst v9  }
0x2a2: {  	v9 =	vld [tilespmem:s5+$0x2220];
	_ =	sdelay $0x2  }
0x2a3: {  	s12 =	sadd.s32 $0x220, s8  }
0x2a4: {  	v57 =	vor.u32 s12, v0  }
0x2a5: {  	v10 =	vand.u32 $0x1FFF, v57;
	vm1 =	vlt.s32 v9, $0x2000  }
0x2a6: {  	v58 =	vshll.u32 v8, $0x2;
	v9 =	vsel vm1, v9, v10  }
0x2a7: {  	v8 =	vand.u32 $0x7, v8;
	v59 =	vand.u32 $0xFFFFFFE0, v58;
	[tilespmem:$0x2820] =	vst v9  }
0x2a8: {  	v8 =	vor.u32 v8, v59;
	v60 =	vld [tilespmem:s5+$0x2230]  }
0x2a9: {  	v9 =	vperm.xlane v8, v4;
	_ =	sdelay $0x1  }
0x2aa: {  	s8 =	sadd.s32 $0x230, s8;
	v9 =	vadd.s32 v5, v9  }
0x2ab: {  	v11 =	vor.u32 s8, v0  }
0x2ac: {  	v11 =	vand.u32 $0x1FFF, v11;
	v8 =	vperm.xlane v8, v6;
	vm1 =	vlt.s32 v60, $0x2000  }
0x2ad: {  	v10 =	vsel vm1, v60, v11  }
0x2ae: {  	v8 =	vadd.s32 v5, v8;
	[tilespmem:$0x2830] =	vst v10  }
0x2af: {  	[tilespmem:s16], [sflag:$0x1] =	stream.indirect_vreg.gather [hbm4b:s1+s3], $0x80, v9, vm0, $0xb8;
	[tilespmem:$0x12880] =	vst v63  }
0x2b0: {  	_ = 	snop  }
0x2b1: {  	[tilespmem:s17], [sflag:$0x1] =	stream.indirect_vreg.gather [hbm4b:s7+s3], $0x80, v9, vm0, $0xb8;
	[tilespmem:$0x12880] =	vst v63  }
0x2b2: {  	_ = 	snop  }
0x2b3: {  	[tilespmem:s18], [sflag:$0x1] =	stream.indirect_vreg.gather [hbm4b:s1+s3], $0x80, v8, vm0, $0xb8;
	[tilespmem:$0x12880] =	vst v63  }
0x2b4: {  	_ = 	snop  }
0x2b5: {  	[tilespmem:s19], [sflag:$0x1] =	stream.indirect_vreg.gather [hbm4b:s7+s3], $0x80, v8, vm0, $0xb8;
	[tilespmem:$0x12880] =	vst v63  }
0x2b6: {  	v8 =	vld [tilespmem:$0x2810];
	_ =	sdelay $0x4  }
0x2b7: {  	v61 =	vshll.u32 v8, $0x2  }
0x2b8: {  	v8 =	vand.u32 $0x7, v8;
	v9 =	vand.u32 $0xFFFFFFE0, v61  }
0x2b9: {  	v8 =	vor.u32 v8, v9  }
0x2ba: {  	v9 =	vperm.xlane v8, v4;
	_ =	sdelay $0x1  }
0x2bb: {  	v9 =	vadd.s32 v5, v9;
	_ =	sdelay $0x1  }
0x2bc: {  	v8 =	vperm.xlane v8, v6;
	_ =	sdelay $0x1  }
0x2bd: {  	v8 =	vadd.s32 v5, v8  }
0x2be: {  	[tilespmem:s20], [sflag:$0x1] =	stream.indirect_vreg.gather [hbm4b:s1+s3], $0x80, v9, vm0, $0xb8;
	[tilespmem:$0x12880] =	vst v63  }
0x2bf: {  	_ = 	snop  }
0x2c0: {  	[tilespmem:s21], [sflag:$0x1] =	stream.indirect_vreg.gather [hbm4b:s7+s3], $0x80, v9, vm0, $0xb8;
	[tilespmem:$0x12880] =	vst v63  }
0x2c1: {  	_ = 	snop  }
0x2c2: {  	[tilespmem:s22], [sflag:$0x1] =	stream.indirect_vreg.gather [hbm4b:s1+s3], $0x80, v8, vm0, $0xb8;
	[tilespmem:$0x12880] =	vst v63  }
0x2c3: {  	_ = 	snop  }
0x2c4: {  	[tilespmem:s23], [sflag:$0x1] =	stream.indirect_vreg.gather [hbm4b:s7+s3], $0x80, v8, vm0, $0xb8;
	[tilespmem:$0x12880] =	vst v63  }
0x2c5: {  	v8 =	vld [tilespmem:$0x2820];
	_ =	sdelay $0x4  }
0x2c6: {  	v62 =	vshll.u32 v8, $0x2  }
0x2c7: {  	v8 =	vand.u32 $0x7, v8;
	v9 =	vand.u32 $0xFFFFFFE0, v62  }
0x2c8: {  	v8 =	vor.u32 v8, v9  }
0x2c9: {  	v9 =	vperm.xlane v8, v4;
	_ =	sdelay $0x1  }
0x2ca: {  	v9 =	vadd.s32 v5, v9;
	_ =	sdelay $0x1  }
0x2cb: {  	v8 =	vperm.xlane v8, v6;
	_ =	sdelay $0x1  }
0x2cc: {  	v8 =	vadd.s32 v5, v8  }
0x2cd: {  	[tilespmem:s24], [sflag:$0x1] =	stream.indirect_vreg.gather [hbm4b:s1+s3], $0x80, v9, vm0, $0xb8;
	[tilespmem:$0x12880] =	vst v63  }
0x2ce: {  	_ = 	snop  }
0x2cf: {  	[tilespmem:s25], [sflag:$0x1] =	stream.indirect_vreg.gather [hbm4b:s7+s3], $0x80, v9, vm0, $0xb8;
	[tilespmem:$0x12880] =	vst v63  }
0x2d0: {  	_ = 	snop  }
0x2d1: {  	[tilespmem:s26], [sflag:$0x1] =	stream.indirect_vreg.gather [hbm4b:s1+s3], $0x80, v8, vm0, $0xb8;
	[tilespmem:$0x12880] =	vst v63  }
0x2d2: {  	_ = 	snop  }
0x2d3: {  	[tilespmem:s28], [sflag:$0x1] =	stream.indirect_vreg.gather [hbm4b:s7+s3], $0x80, v8, vm0, $0xb8;
	[tilespmem:$0x12880] =	vst v63  }
0x2d4: {  	v8 =	vld [tilespmem:$0x2830];
	_ =	sdelay $0x4  }
0x2d5: {  	v63 =	vshll.u32 v8, $0x2  }
0x2d6: {  	v8 =	vand.u32 $0x7, v8;
	v9 =	vand.u32 $0xFFFFFFE0, v63  }
0x2d7: {  	v8 =	vor.u32 v8, v9  }
0x2d8: {  	v9 =	vperm.xlane v8, v4;
	_ =	sdelay $0x1  }
0x2d9: {  	v9 =	vadd.s32 v5, v9;
	_ =	sdelay $0x1  }
0x2da: {  	v8 =	vperm.xlane v8, v6;
	_ =	sdelay $0x1  }
0x2db: {  	v8 =	vadd.s32 v5, v8  }
0x2dc: {  	[tilespmem:s29], [sflag:$0x1] =	stream.indirect_vreg.gather [hbm4b:s1+s3], $0x80, v9, vm0, $0xb8;
	[tilespmem:$0x12880] =	vst v63  }
0x2dd: {  	_ = 	snop  }
0x2de: {  	[tilespmem:s30], [sflag:$0x1] =	stream.indirect_vreg.gather [hbm4b:s7+s3], $0x80, v9, vm0, $0xb8;
	[tilespmem:$0x12880] =	vst v63  }
0x2df: {  	_ = 	snop  }
0x2e0: {  	[tilespmem:s31], [sflag:$0x1] =	stream.indirect_vreg.gather [hbm4b:s1+s3], $0x80, v8, vm0, $0xb8;
	[tilespmem:$0x12880] =	vst v63  }
0x2e1: {  	_ = 	snop  }
0x2e2: {  	[tilespmem:s0], [sflag:$0x1] =	stream.indirect_vreg.gather [hbm4b:s7+s3], $0x80, v8, vm0, $0xb8;
	[tilespmem:$0x12880] =	vst v63  }
0x2e3: {  	_ =	swait.ge [sflag:s15], $0x8000  }
0x2e4: {  	s13 =	rddreg [dreg:$0x18]  }
0x2e5: {  	s5 =	ssub.s32 s13, s5  }
0x2e6: {  	p0 =	sgt.s32 s5, $0x3F  }
.Ltmp21:
0x2e7: {  	_ = 	snop;
	(pc) =	sbr.rel @p0 .LBB2_32-.Ltmp21, $3  }
0x2e8: {  	_ =	sdelay $0x1  }
0x2e9: {  	[sflag:s15] =	ssyncset.done $0x0  }
0x2ea: {  	[sflag:s15] =	ssyncadd.s32 $0xFFFF8000  }
0x2eb: {  	s9 =	sshll.u32 s5, $0x7;
	s11 =	sshll.u32 s5, $0x9  }
0x2ec: {  	s5 =	sand.u32 $0xFFFFF000, s11;
	s8 =	sand.u32 $0x380, s9  }
0x2ed: {  	s5 =	sor.u32 s8, s5  }
0x2ee: {  	[tilespmem:s5+$0x34F0] =	vst v7  }
0x2ef: {  	[tilespmem:s5+$0x2880] =	vst v7  }
0x2f0: {  	[tilespmem:s5+$0x2890] =	vst v7  }
0x2f1: {  	[tilespmem:s5+$0x28A0] =	vst v7  }
0x2f2: {  	[tilespmem:s5+$0x28B0] =	vst v7  }
0x2f3: {  	[tilespmem:s5+$0x28C0] =	vst v7  }
0x2f4: {  	[tilespmem:s5+$0x28D0] =	vst v7  }
0x2f5: {  	[tilespmem:s5+$0x28E0] =	vst v7  }
0x2f6: {  	[tilespmem:s5+$0x28F0] =	vst v7  }
0x2f7: {  	[tilespmem:s5+$0x2C80] =	vst v7  }
0x2f8: {  	[tilespmem:s5+$0x2C90] =	vst v7  }
0x2f9: {  	[tilespmem:s5+$0x2CA0] =	vst v7  }
0x2fa: {  	[tilespmem:s5+$0x2CB0] =	vst v7  }
0x2fb: {  	[tilespmem:s5+$0x2CC0] =	vst v7  }
0x2fc: {  	[tilespmem:s5+$0x2CD0] =	vst v7  }
0x2fd: {  	[tilespmem:s5+$0x2CE0] =	vst v7  }
0x2fe: {  	[tilespmem:s5+$0x2CF0] =	vst v7  }
0x2ff: {  	[tilespmem:s5+$0x3080] =	vst v7  }
0x300: {  	s12 =	rddreg [dreg:$0x14];
	[tilespmem:s5+$0x3090] =	vst v7  }
0x301: {  	s8 =	sshll.u32 s12, $0x6;
	s12 =	rddreg [dreg:$0x10];
	[tilespmem:s5+$0x30A0] =	vst v7  }
0x302: {  	s13 =	rddreg [dreg:$0xc];
	[tilespmem:s5+$0x30B0] =	vst v7;
	s8 =	ssub.s32 s12, s8  }
0x303: {  	[tilespmem:s5+$0x30C0] =	vst v7;
	s8 =	sadd.s32 s13, s8  }
0x304: {  	[tilespmem:s5+$0x30D0] =	vst v7;
	s8 =	sadd.s32 $0x3F, s8  }
0x305: {  	[tilespmem:s5+$0x30E0] =	vst v7;
	s8 =	sadd.s32 $0x1, s8  }
0x306: {  	[tilespmem:s5+$0x30F0] =	vst v7;
	p0 =	slt.s32 s8, $0x3F  }
.Ltmp22:
0x307: {  	[tilespmem:s5+$0x3480] =	vst v7;
	(pc) =	sbr.rel @!p0 .LBB2_31-.Ltmp22, $4  }
0x308: {  	[tilespmem:s5+$0x3490] =	vst v7  }
0x309: {  	[tilespmem:s5+$0x34A0] =	vst v7  }
0x30a: {  	[tilespmem:s5+$0x34B0] =	vst v7  }
0x30b: {  	s9 =	sadd.s32 $0x80, s9;
	s11 =	sadd.s32 $0x200, s11;
	[tilespmem:s5+$0x34C0] =	vst v7  }
.LBB2_30:
0x30c: {  	s12 =	sand.u32 $0xFFFFF000, s11;
	s13 =	sand.u32 $0x380, s9;
	s8 =	sadd.s32 $0x1, s8;
	[tilespmem:s5+$0x34D0] =	vst v7  }
0x30d: {  	p0 =	slt.s32 s8, $0x3F;
	[tilespmem:s5+$0x34E0] =	vst v7;
	s5 =	sor.u32 s13, s12  }
0x30e: {  	[tilespmem:s5+$0x34F0] =	vst v7  }
0x30f: {  	[tilespmem:s5+$0x2880] =	vst v7  }
0x310: {  	[tilespmem:s5+$0x2890] =	vst v7  }
0x311: {  	[tilespmem:s5+$0x28A0] =	vst v7  }
0x312: {  	[tilespmem:s5+$0x28B0] =	vst v7  }
0x313: {  	[tilespmem:s5+$0x28C0] =	vst v7  }
0x314: {  	[tilespmem:s5+$0x28D0] =	vst v7  }
0x315: {  	[tilespmem:s5+$0x28E0] =	vst v7  }
0x316: {  	[tilespmem:s5+$0x28F0] =	vst v7  }
0x317: {  	[tilespmem:s5+$0x2C80] =	vst v7  }
0x318: {  	[tilespmem:s5+$0x2C90] =	vst v7  }
0x319: {  	[tilespmem:s5+$0x2CA0] =	vst v7  }
0x31a: {  	[tilespmem:s5+$0x2CB0] =	vst v7  }
0x31b: {  	[tilespmem:s5+$0x2CC0] =	vst v7  }
0x31c: {  	[tilespmem:s5+$0x2CD0] =	vst v7  }
0x31d: {  	[tilespmem:s5+$0x2CE0] =	vst v7  }
0x31e: {  	[tilespmem:s5+$0x2CF0] =	vst v7  }
0x31f: {  	[tilespmem:s5+$0x3080] =	vst v7  }
0x320: {  	[tilespmem:s5+$0x3090] =	vst v7  }
0x321: {  	[tilespmem:s5+$0x30A0] =	vst v7  }
0x322: {  	[tilespmem:s5+$0x30B0] =	vst v7  }
0x323: {  	[tilespmem:s5+$0x30C0] =	vst v7  }
0x324: {  	[tilespmem:s5+$0x30D0] =	vst v7  }
0x325: {  	[tilespmem:s5+$0x30E0] =	vst v7  }
0x326: {  	[tilespmem:s5+$0x30F0] =	vst v7  }
.Ltmp23:
0x327: {  	[tilespmem:s5+$0x3480] =	vst v7;
	(pc) =	sbr.rel @p0 .LBB2_30-.Ltmp23, $4  }
0x328: {  	[tilespmem:s5+$0x3490] =	vst v7  }
0x329: {  	[tilespmem:s5+$0x34A0] =	vst v7  }
0x32a: {  	[tilespmem:s5+$0x34B0] =	vst v7  }
0x32b: {  	s9 =	sadd.s32 $0x80, s9;
	s11 =	sadd.s32 $0x200, s11;
	[tilespmem:s5+$0x34C0] =	vst v7  }
.LBB2_31:
0x32c: {  	[tilespmem:s5+$0x34D0] =	vst v7  }
0x32d: {  	[tilespmem:s5+$0x34E0] =	vst v7  }
.LBB2_32:
0x32e: {  	s5 =	sshll.u32 s10, $0x6;
	s8 =	rddreg [dreg:$0x2]  }
0x32f: {  	s13 =	simm.s32 $0x5;
	s5 =	sadd.s32 s8, s5  }
0x330: {  	[hbm4b:s5+s3] =	stream.linear.scatter [tilespmem:s16], [sflag:$0x5], $0x8000, $0x38;
	[tilespmem:$0x12880] =	vst v63  }
0x331: {  	_ =	swait.ge [sflag:s13], $0x8000  }
0x332: {  	[sflag:s13] =	ssyncset.done $0x0  }
0x333: {  	[sflag:s13] =	ssyncadd.s32 $0xFFFF8000  }
.LBB2_33:
0x334: {  	s5 =	simm.s32 $0x0  }
0x335: {  	s8 =	sand.u32 $0x1F0, s5  }
0x336: {  	s9 =	simm.s32 $0x10;
	v8 =	vld [tilespmem:s8+$0x2400]  }
0x337: {  	s13 =	simm.s32 $0x20;
	s12 =	sand.u32 $0x1F0, s9  }
0x338: {  	s10 =	sand.u32 $0x1F0, s13;
	v9 =	vld [tilespmem:s12+$0x2400]  }
0x339: {  	v10 =	vld [tilespmem:s10+$0x2400];
	_ =	sdelay $0x1  }
0x33a: {  	vm1 =	vlt.s32 v8, $0x2000  }
0x33b: {  	v8 =	vsel vm1, $0x1, v3  }
0x33c: {  	vm1 =	vlt.s32 v9, $0x2000;
	(xrf0) =	vadd.scan.msk.s32 $0xffff, v8  }
0x33d: {  	v8 =	vsel vm1, $0x1, v3;
	vm1 =	vlt.s32 v10, $0x2000  }
0x33e: {  	s11 =	simm.s32 $0x30;
	(xrf0) =	vadd.scan.msk.s32 $0xffff, v8;
	v8 =	vsel vm1, $0x1, v3  }
0x33f: {  	s8 =	sand.u32 $0x1F0, s11;
	(xrf0) =	vadd.scan.msk.s32 $0xffff, v8  }
0x340: {  	v9 =	vld [tilespmem:s8+$0x2400];
	_ =	sdelay $0x1  }
0x341: {  	v8, _, _ =	vpop (xrf0)  }
0x342: {  	(v2sf) =	vpush v8, $0xF  }
0x343: {  	v8, _, _ =	vpop (xrf0)  }
0x344: {  	vm1 =	vlt.s32 v9, $0x2000;
	(v2sf) =	vpush v8, $0xF;
	v9, _, _ =	vpop (xrf0)  }
0x345: {  	(v2sf) =	vpush v9, $0xF;
	_ =	sdelay $0x4  }
0x346: {  	s12 =	simm.s32 $0x40  }
0x347: {  	s13 =	sand.u32 $0x1F0, s12;
	v8 =	vsel vm1, $0x1, v3  }
0x348: {  	(xrf0) =	vadd.scan.msk.s32 $0xffff, v8;
	v8 =	vld [tilespmem:s13+$0x2400];
	_ =	sdelay $0x1  }
0x349: {  	s8 =	simm.s32 $0x50  }
.LBB2_34:
0x34a: {  	p0 =	sne.s32 s8, $0x1F0  }
.Ltmp24:
0x34b: {  	s9 =	sand.u32 $0x1F0, s8;
	(pc) =	sbr.rel @p0 .LBB2_34-.Ltmp24, $4  }
0x34c: {  	s8 =	sadd.s32 $0x10, s8;
	s10 =	spop (v2sf);
	vm1 =	vlt.s32 v8, $0x2000  }
0x34d: {  	s5 =	sadd.s32 s5, s10;
	v8 =	vld [tilespmem:s9+$0x2400];
	v10 =	vsel vm1, $0x1, v3  }
0x34e: {  	(xrf0) =	vadd.scan.msk.s32 $0xffff, v10;
	v9, _, _ =	vpop (xrf0)  }
0x34f: {  	(v2sf) =	vpush v9, $0xF  }
0x350: {  	_ =	sdelay $0x1  }
0x351: {  	vm1 =	vlt.s32 v8, $0x2000  }
0x352: {  	v8 =	vsel vm1, $0x1, v3  }
0x353: {  	(xrf0) =	vadd.scan.msk.s32 $0xffff, v8;
	_ =	sdelay $0x4  }
0x354: {  	v8, _, _ =	vpop (xrf0)  }
0x355: {  	(v2sf) =	vpush v8, $0xF;
	v8, _, _ =	vpop (xrf0)  }
0x356: {  	(v2sf) =	vpush v8, $0xF;
	_ =	sdelay $0xa  }
0x357: {  	s8 =	spop (v2sf)  }
0x358: {  	s9 =	spop (v2sf);
	s5 =	sadd.s32 s5, s8  }
0x359: {  	s5 =	sadd.s32 s5, s9;
	s13 =	spop (v2sf)  }
0x35a: {  	s5 =	sadd.s32 s5, s13;
	s9 =	spop (v2sf)  }
0x35b: {  	s5 =	sadd.s32 s5, s9;
	s10 =	spop (v2sf)  }
0x35c: {  	[dreg:$0xd] =	wrdreg s5;
	s5 =	sadd.s32 s5, s10  }
0x35d: {  	[dreg:$0x19] =	wrdreg s5;
	s5 =	sadd.s32 $0x3F, s5  }
0x35e: {  	s11 =	sand.u32 $0x3F, s5  }
0x35f: {  	s12 =	sshra.s32 s5, $0x1F;
	p0 =	slt.s32 s5, $0x1;
	p1 =	sne.s32 s11, $0x0  }
0x360: {  	s13 =	sshrl.u32 s12, $0x1A;
	p0 =	por !p0, !p1  }
0x361: {  	s8 =	simm.s32 $0x1;
	s5 =	sadd.s32 s13, s5;
	p0 =	por !p0, !p0  }
0x362: {  	s5 =	sshra.s32 s5, $0x6;
	s8 =	simm.s32 @!p0 $0x0  }
0x363: {  	s5 =	ssub.s32 s5, s8  }
0x364: {  	[dreg:$0x11] =	wrdreg s10;
	s10 =	sadd.s32 $0xFFFFFFFF, s5  }
0x365: {  	[dreg:$0x15] =	wrdreg s5;
	p0 =	sgt.s32 s10, $0x0;
	s5 =	smov.u32 s10  }
0x366: {  	s5 =	simm.s32 @!p0 $0x0  }
0x367: {  	s5 =	sadd.s32 $0x1, s5  }
0x368: {  	s5 =	sshrl.u32 s5, $0x1  }
0x369: {  	p0 =	seq.s32 s5, $0x0  }
.Ltmp25:
0x36a: {  	_ = 	snop;
	(pc) =	sbr.rel @p0 .LBB2_41-.Ltmp25, $1  }
0x36b: {  	_ =	sdelay $0x3  }
.Ltmp26:
0x36c: {  	(pc) =	sbr.rel .LBB2_37-.Ltmp26, $3  }
0x36d: {  	_ =	sdelay $0x1  }
0x36e: {  	s8 =	rddreg [dreg:$0x15];
	s12 =	sshll.u32 s5, $0x1;
	s5 =	simm.s32 $0x2470  }
0x36f: {  	s9 =	rddreg [dreg:$0x9];
	s11 =	sadd.s32 $0xFFFFFFFE, s8;
	s8 =	simm.s32 $0x0  }
.LBB2_39:
0x370: {  	_ =	swait.ge [sflag:s15], $0x8000  }
0x371: {  	[sflag:s15] =	ssyncset.done $0x0  }
0x372: {  	s13 =	simm.s32 $0x3;
	[sflag:s15] =	ssyncadd.s32 $0xFFFF8000  }
0x373: {  	[hbm4b:s9+s3] =	stream.linear.scatter [tilespmem:s16], [sflag:$0x3], $0x8000, $0x38;
	[tilespmem:$0x12880] =	vst v63  }
.LBB2_40:
0x374: {  	s8 =	sadd.s32 $0x2, s8  }
0x375: {  	p0 =	sne.s32 s12, s8  }
.Ltmp27:
0x376: {  	_ = 	snop;
	(pc) =	sbr.rel @!p0 .LBB2_41-.Ltmp27, $4  }
0x377: {  	_ = 	snop  }
0x378: {  	_ =	swait.ge [sflag:s13], $0x8000  }
0x379: {  	[sflag:s13] =	ssyncset.done $0x0  }
0x37a: {  	s9 =	sadd.s32 $0x2000, s9;
	s5 =	sadd.s32 $0x80, s5;
	[sflag:s13] =	ssyncadd.s32 $0xFFFF8000  }
.LBB2_37:
0x37b: {  	v8 =	vld [tilespmem:s5+$0xFFFFFF90];
	_ =	sdelay $0x4  }
0x37c: {  	v9 =	vshll.u32 v8, $0x2  }
0x37d: {  	v8 =	vand.u32 $0x7, v8;
	v9 =	vand.u32 $0xFFFFFFE0, v9  }
0x37e: {  	v8 =	vor.u32 v8, v9  }
0x37f: {  	v9 =	vperm.xlane v8, v4;
	_ =	sdelay $0x1  }
0x380: {  	v9 =	vadd.s32 v5, v9;
	_ =	sdelay $0x1  }
0x381: {  	v8 =	vperm.xlane v8, v6;
	_ =	sdelay $0x1  }
0x382: {  	v8 =	vadd.s32 v5, v8  }
0x383: {  	[tilespmem:s16], [sflag:$0x1] =	stream.indirect_vreg.gather [hbm4b:s1+s3], $0x80, v9, vm0, $0xb8;
	[tilespmem:$0x12880] =	vst v63  }
0x384: {  	_ = 	snop  }
0x385: {  	[tilespmem:s17], [sflag:$0x1] =	stream.indirect_vreg.gather [hbm4b:s7+s3], $0x80, v9, vm0, $0xb8;
	[tilespmem:$0x12880] =	vst v63  }
0x386: {  	_ = 	snop  }
0x387: {  	[tilespmem:s18], [sflag:$0x1] =	stream.indirect_vreg.gather [hbm4b:s1+s3], $0x80, v8, vm0, $0xb8;
	[tilespmem:$0x12880] =	vst v63  }
0x388: {  	_ = 	snop  }
0x389: {  	[tilespmem:s19], [sflag:$0x1] =	stream.indirect_vreg.gather [hbm4b:s7+s3], $0x80, v8, vm0, $0xb8;
	[tilespmem:$0x12880] =	vst v63  }
0x38a: {  	v8 =	vld [tilespmem:s5+$0xFFFFFFA0];
	_ =	sdelay $0x4  }
0x38b: {  	v61 =	vshll.u32 v8, $0x2  }
0x38c: {  	v8 =	vand.u32 $0x7, v8;
	v9 =	vand.u32 $0xFFFFFFE0, v61  }
0x38d: {  	v8 =	vor.u32 v8, v9  }
0x38e: {  	v9 =	vperm.xlane v8, v4;
	_ =	sdelay $0x1  }
0x38f: {  	v9 =	vadd.s32 v5, v9;
	_ =	sdelay $0x1  }
0x390: {  	v8 =	vperm.xlane v8, v6;
	_ =	sdelay $0x1  }
0x391: {  	v8 =	vadd.s32 v5, v8  }
0x392: {  	[tilespmem:s20], [sflag:$0x1] =	stream.indirect_vreg.gather [hbm4b:s1+s3], $0x80, v9, vm0, $0xb8;
	[tilespmem:$0x12880] =	vst v63  }
0x393: {  	_ = 	snop  }
0x394: {  	[tilespmem:s21], [sflag:$0x1] =	stream.indirect_vreg.gather [hbm4b:s7+s3], $0x80, v9, vm0, $0xb8;
	[tilespmem:$0x12880] =	vst v63  }
0x395: {  	_ = 	snop  }
0x396: {  	[tilespmem:s22], [sflag:$0x1] =	stream.indirect_vreg.gather [hbm4b:s1+s3], $0x80, v8, vm0, $0xb8;
	[tilespmem:$0x12880] =	vst v63  }
0x397: {  	_ = 	snop  }
0x398: {  	[tilespmem:s23], [sflag:$0x1] =	stream.indirect_vreg.gather [hbm4b:s7+s3], $0x80, v8, vm0, $0xb8;
	[tilespmem:$0x12880] =	vst v63  }
0x399: {  	v8 =	vld [tilespmem:s5+$0xFFFFFFB0];
	_ =	sdelay $0x4  }
0x39a: {  	v62 =	vshll.u32 v8, $0x2  }
0x39b: {  	v8 =	vand.u32 $0x7, v8;
	v9 =	vand.u32 $0xFFFFFFE0, v62  }
0x39c: {  	v8 =	vor.u32 v8, v9  }
0x39d: {  	v9 =	vperm.xlane v8, v4;
	_ =	sdelay $0x1  }
0x39e: {  	v9 =	vadd.s32 v5, v9;
	_ =	sdelay $0x1  }
0x39f: {  	v8 =	vperm.xlane v8, v6;
	_ =	sdelay $0x1  }
0x3a0: {  	v8 =	vadd.s32 v5, v8  }
0x3a1: {  	[tilespmem:s24], [sflag:$0x1] =	stream.indirect_vreg.gather [hbm4b:s1+s3], $0x80, v9, vm0, $0xb8;
	[tilespmem:$0x12880] =	vst v63  }
0x3a2: {  	_ = 	snop  }
0x3a3: {  	[tilespmem:s25], [sflag:$0x1] =	stream.indirect_vreg.gather [hbm4b:s7+s3], $0x80, v9, vm0, $0xb8;
	[tilespmem:$0x12880] =	vst v63  }
0x3a4: {  	_ = 	snop  }
0x3a5: {  	[tilespmem:s26], [sflag:$0x1] =	stream.indirect_vreg.gather [hbm4b:s1+s3], $0x80, v8, vm0, $0xb8;
	[tilespmem:$0x12880] =	vst v63  }
0x3a6: {  	_ = 	snop  }
0x3a7: {  	[tilespmem:s28], [sflag:$0x1] =	stream.indirect_vreg.gather [hbm4b:s7+s3], $0x80, v8, vm0, $0xb8;
	[tilespmem:$0x12880] =	vst v63  }
0x3a8: {  	v8 =	vld [tilespmem:s5+$0xFFFFFFC0];
	_ =	sdelay $0x4  }
0x3a9: {  	v63 =	vshll.u32 v8, $0x2  }
0x3aa: {  	v8 =	vand.u32 $0x7, v8;
	v9 =	vand.u32 $0xFFFFFFE0, v63  }
0x3ab: {  	v8 =	vor.u32 v8, v9  }
0x3ac: {  	v9 =	vperm.xlane v8, v4;
	_ =	sdelay $0x1  }
0x3ad: {  	v9 =	vadd.s32 v5, v9;
	_ =	sdelay $0x2  }
0x3ae: {  	v8 =	vperm.xlane v8, v6;
	_ =	sdelay $0x1  }
0x3af: {  	v8 =	vadd.s32 v5, v8;
	[tilespmem:s29], [sflag:$0x1] =	stream.indirect_vreg.gather [hbm4b:s1+s3], $0x80, v9, vm0, $0xb8;
	[tilespmem:$0x12880] =	vst v63  }
0x3b0: {  	p0 =	sge.s32 s8, s11  }
0x3b1: {  	[tilespmem:s30], [sflag:$0x1] =	stream.indirect_vreg.gather [hbm4b:s7+s3], $0x80, v9, vm0, $0xb8;
	[tilespmem:$0x12880] =	vst v63  }
.Ltmp28:
0x3b2: {  	_ = 	snop;
	(pc) =	sbr.rel @p0 .LBB2_39-.Ltmp28, $4  }
0x3b3: {  	_ = 	snop  }
0x3b4: {  	[tilespmem:s31], [sflag:$0x1] =	stream.indirect_vreg.gather [hbm4b:s1+s3], $0x80, v8, vm0, $0xb8;
	[tilespmem:$0x12880] =	vst v63  }
0x3b5: {  	_ = 	snop  }
0x3b6: {  	[tilespmem:s0], [sflag:$0x1] =	stream.indirect_vreg.gather [hbm4b:s7+s3], $0x80, v8, vm0, $0xb8;
	[tilespmem:$0x12880] =	vst v63  }
0x3b7: {  	v8 =	vld [tilespmem:s5+$0xFFFFFFD0];
	_ =	sdelay $0x4  }
0x3b8: {  	v9 =	vshll.u32 v8, $0x2  }
0x3b9: {  	v8 =	vand.u32 $0x7, v8;
	v9 =	vand.u32 $0xFFFFFFE0, v9  }
0x3ba: {  	v8 =	vor.u32 v8, v9  }
0x3bb: {  	v9 =	vperm.xlane v8, v4;
	_ =	sdelay $0x1  }
0x3bc: {  	v9 =	vadd.s32 v5, v9;
	_ =	sdelay $0x1  }
0x3bd: {  	v8 =	vperm.xlane v8, v6;
	_ =	sdelay $0x1  }
0x3be: {  	v8 =	vadd.s32 v5, v8  }
0x3bf: {  	[tilespmem:s4], [sflag:$0x2] =	stream.indirect_vreg.gather [hbm4b:s1+s3], $0x80, v9, vm0, $0xb8;
	[tilespmem:$0x12880] =	vst v63  }
0x3c0: {  	s13 =	simm.s32 $0xB080  }
0x3c1: {  	[tilespmem:s13], [sflag:$0x2] =	stream.indirect_vreg.gather [hbm4b:s7+s3], $0x80, v9, vm0, $0xb8;
	[tilespmem:$0x12880] =	vst v63  }
0x3c2: {  	s13 =	simm.s32 $0xB880  }
0x3c3: {  	[tilespmem:s13], [sflag:$0x2] =	stream.indirect_vreg.gather [hbm4b:s1+s3], $0x80, v8, vm0, $0xb8;
	[tilespmem:$0x12880] =	vst v63  }
0x3c4: {  	s13 =	simm.s32 $0xC080  }
0x3c5: {  	[tilespmem:s13], [sflag:$0x2] =	stream.indirect_vreg.gather [hbm4b:s7+s3], $0x80, v8, vm0, $0xb8;
	[tilespmem:$0x12880] =	vst v63  }
0x3c6: {  	v8 =	vld [tilespmem:s5+$0xFFFFFFE0];
	_ =	sdelay $0x4  }
0x3c7: {  	v61 =	vshll.u32 v8, $0x2  }
0x3c8: {  	v8 =	vand.u32 $0x7, v8;
	v9 =	vand.u32 $0xFFFFFFE0, v61  }
0x3c9: {  	v8 =	vor.u32 v8, v9  }
0x3ca: {  	v9 =	vperm.xlane v8, v4;
	_ =	sdelay $0x1  }
0x3cb: {  	v9 =	vadd.s32 v5, v9;
	_ =	sdelay $0x1  }
0x3cc: {  	v8 =	vperm.xlane v8, v6;
	_ =	sdelay $0x1  }
0x3cd: {  	s13 =	simm.s32 $0xC880;
	v8 =	vadd.s32 v5, v8  }
0x3ce: {  	[tilespmem:s13], [sflag:$0x2] =	stream.indirect_vreg.gather [hbm4b:s1+s3], $0x80, v9, vm0, $0xb8;
	[tilespmem:$0x12880] =	vst v63  }
0x3cf: {  	s13 =	simm.s32 $0xD080  }
0x3d0: {  	[tilespmem:s13], [sflag:$0x2] =	stream.indirect_vreg.gather [hbm4b:s7+s3], $0x80, v9, vm0, $0xb8;
	[tilespmem:$0x12880] =	vst v63  }
0x3d1: {  	s13 =	simm.s32 $0xD880  }
0x3d2: {  	[tilespmem:s13], [sflag:$0x2] =	stream.indirect_vreg.gather [hbm4b:s1+s3], $0x80, v8, vm0, $0xb8;
	[tilespmem:$0x12880] =	vst v63  }
0x3d3: {  	s13 =	simm.s32 $0xE080  }
0x3d4: {  	[tilespmem:s13], [sflag:$0x2] =	stream.indirect_vreg.gather [hbm4b:s7+s3], $0x80, v8, vm0, $0xb8;
	[tilespmem:$0x12880] =	vst v63  }
0x3d5: {  	v8 =	vld [tilespmem:s5+$0xFFFFFFF0];
	_ =	sdelay $0x4  }
0x3d6: {  	v62 =	vshll.u32 v8, $0x2  }
0x3d7: {  	v8 =	vand.u32 $0x7, v8;
	v9 =	vand.u32 $0xFFFFFFE0, v62  }
0x3d8: {  	v8 =	vor.u32 v8, v9  }
0x3d9: {  	v9 =	vperm.xlane v8, v4;
	_ =	sdelay $0x1  }
0x3da: {  	v9 =	vadd.s32 v5, v9;
	_ =	sdelay $0x1  }
0x3db: {  	v8 =	vperm.xlane v8, v6;
	_ =	sdelay $0x1  }
0x3dc: {  	s13 =	simm.s32 $0xE880;
	v8 =	vadd.s32 v5, v8  }
0x3dd: {  	[tilespmem:s13], [sflag:$0x2] =	stream.indirect_vreg.gather [hbm4b:s1+s3], $0x80, v9, vm0, $0xb8;
	[tilespmem:$0x12880] =	vst v63  }
0x3de: {  	s13 =	simm.s32 $0xF080  }
0x3df: {  	[tilespmem:s13], [sflag:$0x2] =	stream.indirect_vreg.gather [hbm4b:s7+s3], $0x80, v9, vm0, $0xb8;
	[tilespmem:$0x12880] =	vst v63  }
0x3e0: {  	s13 =	simm.s32 $0xF880  }
0x3e1: {  	[tilespmem:s13], [sflag:$0x2] =	stream.indirect_vreg.gather [hbm4b:s1+s3], $0x80, v8, vm0, $0xb8;
	[tilespmem:$0x12880] =	vst v63  }
0x3e2: {  	s13 =	simm.s32 $0x10080  }
0x3e3: {  	[tilespmem:s13], [sflag:$0x2] =	stream.indirect_vreg.gather [hbm4b:s7+s3], $0x80, v8, vm0, $0xb8;
	[tilespmem:$0x12880] =	vst v63  }
0x3e4: {  	v8 =	vld [tilespmem:s5+$0x0];
	_ =	sdelay $0x4  }
0x3e5: {  	v63 =	vshll.u32 v8, $0x2  }
0x3e6: {  	v8 =	vand.u32 $0x7, v8;
	v9 =	vand.u32 $0xFFFFFFE0, v63  }
0x3e7: {  	v8 =	vor.u32 v8, v9  }
0x3e8: {  	v9 =	vperm.xlane v8, v4;
	_ =	sdelay $0x1  }
0x3e9: {  	v9 =	vadd.s32 v5, v9;
	_ =	sdelay $0x1  }
0x3ea: {  	v8 =	vperm.xlane v8, v6;
	_ =	sdelay $0x1  }
0x3eb: {  	s13 =	simm.s32 $0x10880;
	v8 =	vadd.s32 v5, v8  }
0x3ec: {  	[tilespmem:s13], [sflag:$0x2] =	stream.indirect_vreg.gather [hbm4b:s1+s3], $0x80, v9, vm0, $0xb8;
	[tilespmem:$0x12880] =	vst v63  }
0x3ed: {  	s13 =	simm.s32 $0x11080  }
0x3ee: {  	[tilespmem:s13], [sflag:$0x2] =	stream.indirect_vreg.gather [hbm4b:s7+s3], $0x80, v9, vm0, $0xb8;
	[tilespmem:$0x12880] =	vst v63  }
0x3ef: {  	s13 =	simm.s32 $0x11880  }
0x3f0: {  	[tilespmem:s13], [sflag:$0x2] =	stream.indirect_vreg.gather [hbm4b:s1+s3], $0x80, v8, vm0, $0xb8;
	[tilespmem:$0x12880] =	vst v63  }
0x3f1: {  	s13 =	simm.s32 $0x12080  }
0x3f2: {  	[tilespmem:s13], [sflag:$0x2] =	stream.indirect_vreg.gather [hbm4b:s7+s3], $0x80, v8, vm0, $0xb8;
	[tilespmem:$0x12880] =	vst v63  }
0x3f3: {  	_ =	swait.ge [sflag:s15], $0x8000  }
0x3f4: {  	[sflag:s15] =	ssyncset.done $0x0  }
0x3f5: {  	[sflag:s15] =	ssyncadd.s32 $0xFFFF8000  }
0x3f6: {  	[hbm4b:s9+s3] =	stream.linear.scatter [tilespmem:s16], [sflag:$0x3], $0x8000, $0x38;
	[tilespmem:$0x12880] =	vst v63  }
0x3f7: {  	_ =	swait.ge [sflag:s2], $0x8000  }
0x3f8: {  	[sflag:s2] =	ssyncset.done $0x0  }
.Ltmp29:
0x3f9: {  	s13 =	sadd.s32 $0x1000, s9;
	[sflag:s2] =	ssyncadd.s32 $0xFFFF8000;
	(pc) =	sbr.rel .LBB2_40-.Ltmp29, $4  }
0x3fa: {  	[hbm4b:s13+s3] =	stream.linear.scatter [tilespmem:s4], [sflag:$0x4], $0x8000, $0x38;
	[tilespmem:$0x12880] =	vst v63  }
0x3fb: {  	_ =	swait.ge [sflag:s6], $0x8000  }
0x3fc: {  	[sflag:s6] =	ssyncset.done $0x0  }
0x3fd: {  	s13 =	simm.s32 $0x4;
	[sflag:s6] =	ssyncadd.s32 $0xFFFF8000  }
.LBB2_41:
0x3fe: {  	s5 =	rddreg [dreg:$0x15]  }
0x3ff: {  	p0 =	slt.s32 s5, $0x1  }
.Ltmp30:
0x400: {  	_ = 	snop;
	(pc) =	sbr.rel @p0 .LBB2_47-.Ltmp30, $1  }
0x401: {  	_ =	sdelay $0x3  }
0x402: {  	s5 =	sshll.u32 s10, $0x6  }
0x403: {  	v8 =	vld [tilespmem:s5+$0x2400]  }
0x404: {  	s8 =	rddreg [dreg:$0x5]  }
0x405: {  	s8 =	sadd.s32 s8, s5  }
0x406: {  	s10 =	sadd.s32 $0x400, s8  }
0x407: {  	v9 =	vor.u32 s10, v0  }
0x408: {  	v9 =	vand.u32 $0x1FCF, v9;
	vm1 =	vlt.s32 v8, $0x2000  }
0x409: {  	v8 =	vsel vm1, v8, v9  }
0x40a: {  	[tilespmem:$0x2800] =	vst v8  }
0x40b: {  	v56 =	vld [tilespmem:s5+$0x2410];
	_ =	sdelay $0x2  }
0x40c: {  	s9 =	sadd.s32 $0x410, s8  }
0x40d: {  	v10 =	vor.u32 s9, v0  }
0x40e: {  	v10 =	vand.u32 $0x1FFF, v10;
	vm1 =	vlt.s32 v56, $0x2000  }
0x40f: {  	v9 =	vsel vm1, v56, v10  }
0x410: {  	[tilespmem:$0x2810] =	vst v9  }
0x411: {  	v9 =	vld [tilespmem:s5+$0x2420];
	_ =	sdelay $0x2  }
0x412: {  	s12 =	sadd.s32 $0x420, s8  }
0x413: {  	v57 =	vor.u32 s12, v0  }
0x414: {  	v10 =	vand.u32 $0x1FFF, v57;
	vm1 =	vlt.s32 v9, $0x2000  }
0x415: {  	v58 =	vshll.u32 v8, $0x2;
	v9 =	vsel vm1, v9, v10  }
0x416: {  	v8 =	vand.u32 $0x7, v8;
	v59 =	vand.u32 $0xFFFFFFE0, v58;
	[tilespmem:$0x2820] =	vst v9  }
0x417: {  	v8 =	vor.u32 v8, v59;
	v60 =	vld [tilespmem:s5+$0x2430]  }
0x418: {  	v9 =	vperm.xlane v8, v4;
	_ =	sdelay $0x1  }
0x419: {  	s8 =	sadd.s32 $0x430, s8;
	v9 =	vadd.s32 v5, v9  }
0x41a: {  	v11 =	vor.u32 s8, v0  }
0x41b: {  	v11 =	vand.u32 $0x1FFF, v11;
	v8 =	vperm.xlane v8, v6;
	vm1 =	vlt.s32 v60, $0x2000  }
0x41c: {  	v10 =	vsel vm1, v60, v11  }
0x41d: {  	v8 =	vadd.s32 v5, v8;
	[tilespmem:$0x2830] =	vst v10  }
0x41e: {  	[tilespmem:s16], [sflag:$0x1] =	stream.indirect_vreg.gather [hbm4b:s1+s3], $0x80, v9, vm0, $0xb8;
	[tilespmem:$0x12880] =	vst v63  }
0x41f: {  	_ = 	snop  }
0x420: {  	[tilespmem:s17], [sflag:$0x1] =	stream.indirect_vreg.gather [hbm4b:s7+s3], $0x80, v9, vm0, $0xb8;
	[tilespmem:$0x12880] =	vst v63  }
0x421: {  	_ = 	snop  }
0x422: {  	[tilespmem:s18], [sflag:$0x1] =	stream.indirect_vreg.gather [hbm4b:s1+s3], $0x80, v8, vm0, $0xb8;
	[tilespmem:$0x12880] =	vst v63  }
0x423: {  	_ = 	snop  }
0x424: {  	[tilespmem:s19], [sflag:$0x1] =	stream.indirect_vreg.gather [hbm4b:s7+s3], $0x80, v8, vm0, $0xb8;
	[tilespmem:$0x12880] =	vst v63  }
0x425: {  	v8 =	vld [tilespmem:$0x2810];
	_ =	sdelay $0x4  }
0x426: {  	v61 =	vshll.u32 v8, $0x2  }
0x427: {  	v8 =	vand.u32 $0x7, v8;
	v9 =	vand.u32 $0xFFFFFFE0, v61  }
0x428: {  	v8 =	vor.u32 v8, v9  }
0x429: {  	v9 =	vperm.xlane v8, v4;
	_ =	sdelay $0x1  }
0x42a: {  	v9 =	vadd.s32 v5, v9;
	_ =	sdelay $0x1  }
0x42b: {  	v8 =	vperm.xlane v8, v6;
	_ =	sdelay $0x1  }
0x42c: {  	v8 =	vadd.s32 v5, v8  }
0x42d: {  	[tilespmem:s20], [sflag:$0x1] =	stream.indirect_vreg.gather [hbm4b:s1+s3], $0x80, v9, vm0, $0xb8;
	[tilespmem:$0x12880] =	vst v63  }
0x42e: {  	_ = 	snop  }
0x42f: {  	[tilespmem:s21], [sflag:$0x1] =	stream.indirect_vreg.gather [hbm4b:s7+s3], $0x80, v9, vm0, $0xb8;
	[tilespmem:$0x12880] =	vst v63  }
0x430: {  	_ = 	snop  }
0x431: {  	[tilespmem:s22], [sflag:$0x1] =	stream.indirect_vreg.gather [hbm4b:s1+s3], $0x80, v8, vm0, $0xb8;
	[tilespmem:$0x12880] =	vst v63  }
0x432: {  	_ = 	snop  }
0x433: {  	[tilespmem:s23], [sflag:$0x1] =	stream.indirect_vreg.gather [hbm4b:s7+s3], $0x80, v8, vm0, $0xb8;
	[tilespmem:$0x12880] =	vst v63  }
0x434: {  	v8 =	vld [tilespmem:$0x2820];
	_ =	sdelay $0x4  }
0x435: {  	v62 =	vshll.u32 v8, $0x2  }
0x436: {  	v8 =	vand.u32 $0x7, v8;
	v9 =	vand.u32 $0xFFFFFFE0, v62  }
0x437: {  	v8 =	vor.u32 v8, v9  }
0x438: {  	v9 =	vperm.xlane v8, v4;
	_ =	sdelay $0x1  }
0x439: {  	v9 =	vadd.s32 v5, v9;
	_ =	sdelay $0x1  }
0x43a: {  	v8 =	vperm.xlane v8, v6;
	_ =	sdelay $0x1  }
0x43b: {  	v8 =	vadd.s32 v5, v8  }
0x43c: {  	[tilespmem:s24], [sflag:$0x1] =	stream.indirect_vreg.gather [hbm4b:s1+s3], $0x80, v9, vm0, $0xb8;
	[tilespmem:$0x12880] =	vst v63  }
0x43d: {  	_ = 	snop  }
0x43e: {  	[tilespmem:s25], [sflag:$0x1] =	stream.indirect_vreg.gather [hbm4b:s7+s3], $0x80, v9, vm0, $0xb8;
	[tilespmem:$0x12880] =	vst v63  }
0x43f: {  	_ = 	snop  }
0x440: {  	[tilespmem:s26], [sflag:$0x1] =	stream.indirect_vreg.gather [hbm4b:s1+s3], $0x80, v8, vm0, $0xb8;
	[tilespmem:$0x12880] =	vst v63  }
0x441: {  	_ = 	snop  }
0x442: {  	[tilespmem:s28], [sflag:$0x1] =	stream.indirect_vreg.gather [hbm4b:s7+s3], $0x80, v8, vm0, $0xb8;
	[tilespmem:$0x12880] =	vst v63  }
0x443: {  	v8 =	vld [tilespmem:$0x2830];
	_ =	sdelay $0x4  }
0x444: {  	v63 =	vshll.u32 v8, $0x2  }
0x445: {  	v8 =	vand.u32 $0x7, v8;
	v9 =	vand.u32 $0xFFFFFFE0, v63  }
0x446: {  	v8 =	vor.u32 v8, v9  }
0x447: {  	v9 =	vperm.xlane v8, v4;
	_ =	sdelay $0x1  }
0x448: {  	v9 =	vadd.s32 v5, v9;
	_ =	sdelay $0x1  }
0x449: {  	v8 =	vperm.xlane v8, v6;
	_ =	sdelay $0x1  }
0x44a: {  	v8 =	vadd.s32 v5, v8  }
0x44b: {  	[tilespmem:s29], [sflag:$0x1] =	stream.indirect_vreg.gather [hbm4b:s1+s3], $0x80, v9, vm0, $0xb8;
	[tilespmem:$0x12880] =	vst v63  }
0x44c: {  	_ = 	snop  }
0x44d: {  	[tilespmem:s30], [sflag:$0x1] =	stream.indirect_vreg.gather [hbm4b:s7+s3], $0x80, v9, vm0, $0xb8;
	[tilespmem:$0x12880] =	vst v63  }
0x44e: {  	_ = 	snop  }
0x44f: {  	[tilespmem:s31], [sflag:$0x1] =	stream.indirect_vreg.gather [hbm4b:s1+s3], $0x80, v8, vm0, $0xb8;
	[tilespmem:$0x12880] =	vst v63  }
0x450: {  	_ = 	snop  }
0x451: {  	[tilespmem:s0], [sflag:$0x1] =	stream.indirect_vreg.gather [hbm4b:s7+s3], $0x80, v8, vm0, $0xb8;
	[tilespmem:$0x12880] =	vst v63  }
0x452: {  	_ =	swait.ge [sflag:s15], $0x8000  }
0x453: {  	s13 =	rddreg [dreg:$0x19]  }
0x454: {  	s5 =	ssub.s32 s13, s5  }
0x455: {  	p0 =	sgt.s32 s5, $0x3F  }
.Ltmp31:
0x456: {  	_ = 	snop;
	(pc) =	sbr.rel @p0 .LBB2_46-.Ltmp31, $3  }
0x457: {  	_ =	sdelay $0x1  }
0x458: {  	[sflag:s15] =	ssyncset.done $0x0  }
0x459: {  	[sflag:s15] =	ssyncadd.s32 $0xFFFF8000  }
0x45a: {  	s9 =	sshll.u32 s5, $0x7;
	s11 =	sshll.u32 s5, $0x9  }
0x45b: {  	s5 =	sand.u32 $0xFFFFF000, s11;
	s8 =	sand.u32 $0x380, s9  }
0x45c: {  	s5 =	sor.u32 s8, s5  }
0x45d: {  	[tilespmem:s5+$0x34F0] =	vst v7  }
0x45e: {  	[tilespmem:s5+$0x2880] =	vst v7  }
0x45f: {  	[tilespmem:s5+$0x2890] =	vst v7  }
0x460: {  	[tilespmem:s5+$0x28A0] =	vst v7  }
0x461: {  	[tilespmem:s5+$0x28B0] =	vst v7  }
0x462: {  	[tilespmem:s5+$0x28C0] =	vst v7  }
0x463: {  	[tilespmem:s5+$0x28D0] =	vst v7  }
0x464: {  	[tilespmem:s5+$0x28E0] =	vst v7  }
0x465: {  	[tilespmem:s5+$0x28F0] =	vst v7  }
0x466: {  	[tilespmem:s5+$0x2C80] =	vst v7  }
0x467: {  	[tilespmem:s5+$0x2C90] =	vst v7  }
0x468: {  	[tilespmem:s5+$0x2CA0] =	vst v7  }
0x469: {  	[tilespmem:s5+$0x2CB0] =	vst v7  }
0x46a: {  	[tilespmem:s5+$0x2CC0] =	vst v7  }
0x46b: {  	[tilespmem:s5+$0x2CD0] =	vst v7  }
0x46c: {  	[tilespmem:s5+$0x2CE0] =	vst v7  }
0x46d: {  	[tilespmem:s5+$0x2CF0] =	vst v7  }
0x46e: {  	[tilespmem:s5+$0x3080] =	vst v7  }
0x46f: {  	s12 =	rddreg [dreg:$0x15];
	[tilespmem:s5+$0x3090] =	vst v7  }
0x470: {  	s8 =	sshll.u32 s12, $0x6;
	s12 =	rddreg [dreg:$0x11];
	[tilespmem:s5+$0x30A0] =	vst v7  }
0x471: {  	s13 =	rddreg [dreg:$0xd];
	[tilespmem:s5+$0x30B0] =	vst v7;
	s8 =	ssub.s32 s12, s8  }
0x472: {  	[tilespmem:s5+$0x30C0] =	vst v7;
	s8 =	sadd.s32 s13, s8  }
0x473: {  	[tilespmem:s5+$0x30D0] =	vst v7;
	s8 =	sadd.s32 $0x3F, s8  }
0x474: {  	[tilespmem:s5+$0x30E0] =	vst v7;
	s8 =	sadd.s32 $0x1, s8  }
0x475: {  	[tilespmem:s5+$0x30F0] =	vst v7;
	p0 =	slt.s32 s8, $0x3F  }
.Ltmp32:
0x476: {  	[tilespmem:s5+$0x3480] =	vst v7;
	(pc) =	sbr.rel @!p0 .LBB2_45-.Ltmp32, $4  }
0x477: {  	[tilespmem:s5+$0x3490] =	vst v7  }
0x478: {  	[tilespmem:s5+$0x34A0] =	vst v7  }
0x479: {  	[tilespmem:s5+$0x34B0] =	vst v7  }
0x47a: {  	s9 =	sadd.s32 $0x80, s9;
	s11 =	sadd.s32 $0x200, s11;
	[tilespmem:s5+$0x34C0] =	vst v7  }
.LBB2_44:
0x47b: {  	s12 =	sand.u32 $0xFFFFF000, s11;
	s13 =	sand.u32 $0x380, s9;
	s8 =	sadd.s32 $0x1, s8;
	[tilespmem:s5+$0x34D0] =	vst v7  }
0x47c: {  	p0 =	slt.s32 s8, $0x3F;
	[tilespmem:s5+$0x34E0] =	vst v7;
	s5 =	sor.u32 s13, s12  }
0x47d: {  	[tilespmem:s5+$0x34F0] =	vst v7  }
0x47e: {  	[tilespmem:s5+$0x2880] =	vst v7  }
0x47f: {  	[tilespmem:s5+$0x2890] =	vst v7  }
0x480: {  	[tilespmem:s5+$0x28A0] =	vst v7  }
0x481: {  	[tilespmem:s5+$0x28B0] =	vst v7  }
0x482: {  	[tilespmem:s5+$0x28C0] =	vst v7  }
0x483: {  	[tilespmem:s5+$0x28D0] =	vst v7  }
0x484: {  	[tilespmem:s5+$0x28E0] =	vst v7  }
0x485: {  	[tilespmem:s5+$0x28F0] =	vst v7  }
0x486: {  	[tilespmem:s5+$0x2C80] =	vst v7  }
0x487: {  	[tilespmem:s5+$0x2C90] =	vst v7  }
0x488: {  	[tilespmem:s5+$0x2CA0] =	vst v7  }
0x489: {  	[tilespmem:s5+$0x2CB0] =	vst v7  }
0x48a: {  	[tilespmem:s5+$0x2CC0] =	vst v7  }
0x48b: {  	[tilespmem:s5+$0x2CD0] =	vst v7  }
0x48c: {  	[tilespmem:s5+$0x2CE0] =	vst v7  }
0x48d: {  	[tilespmem:s5+$0x2CF0] =	vst v7  }
0x48e: {  	[tilespmem:s5+$0x3080] =	vst v7  }
0x48f: {  	[tilespmem:s5+$0x3090] =	vst v7  }
0x490: {  	[tilespmem:s5+$0x30A0] =	vst v7  }
0x491: {  	[tilespmem:s5+$0x30B0] =	vst v7  }
0x492: {  	[tilespmem:s5+$0x30C0] =	vst v7  }
0x493: {  	[tilespmem:s5+$0x30D0] =	vst v7  }
0x494: {  	[tilespmem:s5+$0x30E0] =	vst v7  }
0x495: {  	[tilespmem:s5+$0x30F0] =	vst v7  }
.Ltmp33:
0x496: {  	[tilespmem:s5+$0x3480] =	vst v7;
	(pc) =	sbr.rel @p0 .LBB2_44-.Ltmp33, $4  }
0x497: {  	[tilespmem:s5+$0x3490] =	vst v7  }
0x498: {  	[tilespmem:s5+$0x34A0] =	vst v7  }
0x499: {  	[tilespmem:s5+$0x34B0] =	vst v7  }
0x49a: {  	s9 =	sadd.s32 $0x80, s9;
	s11 =	sadd.s32 $0x200, s11;
	[tilespmem:s5+$0x34C0] =	vst v7  }
.LBB2_45:
0x49b: {  	[tilespmem:s5+$0x34D0] =	vst v7  }
0x49c: {  	[tilespmem:s5+$0x34E0] =	vst v7  }
.LBB2_46:
0x49d: {  	s5 =	sshll.u32 s10, $0x6;
	s8 =	rddreg [dreg:$0x2]  }
0x49e: {  	s13 =	simm.s32 $0x5;
	s5 =	sadd.s32 s8, s5  }
0x49f: {  	[hbm4b:s5+s3] =	stream.linear.scatter [tilespmem:s16], [sflag:$0x5], $0x8000, $0x38;
	[tilespmem:$0x12880] =	vst v63  }
0x4a0: {  	_ =	swait.ge [sflag:s13], $0x8000  }
0x4a1: {  	[sflag:s13] =	ssyncset.done $0x0  }
0x4a2: {  	[sflag:s13] =	ssyncadd.s32 $0xFFFF8000  }
.LBB2_47:
0x4a3: {  	s5 =	simm.s32 $0x0  }
0x4a4: {  	s8 =	sand.u32 $0x1F0, s5  }
0x4a5: {  	s9 =	simm.s32 $0x10;
	v8 =	vld [tilespmem:s8+$0x2600]  }
0x4a6: {  	s13 =	simm.s32 $0x20;
	s12 =	sand.u32 $0x1F0, s9  }
0x4a7: {  	s10 =	sand.u32 $0x1F0, s13;
	v9 =	vld [tilespmem:s12+$0x2600]  }
0x4a8: {  	v10 =	vld [tilespmem:s10+$0x2600];
	_ =	sdelay $0x1  }
0x4a9: {  	vm1 =	vlt.s32 v8, $0x2000  }
0x4aa: {  	v8 =	vsel vm1, $0x1, v3  }
0x4ab: {  	vm1 =	vlt.s32 v9, $0x2000;
	(xrf0) =	vadd.scan.msk.s32 $0xffff, v8  }
0x4ac: {  	v8 =	vsel vm1, $0x1, v3;
	vm1 =	vlt.s32 v10, $0x2000  }
0x4ad: {  	s11 =	simm.s32 $0x30;
	(xrf0) =	vadd.scan.msk.s32 $0xffff, v8;
	v8 =	vsel vm1, $0x1, v3  }
0x4ae: {  	s8 =	sand.u32 $0x1F0, s11;
	(xrf0) =	vadd.scan.msk.s32 $0xffff, v8  }
0x4af: {  	v9 =	vld [tilespmem:s8+$0x2600];
	_ =	sdelay $0x1  }
0x4b0: {  	v8, _, _ =	vpop (xrf0)  }
0x4b1: {  	(v2sf) =	vpush v8, $0xF  }
0x4b2: {  	v8, _, _ =	vpop (xrf0)  }
0x4b3: {  	vm1 =	vlt.s32 v9, $0x2000;
	(v2sf) =	vpush v8, $0xF;
	v9, _, _ =	vpop (xrf0)  }
0x4b4: {  	(v2sf) =	vpush v9, $0xF;
	_ =	sdelay $0x4  }
0x4b5: {  	s12 =	simm.s32 $0x40  }
0x4b6: {  	s13 =	sand.u32 $0x1F0, s12;
	v8 =	vsel vm1, $0x1, v3  }
0x4b7: {  	(xrf0) =	vadd.scan.msk.s32 $0xffff, v8;
	v8 =	vld [tilespmem:s13+$0x2600];
	_ =	sdelay $0x1  }
0x4b8: {  	s8 =	simm.s32 $0x50  }
.LBB2_48:
0x4b9: {  	p0 =	sne.s32 s8, $0x1F0  }
.Ltmp34:
0x4ba: {  	s9 =	sand.u32 $0x1F0, s8;
	(pc) =	sbr.rel @p0 .LBB2_48-.Ltmp34, $4  }
0x4bb: {  	s8 =	sadd.s32 $0x10, s8;
	s10 =	spop (v2sf);
	vm1 =	vlt.s32 v8, $0x2000  }
0x4bc: {  	s5 =	sadd.s32 s5, s10;
	v8 =	vld [tilespmem:s9+$0x2600];
	v10 =	vsel vm1, $0x1, v3  }
0x4bd: {  	(xrf0) =	vadd.scan.msk.s32 $0xffff, v10;
	v9, _, _ =	vpop (xrf0)  }
0x4be: {  	(v2sf) =	vpush v9, $0xF  }
0x4bf: {  	_ =	sdelay $0x1  }
0x4c0: {  	vm1 =	vlt.s32 v8, $0x2000  }
0x4c1: {  	v8 =	vsel vm1, $0x1, v3  }
0x4c2: {  	(xrf0) =	vadd.scan.msk.s32 $0xffff, v8;
	_ =	sdelay $0x4  }
0x4c3: {  	v8, _, _ =	vpop (xrf0)  }
0x4c4: {  	(v2sf) =	vpush v8, $0xF;
	v8, _, _ =	vpop (xrf0)  }
0x4c5: {  	(v2sf) =	vpush v8, $0xF;
	_ =	sdelay $0xa  }
0x4c6: {  	s8 =	spop (v2sf)  }
0x4c7: {  	s9 =	spop (v2sf);
	s5 =	sadd.s32 s5, s8  }
0x4c8: {  	s5 =	sadd.s32 s5, s9;
	s13 =	spop (v2sf)  }
0x4c9: {  	s5 =	sadd.s32 s5, s13;
	s9 =	spop (v2sf)  }
0x4ca: {  	s5 =	sadd.s32 s5, s9;
	s10 =	spop (v2sf)  }
0x4cb: {  	[dreg:$0xe] =	wrdreg s5;
	s5 =	sadd.s32 s5, s10  }
0x4cc: {  	[dreg:$0x1a] =	wrdreg s5;
	s5 =	sadd.s32 $0x3F, s5  }
0x4cd: {  	s11 =	sand.u32 $0x3F, s5  }
0x4ce: {  	s12 =	sshra.s32 s5, $0x1F;
	p0 =	slt.s32 s5, $0x1;
	p1 =	sne.s32 s11, $0x0  }
0x4cf: {  	s13 =	sshrl.u32 s12, $0x1A;
	p0 =	por !p0, !p1  }
0x4d0: {  	s8 =	simm.s32 $0x1;
	s5 =	sadd.s32 s13, s5;
	p0 =	por !p0, !p0  }
0x4d1: {  	s5 =	sshra.s32 s5, $0x6;
	s8 =	simm.s32 @!p0 $0x0  }
0x4d2: {  	s5 =	ssub.s32 s5, s8  }
0x4d3: {  	[dreg:$0x12] =	wrdreg s10;
	s10 =	sadd.s32 $0xFFFFFFFF, s5  }
0x4d4: {  	[dreg:$0x16] =	wrdreg s5;
	p0 =	sgt.s32 s10, $0x0;
	s5 =	smov.u32 s10  }
0x4d5: {  	s5 =	simm.s32 @!p0 $0x0  }
0x4d6: {  	s5 =	sadd.s32 $0x1, s5  }
0x4d7: {  	s5 =	sshrl.u32 s5, $0x1  }
0x4d8: {  	p0 =	seq.s32 s5, $0x0  }
.Ltmp35:
0x4d9: {  	_ = 	snop;
	(pc) =	sbr.rel @p0 .LBB2_55-.Ltmp35, $1  }
0x4da: {  	_ =	sdelay $0x3  }
.Ltmp36:
0x4db: {  	(pc) =	sbr.rel .LBB2_51-.Ltmp36, $3  }
0x4dc: {  	_ =	sdelay $0x1  }
0x4dd: {  	s8 =	rddreg [dreg:$0x16];
	s12 =	sshll.u32 s5, $0x1;
	s5 =	simm.s32 $0x2670  }
0x4de: {  	s9 =	rddreg [dreg:$0xa];
	s11 =	sadd.s32 $0xFFFFFFFE, s8;
	s8 =	simm.s32 $0x0  }
.LBB2_53:
0x4df: {  	_ =	swait.ge [sflag:s15], $0x8000  }
0x4e0: {  	[sflag:s15] =	ssyncset.done $0x0  }
0x4e1: {  	s13 =	simm.s32 $0x3;
	[sflag:s15] =	ssyncadd.s32 $0xFFFF8000  }
0x4e2: {  	[hbm4b:s9+s3] =	stream.linear.scatter [tilespmem:s16], [sflag:$0x3], $0x8000, $0x38;
	[tilespmem:$0x12880] =	vst v63  }
.LBB2_54:
0x4e3: {  	s8 =	sadd.s32 $0x2, s8  }
0x4e4: {  	p0 =	sne.s32 s12, s8  }
.Ltmp37:
0x4e5: {  	_ = 	snop;
	(pc) =	sbr.rel @!p0 .LBB2_55-.Ltmp37, $4  }
0x4e6: {  	_ = 	snop  }
0x4e7: {  	_ =	swait.ge [sflag:s13], $0x8000  }
0x4e8: {  	[sflag:s13] =	ssyncset.done $0x0  }
0x4e9: {  	s9 =	sadd.s32 $0x2000, s9;
	s5 =	sadd.s32 $0x80, s5;
	[sflag:s13] =	ssyncadd.s32 $0xFFFF8000  }
.LBB2_51:
0x4ea: {  	v8 =	vld [tilespmem:s5+$0xFFFFFF90];
	_ =	sdelay $0x4  }
0x4eb: {  	v9 =	vshll.u32 v8, $0x2  }
0x4ec: {  	v8 =	vand.u32 $0x7, v8;
	v9 =	vand.u32 $0xFFFFFFE0, v9  }
0x4ed: {  	v8 =	vor.u32 v8, v9  }
0x4ee: {  	v9 =	vperm.xlane v8, v4;
	_ =	sdelay $0x1  }
0x4ef: {  	v9 =	vadd.s32 v5, v9;
	_ =	sdelay $0x1  }
0x4f0: {  	v8 =	vperm.xlane v8, v6;
	_ =	sdelay $0x1  }
0x4f1: {  	v8 =	vadd.s32 v5, v8  }
0x4f2: {  	[tilespmem:s16], [sflag:$0x1] =	stream.indirect_vreg.gather [hbm4b:s1+s3], $0x80, v9, vm0, $0xb8;
	[tilespmem:$0x12880] =	vst v63  }
0x4f3: {  	_ = 	snop  }
0x4f4: {  	[tilespmem:s17], [sflag:$0x1] =	stream.indirect_vreg.gather [hbm4b:s7+s3], $0x80, v9, vm0, $0xb8;
	[tilespmem:$0x12880] =	vst v63  }
0x4f5: {  	_ = 	snop  }
0x4f6: {  	[tilespmem:s18], [sflag:$0x1] =	stream.indirect_vreg.gather [hbm4b:s1+s3], $0x80, v8, vm0, $0xb8;
	[tilespmem:$0x12880] =	vst v63  }
0x4f7: {  	_ = 	snop  }
0x4f8: {  	[tilespmem:s19], [sflag:$0x1] =	stream.indirect_vreg.gather [hbm4b:s7+s3], $0x80, v8, vm0, $0xb8;
	[tilespmem:$0x12880] =	vst v63  }
0x4f9: {  	v8 =	vld [tilespmem:s5+$0xFFFFFFA0];
	_ =	sdelay $0x4  }
0x4fa: {  	v61 =	vshll.u32 v8, $0x2  }
0x4fb: {  	v8 =	vand.u32 $0x7, v8;
	v9 =	vand.u32 $0xFFFFFFE0, v61  }
0x4fc: {  	v8 =	vor.u32 v8, v9  }
0x4fd: {  	v9 =	vperm.xlane v8, v4;
	_ =	sdelay $0x1  }
0x4fe: {  	v9 =	vadd.s32 v5, v9;
	_ =	sdelay $0x1  }
0x4ff: {  	v8 =	vperm.xlane v8, v6;
	_ =	sdelay $0x1  }
0x500: {  	v8 =	vadd.s32 v5, v8  }
0x501: {  	[tilespmem:s20], [sflag:$0x1] =	stream.indirect_vreg.gather [hbm4b:s1+s3], $0x80, v9, vm0, $0xb8;
	[tilespmem:$0x12880] =	vst v63  }
0x502: {  	_ = 	snop  }
0x503: {  	[tilespmem:s21], [sflag:$0x1] =	stream.indirect_vreg.gather [hbm4b:s7+s3], $0x80, v9, vm0, $0xb8;
	[tilespmem:$0x12880] =	vst v63  }
0x504: {  	_ = 	snop  }
0x505: {  	[tilespmem:s22], [sflag:$0x1] =	stream.indirect_vreg.gather [hbm4b:s1+s3], $0x80, v8, vm0, $0xb8;
	[tilespmem:$0x12880] =	vst v63  }
0x506: {  	_ = 	snop  }
0x507: {  	[tilespmem:s23], [sflag:$0x1] =	stream.indirect_vreg.gather [hbm4b:s7+s3], $0x80, v8, vm0, $0xb8;
	[tilespmem:$0x12880] =	vst v63  }
0x508: {  	v8 =	vld [tilespmem:s5+$0xFFFFFFB0];
	_ =	sdelay $0x4  }
0x509: {  	v62 =	vshll.u32 v8, $0x2  }
0x50a: {  	v8 =	vand.u32 $0x7, v8;
	v9 =	vand.u32 $0xFFFFFFE0, v62  }
0x50b: {  	v8 =	vor.u32 v8, v9  }
0x50c: {  	v9 =	vperm.xlane v8, v4;
	_ =	sdelay $0x1  }
0x50d: {  	v9 =	vadd.s32 v5, v9;
	_ =	sdelay $0x1  }
0x50e: {  	v8 =	vperm.xlane v8, v6;
	_ =	sdelay $0x1  }
0x50f: {  	v8 =	vadd.s32 v5, v8  }
0x510: {  	[tilespmem:s24], [sflag:$0x1] =	stream.indirect_vreg.gather [hbm4b:s1+s3], $0x80, v9, vm0, $0xb8;
	[tilespmem:$0x12880] =	vst v63  }
0x511: {  	_ = 	snop  }
0x512: {  	[tilespmem:s25], [sflag:$0x1] =	stream.indirect_vreg.gather [hbm4b:s7+s3], $0x80, v9, vm0, $0xb8;
	[tilespmem:$0x12880] =	vst v63  }
0x513: {  	_ = 	snop  }
0x514: {  	[tilespmem:s26], [sflag:$0x1] =	stream.indirect_vreg.gather [hbm4b:s1+s3], $0x80, v8, vm0, $0xb8;
	[tilespmem:$0x12880] =	vst v63  }
0x515: {  	_ = 	snop  }
0x516: {  	[tilespmem:s28], [sflag:$0x1] =	stream.indirect_vreg.gather [hbm4b:s7+s3], $0x80, v8, vm0, $0xb8;
	[tilespmem:$0x12880] =	vst v63  }
0x517: {  	v8 =	vld [tilespmem:s5+$0xFFFFFFC0];
	_ =	sdelay $0x4  }
0x518: {  	v63 =	vshll.u32 v8, $0x2  }
0x519: {  	v8 =	vand.u32 $0x7, v8;
	v9 =	vand.u32 $0xFFFFFFE0, v63  }
0x51a: {  	v8 =	vor.u32 v8, v9  }
0x51b: {  	v9 =	vperm.xlane v8, v4;
	_ =	sdelay $0x1  }
0x51c: {  	v9 =	vadd.s32 v5, v9;
	_ =	sdelay $0x2  }
0x51d: {  	v8 =	vperm.xlane v8, v6;
	_ =	sdelay $0x1  }
0x51e: {  	v8 =	vadd.s32 v5, v8;
	[tilespmem:s29], [sflag:$0x1] =	stream.indirect_vreg.gather [hbm4b:s1+s3], $0x80, v9, vm0, $0xb8;
	[tilespmem:$0x12880] =	vst v63  }
0x51f: {  	p0 =	sge.s32 s8, s11  }
0x520: {  	[tilespmem:s30], [sflag:$0x1] =	stream.indirect_vreg.gather [hbm4b:s7+s3], $0x80, v9, vm0, $0xb8;
	[tilespmem:$0x12880] =	vst v63  }
.Ltmp38:
0x521: {  	_ = 	snop;
	(pc) =	sbr.rel @p0 .LBB2_53-.Ltmp38, $4  }
0x522: {  	_ = 	snop  }
0x523: {  	[tilespmem:s31], [sflag:$0x1] =	stream.indirect_vreg.gather [hbm4b:s1+s3], $0x80, v8, vm0, $0xb8;
	[tilespmem:$0x12880] =	vst v63  }
0x524: {  	_ = 	snop  }
0x525: {  	[tilespmem:s0], [sflag:$0x1] =	stream.indirect_vreg.gather [hbm4b:s7+s3], $0x80, v8, vm0, $0xb8;
	[tilespmem:$0x12880] =	vst v63  }
0x526: {  	v8 =	vld [tilespmem:s5+$0xFFFFFFD0];
	_ =	sdelay $0x4  }
0x527: {  	v9 =	vshll.u32 v8, $0x2  }
0x528: {  	v8 =	vand.u32 $0x7, v8;
	v9 =	vand.u32 $0xFFFFFFE0, v9  }
0x529: {  	v8 =	vor.u32 v8, v9  }
0x52a: {  	v9 =	vperm.xlane v8, v4;
	_ =	sdelay $0x1  }
0x52b: {  	v9 =	vadd.s32 v5, v9;
	_ =	sdelay $0x1  }
0x52c: {  	v8 =	vperm.xlane v8, v6;
	_ =	sdelay $0x1  }
0x52d: {  	v8 =	vadd.s32 v5, v8  }
0x52e: {  	[tilespmem:s4], [sflag:$0x2] =	stream.indirect_vreg.gather [hbm4b:s1+s3], $0x80, v9, vm0, $0xb8;
	[tilespmem:$0x12880] =	vst v63  }
0x52f: {  	s13 =	simm.s32 $0xB080  }
0x530: {  	[tilespmem:s13], [sflag:$0x2] =	stream.indirect_vreg.gather [hbm4b:s7+s3], $0x80, v9, vm0, $0xb8;
	[tilespmem:$0x12880] =	vst v63  }
0x531: {  	s13 =	simm.s32 $0xB880  }
0x532: {  	[tilespmem:s13], [sflag:$0x2] =	stream.indirect_vreg.gather [hbm4b:s1+s3], $0x80, v8, vm0, $0xb8;
	[tilespmem:$0x12880] =	vst v63  }
0x533: {  	s13 =	simm.s32 $0xC080  }
0x534: {  	[tilespmem:s13], [sflag:$0x2] =	stream.indirect_vreg.gather [hbm4b:s7+s3], $0x80, v8, vm0, $0xb8;
	[tilespmem:$0x12880] =	vst v63  }
0x535: {  	v8 =	vld [tilespmem:s5+$0xFFFFFFE0];
	_ =	sdelay $0x4  }
0x536: {  	v61 =	vshll.u32 v8, $0x2  }
0x537: {  	v8 =	vand.u32 $0x7, v8;
	v9 =	vand.u32 $0xFFFFFFE0, v61  }
0x538: {  	v8 =	vor.u32 v8, v9  }
0x539: {  	v9 =	vperm.xlane v8, v4;
	_ =	sdelay $0x1  }
0x53a: {  	v9 =	vadd.s32 v5, v9;
	_ =	sdelay $0x1  }
0x53b: {  	v8 =	vperm.xlane v8, v6;
	_ =	sdelay $0x1  }
0x53c: {  	s13 =	simm.s32 $0xC880;
	v8 =	vadd.s32 v5, v8  }
0x53d: {  	[tilespmem:s13], [sflag:$0x2] =	stream.indirect_vreg.gather [hbm4b:s1+s3], $0x80, v9, vm0, $0xb8;
	[tilespmem:$0x12880] =	vst v63  }
0x53e: {  	s13 =	simm.s32 $0xD080  }
0x53f: {  	[tilespmem:s13], [sflag:$0x2] =	stream.indirect_vreg.gather [hbm4b:s7+s3], $0x80, v9, vm0, $0xb8;
	[tilespmem:$0x12880] =	vst v63  }
0x540: {  	s13 =	simm.s32 $0xD880  }
0x541: {  	[tilespmem:s13], [sflag:$0x2] =	stream.indirect_vreg.gather [hbm4b:s1+s3], $0x80, v8, vm0, $0xb8;
	[tilespmem:$0x12880] =	vst v63  }
0x542: {  	s13 =	simm.s32 $0xE080  }
0x543: {  	[tilespmem:s13], [sflag:$0x2] =	stream.indirect_vreg.gather [hbm4b:s7+s3], $0x80, v8, vm0, $0xb8;
	[tilespmem:$0x12880] =	vst v63  }
0x544: {  	v8 =	vld [tilespmem:s5+$0xFFFFFFF0];
	_ =	sdelay $0x4  }
0x545: {  	v62 =	vshll.u32 v8, $0x2  }
0x546: {  	v8 =	vand.u32 $0x7, v8;
	v9 =	vand.u32 $0xFFFFFFE0, v62  }
0x547: {  	v8 =	vor.u32 v8, v9  }
0x548: {  	v9 =	vperm.xlane v8, v4;
	_ =	sdelay $0x1  }
0x549: {  	v9 =	vadd.s32 v5, v9;
	_ =	sdelay $0x1  }
0x54a: {  	v8 =	vperm.xlane v8, v6;
	_ =	sdelay $0x1  }
0x54b: {  	s13 =	simm.s32 $0xE880;
	v8 =	vadd.s32 v5, v8  }
0x54c: {  	[tilespmem:s13], [sflag:$0x2] =	stream.indirect_vreg.gather [hbm4b:s1+s3], $0x80, v9, vm0, $0xb8;
	[tilespmem:$0x12880] =	vst v63  }
0x54d: {  	s13 =	simm.s32 $0xF080  }
0x54e: {  	[tilespmem:s13], [sflag:$0x2] =	stream.indirect_vreg.gather [hbm4b:s7+s3], $0x80, v9, vm0, $0xb8;
	[tilespmem:$0x12880] =	vst v63  }
0x54f: {  	s13 =	simm.s32 $0xF880  }
0x550: {  	[tilespmem:s13], [sflag:$0x2] =	stream.indirect_vreg.gather [hbm4b:s1+s3], $0x80, v8, vm0, $0xb8;
	[tilespmem:$0x12880] =	vst v63  }
0x551: {  	s13 =	simm.s32 $0x10080  }
0x552: {  	[tilespmem:s13], [sflag:$0x2] =	stream.indirect_vreg.gather [hbm4b:s7+s3], $0x80, v8, vm0, $0xb8;
	[tilespmem:$0x12880] =	vst v63  }
0x553: {  	v8 =	vld [tilespmem:s5+$0x0];
	_ =	sdelay $0x4  }
0x554: {  	v63 =	vshll.u32 v8, $0x2  }
0x555: {  	v8 =	vand.u32 $0x7, v8;
	v9 =	vand.u32 $0xFFFFFFE0, v63  }
0x556: {  	v8 =	vor.u32 v8, v9  }
0x557: {  	v9 =	vperm.xlane v8, v4;
	_ =	sdelay $0x1  }
0x558: {  	v9 =	vadd.s32 v5, v9;
	_ =	sdelay $0x1  }
0x559: {  	v8 =	vperm.xlane v8, v6;
	_ =	sdelay $0x1  }
0x55a: {  	s13 =	simm.s32 $0x10880;
	v8 =	vadd.s32 v5, v8  }
0x55b: {  	[tilespmem:s13], [sflag:$0x2] =	stream.indirect_vreg.gather [hbm4b:s1+s3], $0x80, v9, vm0, $0xb8;
	[tilespmem:$0x12880] =	vst v63  }
0x55c: {  	s13 =	simm.s32 $0x11080  }
0x55d: {  	[tilespmem:s13], [sflag:$0x2] =	stream.indirect_vreg.gather [hbm4b:s7+s3], $0x80, v9, vm0, $0xb8;
	[tilespmem:$0x12880] =	vst v63  }
0x55e: {  	s13 =	simm.s32 $0x11880  }
0x55f: {  	[tilespmem:s13], [sflag:$0x2] =	stream.indirect_vreg.gather [hbm4b:s1+s3], $0x80, v8, vm0, $0xb8;
	[tilespmem:$0x12880] =	vst v63  }
0x560: {  	s13 =	simm.s32 $0x12080  }
0x561: {  	[tilespmem:s13], [sflag:$0x2] =	stream.indirect_vreg.gather [hbm4b:s7+s3], $0x80, v8, vm0, $0xb8;
	[tilespmem:$0x12880] =	vst v63  }
0x562: {  	_ =	swait.ge [sflag:s15], $0x8000  }
0x563: {  	[sflag:s15] =	ssyncset.done $0x0  }
0x564: {  	[sflag:s15] =	ssyncadd.s32 $0xFFFF8000  }
0x565: {  	[hbm4b:s9+s3] =	stream.linear.scatter [tilespmem:s16], [sflag:$0x3], $0x8000, $0x38;
	[tilespmem:$0x12880] =	vst v63  }
0x566: {  	_ =	swait.ge [sflag:s2], $0x8000  }
0x567: {  	[sflag:s2] =	ssyncset.done $0x0  }
.Ltmp39:
0x568: {  	s13 =	sadd.s32 $0x1000, s9;
	[sflag:s2] =	ssyncadd.s32 $0xFFFF8000;
	(pc) =	sbr.rel .LBB2_54-.Ltmp39, $4  }
0x569: {  	[hbm4b:s13+s3] =	stream.linear.scatter [tilespmem:s4], [sflag:$0x4], $0x8000, $0x38;
	[tilespmem:$0x12880] =	vst v63  }
0x56a: {  	_ =	swait.ge [sflag:s6], $0x8000  }
0x56b: {  	[sflag:s6] =	ssyncset.done $0x0  }
0x56c: {  	s13 =	simm.s32 $0x4;
	[sflag:s6] =	ssyncadd.s32 $0xFFFF8000  }
.LBB2_55:
0x56d: {  	s5 =	rddreg [dreg:$0x16]  }
0x56e: {  	p0 =	slt.s32 s5, $0x1  }
.Ltmp40:
0x56f: {  	_ = 	snop;
	(pc) =	sbr.rel @p0 .LBB2_61-.Ltmp40, $2  }
0x570: {  	_ =	sdelay $0x2  }
0x571: {  	s8 =	rddreg [dreg:$0xb]  }
0x572: {  	s5 =	sshll.u32 s10, $0x6  }
0x573: {  	v8 =	vld [tilespmem:s5+$0x2600]  }
0x574: {  	s8 =	rddreg [dreg:$0x5]  }
0x575: {  	s8 =	sadd.s32 s8, s5  }
0x576: {  	s10 =	sadd.s32 $0x600, s8  }
0x577: {  	v9 =	vor.u32 s10, v0  }
0x578: {  	v9 =	vand.u32 $0x1FCF, v9;
	vm1 =	vlt.s32 v8, $0x2000  }
0x579: {  	v8 =	vsel vm1, v8, v9  }
0x57a: {  	[tilespmem:$0x2800] =	vst v8  }
0x57b: {  	v56 =	vld [tilespmem:s5+$0x2610];
	_ =	sdelay $0x2  }
0x57c: {  	s9 =	sadd.s32 $0x610, s8  }
0x57d: {  	v10 =	vor.u32 s9, v0  }
0x57e: {  	v10 =	vand.u32 $0x1FFF, v10;
	vm1 =	vlt.s32 v56, $0x2000  }
0x57f: {  	v9 =	vsel vm1, v56, v10  }
0x580: {  	[tilespmem:$0x2810] =	vst v9  }
0x581: {  	v9 =	vld [tilespmem:s5+$0x2620];
	_ =	sdelay $0x2  }
0x582: {  	s12 =	sadd.s32 $0x620, s8  }
0x583: {  	v57 =	vor.u32 s12, v0  }
0x584: {  	v10 =	vand.u32 $0x1FFF, v57;
	vm1 =	vlt.s32 v9, $0x2000  }
0x585: {  	v58 =	vshll.u32 v8, $0x2;
	v9 =	vsel vm1, v9, v10  }
0x586: {  	v8 =	vand.u32 $0x7, v8;
	v59 =	vand.u32 $0xFFFFFFE0, v58;
	[tilespmem:$0x2820] =	vst v9  }
0x587: {  	v8 =	vor.u32 v8, v59;
	v60 =	vld [tilespmem:s5+$0x2630]  }
0x588: {  	v9 =	vperm.xlane v8, v4;
	_ =	sdelay $0x1  }
0x589: {  	s8 =	sadd.s32 $0x630, s8;
	v9 =	vadd.s32 v5, v9  }
0x58a: {  	v11 =	vor.u32 s8, v0  }
0x58b: {  	v11 =	vand.u32 $0x1FFF, v11;
	v8 =	vperm.xlane v8, v6;
	vm1 =	vlt.s32 v60, $0x2000  }
0x58c: {  	v10 =	vsel vm1, v60, v11  }
0x58d: {  	v8 =	vadd.s32 v5, v8;
	[tilespmem:$0x2830] =	vst v10  }
0x58e: {  	[tilespmem:s16], [sflag:$0x1] =	stream.indirect_vreg.gather [hbm4b:s1+s3], $0x80, v9, vm0, $0xb8;
	[tilespmem:$0x12880] =	vst v63  }
0x58f: {  	_ = 	snop  }
0x590: {  	[tilespmem:s17], [sflag:$0x1] =	stream.indirect_vreg.gather [hbm4b:s7+s3], $0x80, v9, vm0, $0xb8;
	[tilespmem:$0x12880] =	vst v63  }
0x591: {  	_ = 	snop  }
0x592: {  	[tilespmem:s18], [sflag:$0x1] =	stream.indirect_vreg.gather [hbm4b:s1+s3], $0x80, v8, vm0, $0xb8;
	[tilespmem:$0x12880] =	vst v63  }
0x593: {  	_ = 	snop  }
0x594: {  	[tilespmem:s19], [sflag:$0x1] =	stream.indirect_vreg.gather [hbm4b:s7+s3], $0x80, v8, vm0, $0xb8;
	[tilespmem:$0x12880] =	vst v63  }
0x595: {  	v8 =	vld [tilespmem:$0x2810];
	_ =	sdelay $0x4  }
0x596: {  	v61 =	vshll.u32 v8, $0x2  }
0x597: {  	v8 =	vand.u32 $0x7, v8;
	v9 =	vand.u32 $0xFFFFFFE0, v61  }
0x598: {  	v8 =	vor.u32 v8, v9  }
0x599: {  	v9 =	vperm.xlane v8, v4;
	_ =	sdelay $0x1  }
0x59a: {  	v9 =	vadd.s32 v5, v9;
	_ =	sdelay $0x1  }
0x59b: {  	v8 =	vperm.xlane v8, v6;
	_ =	sdelay $0x1  }
0x59c: {  	v8 =	vadd.s32 v5, v8  }
0x59d: {  	[tilespmem:s20], [sflag:$0x1] =	stream.indirect_vreg.gather [hbm4b:s1+s3], $0x80, v9, vm0, $0xb8;
	[tilespmem:$0x12880] =	vst v63  }
0x59e: {  	_ = 	snop  }
0x59f: {  	[tilespmem:s21], [sflag:$0x1] =	stream.indirect_vreg.gather [hbm4b:s7+s3], $0x80, v9, vm0, $0xb8;
	[tilespmem:$0x12880] =	vst v63  }
0x5a0: {  	_ = 	snop  }
0x5a1: {  	[tilespmem:s22], [sflag:$0x1] =	stream.indirect_vreg.gather [hbm4b:s1+s3], $0x80, v8, vm0, $0xb8;
	[tilespmem:$0x12880] =	vst v63  }
0x5a2: {  	_ = 	snop  }
0x5a3: {  	[tilespmem:s23], [sflag:$0x1] =	stream.indirect_vreg.gather [hbm4b:s7+s3], $0x80, v8, vm0, $0xb8;
	[tilespmem:$0x12880] =	vst v63  }
0x5a4: {  	v8 =	vld [tilespmem:$0x2820];
	_ =	sdelay $0x4  }
0x5a5: {  	v62 =	vshll.u32 v8, $0x2  }
0x5a6: {  	v8 =	vand.u32 $0x7, v8;
	v9 =	vand.u32 $0xFFFFFFE0, v62  }
0x5a7: {  	v8 =	vor.u32 v8, v9  }
0x5a8: {  	v9 =	vperm.xlane v8, v4;
	_ =	sdelay $0x1  }
0x5a9: {  	v9 =	vadd.s32 v5, v9;
	_ =	sdelay $0x1  }
0x5aa: {  	v8 =	vperm.xlane v8, v6;
	_ =	sdelay $0x1  }
0x5ab: {  	v8 =	vadd.s32 v5, v8  }
0x5ac: {  	[tilespmem:s24], [sflag:$0x1] =	stream.indirect_vreg.gather [hbm4b:s1+s3], $0x80, v9, vm0, $0xb8;
	[tilespmem:$0x12880] =	vst v63  }
0x5ad: {  	_ = 	snop  }
0x5ae: {  	[tilespmem:s25], [sflag:$0x1] =	stream.indirect_vreg.gather [hbm4b:s7+s3], $0x80, v9, vm0, $0xb8;
	[tilespmem:$0x12880] =	vst v63  }
0x5af: {  	_ = 	snop  }
0x5b0: {  	[tilespmem:s26], [sflag:$0x1] =	stream.indirect_vreg.gather [hbm4b:s1+s3], $0x80, v8, vm0, $0xb8;
	[tilespmem:$0x12880] =	vst v63  }
0x5b1: {  	_ = 	snop  }
0x5b2: {  	[tilespmem:s28], [sflag:$0x1] =	stream.indirect_vreg.gather [hbm4b:s7+s3], $0x80, v8, vm0, $0xb8;
	[tilespmem:$0x12880] =	vst v63  }
0x5b3: {  	v8 =	vld [tilespmem:$0x2830];
	_ =	sdelay $0x4  }
0x5b4: {  	v63 =	vshll.u32 v8, $0x2  }
0x5b5: {  	v8 =	vand.u32 $0x7, v8;
	v9 =	vand.u32 $0xFFFFFFE0, v63  }
0x5b6: {  	v8 =	vor.u32 v8, v9  }
0x5b7: {  	v9 =	vperm.xlane v8, v4;
	_ =	sdelay $0x1  }
0x5b8: {  	v9 =	vadd.s32 v5, v9;
	_ =	sdelay $0x1  }
0x5b9: {  	v8 =	vperm.xlane v8, v6;
	_ =	sdelay $0x1  }
0x5ba: {  	v8 =	vadd.s32 v5, v8  }
0x5bb: {  	[tilespmem:s29], [sflag:$0x1] =	stream.indirect_vreg.gather [hbm4b:s1+s3], $0x80, v9, vm0, $0xb8;
	[tilespmem:$0x12880] =	vst v63  }
0x5bc: {  	_ = 	snop  }
0x5bd: {  	[tilespmem:s30], [sflag:$0x1] =	stream.indirect_vreg.gather [hbm4b:s7+s3], $0x80, v9, vm0, $0xb8;
	[tilespmem:$0x12880] =	vst v63  }
0x5be: {  	_ = 	snop  }
0x5bf: {  	[tilespmem:s31], [sflag:$0x1] =	stream.indirect_vreg.gather [hbm4b:s1+s3], $0x80, v8, vm0, $0xb8;
	[tilespmem:$0x12880] =	vst v63  }
0x5c0: {  	_ = 	snop  }
0x5c1: {  	[tilespmem:s0], [sflag:$0x1] =	stream.indirect_vreg.gather [hbm4b:s7+s3], $0x80, v8, vm0, $0xb8;
	[tilespmem:$0x12880] =	vst v63  }
0x5c2: {  	_ =	swait.ge [sflag:s15], $0x8000  }
0x5c3: {  	s13 =	rddreg [dreg:$0x1a]  }
0x5c4: {  	s5 =	ssub.s32 s13, s5  }
0x5c5: {  	p0 =	sgt.s32 s5, $0x3F  }
.Ltmp41:
0x5c6: {  	_ = 	snop;
	(pc) =	sbr.rel @p0 .LBB2_60-.Ltmp41, $3  }
0x5c7: {  	_ =	sdelay $0x1  }
0x5c8: {  	[sflag:s15] =	ssyncset.done $0x0  }
0x5c9: {  	[sflag:s15] =	ssyncadd.s32 $0xFFFF8000  }
0x5ca: {  	s9 =	sshll.u32 s5, $0x7;
	s11 =	sshll.u32 s5, $0x9  }
0x5cb: {  	s5 =	sand.u32 $0xFFFFF000, s11;
	s8 =	sand.u32 $0x380, s9  }
0x5cc: {  	s5 =	sor.u32 s8, s5  }
0x5cd: {  	[tilespmem:s5+$0x34F0] =	vst v7  }
0x5ce: {  	[tilespmem:s5+$0x2880] =	vst v7  }
0x5cf: {  	[tilespmem:s5+$0x2890] =	vst v7  }
0x5d0: {  	[tilespmem:s5+$0x28A0] =	vst v7  }
0x5d1: {  	[tilespmem:s5+$0x28B0] =	vst v7  }
0x5d2: {  	[tilespmem:s5+$0x28C0] =	vst v7  }
0x5d3: {  	[tilespmem:s5+$0x28D0] =	vst v7  }
0x5d4: {  	[tilespmem:s5+$0x28E0] =	vst v7  }
0x5d5: {  	[tilespmem:s5+$0x28F0] =	vst v7  }
0x5d6: {  	[tilespmem:s5+$0x2C80] =	vst v7  }
0x5d7: {  	[tilespmem:s5+$0x2C90] =	vst v7  }
0x5d8: {  	[tilespmem:s5+$0x2CA0] =	vst v7  }
0x5d9: {  	[tilespmem:s5+$0x2CB0] =	vst v7  }
0x5da: {  	[tilespmem:s5+$0x2CC0] =	vst v7  }
0x5db: {  	[tilespmem:s5+$0x2CD0] =	vst v7  }
0x5dc: {  	[tilespmem:s5+$0x2CE0] =	vst v7  }
0x5dd: {  	[tilespmem:s5+$0x2CF0] =	vst v7  }
0x5de: {  	[tilespmem:s5+$0x3080] =	vst v7  }
0x5df: {  	s12 =	rddreg [dreg:$0x16];
	[tilespmem:s5+$0x3090] =	vst v7  }
0x5e0: {  	s8 =	sshll.u32 s12, $0x6;
	s12 =	rddreg [dreg:$0x12];
	[tilespmem:s5+$0x30A0] =	vst v7  }
0x5e1: {  	s13 =	rddreg [dreg:$0xe];
	[tilespmem:s5+$0x30B0] =	vst v7;
	s8 =	ssub.s32 s12, s8  }
0x5e2: {  	[tilespmem:s5+$0x30C0] =	vst v7;
	s8 =	sadd.s32 s13, s8  }
0x5e3: {  	[tilespmem:s5+$0x30D0] =	vst v7;
	s8 =	sadd.s32 $0x3F, s8  }
0x5e4: {  	[tilespmem:s5+$0x30E0] =	vst v7;
	s8 =	sadd.s32 $0x1, s8  }
0x5e5: {  	[tilespmem:s5+$0x30F0] =	vst v7;
	p0 =	slt.s32 s8, $0x3F  }
.Ltmp42:
0x5e6: {  	[tilespmem:s5+$0x3480] =	vst v7;
	(pc) =	sbr.rel @!p0 .LBB2_59-.Ltmp42, $4  }
0x5e7: {  	[tilespmem:s5+$0x3490] =	vst v7  }
0x5e8: {  	[tilespmem:s5+$0x34A0] =	vst v7  }
0x5e9: {  	[tilespmem:s5+$0x34B0] =	vst v7  }
0x5ea: {  	s9 =	sadd.s32 $0x80, s9;
	s11 =	sadd.s32 $0x200, s11;
	[tilespmem:s5+$0x34C0] =	vst v7  }
.LBB2_58:
0x5eb: {  	s12 =	sand.u32 $0xFFFFF000, s11;
	s13 =	sand.u32 $0x380, s9;
	s8 =	sadd.s32 $0x1, s8;
	[tilespmem:s5+$0x34D0] =	vst v7  }
0x5ec: {  	p0 =	slt.s32 s8, $0x3F;
	[tilespmem:s5+$0x34E0] =	vst v7;
	s5 =	sor.u32 s13, s12  }
0x5ed: {  	[tilespmem:s5+$0x34F0] =	vst v7  }
0x5ee: {  	[tilespmem:s5+$0x2880] =	vst v7  }
0x5ef: {  	[tilespmem:s5+$0x2890] =	vst v7  }
0x5f0: {  	[tilespmem:s5+$0x28A0] =	vst v7  }
0x5f1: {  	[tilespmem:s5+$0x28B0] =	vst v7  }
0x5f2: {  	[tilespmem:s5+$0x28C0] =	vst v7  }
0x5f3: {  	[tilespmem:s5+$0x28D0] =	vst v7  }
0x5f4: {  	[tilespmem:s5+$0x28E0] =	vst v7  }
0x5f5: {  	[tilespmem:s5+$0x28F0] =	vst v7  }
0x5f6: {  	[tilespmem:s5+$0x2C80] =	vst v7  }
0x5f7: {  	[tilespmem:s5+$0x2C90] =	vst v7  }
0x5f8: {  	[tilespmem:s5+$0x2CA0] =	vst v7  }
0x5f9: {  	[tilespmem:s5+$0x2CB0] =	vst v7  }
0x5fa: {  	[tilespmem:s5+$0x2CC0] =	vst v7  }
0x5fb: {  	[tilespmem:s5+$0x2CD0] =	vst v7  }
0x5fc: {  	[tilespmem:s5+$0x2CE0] =	vst v7  }
0x5fd: {  	[tilespmem:s5+$0x2CF0] =	vst v7  }
0x5fe: {  	[tilespmem:s5+$0x3080] =	vst v7  }
0x5ff: {  	[tilespmem:s5+$0x3090] =	vst v7  }
0x600: {  	[tilespmem:s5+$0x30A0] =	vst v7  }
0x601: {  	[tilespmem:s5+$0x30B0] =	vst v7  }
0x602: {  	[tilespmem:s5+$0x30C0] =	vst v7  }
0x603: {  	[tilespmem:s5+$0x30D0] =	vst v7  }
0x604: {  	[tilespmem:s5+$0x30E0] =	vst v7  }
0x605: {  	[tilespmem:s5+$0x30F0] =	vst v7  }
.Ltmp43:
0x606: {  	[tilespmem:s5+$0x3480] =	vst v7;
	(pc) =	sbr.rel @p0 .LBB2_58-.Ltmp43, $4  }
0x607: {  	[tilespmem:s5+$0x3490] =	vst v7  }
0x608: {  	[tilespmem:s5+$0x34A0] =	vst v7  }
0x609: {  	[tilespmem:s5+$0x34B0] =	vst v7  }
0x60a: {  	s9 =	sadd.s32 $0x80, s9;
	s11 =	sadd.s32 $0x200, s11;
	[tilespmem:s5+$0x34C0] =	vst v7  }
.Ltmp44:
0x60b: {  	_ = 	snop;
	(pc) =	sbr.rel .LBB2_59-.Ltmp44, $1  }
0x60c: {  	_ =	sdelay $0x3  }
.LBB2_62:
0x60d: {  	_ =	sfence.sel $0x180000  }
0x60e: {  	[bflag:$0x0] =	sbarrier.arrive $0xFFFF  }
0x60f: {  	_ =	strace $0x90000047  }
0x610: {  	s0 =	stileid.u32;
	[bflag:$0x2] =	sbarrier.arrive $0xFFFF  }
0x611: {  	p0 =	sne.s32 s0, $0x0;
	s0 =	rddreg [dreg:$0x3]  }
0x612: {  	s0 =	sadd.s32 @!p0 $0x100000, s0  }
0x613: {  	[sflag:s0] =	ssyncadd.tile.s32 @!p0 $0x1;
	_ =	shalt  }
.Lfunc_end2:
_tile_overlayer_lowered:
.L_overlay_start_2:
0x614: {  	(tag) =	ssettag $0x2  }
0x615: {  	s0 =	rddreg [dreg:$0x0];
	s2 =	stileid.u32  }
0x616: {  	s1 =	rddreg [dreg:$0x1];
	p0 =	sne.s32 s2, $0x0  }
0x617: {  	s3 =	rddreg [dreg:$0x2];
	[bflag:$0x3] =	sbarrier.arrive $0xFFFF;
	s2 =	simm.s32 @!p0 $0x1C05  }
0x618: {  	[timem:s3], [sflag:s2] =	dma.local @!p0 [hbm:s0], s1  }
0x619: {  	s0 =	simm.s32 @!p0 $0x5  }
0x61a: {  	_ =	swait.ge @!p0 [sflag:s0], s1  }
0x61b: {  	s1 =	ssub.s32 @!p0 $0x0, s1;
	[sflag:s0] =	ssyncset.done @!p0 $0x0  }
0x61c: {  	[sflag:s0] =	ssyncadd.s32 @!p0 s1  }
0x61d: {  	[bflag:$0x3] =	sbarrier.arrive $0xFFFF  }
0x61e: {  	_ =	shalt  }

</sc_bundles>
